<compile_context>
chip_gen: v7x
topology: tpu7x:2x2x1
jax: 0.10.2.dev20260603
libtpu: 0.0.44.dev20260713+nightly
codegen_flags: <defaults>
</compile_context>

<pallas_src>
import functools

import jax
import jax.numpy as jnp
from jax import lax
from jax.experimental import pallas as pl
from jax.experimental.pallas import tpu as pltpu
from jax.experimental.pallas import tpu_sc as plsc

N_NODE = 10000
E_EDGES = 160000
D_IN = 128
HID = 128
HEADS = 8
D_HEAD = 16
OUT = 64
NEG_SLOPE = 0.2

NSUB = 16
CH = 64
NCHUNK = E_EDGES // CH
ROWS_PER_TILE = 640
NPAD = NSUB * ROWS_PER_TILE


def _proj_body(xpi, xai, Wp, bp, Wa, ba, Asw, Adw, Asc, Adc,
               xp_o, xa_o, asw_o, adw_o, asc_o, adc_o):
    xp = jnp.dot(xpi[...], Wp[...], preferred_element_type=jnp.float32) + bp[...]
    xa = jnp.dot(xai[...], Wa[...], preferred_element_type=jnp.float32) + ba[...]
    xp_o[...] = xp
    xa_o[...] = xa
    asw_o[...] = jnp.dot(xa, Asw[...], preferred_element_type=jnp.float32)
    adw_o[...] = jnp.dot(xp, Adw[...], preferred_element_type=jnp.float32)
    asc_o[...] = jnp.dot(xp, Asc[...], preferred_element_type=jnp.float32)
    adc_o[...] = jnp.dot(xp, Adc[...], preferred_element_type=jnp.float32)


def _proj_call(x_paper, x_author, W_paper, b_paper, W_author, b_author,
               Asw, Adw, Asc, Adc):
    f32 = jnp.float32
    outs = [
        jax.ShapeDtypeStruct((N_NODE, HID), f32),
        jax.ShapeDtypeStruct((N_NODE, HID), f32),
        jax.ShapeDtypeStruct((N_NODE, 16), f32),
        jax.ShapeDtypeStruct((N_NODE, 16), f32),
        jax.ShapeDtypeStruct((N_NODE, 16), f32),
        jax.ShapeDtypeStruct((N_NODE, 16), f32),
    ]
    return pl.pallas_call(_proj_body, out_shape=outs)(
        x_paper, x_author, W_paper, b_paper.reshape(1, HID),
        W_author, b_author.reshape(1, HID), Asw, Adw, Asc, Adc)


_GDN = lax.GatherDimensionNumbers(
    offset_dims=(), collapsed_slice_dims=(0,), start_index_map=(0,))


def _lane_splat(vec, h):
    idx = jnp.full((16, 1), h, dtype=jnp.int32)
    return lax.gather(vec, idx, _GDN, (1,),
                      mode=lax.GatherScatterMode.PROMISE_IN_BOUNDS)


def _zeros16():
    return jnp.zeros((16,), jnp.float32)


def _idx_start(ei, buf, isem, c):
    eib = buf[0]
    base = c * CH
    pltpu.async_copy(ei.at[:, pl.ds(base, CH)], eib, isem)


def _idx_wait(ei, buf, isem, c):
    eib = buf[0]
    base = c * CH
    pltpu.make_async_copy(ei.at[:, pl.ds(base, CH)], eib, isem).wait()


def _gathers_issue(a_src, a_dst, x_src, buf, gsem):
    eib, arows, brows, exb, xrows = buf
    pltpu.async_copy(a_src.at[eib.at[0]], arows, gsem)
    pltpu.async_copy(a_dst.at[eib.at[1]], brows, gsem)
    pltpu.async_copy(x_src.at[eib.at[0]], xrows, gsem)


def _gathers_start(a_src, a_dst, x_src, ei, buf, gsem, isem, c):
    _idx_start(ei, buf, isem, c)
    _idx_wait(ei, buf, isem, c)
    _gathers_issue(a_src, a_dst, x_src, buf, gsem)


def _gathers_wait(a_src, a_dst, x_src, buf, gsem):
    eib, arows, brows, exb, xrows = buf
    pltpu.make_async_copy(a_src.at[eib.at[0]], arows, gsem).wait()
    pltpu.make_async_copy(a_dst.at[eib.at[1]], brows, gsem).wait()
    pltpu.make_async_copy(x_src.at[eib.at[0]], xrows, gsem).wait()


def _scatter_start(out_acc, den_acc, buf, ssem):
    eib, arows, brows, exb, xrows = buf
    pltpu.async_copy(exb, den_acc.at[eib.at[1]], ssem, add=True)
    pltpu.async_copy(xrows, out_acc.at[eib.at[1]], ssem, add=True)


def _scatter_wait(out_acc, den_acc, buf, ssem):
    eib, arows, brows, exb, xrows = buf
    pltpu.make_async_copy(exb, den_acc.at[eib.at[1]], ssem).wait()
    pltpu.make_async_copy(xrows, out_acc.at[eib.at[1]], ssem).wait()


def _zero_buf(buf):
    eib, arows, brows, exb, xrows = buf

    @pl.loop(0, CH)
    def _(r):
        exb[r, :] = _zeros16()
        for j in range(HID // 16):
            xrows[r, pl.ds(j * 16, 16)] = _zeros16()


def _compute(buf):
    eib, arows, brows, exb, xrows = buf

    @plsc.parallel_loop(0, CH, unroll=1)
    def _(e):
        al = arows[e, :] + brows[e, :]
        al = jnp.maximum(al, al * NEG_SLOPE)
        ex = jnp.exp(al)
        exb[e, :] = ex
        for h in range(HEADS):
            w = _lane_splat(ex, h)
            xrows[e, pl.ds(h * 16, 16)] = xrows[e, pl.ds(h * 16, 16)] * w


def _run_edge_type(a_src, a_dst, x_src, ei, agg_o, den_o,
                   out_acc, den_acc, bufA, bufB, bufC,
                   gsemA, gsemB, gsemC, ssemA, ssemB, ssemC,
                   isemA, isemB, isemC, sid):
    nj = (NCHUNK - sid + NSUB - 1) // NSUB

    def chunk_of(j):
        return jnp.where(j < nj, sid + j * NSUB, sid)

    def slot_compute(buf, j):
        _compute(buf)

        @pl.when(j >= nj)
        def _():
            _zero_buf(buf)

    _zero_buf(bufA)
    rbase = sid * ROWS_PER_TILE
    for k in range(ROWS_PER_TILE // CH):
        pltpu.async_copy(bufA[4], out_acc.at[pl.ds(rbase + k * CH, CH)], gsemA)
        pltpu.async_copy(bufA[3], den_acc.at[pl.ds(rbase + k * CH, CH)], gsemA)
    for k in range(ROWS_PER_TILE // CH):
        pltpu.make_async_copy(
            bufA[4], out_acc.at[pl.ds(rbase + k * CH, CH)], gsemA).wait()
        pltpu.make_async_copy(
            bufA[3], den_acc.at[pl.ds(rbase + k * CH, CH)], gsemA).wait()
    plsc.subcore_barrier()

    _gathers_start(a_src, a_dst, x_src, ei, bufA, gsemA, isemA, chunk_of(0))
    _gathers_start(a_src, a_dst, x_src, ei, bufB, gsemB, isemB, chunk_of(1))
    _gathers_start(a_src, a_dst, x_src, ei, bufC, gsemC, isemC, chunk_of(2))

    ntriple = 53

    @pl.loop(0, ntriple)
    def _(p):
        @pl.when(p > 0)
        def _():
            _scatter_wait(out_acc, den_acc, bufC, ssemC)
            _gathers_start(a_src, a_dst, x_src, ei, bufC, gsemC, isemC,
                           chunk_of(3 * p + 2))

        _gathers_wait(a_src, a_dst, x_src, bufA, gsemA)
        slot_compute(bufA, 3 * p)
        _scatter_start(out_acc, den_acc, bufA, ssemA)

        _gathers_wait(a_src, a_dst, x_src, bufB, gsemB)
        slot_compute(bufB, 3 * p + 1)
        _scatter_start(out_acc, den_acc, bufB, ssemB)

        _scatter_wait(out_acc, den_acc, bufA, ssemA)
        _gathers_start(a_src, a_dst, x_src, ei, bufA, gsemA, isemA,
                       chunk_of(3 * p + 3))

        _gathers_wait(a_src, a_dst, x_src, bufC, gsemC)
        slot_compute(bufC, 3 * p + 2)
        _scatter_start(out_acc, den_acc, bufC, ssemC)

        _scatter_wait(out_acc, den_acc, bufB, ssemB)
        _gathers_start(a_src, a_dst, x_src, ei, bufB, gsemB, isemB,
                       chunk_of(3 * p + 4))

    _gathers_wait(a_src, a_dst, x_src, bufA, gsemA)
    _gathers_wait(a_src, a_dst, x_src, bufB, gsemB)
    _scatter_wait(out_acc, den_acc, bufC, ssemC)
    plsc.subcore_barrier()
    pltpu.async_copy(out_acc.at[pl.ds(rbase, ROWS_PER_TILE)],
                     agg_o.at[pl.ds(rbase, ROWS_PER_TILE)], gsemA)
    pltpu.async_copy(den_acc.at[pl.ds(rbase, ROWS_PER_TILE)],
                     den_o.at[pl.ds(rbase, ROWS_PER_TILE)], gsemB)
    pltpu.make_async_copy(out_acc.at[pl.ds(rbase, ROWS_PER_TILE)],
                          agg_o.at[pl.ds(rbase, ROWS_PER_TILE)], gsemA).wait()
    pltpu.make_async_copy(den_acc.at[pl.ds(rbase, ROWS_PER_TILE)],
                          den_o.at[pl.ds(rbase, ROWS_PER_TILE)], gsemB).wait()


def _sc_edge_call(asw, adw, xa, ei_w, asc, adc, xp, ei_c):
    f32 = jnp.float32
    mesh = plsc.VectorSubcoreMesh(core_axis_name="c", subcore_axis_name="s")

    @functools.partial(
        pl.kernel,
        out_type=[
            jax.ShapeDtypeStruct((NPAD, HID), f32),
            jax.ShapeDtypeStruct((NPAD, 16), f32),
            jax.ShapeDtypeStruct((NPAD, HID), f32),
            jax.ShapeDtypeStruct((NPAD, 16), f32),
        ],
        mesh=mesh,
        compiler_params=pltpu.CompilerParams(use_tc_tiling_on_sc=False),
        scratch_types=[
            pltpu.VMEM_SHARED((NPAD, HID), f32),
            pltpu.VMEM_SHARED((NPAD, 16), f32),
        ] + 3 * [
            pltpu.VMEM((2, CH), jnp.int32),
            pltpu.VMEM((CH, 16), f32),
            pltpu.VMEM((CH, 16), f32),
            pltpu.VMEM((CH, 16), f32),
            pltpu.VMEM((CH, HID), f32),
        ] + 9 * [pltpu.SemaphoreType.DMA],
    )
    def k(asw_h, adw_h, xa_h, eiw_h, asc_h, adc_h, xp_h, eic_h,
          aggw_o, denw_o, aggc_o, denc_o,
          out_acc, den_acc,
          eibA, arowsA, browsA, exbA, xrowsA,
          eibB, arowsB, browsB, exbB, xrowsB,
          eibC, arowsC, browsC, exbC, xrowsC,
          gsemA, gsemB, gsemC, ssemA, ssemB, ssemC, isemA, isemB, isemC):
        cid = lax.axis_index("c")
        sid = lax.axis_index("s")
        bufA = (eibA, arowsA, browsA, exbA, xrowsA)
        bufB = (eibB, arowsB, browsB, exbB, xrowsB)
        bufC = (eibC, arowsC, browsC, exbC, xrowsC)

        @pl.when(cid == 0)
        def _():
            _run_edge_type(asw_h, adw_h, xa_h, eiw_h, aggw_o, denw_o,
                           out_acc, den_acc, bufA, bufB, bufC,
                           gsemA, gsemB, gsemC, ssemA, ssemB, ssemC,
                           isemA, isemB, isemC, sid)

        @pl.when(cid == 1)
        def _():
            _run_edge_type(asc_h, adc_h, xp_h, eic_h, aggc_o, denc_o,
                           out_acc, den_acc, bufA, bufB, bufC,
                           gsemA, gsemB, gsemC, ssemA, ssemB, ssemC,
                           isemA, isemB, isemC, sid)

    return k(asw, adw, xa, ei_w, asc, adc, xp, ei_c)


def _fin_body(aggw, denw, aggc, denc, E16, Wk, bk, q, gw, gb, gms, Wl, bl,
              res_o):
    aw = aggw[: N_NODE, :]
    ac = aggc[: N_NODE, :]
    dw = jnp.dot(denw[: N_NODE, :], E16[...],
                 preferred_element_type=jnp.float32)
    dc = jnp.dot(denc[: N_NODE, :], E16[...],
                 preferred_element_type=jnp.float32)
    ow = jnp.maximum(aw / (dw + 1e-16), 0.0)
    oc = jnp.maximum(ac / (dc + 1e-16), 0.0)

    kw = jnp.tanh(jnp.dot(ow, Wk[...], preferred_element_type=jnp.float32)
                  + bk[...])
    kc = jnp.tanh(jnp.dot(oc, Wk[...], preferred_element_type=jnp.float32)
                  + bk[...])
    sw = jnp.sum(q[...] * jnp.mean(kw, axis=0, keepdims=True))
    sc = jnp.sum(q[...] * jnp.mean(kc, axis=0, keepdims=True))
    m = jnp.maximum(sw, sc)
    ew = jnp.exp(sw - m)
    ec = jnp.exp(sc - m)
    tot = ew + ec
    out = (ew / tot) * ow + (ec / tot) * oc

    mu = jnp.mean(out, axis=0, keepdims=True)
    cent = out - mu * gms[...]
    var = jnp.mean(cent * cent, axis=0, keepdims=True)
    outn = gw[...] * cent * lax.rsqrt(var + 1e-5) + gb[...]
    res_o[...] = jnp.dot(outn, Wl[...],
                         preferred_element_type=jnp.float32) + bl[...]


def _fin_call(aggw, denw, aggc, denc, E16, W_k, b_k, q_sem,
              gn_weight, gn_bias, gn_mean_scale, W_lin, b_lin):
    return pl.pallas_call(
        _fin_body,
        out_shape=jax.ShapeDtypeStruct((N_NODE, OUT), jnp.float32),
    )(aggw, denw, aggc, denc, E16, W_k, b_k.reshape(1, HID),
      q_sem, gn_weight.reshape(1, HID), gn_bias.reshape(1, HID),
      gn_mean_scale.reshape(1, HID), W_lin, b_lin.reshape(1, OUT))


def _blockdiag(att):
    a = att.reshape(HEADS, D_HEAD)
    eye = jnp.eye(HEADS, dtype=a.dtype)
    blk = (a[:, :, None] * eye[:, None, :]).reshape(HID, HEADS)
    return jnp.pad(blk, ((0, 0), (0, 16 - HEADS)))


def kernel(x_paper, x_author, ei_writes, ei_rev, ei_cites, W_paper, b_paper,
           W_author, b_author, att_src_writes, att_dst_writes, att_src_rev,
           att_dst_rev, att_src_cites, att_dst_cites, W_k, b_k, q_sem,
           gn_weight, gn_bias, gn_mean_scale, W_lin, b_lin):
    Asw = _blockdiag(att_src_writes)
    Adw = _blockdiag(att_dst_writes)
    Asc = _blockdiag(att_src_cites)
    Adc = _blockdiag(att_dst_cites)

    xp, xa, asw, adw, asc, adc = _proj_call(
        x_paper, x_author, W_paper, b_paper, W_author, b_author,
        Asw, Adw, Asc, Adc)

    aggw, denw, aggc, denc = _sc_edge_call(
        asw, adw, xa, ei_writes, asc, adc, xp, ei_cites)

    h_of_col = jnp.arange(HID, dtype=jnp.int32) // D_HEAD
    E16 = (jnp.arange(16, dtype=jnp.int32)[:, None] == h_of_col[None, :]
           ).astype(jnp.float32)

    return _fin_call(aggw, denw, aggc, denc, E16, W_k, b_k, q_sem,
                     gn_weight, gn_bias, gn_mean_scale, W_lin, b_lin)

# --- scband reference (transcript-rebuilt; emitter-appended) ---
"""Pipeline reference for scband-han-90168543412642 (READ-ONLY COPY).

The authoritative reference and input builder live on the scoring server;
editing this copy changes nothing except your own understanding.
"""

import jax, jax.numpy as jnp
import numpy as np

N_PAPER = 10000
N_AUTHOR = 10000
E_EDGES = 160000
D_IN = 128
HID = 128
HEADS = 8
D_HEAD = HID // HEADS
OUT = 64
NEG_SLOPE = 0.2


def setup_inputs(seed: int = 0):
    key = jax.random.key(seed)
    ks = jax.random.split(key, 24)
    s = 0.1
    inp = {}
    inp["x_paper"] = jax.random.normal(ks[0], (N_PAPER, D_IN), dtype=jnp.float32)
    inp["x_author"] = jax.random.normal(ks[1], (N_AUTHOR, D_IN), dtype=jnp.float32)
    inp["ei_writes"] = jnp.stack([
        jax.random.randint(ks[2], (E_EDGES,), 0, N_AUTHOR),
        jax.random.randint(ks[3], (E_EDGES,), 0, N_PAPER)])
    inp["ei_rev"] = jnp.stack([
        jax.random.randint(ks[4], (E_EDGES,), 0, N_PAPER),
        jax.random.randint(ks[5], (E_EDGES,), 0, N_AUTHOR)])
    inp["ei_cites"] = jnp.stack([
        jax.random.randint(ks[6], (E_EDGES,), 0, N_PAPER),
        jax.random.randint(ks[7], (E_EDGES,), 0, N_PAPER)])
    inp["W_paper"] = jax.random.normal(ks[8], (D_IN, HID), dtype=jnp.float32) * s
    inp["b_paper"] = jnp.zeros((HID,), dtype=jnp.float32)
    inp["W_author"] = jax.random.normal(ks[9], (D_IN, HID), dtype=jnp.float32) * s
    inp["b_author"] = jnp.zeros((HID,), dtype=jnp.float32)
    inp["att_src_writes"] = jax.random.normal(ks[10], (1, HEADS, D_HEAD), dtype=jnp.float32) * s
    inp["att_dst_writes"] = jax.random.normal(ks[11], (1, HEADS, D_HEAD), dtype=jnp.float32) * s
    inp["att_src_rev"] = jax.random.normal(ks[12], (1, HEADS, D_HEAD), dtype=jnp.float32) * s
    inp["att_dst_rev"] = jax.random.normal(ks[13], (1, HEADS, D_HEAD), dtype=jnp.float32) * s
    inp["att_src_cites"] = jax.random.normal(ks[14], (1, HEADS, D_HEAD), dtype=jnp.float32) * s
    inp["att_dst_cites"] = jax.random.normal(ks[15], (1, HEADS, D_HEAD), dtype=jnp.float32) * s
    inp["W_k"] = jax.random.normal(ks[16], (HID, HID), dtype=jnp.float32) * s
    inp["b_k"] = jnp.zeros((HID,), dtype=jnp.float32)
    inp["q_sem"] = jax.random.normal(ks[17], (1, HID), dtype=jnp.float32) * s
    inp["gn_weight"] = jnp.ones((HID,), dtype=jnp.float32)
    inp["gn_bias"] = jnp.zeros((HID,), dtype=jnp.float32)
    inp["gn_mean_scale"] = jnp.ones((HID,), dtype=jnp.float32)
    inp["W_lin"] = jax.random.normal(ks[18], (HID, OUT), dtype=jnp.float32) * s
    inp["b_lin"] = jnp.zeros((OUT,), dtype=jnp.float32)
    return inp


def _edge_conv(x_src, x_dst, a_src, a_dst, ei, n_dst):
    # GAT-style per-edge-type attention (HANConv message+aggregate), eval mode (dropout off)
    alpha_src = (x_src * a_src).sum(-1)  # [N_src, H]
    alpha_dst = (x_dst * a_dst).sum(-1)  # [N_dst, H]
    src, dst = ei[0], ei[1]
    alpha = alpha_src[src] + alpha_dst[dst]  # [E, H]
    alpha = jax.nn.leaky_relu(alpha, NEG_SLOPE)
    amax = jax.ops.segment_max(alpha, dst, num_segments=n_dst)
    amax = jnp.where(jnp.isfinite(amax), amax, 0.0)
    ex = jnp.exp(alpha - amax[dst])
    denom = jax.ops.segment_sum(ex, dst, num_segments=n_dst)
    w = ex / (denom[dst] + 1e-16)  # PyG softmax epsilon
    msg = x_src[src] * w[:, :, None]  # [E, H, D]
    out = jax.ops.segment_sum(msg, dst, num_segments=n_dst)
    return jax.nn.relu(out.reshape(n_dst, HID))


def _semantic_group(outs, W_k, b_k, q_sem):
    o = jnp.stack(outs)  # [K, N, HID]
    kvec = jnp.tanh(o @ W_k + b_k).mean(axis=1)  # [K, HID]
    score = (q_sem * kvec).sum(-1)  # [K]
    attn = jax.nn.softmax(score, axis=0)
    return (attn[:, None, None] * o).sum(axis=0)


def _forward(x_paper, x_author, ei_writes, ei_rev, ei_cites,
             W_paper, b_paper, W_author, b_author,
             att_src_writes, att_dst_writes, att_src_rev, att_dst_rev,
             att_src_cites, att_dst_cites, W_k, b_k, q_sem,
             gn_weight, gn_bias, gn_mean_scale, W_lin, b_lin):
    xp = (x_paper @ W_paper + b_paper).reshape(-1, HEADS, D_HEAD)
    xa = (x_author @ W_author + b_author).reshape(-1, HEADS, D_HEAD)
    out_writes = _edge_conv(xa, xp, att_src_writes, att_dst_writes, ei_writes, N_PAPER)
    out_cites = _edge_conv(xp, xp, att_src_cites, att_dst_cites, ei_cites, N_PAPER)
    out_rev = _edge_conv(xp, xa, att_src_rev, att_dst_rev, ei_rev, N_AUTHOR)
    out = _semantic_group([out_writes, out_cites], W_k, b_k, q_sem)
    out_author = _semantic_group([out_rev], W_k, b_k, q_sem)  # computed as in original, unused since type_t='paper'
    # GraphNorm over all nodes (single graph)
    mean = out.mean(axis=0)
    centered = out - mean * gn_mean_scale
    var = (centered * centered).mean(axis=0)
    out = gn_weight * centered / jnp.sqrt(var + 1e-5) + gn_bias
    return out @ W_lin + b_lin


def reference(x_paper, x_author, ei_writes, ei_rev, ei_cites, W_paper, b_paper, W_author, b_author, att_src_writes, att_dst_writes, att_src_rev, att_dst_rev, att_src_cites, att_dst_cites, W_k, b_k, q_sem, gn_weight, gn_bias, gn_mean_scale, W_lin, b_lin):
    return _forward(x_paper, x_author, ei_writes, ei_rev, ei_cites, W_paper, b_paper, W_author, b_author, att_src_writes, att_dst_writes, att_src_rev, att_dst_rev, att_src_cites, att_dst_cites, W_k, b_k, q_sem, gn_weight, gn_bias, gn_mean_scale, W_lin, b_lin)

if __name__ == "__main__":
    import jax
    _d = setup_inputs()
    print(jax.jit(kernel)(*tuple(_d.values())))

</pallas_src>

<mosaic_0001>
#map = affine_map<(d0, d1) -> (0, 0)>
module attributes {stable_mosaic.version = 14 : i64} {
  func.func @k(%arg0: i32, %arg1: i32, %arg2: memref<10000x16xf32, #tpu.memory_space<hbm>>, %arg3: memref<10000x16xf32, #tpu.memory_space<hbm>>, %arg4: memref<10000x128xf32, #tpu.memory_space<hbm>>, %arg5: memref<2x160000xi32, #tpu.memory_space<hbm>>, %arg6: memref<10000x16xf32, #tpu.memory_space<hbm>>, %arg7: memref<10000x16xf32, #tpu.memory_space<hbm>>, %arg8: memref<10000x128xf32, #tpu.memory_space<hbm>>, %arg9: memref<2x160000xi32, #tpu.memory_space<hbm>>, %arg10: memref<10240x128xf32, #tpu.memory_space<hbm>>, %arg11: memref<10240x16xf32, #tpu.memory_space<hbm>>, %arg12: memref<10240x128xf32, #tpu.memory_space<hbm>>, %arg13: memref<10240x16xf32, #tpu.memory_space<hbm>>, %arg14: memref<10240x128xf32, #tpu.memory_space<vmem_shared>>, %arg15: memref<10240x16xf32, #tpu.memory_space<vmem_shared>>, %arg16: memref<2x64xi32, #tpu.memory_space<vmem>>, %arg17: memref<64x16xf32, #tpu.memory_space<vmem>>, %arg18: memref<64x16xf32, #tpu.memory_space<vmem>>, %arg19: memref<64x16xf32, #tpu.memory_space<vmem>>, %arg20: memref<64x128xf32, #tpu.memory_space<vmem>>, %arg21: memref<2x64xi32, #tpu.memory_space<vmem>>, %arg22: memref<64x16xf32, #tpu.memory_space<vmem>>, %arg23: memref<64x16xf32, #tpu.memory_space<vmem>>, %arg24: memref<64x16xf32, #tpu.memory_space<vmem>>, %arg25: memref<64x128xf32, #tpu.memory_space<vmem>>, %arg26: memref<2x64xi32, #tpu.memory_space<vmem>>, %arg27: memref<64x16xf32, #tpu.memory_space<vmem>>, %arg28: memref<64x16xf32, #tpu.memory_space<vmem>>, %arg29: memref<64x16xf32, #tpu.memory_space<vmem>>, %arg30: memref<64x128xf32, #tpu.memory_space<vmem>>, %arg31: memref<!tpu.dma_semaphore, #tpu.memory_space<semaphore_mem>>, %arg32: memref<!tpu.dma_semaphore, #tpu.memory_space<semaphore_mem>>, %arg33: memref<!tpu.dma_semaphore, #tpu.memory_space<semaphore_mem>>, %arg34: memref<!tpu.dma_semaphore, #tpu.memory_space<semaphore_mem>>, %arg35: memref<!tpu.dma_semaphore, #tpu.memory_space<semaphore_mem>>, %arg36: memref<!tpu.dma_semaphore, #tpu.memory_space<semaphore_mem>>, %arg37: memref<!tpu.dma_semaphore, #tpu.memory_space<semaphore_mem>>, %arg38: memref<!tpu.dma_semaphore, #tpu.memory_space<semaphore_mem>>, %arg39: memref<!tpu.dma_semaphore, #tpu.memory_space<semaphore_mem>>) attributes {dimension_semantics = [#tpu.dimension_semantics<core_parallel>, #tpu.dimension_semantics<subcore_parallel>], iteration_bounds = array<i64: 2, 16>, scalar_prefetch = 0 : i64, scratch_operands = 26 : i64, tpu.core_type = #tpu.core_type<sc_vector_subcore>, window_params = [{transform_indices = #map}, {transform_indices = #map}, {transform_indices = #map}, {transform_indices = #map}, {transform_indices = #map}, {transform_indices = #map}, {transform_indices = #map}, {transform_indices = #map}, {transform_indices = #map}, {transform_indices = #map}, {transform_indices = #map}, {transform_indices = #map}]} {
    %eq3A = arith.constant 0 : i32
    %eq3A_0 = arith.cmpi eq, %arg0, %eq3A : i32
    %convert_element_type3A = arith.extui %eq3A_0 : i1 to i32
    %cond3A = arith.constant 0 : i32
    %cond3A_1 = arith.cmpi ne, %convert_element_type3A, %cond3A : i32
    scf.if %cond3A_1 {
      %sub3A = arith.constant 2500 : i32
      %sub3A_7 = arith.subi %sub3A, %arg1 : i32
      %add3A = arith.constant 16 : i32
      %add3A_8 = arith.addi %sub3A_7, %add3A : i32
      %sub3A_9 = arith.constant 1 : i32
      %sub3A_10 = arith.subi %add3A_8, %sub3A_9 : i32
      %jit3A = arith.constant 16 : i32
      %div3A = arith.divsi %sub3A_10, %jit3A : i32
      %sign3A = arith.constant 0 : i32
      %sign3A_11 = arith.cmpi sgt, %sub3A_10, %sign3A : i32
      %sign3A_12 = arith.extui %sign3A_11 : i1 to i32
      %sign3A_13 = arith.constant 0 : i32
      %sign3A_14 = arith.cmpi slt, %sub3A_10, %sign3A_13 : i32
      %sign3A_15 = arith.extui %sign3A_14 : i1 to i32
      %sign3A_16 = arith.subi %sign3A_12, %sign3A_15 : i32
      %sign3A_17 = arith.constant 0 : i32
      %sign3A_18 = arith.cmpi sgt, %jit3A, %sign3A_17 : i32
      %sign3A_19 = arith.extui %sign3A_18 : i1 to i32
      %sign3A_20 = arith.constant 0 : i32
      %sign3A_21 = arith.cmpi slt, %jit3A, %sign3A_20 : i32
      %sign3A_22 = arith.extui %sign3A_21 : i1 to i32
      %sign3A_23 = arith.subi %sign3A_19, %sign3A_22 : i32
      %ne3A = arith.cmpi ne, %sign3A_16, %sign3A_23 : i32
      %rem3A = arith.remsi %sub3A_10, %jit3A : i32
      %ne3A_24 = arith.constant 0 : i32
      %ne3A_25 = arith.cmpi ne, %rem3A, %ne3A_24 : i32
      %and3A = arith.andi %ne3A, %ne3A_25 : i1
      %sub3A_26 = arith.constant 1 : i32
      %sub3A_27 = arith.subi %div3A, %sub3A_26 : i32
      %select_n3A = arith.select %and3A, %sub3A_27, %div3A : i32
      %scan3A = arith.constant 0 : i32
      %scan3A_28 = arith.constant 64 : i32
      %scan3A_29 = arith.addi %scan3A, %scan3A_28 : i32
      %scan3A_30 = arith.constant 1 : i32
      scf.for %scan3A_462 = %scan3A to %scan3A_29 step %scan3A_30  : i32 {
        %mul3A_463 = arith.constant 1 : i32
        %mul3A_464 = arith.muli %scan3A_462, %mul3A_463 : i32
        %add3A_465 = arith.constant 0 : i32
        %add3A_466 = arith.addi %add3A_465, %mul3A_464 : i32
        %broadcast_in_dim3A = arith.constant 0.000000e+00 : f32
        %broadcast_in_dim3A_467 = vector.broadcast %broadcast_in_dim3A : f32 to vector<16xf32>
        %swap3A = arith.index_cast %add3A_466 : i32 to index
        %swap3A_468 = arith.constant 0 : index
        %swap3A_469 = tpu.vector_load %arg19[%swap3A, %swap3A_468] {strides = array<i32>} : memref<64x16xf32, #tpu.memory_space<vmem>>, vector<1x16xf32>,
        %swap3A_470 = vector.shape_cast %swap3A_469 : vector<1x16xf32> to vector<16xf32>
        %swap3A_471 = vector.shape_cast %broadcast_in_dim3A_467 : vector<16xf32> to vector<1x16xf32>
        tpu.vector_store %arg19[%swap3A, %swap3A_468], %swap3A_471 {strides = array<i32>} : memref<64x16xf32, #tpu.memory_space<vmem>>, vector<1x16xf32>,
        %broadcast_in_dim3A_472 = arith.constant 0.000000e+00 : f32
        %broadcast_in_dim3A_473 = vector.broadcast %broadcast_in_dim3A_472 : f32 to vector<16xf32>
        %swap3A_474 = arith.index_cast %add3A_466 : i32 to index
        %swap3A_475 = arith.constant 0 : index
        %swap3A_476 = tpu.vector_load %arg20[%swap3A_474, %swap3A_475] {strides = array<i32>} : memref<64x128xf32, #tpu.memory_space<vmem>>, vector<1x16xf32>,
        %swap3A_477 = vector.shape_cast %swap3A_476 : vector<1x16xf32> to vector<16xf32>
        %swap3A_478 = vector.shape_cast %broadcast_in_dim3A_473 : vector<16xf32> to vector<1x16xf32>
        tpu.vector_store %arg20[%swap3A_474, %swap3A_475], %swap3A_478 {strides = array<i32>} : memref<64x128xf32, #tpu.memory_space<vmem>>, vector<1x16xf32>,
        %broadcast_in_dim3A_479 = arith.constant 0.000000e+00 : f32
        %broadcast_in_dim3A_480 = vector.broadcast %broadcast_in_dim3A_479 : f32 to vector<16xf32>
        %swap3A_481 = arith.index_cast %add3A_466 : i32 to index
        %swap3A_482 = arith.constant 16 : index
        %swap3A_483 = tpu.vector_load %arg20[%swap3A_481, %swap3A_482] {strides = array<i32>} : memref<64x128xf32, #tpu.memory_space<vmem>>, vector<1x16xf32>,
        %swap3A_484 = vector.shape_cast %swap3A_483 : vector<1x16xf32> to vector<16xf32>
        %swap3A_485 = vector.shape_cast %broadcast_in_dim3A_480 : vector<16xf32> to vector<1x16xf32>
        tpu.vector_store %arg20[%swap3A_481, %swap3A_482], %swap3A_485 {strides = array<i32>} : memref<64x128xf32, #tpu.memory_space<vmem>>, vector<1x16xf32>,
        %broadcast_in_dim3A_486 = arith.constant 0.000000e+00 : f32
        %broadcast_in_dim3A_487 = vector.broadcast %broadcast_in_dim3A_486 : f32 to vector<16xf32>
        %swap3A_488 = arith.index_cast %add3A_466 : i32 to index
        %swap3A_489 = arith.constant 32 : index
        %swap3A_490 = tpu.vector_load %arg20[%swap3A_488, %swap3A_489] {strides = array<i32>} : memref<64x128xf32, #tpu.memory_space<vmem>>, vector<1x16xf32>,
        %swap3A_491 = vector.shape_cast %swap3A_490 : vector<1x16xf32> to vector<16xf32>
        %swap3A_492 = vector.shape_cast %broadcast_in_dim3A_487 : vector<16xf32> to vector<1x16xf32>
        tpu.vector_store %arg20[%swap3A_488, %swap3A_489], %swap3A_492 {strides = array<i32>} : memref<64x128xf32, #tpu.memory_space<vmem>>, vector<1x16xf32>,
        %broadcast_in_dim3A_493 = arith.constant 0.000000e+00 : f32
        %broadcast_in_dim3A_494 = vector.broadcast %broadcast_in_dim3A_493 : f32 to vector<16xf32>
        %swap3A_495 = arith.index_cast %add3A_466 : i32 to index
        %swap3A_496 = arith.constant 48 : index
        %swap3A_497 = tpu.vector_load %arg20[%swap3A_495, %swap3A_496] {strides = array<i32>} : memref<64x128xf32, #tpu.memory_space<vmem>>, vector<1x16xf32>,
        %swap3A_498 = vector.shape_cast %swap3A_497 : vector<1x16xf32> to vector<16xf32>
        %swap3A_499 = vector.shape_cast %broadcast_in_dim3A_494 : vector<16xf32> to vector<1x16xf32>
        tpu.vector_store %arg20[%swap3A_495, %swap3A_496], %swap3A_499 {strides = array<i32>} : memref<64x128xf32, #tpu.memory_space<vmem>>, vector<1x16xf32>,
        %broadcast_in_dim3A_500 = arith.constant 0.000000e+00 : f32
        %broadcast_in_dim3A_501 = vector.broadcast %broadcast_in_dim3A_500 : f32 to vector<16xf32>
        %swap3A_502 = arith.index_cast %add3A_466 : i32 to index
        %swap3A_503 = arith.constant 64 : index
        %swap3A_504 = tpu.vector_load %arg20[%swap3A_502, %swap3A_503] {strides = array<i32>} : memref<64x128xf32, #tpu.memory_space<vmem>>, vector<1x16xf32>,
        %swap3A_505 = vector.shape_cast %swap3A_504 : vector<1x16xf32> to vector<16xf32>
        %swap3A_506 = vector.shape_cast %broadcast_in_dim3A_501 : vector<16xf32> to vector<1x16xf32>
        tpu.vector_store %arg20[%swap3A_502, %swap3A_503], %swap3A_506 {strides = array<i32>} : memref<64x128xf32, #tpu.memory_space<vmem>>, vector<1x16xf32>,
        %broadcast_in_dim3A_507 = arith.constant 0.000000e+00 : f32
        %broadcast_in_dim3A_508 = vector.broadcast %broadcast_in_dim3A_507 : f32 to vector<16xf32>
        %swap3A_509 = arith.index_cast %add3A_466 : i32 to index
        %swap3A_510 = arith.constant 80 : index
        %swap3A_511 = tpu.vector_load %arg20[%swap3A_509, %swap3A_510] {strides = array<i32>} : memref<64x128xf32, #tpu.memory_space<vmem>>, vector<1x16xf32>,
        %swap3A_512 = vector.shape_cast %swap3A_511 : vector<1x16xf32> to vector<16xf32>
        %swap3A_513 = vector.shape_cast %broadcast_in_dim3A_508 : vector<16xf32> to vector<1x16xf32>
        tpu.vector_store %arg20[%swap3A_509, %swap3A_510], %swap3A_513 {strides = array<i32>} : memref<64x128xf32, #tpu.memory_space<vmem>>, vector<1x16xf32>,
        %broadcast_in_dim3A_514 = arith.constant 0.000000e+00 : f32
        %broadcast_in_dim3A_515 = vector.broadcast %broadcast_in_dim3A_514 : f32 to vector<16xf32>
        %swap3A_516 = arith.index_cast %add3A_466 : i32 to index
        %swap3A_517 = arith.constant 96 : index
        %swap3A_518 = tpu.vector_load %arg20[%swap3A_516, %swap3A_517] {strides = array<i32>} : memref<64x128xf32, #tpu.memory_space<vmem>>, vector<1x16xf32>,
        %swap3A_519 = vector.shape_cast %swap3A_518 : vector<1x16xf32> to vector<16xf32>
        %swap3A_520 = vector.shape_cast %broadcast_in_dim3A_515 : vector<16xf32> to vector<1x16xf32>
        tpu.vector_store %arg20[%swap3A_516, %swap3A_517], %swap3A_520 {strides = array<i32>} : memref<64x128xf32, #tpu.memory_space<vmem>>, vector<1x16xf32>,
        %broadcast_in_dim3A_521 = arith.constant 0.000000e+00 : f32
        %broadcast_in_dim3A_522 = vector.broadcast %broadcast_in_dim3A_521 : f32 to vector<16xf32>
        %swap3A_523 = arith.index_cast %add3A_466 : i32 to index
        %swap3A_524 = arith.constant 112 : index
        %swap3A_525 = tpu.vector_load %arg20[%swap3A_523, %swap3A_524] {strides = array<i32>} : memref<64x128xf32, #tpu.memory_space<vmem>>, vector<1x16xf32>,
        %swap3A_526 = vector.shape_cast %swap3A_525 : vector<1x16xf32> to vector<16xf32>
        %swap3A_527 = vector.shape_cast %broadcast_in_dim3A_522 : vector<16xf32> to vector<1x16xf32>
        tpu.vector_store %arg20[%swap3A_523, %swap3A_524], %swap3A_527 {strides = array<i32>} : memref<64x128xf32, #tpu.memory_space<vmem>>, vector<1x16xf32>,
      }
      %scan3A_31 = arith.constant 64 : i32
      %mul3A = arith.constant 640 : i32
      %mul3A_32 = arith.muli %arg1, %mul3A : i32
      %add3A_33 = arith.constant 0 : i32
      %add3A_34 = arith.addi %mul3A_32, %add3A_33 : i32
      %dma_start3A = arith.constant 0 : i32
      %dma_start3A_35 = tpu.memref_slice %arg14[%add3A_34, %dma_start3A] : memref<10240x128xf32, #tpu.memory_space<vmem_shared>> -> memref<64x128xf32, #tpu.memory_space<vmem_shared>>
      %dma_start3A_36 = arith.constant 0 : i32
      %dma_start3A_37 = tpu.memref_slice %arg14[%add3A_34, %dma_start3A_36] : memref<10240x128xf32, #tpu.memory_space<vmem_shared>> -> memref<64x128xf32, #tpu.memory_space<vmem_shared>>
      tpu.enqueue_dma source(%arg20 : memref<64x128xf32, #tpu.memory_space<vmem>>) target(%dma_start3A_37 : memref<64x128xf32, #tpu.memory_space<vmem_shared>>) target_semaphore(%arg31 : memref<!tpu.dma_semaphore, #tpu.memory_space<semaphore_mem>>)
      %add3A_38 = arith.constant 0 : i32
      %add3A_39 = arith.addi %mul3A_32, %add3A_38 : i32
      %dma_start3A_40 = arith.constant 0 : i32
      %dma_start3A_41 = tpu.memref_slice %arg15[%add3A_39, %dma_start3A_40] : memref<10240x16xf32, #tpu.memory_space<vmem_shared>> -> memref<64x16xf32, #tpu.memory_space<vmem_shared>>
      %dma_start3A_42 = arith.constant 0 : i32
      %dma_start3A_43 = tpu.memref_slice %arg15[%add3A_39, %dma_start3A_42] : memref<10240x16xf32, #tpu.memory_space<vmem_shared>> -> memref<64x16xf32, #tpu.memory_space<vmem_shared>>
      tpu.enqueue_dma source(%arg19 : memref<64x16xf32, #tpu.memory_space<vmem>>) target(%dma_start3A_43 : memref<64x16xf32, #tpu.memory_space<vmem_shared>>) target_semaphore(%arg31 : memref<!tpu.dma_semaphore, #tpu.memory_space<semaphore_mem>>)
      %add3A_44 = arith.constant 64 : i32
      %add3A_45 = arith.addi %mul3A_32, %add3A_44 : i32
      %dma_start3A_46 = arith.constant 0 : i32
      %dma_start3A_47 = tpu.memref_slice %arg14[%add3A_45, %dma_start3A_46] : memref<10240x128xf32, #tpu.memory_space<vmem_shared>> -> memref<64x128xf32, #tpu.memory_space<vmem_shared>>
      %dma_start3A_48 = arith.constant 0 : i32
      %dma_start3A_49 = tpu.memref_slice %arg14[%add3A_45, %dma_start3A_48] : memref<10240x128xf32, #tpu.memory_space<vmem_shared>> -> memref<64x128xf32, #tpu.memory_space<vmem_shared>>
      tpu.enqueue_dma source(%arg20 : memref<64x128xf32, #tpu.memory_space<vmem>>) target(%dma_start3A_49 : memref<64x128xf32, #tpu.memory_space<vmem_shared>>) target_semaphore(%arg31 : memref<!tpu.dma_semaphore, #tpu.memory_space<semaphore_mem>>)
      %add3A_50 = arith.constant 64 : i32
      %add3A_51 = arith.addi %mul3A_32, %add3A_50 : i32
      %dma_start3A_52 = arith.constant 0 : i32
      %dma_start3A_53 = tpu.memref_slice %arg15[%add3A_51, %dma_start3A_52] : memref<10240x16xf32, #tpu.memory_space<vmem_shared>> -> memref<64x16xf32, #tpu.memory_space<vmem_shared>>
      %dma_start3A_54 = arith.constant 0 : i32
      %dma_start3A_55 = tpu.memref_slice %arg15[%add3A_51, %dma_start3A_54] : memref<10240x16xf32, #tpu.memory_space<vmem_shared>> -> memref<64x16xf32, #tpu.memory_space<vmem_shared>>
      tpu.enqueue_dma source(%arg19 : memref<64x16xf32, #tpu.memory_space<vmem>>) target(%dma_start3A_55 : memref<64x16xf32, #tpu.memory_space<vmem_shared>>) target_semaphore(%arg31 : memref<!tpu.dma_semaphore, #tpu.memory_space<semaphore_mem>>)
      %add3A_56 = arith.constant 128 : i32
      %add3A_57 = arith.addi %mul3A_32, %add3A_56 : i32
      %dma_start3A_58 = arith.constant 0 : i32
      %dma_start3A_59 = tpu.memref_slice %arg14[%add3A_57, %dma_start3A_58] : memref<10240x128xf32, #tpu.memory_space<vmem_shared>> -> memref<64x128xf32, #tpu.memory_space<vmem_shared>>
      %dma_start3A_60 = arith.constant 0 : i32
      %dma_start3A_61 = tpu.memref_slice %arg14[%add3A_57, %dma_start3A_60] : memref<10240x128xf32, #tpu.memory_space<vmem_shared>> -> memref<64x128xf32, #tpu.memory_space<vmem_shared>>
      tpu.enqueue_dma source(%arg20 : memref<64x128xf32, #tpu.memory_space<vmem>>) target(%dma_start3A_61 : memref<64x128xf32, #tpu.memory_space<vmem_shared>>) target_semaphore(%arg31 : memref<!tpu.dma_semaphore, #tpu.memory_space<semaphore_mem>>)
      %add3A_62 = arith.constant 128 : i32
      %add3A_63 = arith.addi %mul3A_32, %add3A_62 : i32
      %dma_start3A_64 = arith.constant 0 : i32
      %dma_start3A_65 = tpu.memref_slice %arg15[%add3A_63, %dma_start3A_64] : memref<10240x16xf32, #tpu.memory_space<vmem_shared>> -> memref<64x16xf32, #tpu.memory_space<vmem_shared>>
      %dma_start3A_66 = arith.constant 0 : i32
      %dma_start3A_67 = tpu.memref_slice %arg15[%add3A_63, %dma_start3A_66] : memref<10240x16xf32, #tpu.memory_space<vmem_shared>> -> memref<64x16xf32, #tpu.memory_space<vmem_shared>>
      tpu.enqueue_dma source(%arg19 : memref<64x16xf32, #tpu.memory_space<vmem>>) target(%dma_start3A_67 : memref<64x16xf32, #tpu.memory_space<vmem_shared>>) target_semaphore(%arg31 : memref<!tpu.dma_semaphore, #tpu.memory_space<semaphore_mem>>)
      %add3A_68 = arith.constant 192 : i32
      %add3A_69 = arith.addi %mul3A_32, %add3A_68 : i32
      %dma_start3A_70 = arith.constant 0 : i32
      %dma_start3A_71 = tpu.memref_slice %arg14[%add3A_69, %dma_start3A_70] : memref<10240x128xf32, #tpu.memory_space<vmem_shared>> -> memref<64x128xf32, #tpu.memory_space<vmem_shared>>
      %dma_start3A_72 = arith.constant 0 : i32
      %dma_start3A_73 = tpu.memref_slice %arg14[%add3A_69, %dma_start3A_72] : memref<10240x128xf32, #tpu.memory_space<vmem_shared>> -> memref<64x128xf32, #tpu.memory_space<vmem_shared>>
      tpu.enqueue_dma source(%arg20 : memref<64x128xf32, #tpu.memory_space<vmem>>) target(%dma_start3A_73 : memref<64x128xf32, #tpu.memory_space<vmem_shared>>) target_semaphore(%arg31 : memref<!tpu.dma_semaphore, #tpu.memory_space<semaphore_mem>>)
      %add3A_74 = arith.constant 192 : i32
      %add3A_75 = arith.addi %mul3A_32, %add3A_74 : i32
      %dma_start3A_76 = arith.constant 0 : i32
      %dma_start3A_77 = tpu.memref_slice %arg15[%add3A_75, %dma_start3A_76] : memref<10240x16xf32, #tpu.memory_space<vmem_shared>> -> memref<64x16xf32, #tpu.memory_space<vmem_shared>>
      %dma_start3A_78 = arith.constant 0 : i32
      %dma_start3A_79 = tpu.memref_slice %arg15[%add3A_75, %dma_start3A_78] : memref<10240x16xf32, #tpu.memory_space<vmem_shared>> -> memref<64x16xf32, #tpu.memory_space<vmem_shared>>
      tpu.enqueue_dma source(%arg19 : memref<64x16xf32, #tpu.memory_space<vmem>>) target(%dma_start3A_79 : memref<64x16xf32, #tpu.memory_space<vmem_shared>>) target_semaphore(%arg31 : memref<!tpu.dma_semaphore, #tpu.memory_space<semaphore_mem>>)
      %add3A_80 = arith.constant 256 : i32
      %add3A_81 = arith.addi %mul3A_32, %add3A_80 : i32
      %dma_start3A_82 = arith.constant 0 : i32
      %dma_start3A_83 = tpu.memref_slice %arg14[%add3A_81, %dma_start3A_82] : memref<10240x128xf32, #tpu.memory_space<vmem_shared>> -> memref<64x128xf32, #tpu.memory_space<vmem_shared>>
      %dma_start3A_84 = arith.constant 0 : i32
      %dma_start3A_85 = tpu.memref_slice %arg14[%add3A_81, %dma_start3A_84] : memref<10240x128xf32, #tpu.memory_space<vmem_shared>> -> memref<64x128xf32, #tpu.memory_space<vmem_shared>>
      tpu.enqueue_dma source(%arg20 : memref<64x128xf32, #tpu.memory_space<vmem>>) target(%dma_start3A_85 : memref<64x128xf32, #tpu.memory_space<vmem_shared>>) target_semaphore(%arg31 : memref<!tpu.dma_semaphore, #tpu.memory_space<semaphore_mem>>)
      %add3A_86 = arith.constant 256 : i32
      %add3A_87 = arith.addi %mul3A_32, %add3A_86 : i32
      %dma_start3A_88 = arith.constant 0 : i32
      %dma_start3A_89 = tpu.memref_slice %arg15[%add3A_87, %dma_start3A_88] : memref<10240x16xf32, #tpu.memory_space<vmem_shared>> -> memref<64x16xf32, #tpu.memory_space<vmem_shared>>
      %dma_start3A_90 = arith.constant 0 : i32
      %dma_start3A_91 = tpu.memref_slice %arg15[%add3A_87, %dma_start3A_90] : memref<10240x16xf32, #tpu.memory_space<vmem_shared>> -> memref<64x16xf32, #tpu.memory_space<vmem_shared>>
      tpu.enqueue_dma source(%arg19 : memref<64x16xf32, #tpu.memory_space<vmem>>) target(%dma_start3A_91 : memref<64x16xf32, #tpu.memory_space<vmem_shared>>) target_semaphore(%arg31 : memref<!tpu.dma_semaphore, #tpu.memory_space<semaphore_mem>>)
      %add3A_92 = arith.constant 320 : i32
      %add3A_93 = arith.addi %mul3A_32, %add3A_92 : i32
      %dma_start3A_94 = arith.constant 0 : i32
      %dma_start3A_95 = tpu.memref_slice %arg14[%add3A_93, %dma_start3A_94] : memref<10240x128xf32, #tpu.memory_space<vmem_shared>> -> memref<64x128xf32, #tpu.memory_space<vmem_shared>>
      %dma_start3A_96 = arith.constant 0 : i32
      %dma_start3A_97 = tpu.memref_slice %arg14[%add3A_93, %dma_start3A_96] : memref<10240x128xf32, #tpu.memory_space<vmem_shared>> -> memref<64x128xf32, #tpu.memory_space<vmem_shared>>
      tpu.enqueue_dma source(%arg20 : memref<64x128xf32, #tpu.memory_space<vmem>>) target(%dma_start3A_97 : memref<64x128xf32, #tpu.memory_space<vmem_shared>>) target_semaphore(%arg31 : memref<!tpu.dma_semaphore, #tpu.memory_space<semaphore_mem>>)
      %add3A_98 = arith.constant 320 : i32
      %add3A_99 = arith.addi %mul3A_32, %add3A_98 : i32
      %dma_start3A_100 = arith.constant 0 : i32
      %dma_start3A_101 = tpu.memref_slice %arg15[%add3A_99, %dma_start3A_100] : memref<10240x16xf32, #tpu.memory_space<vmem_shared>> -> memref<64x16xf32, #tpu.memory_space<vmem_shared>>
      %dma_start3A_102 = arith.constant 0 : i32
      %dma_start3A_103 = tpu.memref_slice %arg15[%add3A_99, %dma_start3A_102] : memref<10240x16xf32, #tpu.memory_space<vmem_shared>> -> memref<64x16xf32, #tpu.memory_space<vmem_shared>>
      tpu.enqueue_dma source(%arg19 : memref<64x16xf32, #tpu.memory_space<vmem>>) target(%dma_start3A_103 : memref<64x16xf32, #tpu.memory_space<vmem_shared>>) target_semaphore(%arg31 : memref<!tpu.dma_semaphore, #tpu.memory_space<semaphore_mem>>)
      %add3A_104 = arith.constant 384 : i32
      %add3A_105 = arith.addi %mul3A_32, %add3A_104 : i32
      %dma_start3A_106 = arith.constant 0 : i32
      %dma_start3A_107 = tpu.memref_slice %arg14[%add3A_105, %dma_start3A_106] : memref<10240x128xf32, #tpu.memory_space<vmem_shared>> -> memref<64x128xf32, #tpu.memory_space<vmem_shared>>
      %dma_start3A_108 = arith.constant 0 : i32
      %dma_start3A_109 = tpu.memref_slice %arg14[%add3A_105, %dma_start3A_108] : memref<10240x128xf32, #tpu.memory_space<vmem_shared>> -> memref<64x128xf32, #tpu.memory_space<vmem_shared>>
      tpu.enqueue_dma source(%arg20 : memref<64x128xf32, #tpu.memory_space<vmem>>) target(%dma_start3A_109 : memref<64x128xf32, #tpu.memory_space<vmem_shared>>) target_semaphore(%arg31 : memref<!tpu.dma_semaphore, #tpu.memory_space<semaphore_mem>>)
      %add3A_110 = arith.constant 384 : i32
      %add3A_111 = arith.addi %mul3A_32, %add3A_110 : i32
      %dma_start3A_112 = arith.constant 0 : i32
      %dma_start3A_113 = tpu.memref_slice %arg15[%add3A_111, %dma_start3A_112] : memref<10240x16xf32, #tpu.memory_space<vmem_shared>> -> memref<64x16xf32, #tpu.memory_space<vmem_shared>>
      %dma_start3A_114 = arith.constant 0 : i32
      %dma_start3A_115 = tpu.memref_slice %arg15[%add3A_111, %dma_start3A_114] : memref<10240x16xf32, #tpu.memory_space<vmem_shared>> -> memref<64x16xf32, #tpu.memory_space<vmem_shared>>
      tpu.enqueue_dma source(%arg19 : memref<64x16xf32, #tpu.memory_space<vmem>>) target(%dma_start3A_115 : memref<64x16xf32, #tpu.memory_space<vmem_shared>>) target_semaphore(%arg31 : memref<!tpu.dma_semaphore, #tpu.memory_space<semaphore_mem>>)
      %add3A_116 = arith.constant 448 : i32
      %add3A_117 = arith.addi %mul3A_32, %add3A_116 : i32
      %dma_start3A_118 = arith.constant 0 : i32
      %dma_start3A_119 = tpu.memref_slice %arg14[%add3A_117, %dma_start3A_118] : memref<10240x128xf32, #tpu.memory_space<vmem_shared>> -> memref<64x128xf32, #tpu.memory_space<vmem_shared>>
      %dma_start3A_120 = arith.constant 0 : i32
      %dma_start3A_121 = tpu.memref_slice %arg14[%add3A_117, %dma_start3A_120] : memref<10240x128xf32, #tpu.memory_space<vmem_shared>> -> memref<64x128xf32, #tpu.memory_space<vmem_shared>>
      tpu.enqueue_dma source(%arg20 : memref<64x128xf32, #tpu.memory_space<vmem>>) target(%dma_start3A_121 : memref<64x128xf32, #tpu.memory_space<vmem_shared>>) target_semaphore(%arg31 : memref<!tpu.dma_semaphore, #tpu.memory_space<semaphore_mem>>)
      %add3A_122 = arith.constant 448 : i32
      %add3A_123 = arith.addi %mul3A_32, %add3A_122 : i32
      %dma_start3A_124 = arith.constant 0 : i32
      %dma_start3A_125 = tpu.memref_slice %arg15[%add3A_123, %dma_start3A_124] : memref<10240x16xf32, #tpu.memory_space<vmem_shared>> -> memref<64x16xf32, #tpu.memory_space<vmem_shared>>
      %dma_start3A_126 = arith.constant 0 : i32
      %dma_start3A_127 = tpu.memref_slice %arg15[%add3A_123, %dma_start3A_126] : memref<10240x16xf32, #tpu.memory_space<vmem_shared>> -> memref<64x16xf32, #tpu.memory_space<vmem_shared>>
      tpu.enqueue_dma source(%arg19 : memref<64x16xf32, #tpu.memory_space<vmem>>) target(%dma_start3A_127 : memref<64x16xf32, #tpu.memory_space<vmem_shared>>) target_semaphore(%arg31 : memref<!tpu.dma_semaphore, #tpu.memory_space<semaphore_mem>>)
      %add3A_128 = arith.constant 512 : i32
      %add3A_129 = arith.addi %mul3A_32, %add3A_128 : i32
      %dma_start3A_130 = arith.constant 0 : i32
      %dma_start3A_131 = tpu.memref_slice %arg14[%add3A_129, %dma_start3A_130] : memref<10240x128xf32, #tpu.memory_space<vmem_shared>> -> memref<64x128xf32, #tpu.memory_space<vmem_shared>>
      %dma_start3A_132 = arith.constant 0 : i32
      %dma_start3A_133 = tpu.memref_slice %arg14[%add3A_129, %dma_start3A_132] : memref<10240x128xf32, #tpu.memory_space<vmem_shared>> -> memref<64x128xf32, #tpu.memory_space<vmem_shared>>
      tpu.enqueue_dma source(%arg20 : memref<64x128xf32, #tpu.memory_space<vmem>>) target(%dma_start3A_133 : memref<64x128xf32, #tpu.memory_space<vmem_shared>>) target_semaphore(%arg31 : memref<!tpu.dma_semaphore, #tpu.memory_space<semaphore_mem>>)
      %add3A_134 = arith.constant 512 : i32
      %add3A_135 = arith.addi %mul3A_32, %add3A_134 : i32
      %dma_start3A_136 = arith.constant 0 : i32
      %dma_start3A_137 = tpu.memref_slice %arg15[%add3A_135, %dma_start3A_136] : memref<10240x16xf32, #tpu.memory_space<vmem_shared>> -> memref<64x16xf32, #tpu.memory_space<vmem_shared>>
      %dma_start3A_138 = arith.constant 0 : i32
      %dma_start3A_139 = tpu.memref_slice %arg15[%add3A_135, %dma_start3A_138] : memref<10240x16xf32, #tpu.memory_space<vmem_shared>> -> memref<64x16xf32, #tpu.memory_space<vmem_shared>>
      tpu.enqueue_dma source(%arg19 : memref<64x16xf32, #tpu.memory_space<vmem>>) target(%dma_start3A_139 : memref<64x16xf32, #tpu.memory_space<vmem_shared>>) target_semaphore(%arg31 : memref<!tpu.dma_semaphore, #tpu.memory_space<semaphore_mem>>)
      %add3A_140 = arith.constant 576 : i32
      %add3A_141 = arith.addi %mul3A_32, %add3A_140 : i32
      %dma_start3A_142 = arith.constant 0 : i32
      %dma_start3A_143 = tpu.memref_slice %arg14[%add3A_141, %dma_start3A_142] : memref<10240x128xf32, #tpu.memory_space<vmem_shared>> -> memref<64x128xf32, #tpu.memory_space<vmem_shared>>
      %dma_start3A_144 = arith.constant 0 : i32
      %dma_start3A_145 = tpu.memref_slice %arg14[%add3A_141, %dma_start3A_144] : memref<10240x128xf32, #tpu.memory_space<vmem_shared>> -> memref<64x128xf32, #tpu.memory_space<vmem_shared>>
      tpu.enqueue_dma source(%arg20 : memref<64x128xf32, #tpu.memory_space<vmem>>) target(%dma_start3A_145 : memref<64x128xf32, #tpu.memory_space<vmem_shared>>) target_semaphore(%arg31 : memref<!tpu.dma_semaphore, #tpu.memory_space<semaphore_mem>>)
      %add3A_146 = arith.constant 576 : i32
      %add3A_147 = arith.addi %mul3A_32, %add3A_146 : i32
      %dma_start3A_148 = arith.constant 0 : i32
      %dma_start3A_149 = tpu.memref_slice %arg15[%add3A_147, %dma_start3A_148] : memref<10240x16xf32, #tpu.memory_space<vmem_shared>> -> memref<64x16xf32, #tpu.memory_space<vmem_shared>>
      %dma_start3A_150 = arith.constant 0 : i32
      %dma_start3A_151 = tpu.memref_slice %arg15[%add3A_147, %dma_start3A_150] : memref<10240x16xf32, #tpu.memory_space<vmem_shared>> -> memref<64x16xf32, #tpu.memory_space<vmem_shared>>
      tpu.enqueue_dma source(%arg19 : memref<64x16xf32, #tpu.memory_space<vmem>>) target(%dma_start3A_151 : memref<64x16xf32, #tpu.memory_space<vmem_shared>>) target_semaphore(%arg31 : memref<!tpu.dma_semaphore, #tpu.memory_space<semaphore_mem>>)
      %add3A_152 = arith.constant 0 : i32
      %add3A_153 = arith.addi %mul3A_32, %add3A_152 : i32
      %dma_wait3A = arith.constant 0 : i32
      %dma_wait3A_154 = tpu.memref_slice %arg14[%add3A_153, %dma_wait3A] : memref<10240x128xf32, #tpu.memory_space<vmem_shared>> -> memref<64x128xf32, #tpu.memory_space<vmem_shared>>
      %dma_wait3A_155 = arith.constant 0 : i32
      %dma_wait3A_156 = tpu.memref_slice %arg14[%add3A_153, %dma_wait3A_155] : memref<10240x128xf32, #tpu.memory_space<vmem_shared>> -> memref<64x128xf32, #tpu.memory_space<vmem_shared>>
      tpu.wait_dma2 semaphore(%arg31 : memref<!tpu.dma_semaphore, #tpu.memory_space<semaphore_mem>>) src(%arg20 : memref<64x128xf32, #tpu.memory_space<vmem>>) dst(%dma_wait3A_156 : memref<64x128xf32, #tpu.memory_space<vmem_shared>>)
      %add3A_157 = arith.constant 0 : i32
      %add3A_158 = arith.addi %mul3A_32, %add3A_157 : i32
      %dma_wait3A_159 = arith.constant 0 : i32
      %dma_wait3A_160 = tpu.memref_slice %arg15[%add3A_158, %dma_wait3A_159] : memref<10240x16xf32, #tpu.memory_space<vmem_shared>> -> memref<64x16xf32, #tpu.memory_space<vmem_shared>>
      %dma_wait3A_161 = arith.constant 0 : i32
      %dma_wait3A_162 = tpu.memref_slice %arg15[%add3A_158, %dma_wait3A_161] : memref<10240x16xf32, #tpu.memory_space<vmem_shared>> -> memref<64x16xf32, #tpu.memory_space<vmem_shared>>
      tpu.wait_dma2 semaphore(%arg31 : memref<!tpu.dma_semaphore, #tpu.memory_space<semaphore_mem>>) src(%arg19 : memref<64x16xf32, #tpu.memory_space<vmem>>) dst(%dma_wait3A_162 : memref<64x16xf32, #tpu.memory_space<vmem_shared>>)
      %add3A_163 = arith.constant 64 : i32
      %add3A_164 = arith.addi %mul3A_32, %add3A_163 : i32
      %dma_wait3A_165 = arith.constant 0 : i32
      %dma_wait3A_166 = tpu.memref_slice %arg14[%add3A_164, %dma_wait3A_165] : memref<10240x128xf32, #tpu.memory_space<vmem_shared>> -> memref<64x128xf32, #tpu.memory_space<vmem_shared>>
      %dma_wait3A_167 = arith.constant 0 : i32
      %dma_wait3A_168 = tpu.memref_slice %arg14[%add3A_164, %dma_wait3A_167] : memref<10240x128xf32, #tpu.memory_space<vmem_shared>> -> memref<64x128xf32, #tpu.memory_space<vmem_shared>>
      tpu.wait_dma2 semaphore(%arg31 : memref<!tpu.dma_semaphore, #tpu.memory_space<semaphore_mem>>) src(%arg20 : memref<64x128xf32, #tpu.memory_space<vmem>>) dst(%dma_wait3A_168 : memref<64x128xf32, #tpu.memory_space<vmem_shared>>)
      %add3A_169 = arith.constant 64 : i32
      %add3A_170 = arith.addi %mul3A_32, %add3A_169 : i32
      %dma_wait3A_171 = arith.constant 0 : i32
      %dma_wait3A_172 = tpu.memref_slice %arg15[%add3A_170, %dma_wait3A_171] : memref<10240x16xf32, #tpu.memory_space<vmem_shared>> -> memref<64x16xf32, #tpu.memory_space<vmem_shared>>
      %dma_wait3A_173 = arith.constant 0 : i32
      %dma_wait3A_174 = tpu.memref_slice %arg15[%add3A_170, %dma_wait3A_173] : memref<10240x16xf32, #tpu.memory_space<vmem_shared>> -> memref<64x16xf32, #tpu.memory_space<vmem_shared>>
      tpu.wait_dma2 semaphore(%arg31 : memref<!tpu.dma_semaphore, #tpu.memory_space<semaphore_mem>>) src(%arg19 : memref<64x16xf32, #tpu.memory_space<vmem>>) dst(%dma_wait3A_174 : memref<64x16xf32, #tpu.memory_space<vmem_shared>>)
      %add3A_175 = arith.constant 128 : i32
      %add3A_176 = arith.addi %mul3A_32, %add3A_175 : i32
      %dma_wait3A_177 = arith.constant 0 : i32
      %dma_wait3A_178 = tpu.memref_slice %arg14[%add3A_176, %dma_wait3A_177] : memref<10240x128xf32, #tpu.memory_space<vmem_shared>> -> memref<64x128xf32, #tpu.memory_space<vmem_shared>>
      %dma_wait3A_179 = arith.constant 0 : i32
      %dma_wait3A_180 = tpu.memref_slice %arg14[%add3A_176, %dma_wait3A_179] : memref<10240x128xf32, #tpu.memory_space<vmem_shared>> -> memref<64x128xf32, #tpu.memory_space<vmem_shared>>
      tpu.wait_dma2 semaphore(%arg31 : memref<!tpu.dma_semaphore, #tpu.memory_space<semaphore_mem>>) src(%arg20 : memref<64x128xf32, #tpu.memory_space<vmem>>) dst(%dma_wait3A_180 : memref<64x128xf32, #tpu.memory_space<vmem_shared>>)
      %add3A_181 = arith.constant 128 : i32
      %add3A_182 = arith.addi %mul3A_32, %add3A_181 : i32
      %dma_wait3A_183 = arith.constant 0 : i32
      %dma_wait3A_184 = tpu.memref_slice %arg15[%add3A_182, %dma_wait3A_183] : memref<10240x16xf32, #tpu.memory_space<vmem_shared>> -> memref<64x16xf32, #tpu.memory_space<vmem_shared>>
      %dma_wait3A_185 = arith.constant 0 : i32
      %dma_wait3A_186 = tpu.memref_slice %arg15[%add3A_182, %dma_wait3A_185] : memref<10240x16xf32, #tpu.memory_space<vmem_shared>> -> memref<64x16xf32, #tpu.memory_space<vmem_shared>>
      tpu.wait_dma2 semaphore(%arg31 : memref<!tpu.dma_semaphore, #tpu.memory_space<semaphore_mem>>) src(%arg19 : memref<64x16xf32, #tpu.memory_space<vmem>>) dst(%dma_wait3A_186 : memref<64x16xf32, #tpu.memory_space<vmem_shared>>)
      %add3A_187 = arith.constant 192 : i32
      %add3A_188 = arith.addi %mul3A_32, %add3A_187 : i32
      %dma_wait3A_189 = arith.constant 0 : i32
      %dma_wait3A_190 = tpu.memref_slice %arg14[%add3A_188, %dma_wait3A_189] : memref<10240x128xf32, #tpu.memory_space<vmem_shared>> -> memref<64x128xf32, #tpu.memory_space<vmem_shared>>
      %dma_wait3A_191 = arith.constant 0 : i32
      %dma_wait3A_192 = tpu.memref_slice %arg14[%add3A_188, %dma_wait3A_191] : memref<10240x128xf32, #tpu.memory_space<vmem_shared>> -> memref<64x128xf32, #tpu.memory_space<vmem_shared>>
      tpu.wait_dma2 semaphore(%arg31 : memref<!tpu.dma_semaphore, #tpu.memory_space<semaphore_mem>>) src(%arg20 : memref<64x128xf32, #tpu.memory_space<vmem>>) dst(%dma_wait3A_192 : memref<64x128xf32, #tpu.memory_space<vmem_shared>>)
      %add3A_193 = arith.constant 192 : i32
      %add3A_194 = arith.addi %mul3A_32, %add3A_193 : i32
      %dma_wait3A_195 = arith.constant 0 : i32
      %dma_wait3A_196 = tpu.memref_slice %arg15[%add3A_194, %dma_wait3A_195] : memref<10240x16xf32, #tpu.memory_space<vmem_shared>> -> memref<64x16xf32, #tpu.memory_space<vmem_shared>>
      %dma_wait3A_197 = arith.constant 0 : i32
      %dma_wait3A_198 = tpu.memref_slice %arg15[%add3A_194, %dma_wait3A_197] : memref<10240x16xf32, #tpu.memory_space<vmem_shared>> -> memref<64x16xf32, #tpu.memory_space<vmem_shared>>
      tpu.wait_dma2 semaphore(%arg31 : memref<!tpu.dma_semaphore, #tpu.memory_space<semaphore_mem>>) src(%arg19 : memref<64x16xf32, #tpu.memory_space<vmem>>) dst(%dma_wait3A_198 : memref<64x16xf32, #tpu.memory_space<vmem_shared>>)
      %add3A_199 = arith.constant 256 : i32
      %add3A_200 = arith.addi %mul3A_32, %add3A_199 : i32
      %dma_wait3A_201 = arith.constant 0 : i32
      %dma_wait3A_202 = tpu.memref_slice %arg14[%add3A_200, %dma_wait3A_201] : memref<10240x128xf32, #tpu.memory_space<vmem_shared>> -> memref<64x128xf32, #tpu.memory_space<vmem_shared>>
      %dma_wait3A_203 = arith.constant 0 : i32
      %dma_wait3A_204 = tpu.memref_slice %arg14[%add3A_200, %dma_wait3A_203] : memref<10240x128xf32, #tpu.memory_space<vmem_shared>> -> memref<64x128xf32, #tpu.memory_space<vmem_shared>>
      tpu.wait_dma2 semaphore(%arg31 : memref<!tpu.dma_semaphore, #tpu.memory_space<semaphore_mem>>) src(%arg20 : memref<64x128xf32, #tpu.memory_space<vmem>>) dst(%dma_wait3A_204 : memref<64x128xf32, #tpu.memory_space<vmem_shared>>)
      %add3A_205 = arith.constant 256 : i32
      %add3A_206 = arith.addi %mul3A_32, %add3A_205 : i32
      %dma_wait3A_207 = arith.constant 0 : i32
      %dma_wait3A_208 = tpu.memref_slice %arg15[%add3A_206, %dma_wait3A_207] : memref<10240x16xf32, #tpu.memory_space<vmem_shared>> -> memref<64x16xf32, #tpu.memory_space<vmem_shared>>
      %dma_wait3A_209 = arith.constant 0 : i32
      %dma_wait3A_210 = tpu.memref_slice %arg15[%add3A_206, %dma_wait3A_209] : memref<10240x16xf32, #tpu.memory_space<vmem_shared>> -> memref<64x16xf32, #tpu.memory_space<vmem_shared>>
      tpu.wait_dma2 semaphore(%arg31 : memref<!tpu.dma_semaphore, #tpu.memory_space<semaphore_mem>>) src(%arg19 : memref<64x16xf32, #tpu.memory_space<vmem>>) dst(%dma_wait3A_210 : memref<64x16xf32, #tpu.memory_space<vmem_shared>>)
      %add3A_211 = arith.constant 320 : i32
      %add3A_212 = arith.addi %mul3A_32, %add3A_211 : i32
      %dma_wait3A_213 = arith.constant 0 : i32
      %dma_wait3A_214 = tpu.memref_slice %arg14[%add3A_212, %dma_wait3A_213] : memref<10240x128xf32, #tpu.memory_space<vmem_shared>> -> memref<64x128xf32, #tpu.memory_space<vmem_shared>>
      %dma_wait3A_215 = arith.constant 0 : i32
      %dma_wait3A_216 = tpu.memref_slice %arg14[%add3A_212, %dma_wait3A_215] : memref<10240x128xf32, #tpu.memory_space<vmem_shared>> -> memref<64x128xf32, #tpu.memory_space<vmem_shared>>
      tpu.wait_dma2 semaphore(%arg31 : memref<!tpu.dma_semaphore, #tpu.memory_space<semaphore_mem>>) src(%arg20 : memref<64x128xf32, #tpu.memory_space<vmem>>) dst(%dma_wait3A_216 : memref<64x128xf32, #tpu.memory_space<vmem_shared>>)
      %add3A_217 = arith.constant 320 : i32
      %add3A_218 = arith.addi %mul3A_32, %add3A_217 : i32
      %dma_wait3A_219 = arith.constant 0 : i32
      %dma_wait3A_220 = tpu.memref_slice %arg15[%add3A_218, %dma_wait3A_219] : memref<10240x16xf32, #tpu.memory_space<vmem_shared>> -> memref<64x16xf32, #tpu.memory_space<vmem_shared>>
      %dma_wait3A_221 = arith.constant 0 : i32
      %dma_wait3A_222 = tpu.memref_slice %arg15[%add3A_218, %dma_wait3A_221] : memref<10240x16xf32, #tpu.memory_space<vmem_shared>> -> memref<64x16xf32, #tpu.memory_space<vmem_shared>>
      tpu.wait_dma2 semaphore(%arg31 : memref<!tpu.dma_semaphore, #tpu.memory_space<semaphore_mem>>) src(%arg19 : memref<64x16xf32, #tpu.memory_space<vmem>>) dst(%dma_wait3A_222 : memref<64x16xf32, #tpu.memory_space<vmem_shared>>)
      %add3A_223 = arith.constant 384 : i32
      %add3A_224 = arith.addi %mul3A_32, %add3A_223 : i32
      %dma_wait3A_225 = arith.constant 0 : i32
      %dma_wait3A_226 = tpu.memref_slice %arg14[%add3A_224, %dma_wait3A_225] : memref<10240x128xf32, #tpu.memory_space<vmem_shared>> -> memref<64x128xf32, #tpu.memory_space<vmem_shared>>
      %dma_wait3A_227 = arith.constant 0 : i32
      %dma_wait3A_228 = tpu.memref_slice %arg14[%add3A_224, %dma_wait3A_227] : memref<10240x128xf32, #tpu.memory_space<vmem_shared>> -> memref<64x128xf32, #tpu.memory_space<vmem_shared>>
      tpu.wait_dma2 semaphore(%arg31 : memref<!tpu.dma_semaphore, #tpu.memory_space<semaphore_mem>>) src(%arg20 : memref<64x128xf32, #tpu.memory_space<vmem>>) dst(%dma_wait3A_228 : memref<64x128xf32, #tpu.memory_space<vmem_shared>>)
      %add3A_229 = arith.constant 384 : i32
      %add3A_230 = arith.addi %mul3A_32, %add3A_229 : i32
      %dma_wait3A_231 = arith.constant 0 : i32
      %dma_wait3A_232 = tpu.memref_slice %arg15[%add3A_230, %dma_wait3A_231] : memref<10240x16xf32, #tpu.memory_space<vmem_shared>> -> memref<64x16xf32, #tpu.memory_space<vmem_shared>>
      %dma_wait3A_233 = arith.constant 0 : i32
      %dma_wait3A_234 = tpu.memref_slice %arg15[%add3A_230, %dma_wait3A_233] : memref<10240x16xf32, #tpu.memory_space<vmem_shared>> -> memref<64x16xf32, #tpu.memory_space<vmem_shared>>
      tpu.wait_dma2 semaphore(%arg31 : memref<!tpu.dma_semaphore, #tpu.memory_space<semaphore_mem>>) src(%arg19 : memref<64x16xf32, #tpu.memory_space<vmem>>) dst(%dma_wait3A_234 : memref<64x16xf32, #tpu.memory_space<vmem_shared>>)
      %add3A_235 = arith.constant 448 : i32
      %add3A_236 = arith.addi %mul3A_32, %add3A_235 : i32
      %dma_wait3A_237 = arith.constant 0 : i32
      %dma_wait3A_238 = tpu.memref_slice %arg14[%add3A_236, %dma_wait3A_237] : memref<10240x128xf32, #tpu.memory_space<vmem_shared>> -> memref<64x128xf32, #tpu.memory_space<vmem_shared>>
      %dma_wait3A_239 = arith.constant 0 : i32
      %dma_wait3A_240 = tpu.memref_slice %arg14[%add3A_236, %dma_wait3A_239] : memref<10240x128xf32, #tpu.memory_space<vmem_shared>> -> memref<64x128xf32, #tpu.memory_space<vmem_shared>>
      tpu.wait_dma2 semaphore(%arg31 : memref<!tpu.dma_semaphore, #tpu.memory_space<semaphore_mem>>) src(%arg20 : memref<64x128xf32, #tpu.memory_space<vmem>>) dst(%dma_wait3A_240 : memref<64x128xf32, #tpu.memory_space<vmem_shared>>)
      %add3A_241 = arith.constant 448 : i32
      %add3A_242 = arith.addi %mul3A_32, %add3A_241 : i32
      %dma_wait3A_243 = arith.constant 0 : i32
      %dma_wait3A_244 = tpu.memref_slice %arg15[%add3A_242, %dma_wait3A_243] : memref<10240x16xf32, #tpu.memory_space<vmem_shared>> -> memref<64x16xf32, #tpu.memory_space<vmem_shared>>
      %dma_wait3A_245 = arith.constant 0 : i32
      %dma_wait3A_246 = tpu.memref_slice %arg15[%add3A_242, %dma_wait3A_245] : memref<10240x16xf32, #tpu.memory_space<vmem_shared>> -> memref<64x16xf32, #tpu.memory_space<vmem_shared>>
      tpu.wait_dma2 semaphore(%arg31 : memref<!tpu.dma_semaphore, #tpu.memory_space<semaphore_mem>>) src(%arg19 : memref<64x16xf32, #tpu.memory_space<vmem>>) dst(%dma_wait3A_246 : memref<64x16xf32, #tpu.memory_space<vmem_shared>>)
      %add3A_247 = arith.constant 512 : i32
      %add3A_248 = arith.addi %mul3A_32, %add3A_247 : i32
      %dma_wait3A_249 = arith.constant 0 : i32
      %dma_wait3A_250 = tpu.memref_slice %arg14[%add3A_248, %dma_wait3A_249] : memref<10240x128xf32, #tpu.memory_space<vmem_shared>> -> memref<64x128xf32, #tpu.memory_space<vmem_shared>>
      %dma_wait3A_251 = arith.constant 0 : i32
      %dma_wait3A_252 = tpu.memref_slice %arg14[%add3A_248, %dma_wait3A_251] : memref<10240x128xf32, #tpu.memory_space<vmem_shared>> -> memref<64x128xf32, #tpu.memory_space<vmem_shared>>
      tpu.wait_dma2 semaphore(%arg31 : memref<!tpu.dma_semaphore, #tpu.memory_space<semaphore_mem>>) src(%arg20 : memref<64x128xf32, #tpu.memory_space<vmem>>) dst(%dma_wait3A_252 : memref<64x128xf32, #tpu.memory_space<vmem_shared>>)
      %add3A_253 = arith.constant 512 : i32
      %add3A_254 = arith.addi %mul3A_32, %add3A_253 : i32
      %dma_wait3A_255 = arith.constant 0 : i32
      %dma_wait3A_256 = tpu.memref_slice %arg15[%add3A_254, %dma_wait3A_255] : memref<10240x16xf32, #tpu.memory_space<vmem_shared>> -> memref<64x16xf32, #tpu.memory_space<vmem_shared>>
      %dma_wait3A_257 = arith.constant 0 : i32
      %dma_wait3A_258 = tpu.memref_slice %arg15[%add3A_254, %dma_wait3A_257] : memref<10240x16xf32, #tpu.memory_space<vmem_shared>> -> memref<64x16xf32, #tpu.memory_space<vmem_shared>>
      tpu.wait_dma2 semaphore(%arg31 : memref<!tpu.dma_semaphore, #tpu.memory_space<semaphore_mem>>) src(%arg19 : memref<64x16xf32, #tpu.memory_space<vmem>>) dst(%dma_wait3A_258 : memref<64x16xf32, #tpu.memory_space<vmem_shared>>)
      %add3A_259 = arith.constant 576 : i32
      %add3A_260 = arith.addi %mul3A_32, %add3A_259 : i32
      %dma_wait3A_261 = arith.constant 0 : i32
      %dma_wait3A_262 = tpu.memref_slice %arg14[%add3A_260, %dma_wait3A_261] : memref<10240x128xf32, #tpu.memory_space<vmem_shared>> -> memref<64x128xf32, #tpu.memory_space<vmem_shared>>
      %dma_wait3A_263 = arith.constant 0 : i32
      %dma_wait3A_264 = tpu.memref_slice %arg14[%add3A_260, %dma_wait3A_263] : memref<10240x128xf32, #tpu.memory_space<vmem_shared>> -> memref<64x128xf32, #tpu.memory_space<vmem_shared>>
      tpu.wait_dma2 semaphore(%arg31 : memref<!tpu.dma_semaphore, #tpu.memory_space<semaphore_mem>>) src(%arg20 : memref<64x128xf32, #tpu.memory_space<vmem>>) dst(%dma_wait3A_264 : memref<64x128xf32, #tpu.memory_space<vmem_shared>>)
      %add3A_265 = arith.constant 576 : i32
      %add3A_266 = arith.addi %mul3A_32, %add3A_265 : i32
      %dma_wait3A_267 = arith.constant 0 : i32
      %dma_wait3A_268 = tpu.memref_slice %arg15[%add3A_266, %dma_wait3A_267] : memref<10240x16xf32, #tpu.memory_space<vmem_shared>> -> memref<64x16xf32, #tpu.memory_space<vmem_shared>>
      %dma_wait3A_269 = arith.constant 0 : i32
      %dma_wait3A_270 = tpu.memref_slice %arg15[%add3A_266, %dma_wait3A_269] : memref<10240x16xf32, #tpu.memory_space<vmem_shared>> -> memref<64x16xf32, #tpu.memory_space<vmem_shared>>
      tpu.wait_dma2 semaphore(%arg31 : memref<!tpu.dma_semaphore, #tpu.memory_space<semaphore_mem>>) src(%arg19 : memref<64x16xf32, #tpu.memory_space<vmem>>) dst(%dma_wait3A_270 : memref<64x16xf32, #tpu.memory_space<vmem_shared>>)
      %barrier3A = arith.constant 0 : index
      tpu.barrier barrier_id(%barrier3A)
      %gt3A = arith.constant 0 : i32
      %gt3A_271 = arith.cmpi sgt, %select_n3A, %gt3A : i32
      %add3A_272 = arith.constant 0 : i32
      %add3A_273 = arith.addi %arg1, %add3A_272 : i32
      %select_n3A_274 = arith.select %gt3A_271, %add3A_273, %arg1 : i32
      %mul3A_275 = arith.constant 64 : i32
      %mul3A_276 = arith.muli %select_n3A_274, %mul3A_275 : i32
      %dma_start3A_277 = arith.constant 0 : i32
      %dma_start3A_278 = tpu.memref_slice %arg5[%dma_start3A_277, %mul3A_276] : memref<2x160000xi32, #tpu.memory_space<hbm>> -> memref<2x64xi32, #tpu.memory_space<hbm>>
      %dma_start3A_279 = arith.constant 0 : i32
      %dma_start3A_280 = tpu.memref_slice %arg5[%dma_start3A_279, %mul3A_276] : memref<2x160000xi32, #tpu.memory_space<hbm>> -> memref<2x64xi32, #tpu.memory_space<hbm>>
      tpu.enqueue_dma source(%dma_start3A_280 : memref<2x64xi32, #tpu.memory_space<hbm>>) target(%arg16 : memref<2x64xi32, #tpu.memory_space<vmem>>) target_semaphore(%arg37 : memref<!tpu.dma_semaphore, #tpu.memory_space<semaphore_mem>>)
      %mul3A_281 = arith.constant 64 : i32
      %mul3A_282 = arith.muli %select_n3A_274, %mul3A_281 : i32
      %dma_wait3A_283 = arith.constant 0 : i32
      %dma_wait3A_284 = tpu.memref_slice %arg5[%dma_wait3A_283, %mul3A_282] : memref<2x160000xi32, #tpu.memory_space<hbm>> -> memref<2x64xi32, #tpu.memory_space<hbm>>
      %dma_wait3A_285 = arith.constant 0 : i32
      %dma_wait3A_286 = tpu.memref_slice %arg5[%dma_wait3A_285, %mul3A_282] : memref<2x160000xi32, #tpu.memory_space<hbm>> -> memref<2x64xi32, #tpu.memory_space<hbm>>
      tpu.wait_dma2 semaphore(%arg37 : memref<!tpu.dma_semaphore, #tpu.memory_space<semaphore_mem>>) src(%dma_wait3A_286 : memref<2x64xi32, #tpu.memory_space<hbm>>) dst(%arg16 : memref<2x64xi32, #tpu.memory_space<vmem>>)
      %dma_start3A_287 = arith.constant 0 : i32
      %dma_start3A_288 = arith.constant 0 : i32
      %dma_start3A_289 = tpu.memref_slice %arg16[%dma_start3A_287, %dma_start3A_288] : memref<2x64xi32, #tpu.memory_space<vmem>> -> memref<1x64xi32, #tpu.memory_space<vmem>>
      %dma_start3A_290 = tpu.memref_squeeze %dma_start3A_289 : memref<1x64xi32, #tpu.memory_space<vmem>> -> memref<64xi32, #tpu.memory_space<vmem>>
      %dma_start3A_291 = arith.constant 0 : i32
      %dma_start3A_292 = arith.constant 0 : i32
      %dma_start3A_293 = tpu.memref_slice %arg2[%dma_start3A_291, %dma_start3A_292] : memref<10000x16xf32, #tpu.memory_space<hbm>> -> memref<10000x16xf32, #tpu.memory_space<hbm>>
      tpu.enqueue_indirect_dma source(%dma_start3A_293 : memref<10000x16xf32, #tpu.memory_space<hbm>>) target(%arg17 : memref<64x16xf32, #tpu.memory_space<vmem>>) offsets(%dma_start3A_290 : memref<64xi32, #tpu.memory_space<vmem>>) semaphore(%arg31 : memref<!tpu.dma_semaphore, #tpu.memory_space<semaphore_mem>>)
      %dma_start3A_294 = arith.constant 1 : i32
      %dma_start3A_295 = arith.constant 0 : i32
      %dma_start3A_296 = tpu.memref_slice %arg16[%dma_start3A_294, %dma_start3A_295] : memref<2x64xi32, #tpu.memory_space<vmem>> -> memref<1x64xi32, #tpu.memory_space<vmem>>
      %dma_start3A_297 = tpu.memref_squeeze %dma_start3A_296 : memref<1x64xi32, #tpu.memory_space<vmem>> -> memref<64xi32, #tpu.memory_space<vmem>>
      %dma_start3A_298 = arith.constant 0 : i32
      %dma_start3A_299 = arith.constant 0 : i32
      %dma_start3A_300 = tpu.memref_slice %arg3[%dma_start3A_298, %dma_start3A_299] : memref<10000x16xf32, #tpu.memory_space<hbm>> -> memref<10000x16xf32, #tpu.memory_space<hbm>>
      tpu.enqueue_indirect_dma source(%dma_start3A_300 : memref<10000x16xf32, #tpu.memory_space<hbm>>) target(%arg18 : memref<64x16xf32, #tpu.memory_space<vmem>>) offsets(%dma_start3A_297 : memref<64xi32, #tpu.memory_space<vmem>>) semaphore(%arg31 : memref<!tpu.dma_semaphore, #tpu.memory_space<semaphore_mem>>)
      %dma_start3A_301 = arith.constant 0 : i32
      %dma_start3A_302 = arith.constant 0 : i32
      %dma_start3A_303 = tpu.memref_slice %arg16[%dma_start3A_301, %dma_start3A_302] : memref<2x64xi32, #tpu.memory_space<vmem>> -> memref<1x64xi32, #tpu.memory_space<vmem>>
      %dma_start3A_304 = tpu.memref_squeeze %dma_start3A_303 : memref<1x64xi32, #tpu.memory_space<vmem>> -> memref<64xi32, #tpu.memory_space<vmem>>
      %dma_start3A_305 = arith.constant 0 : i32
      %dma_start3A_306 = arith.constant 0 : i32
      %dma_start3A_307 = tpu.memref_slice %arg4[%dma_start3A_305, %dma_start3A_306] : memref<10000x128xf32, #tpu.memory_space<hbm>> -> memref<10000x128xf32, #tpu.memory_space<hbm>>
      tpu.enqueue_indirect_dma source(%dma_start3A_307 : memref<10000x128xf32, #tpu.memory_space<hbm>>) target(%arg20 : memref<64x128xf32, #tpu.memory_space<vmem>>) offsets(%dma_start3A_304 : memref<64xi32, #tpu.memory_space<vmem>>) semaphore(%arg31 : memref<!tpu.dma_semaphore, #tpu.memory_space<semaphore_mem>>)
      %gt3A_308 = arith.constant 1 : i32
      %gt3A_309 = arith.cmpi sgt, %select_n3A, %gt3A_308 : i32
      %add3A_310 = arith.constant 16 : i32
      %add3A_311 = arith.addi %arg1, %add3A_310 : i32
      %select_n3A_312 = arith.select %gt3A_309, %add3A_311, %arg1 : i32
      %mul3A_313 = arith.constant 64 : i32
      %mul3A_314 = arith.muli %select_n3A_312, %mul3A_313 : i32
      %dma_start3A_315 = arith.constant 0 : i32
      %dma_start3A_316 = tpu.memref_slice %arg5[%dma_start3A_315, %mul3A_314] : memref<2x160000xi32, #tpu.memory_space<hbm>> -> memref<2x64xi32, #tpu.memory_space<hbm>>
      %dma_start3A_317 = arith.constant 0 : i32
      %dma_start3A_318 = tpu.memref_slice %arg5[%dma_start3A_317, %mul3A_314] : memref<2x160000xi32, #tpu.memory_space<hbm>> -> memref<2x64xi32, #tpu.memory_space<hbm>>
      tpu.enqueue_dma source(%dma_start3A_318 : memref<2x64xi32, #tpu.memory_space<hbm>>) target(%arg21 : memref<2x64xi32, #tpu.memory_space<vmem>>) target_semaphore(%arg38 : memref<!tpu.dma_semaphore, #tpu.memory_space<semaphore_mem>>)
      %mul3A_319 = arith.constant 64 : i32
      %mul3A_320 = arith.muli %select_n3A_312, %mul3A_319 : i32
      %dma_wait3A_321 = arith.constant 0 : i32
      %dma_wait3A_322 = tpu.memref_slice %arg5[%dma_wait3A_321, %mul3A_320] : memref<2x160000xi32, #tpu.memory_space<hbm>> -> memref<2x64xi32, #tpu.memory_space<hbm>>
      %dma_wait3A_323 = arith.constant 0 : i32
      %dma_wait3A_324 = tpu.memref_slice %arg5[%dma_wait3A_323, %mul3A_320] : memref<2x160000xi32, #tpu.memory_space<hbm>> -> memref<2x64xi32, #tpu.memory_space<hbm>>
      tpu.wait_dma2 semaphore(%arg38 : memref<!tpu.dma_semaphore, #tpu.memory_space<semaphore_mem>>) src(%dma_wait3A_324 : memref<2x64xi32, #tpu.memory_space<hbm>>) dst(%arg21 : memref<2x64xi32, #tpu.memory_space<vmem>>)
      %dma_start3A_325 = arith.constant 0 : i32
      %dma_start3A_326 = arith.constant 0 : i32
      %dma_start3A_327 = tpu.memref_slice %arg21[%dma_start3A_325, %dma_start3A_326] : memref<2x64xi32, #tpu.memory_space<vmem>> -> memref<1x64xi32, #tpu.memory_space<vmem>>
      %dma_start3A_328 = tpu.memref_squeeze %dma_start3A_327 : memref<1x64xi32, #tpu.memory_space<vmem>> -> memref<64xi32, #tpu.memory_space<vmem>>
      %dma_start3A_329 = arith.constant 0 : i32
      %dma_start3A_330 = arith.constant 0 : i32
      %dma_start3A_331 = tpu.memref_slice %arg2[%dma_start3A_329, %dma_start3A_330] : memref<10000x16xf32, #tpu.memory_space<hbm>> -> memref<10000x16xf32, #tpu.memory_space<hbm>>
      tpu.enqueue_indirect_dma source(%dma_start3A_331 : memref<10000x16xf32, #tpu.memory_space<hbm>>) target(%arg22 : memref<64x16xf32, #tpu.memory_space<vmem>>) offsets(%dma_start3A_328 : memref<64xi32, #tpu.memory_space<vmem>>) semaphore(%arg32 : memref<!tpu.dma_semaphore, #tpu.memory_space<semaphore_mem>>)
      %dma_start3A_332 = arith.constant 1 : i32
      %dma_start3A_333 = arith.constant 0 : i32
      %dma_start3A_334 = tpu.memref_slice %arg21[%dma_start3A_332, %dma_start3A_333] : memref<2x64xi32, #tpu.memory_space<vmem>> -> memref<1x64xi32, #tpu.memory_space<vmem>>
      %dma_start3A_335 = tpu.memref_squeeze %dma_start3A_334 : memref<1x64xi32, #tpu.memory_space<vmem>> -> memref<64xi32, #tpu.memory_space<vmem>>
      %dma_start3A_336 = arith.constant 0 : i32
      %dma_start3A_337 = arith.constant 0 : i32
      %dma_start3A_338 = tpu.memref_slice %arg3[%dma_start3A_336, %dma_start3A_337] : memref<10000x16xf32, #tpu.memory_space<hbm>> -> memref<10000x16xf32, #tpu.memory_space<hbm>>
      tpu.enqueue_indirect_dma source(%dma_start3A_338 : memref<10000x16xf32, #tpu.memory_space<hbm>>) target(%arg23 : memref<64x16xf32, #tpu.memory_space<vmem>>) offsets(%dma_start3A_335 : memref<64xi32, #tpu.memory_space<vmem>>) semaphore(%arg32 : memref<!tpu.dma_semaphore, #tpu.memory_space<semaphore_mem>>)
      %dma_start3A_339 = arith.constant 0 : i32
      %dma_start3A_340 = arith.constant 0 : i32
      %dma_start3A_341 = tpu.memref_slice %arg21[%dma_start3A_339, %dma_start3A_340] : memref<2x64xi32, #tpu.memory_space<vmem>> -> memref<1x64xi32, #tpu.memory_space<vmem>>
      %dma_start3A_342 = tpu.memref_squeeze %dma_start3A_341 : memref<1x64xi32, #tpu.memory_space<vmem>> -> memref<64xi32, #tpu.memory_space<vmem>>
      %dma_start3A_343 = arith.constant 0 : i32
      %dma_start3A_344 = arith.constant 0 : i32
      %dma_start3A_345 = tpu.memref_slice %arg4[%dma_start3A_343, %dma_start3A_344] : memref<10000x128xf32, #tpu.memory_space<hbm>> -> memref<10000x128xf32, #tpu.memory_space<hbm>>
      tpu.enqueue_indirect_dma source(%dma_start3A_345 : memref<10000x128xf32, #tpu.memory_space<hbm>>) target(%arg25 : memref<64x128xf32, #tpu.memory_space<vmem>>) offsets(%dma_start3A_342 : memref<64xi32, #tpu.memory_space<vmem>>) semaphore(%arg32 : memref<!tpu.dma_semaphore, #tpu.memory_space<semaphore_mem>>)
      %gt3A_346 = arith.constant 2 : i32
      %gt3A_347 = arith.cmpi sgt, %select_n3A, %gt3A_346 : i32
      %add3A_348 = arith.constant 32 : i32
      %add3A_349 = arith.addi %arg1, %add3A_348 : i32
      %select_n3A_350 = arith.select %gt3A_347, %add3A_349, %arg1 : i32
      %mul3A_351 = arith.constant 64 : i32
      %mul3A_352 = arith.muli %select_n3A_350, %mul3A_351 : i32
      %dma_start3A_353 = arith.constant 0 : i32
      %dma_start3A_354 = tpu.memref_slice %arg5[%dma_start3A_353, %mul3A_352] : memref<2x160000xi32, #tpu.memory_space<hbm>> -> memref<2x64xi32, #tpu.memory_space<hbm>>
      %dma_start3A_355 = arith.constant 0 : i32
      %dma_start3A_356 = tpu.memref_slice %arg5[%dma_start3A_355, %mul3A_352] : memref<2x160000xi32, #tpu.memory_space<hbm>> -> memref<2x64xi32, #tpu.memory_space<hbm>>
      tpu.enqueue_dma source(%dma_start3A_356 : memref<2x64xi32, #tpu.memory_space<hbm>>) target(%arg26 : memref<2x64xi32, #tpu.memory_space<vmem>>) target_semaphore(%arg39 : memref<!tpu.dma_semaphore, #tpu.memory_space<semaphore_mem>>)
      %mul3A_357 = arith.constant 64 : i32
      %mul3A_358 = arith.muli %select_n3A_350, %mul3A_357 : i32
      %dma_wait3A_359 = arith.constant 0 : i32
      %dma_wait3A_360 = tpu.memref_slice %arg5[%dma_wait3A_359, %mul3A_358] : memref<2x160000xi32, #tpu.memory_space<hbm>> -> memref<2x64xi32, #tpu.memory_space<hbm>>
      %dma_wait3A_361 = arith.constant 0 : i32
      %dma_wait3A_362 = tpu.memref_slice %arg5[%dma_wait3A_361, %mul3A_358] : memref<2x160000xi32, #tpu.memory_space<hbm>> -> memref<2x64xi32, #tpu.memory_space<hbm>>
      tpu.wait_dma2 semaphore(%arg39 : memref<!tpu.dma_semaphore, #tpu.memory_space<semaphore_mem>>) src(%dma_wait3A_362 : memref<2x64xi32, #tpu.memory_space<hbm>>) dst(%arg26 : memref<2x64xi32, #tpu.memory_space<vmem>>)
      %dma_start3A_363 = arith.constant 0 : i32
      %dma_start3A_364 = arith.constant 0 : i32
      %dma_start3A_365 = tpu.memref_slice %arg26[%dma_start3A_363, %dma_start3A_364] : memref<2x64xi32, #tpu.memory_space<vmem>> -> memref<1x64xi32, #tpu.memory_space<vmem>>
      %dma_start3A_366 = tpu.memref_squeeze %dma_start3A_365 : memref<1x64xi32, #tpu.memory_space<vmem>> -> memref<64xi32, #tpu.memory_space<vmem>>
      %dma_start3A_367 = arith.constant 0 : i32
      %dma_start3A_368 = arith.constant 0 : i32
      %dma_start3A_369 = tpu.memref_slice %arg2[%dma_start3A_367, %dma_start3A_368] : memref<10000x16xf32, #tpu.memory_space<hbm>> -> memref<10000x16xf32, #tpu.memory_space<hbm>>
      tpu.enqueue_indirect_dma source(%dma_start3A_369 : memref<10000x16xf32, #tpu.memory_space<hbm>>) target(%arg27 : memref<64x16xf32, #tpu.memory_space<vmem>>) offsets(%dma_start3A_366 : memref<64xi32, #tpu.memory_space<vmem>>) semaphore(%arg33 : memref<!tpu.dma_semaphore, #tpu.memory_space<semaphore_mem>>)
      %dma_start3A_370 = arith.constant 1 : i32
      %dma_start3A_371 = arith.constant 0 : i32
      %dma_start3A_372 = tpu.memref_slice %arg26[%dma_start3A_370, %dma_start3A_371] : memref<2x64xi32, #tpu.memory_space<vmem>> -> memref<1x64xi32, #tpu.memory_space<vmem>>
      %dma_start3A_373 = tpu.memref_squeeze %dma_start3A_372 : memref<1x64xi32, #tpu.memory_space<vmem>> -> memref<64xi32, #tpu.memory_space<vmem>>
      %dma_start3A_374 = arith.constant 0 : i32
      %dma_start3A_375 = arith.constant 0 : i32
      %dma_start3A_376 = tpu.memref_slice %arg3[%dma_start3A_374, %dma_start3A_375] : memref<10000x16xf32, #tpu.memory_space<hbm>> -> memref<10000x16xf32, #tpu.memory_space<hbm>>
      tpu.enqueue_indirect_dma source(%dma_start3A_376 : memref<10000x16xf32, #tpu.memory_space<hbm>>) target(%arg28 : memref<64x16xf32, #tpu.memory_space<vmem>>) offsets(%dma_start3A_373 : memref<64xi32, #tpu.memory_space<vmem>>) semaphore(%arg33 : memref<!tpu.dma_semaphore, #tpu.memory_space<semaphore_mem>>)
      %dma_start3A_377 = arith.constant 0 : i32
      %dma_start3A_378 = arith.constant 0 : i32
      %dma_start3A_379 = tpu.memref_slice %arg26[%dma_start3A_377, %dma_start3A_378] : memref<2x64xi32, #tpu.memory_space<vmem>> -> memref<1x64xi32, #tpu.memory_space<vmem>>
      %dma_start3A_380 = tpu.memref_squeeze %dma_start3A_379 : memref<1x64xi32, #tpu.memory_space<vmem>> -> memref<64xi32, #tpu.memory_space<vmem>>
      %dma_start3A_381 = arith.constant 0 : i32
      %dma_start3A_382 = arith.constant 0 : i32
      %dma_start3A_383 = tpu.memref_slice %arg4[%dma_start3A_381, %dma_start3A_382] : memref<10000x128xf32, #tpu.memory_space<hbm>> -> memref<10000x128xf32, #tpu.memory_space<hbm>>
      tpu.enqueue_indirect_dma source(%dma_start3A_383 : memref<10000x128xf32, #tpu.memory_space<hbm>>) target(%arg30 : memref<64x128xf32, #tpu.memory_space<vmem>>) offsets(%dma_start3A_380 : memref<64xi32, #tpu.memory_space<vmem>>) semaphore(%arg33 : memref<!tpu.dma_semaphore, #tpu.memory_space<semaphore_mem>>)
      %scan3A_384 = arith.constant 0 : i32
      %scan3A_385 = arith.constant 53 : i32
      %scan3A_386 = arith.addi %scan3A_384, %scan3A_385 : i32
      %scan3A_387 = arith.constant 1 : i32
      scf.for %scan3A_462 = %scan3A_384 to %scan3A_386 step %scan3A_387  : i32 {
        %mul3A_463 = arith.constant 1 : i32
        %mul3A_464 = arith.muli %scan3A_462, %mul3A_463 : i32
        %add3A_465 = arith.constant 0 : i32
        %add3A_466 = arith.addi %add3A_465, %mul3A_464 : i32
        %gt3A_467 = arith.constant 0 : i32
        %gt3A_468 = arith.cmpi sgt, %add3A_466, %gt3A_467 : i32
        %convert_element_type3A_469 = arith.extui %gt3A_468 : i1 to i32
        %cond3A_470 = arith.constant 0 : i32
        %cond3A_471 = arith.cmpi ne, %convert_element_type3A_469, %cond3A_470 : i32
        scf.if %cond3A_471 {
          %dma_wait3A_717 = arith.constant 1 : i32
          %dma_wait3A_718 = arith.constant 0 : i32
          %dma_wait3A_719 = tpu.memref_slice %arg26[%dma_wait3A_717, %dma_wait3A_718] : memref<2x64xi32, #tpu.memory_space<vmem>> -> memref<1x64xi32, #tpu.memory_space<vmem>>
          %dma_wait3A_720 = tpu.memref_squeeze %dma_wait3A_719 : memref<1x64xi32, #tpu.memory_space<vmem>> -> memref<64xi32, #tpu.memory_space<vmem>>
          %dma_wait3A_721 = arith.constant 0 : i32
          %dma_wait3A_722 = arith.constant 0 : i32
          %dma_wait3A_723 = tpu.memref_slice %arg15[%dma_wait3A_721, %dma_wait3A_722] : memref<10240x16xf32, #tpu.memory_space<vmem_shared>> -> memref<10240x16xf32, #tpu.memory_space<vmem_shared>>
          tpu.wait_indirect_dma semaphore(%arg36 : memref<!tpu.dma_semaphore, #tpu.memory_space<semaphore_mem>>) src(%arg29 : memref<64x16xf32, #tpu.memory_space<vmem>>) dst(%dma_wait3A_723 : memref<10240x16xf32, #tpu.memory_space<vmem_shared>>)
          %dma_wait3A_724 = arith.constant 1 : i32
          %dma_wait3A_725 = arith.constant 0 : i32
          %dma_wait3A_726 = tpu.memref_slice %arg26[%dma_wait3A_724, %dma_wait3A_725] : memref<2x64xi32, #tpu.memory_space<vmem>> -> memref<1x64xi32, #tpu.memory_space<vmem>>
          %dma_wait3A_727 = tpu.memref_squeeze %dma_wait3A_726 : memref<1x64xi32, #tpu.memory_space<vmem>> -> memref<64xi32, #tpu.memory_space<vmem>>
          %dma_wait3A_728 = arith.constant 0 : i32
          %dma_wait3A_729 = arith.constant 0 : i32
          %dma_wait3A_730 = tpu.memref_slice %arg14[%dma_wait3A_728, %dma_wait3A_729] : memref<10240x128xf32, #tpu.memory_space<vmem_shared>> -> memref<10240x128xf32, #tpu.memory_space<vmem_shared>>
          tpu.wait_indirect_dma semaphore(%arg36 : memref<!tpu.dma_semaphore, #tpu.memory_space<semaphore_mem>>) src(%arg30 : memref<64x128xf32, #tpu.memory_space<vmem>>) dst(%dma_wait3A_730 : memref<10240x128xf32, #tpu.memory_space<vmem_shared>>)
          %mul3A_731 = arith.constant 3 : i32
          %mul3A_732 = arith.muli %mul3A_731, %add3A_466 : i32
          %add3A_733 = arith.constant 2 : i32
          %add3A_734 = arith.addi %mul3A_732, %add3A_733 : i32
          %lt3A_735 = arith.cmpi slt, %add3A_734, %select_n3A : i32
          %mul3A_736 = arith.constant 16 : i32
          %mul3A_737 = arith.muli %add3A_734, %mul3A_736 : i32
          %add3A_738 = arith.addi %arg1, %mul3A_737 : i32
          %select_n3A_739 = arith.select %lt3A_735, %add3A_738, %arg1 : i32
          %mul3A_740 = arith.constant 64 : i32
          %mul3A_741 = arith.muli %select_n3A_739, %mul3A_740 : i32
          %dma_start3A_742 = arith.constant 0 : i32
          %dma_start3A_743 = tpu.memref_slice %arg5[%dma_start3A_742, %mul3A_741] : memref<2x160000xi32, #tpu.memory_space<hbm>> -> memref<2x64xi32, #tpu.memory_space<hbm>>
          %dma_start3A_744 = arith.constant 0 : i32
          %dma_start3A_745 = tpu.memref_slice %arg5[%dma_start3A_744, %mul3A_741] : memref<2x160000xi32, #tpu.memory_space<hbm>> -> memref<2x64xi32, #tpu.memory_space<hbm>>
          tpu.enqueue_dma source(%dma_start3A_745 : memref<2x64xi32, #tpu.memory_space<hbm>>) target(%arg26 : memref<2x64xi32, #tpu.memory_space<vmem>>) target_semaphore(%arg39 : memref<!tpu.dma_semaphore, #tpu.memory_space<semaphore_mem>>)
          %mul3A_746 = arith.constant 64 : i32
          %mul3A_747 = arith.muli %select_n3A_739, %mul3A_746 : i32
          %dma_wait3A_748 = arith.constant 0 : i32
          %dma_wait3A_749 = tpu.memref_slice %arg5[%dma_wait3A_748, %mul3A_747] : memref<2x160000xi32, #tpu.memory_space<hbm>> -> memref<2x64xi32, #tpu.memory_space<hbm>>
          %dma_wait3A_750 = arith.constant 0 : i32
          %dma_wait3A_751 = tpu.memref_slice %arg5[%dma_wait3A_750, %mul3A_747] : memref<2x160000xi32, #tpu.memory_space<hbm>> -> memref<2x64xi32, #tpu.memory_space<hbm>>
          tpu.wait_dma2 semaphore(%arg39 : memref<!tpu.dma_semaphore, #tpu.memory_space<semaphore_mem>>) src(%dma_wait3A_751 : memref<2x64xi32, #tpu.memory_space<hbm>>) dst(%arg26 : memref<2x64xi32, #tpu.memory_space<vmem>>)
          %dma_start3A_752 = arith.constant 0 : i32
          %dma_start3A_753 = arith.constant 0 : i32
          %dma_start3A_754 = tpu.memref_slice %arg26[%dma_start3A_752, %dma_start3A_753] : memref<2x64xi32, #tpu.memory_space<vmem>> -> memref<1x64xi32, #tpu.memory_space<vmem>>
          %dma_start3A_755 = tpu.memref_squeeze %dma_start3A_754 : memref<1x64xi32, #tpu.memory_space<vmem>> -> memref<64xi32, #tpu.memory_space<vmem>>
          %dma_start3A_756 = arith.constant 0 : i32
          %dma_start3A_757 = arith.constant 0 : i32
          %dma_start3A_758 = tpu.memref_slice %arg2[%dma_start3A_756, %dma_start3A_757] : memref<10000x16xf32, #tpu.memory_space<hbm>> -> memref<10000x16xf32, #tpu.memory_space<hbm>>
          tpu.enqueue_indirect_dma source(%dma_start3A_758 : memref<10000x16xf32, #tpu.memory_space<hbm>>) target(%arg27 : memref<64x16xf32, #tpu.memory_space<vmem>>) offsets(%dma_start3A_755 : memref<64xi32, #tpu.memory_space<vmem>>) semaphore(%arg33 : memref<!tpu.dma_semaphore, #tpu.memory_space<semaphore_mem>>)
          %dma_start3A_759 = arith.constant 1 : i32
          %dma_start3A_760 = arith.constant 0 : i32
          %dma_start3A_761 = tpu.memref_slice %arg26[%dma_start3A_759, %dma_start3A_760] : memref<2x64xi32, #tpu.memory_space<vmem>> -> memref<1x64xi32, #tpu.memory_space<vmem>>
          %dma_start3A_762 = tpu.memref_squeeze %dma_start3A_761 : memref<1x64xi32, #tpu.memory_space<vmem>> -> memref<64xi32, #tpu.memory_space<vmem>>
          %dma_start3A_763 = arith.constant 0 : i32
          %dma_start3A_764 = arith.constant 0 : i32
          %dma_start3A_765 = tpu.memref_slice %arg3[%dma_start3A_763, %dma_start3A_764] : memref<10000x16xf32, #tpu.memory_space<hbm>> -> memref<10000x16xf32, #tpu.memory_space<hbm>>
          tpu.enqueue_indirect_dma source(%dma_start3A_765 : memref<10000x16xf32, #tpu.memory_space<hbm>>) target(%arg28 : memref<64x16xf32, #tpu.memory_space<vmem>>) offsets(%dma_start3A_762 : memref<64xi32, #tpu.memory_space<vmem>>) semaphore(%arg33 : memref<!tpu.dma_semaphore, #tpu.memory_space<semaphore_mem>>)
          %dma_start3A_766 = arith.constant 0 : i32
          %dma_start3A_767 = arith.constant 0 : i32
          %dma_start3A_768 = tpu.memref_slice %arg26[%dma_start3A_766, %dma_start3A_767] : memref<2x64xi32, #tpu.memory_space<vmem>> -> memref<1x64xi32, #tpu.memory_space<vmem>>
          %dma_start3A_769 = tpu.memref_squeeze %dma_start3A_768 : memref<1x64xi32, #tpu.memory_space<vmem>> -> memref<64xi32, #tpu.memory_space<vmem>>
          %dma_start3A_770 = arith.constant 0 : i32
          %dma_start3A_771 = arith.constant 0 : i32
          %dma_start3A_772 = tpu.memref_slice %arg4[%dma_start3A_770, %dma_start3A_771] : memref<10000x128xf32, #tpu.memory_space<hbm>> -> memref<10000x128xf32, #tpu.memory_space<hbm>>
          tpu.enqueue_indirect_dma source(%dma_start3A_772 : memref<10000x128xf32, #tpu.memory_space<hbm>>) target(%arg30 : memref<64x128xf32, #tpu.memory_space<vmem>>) offsets(%dma_start3A_769 : memref<64xi32, #tpu.memory_space<vmem>>) semaphore(%arg33 : memref<!tpu.dma_semaphore, #tpu.memory_space<semaphore_mem>>)
        } else {
        }
        %dma_wait3A_472 = arith.constant 0 : i32
        %dma_wait3A_473 = arith.constant 0 : i32
        %dma_wait3A_474 = tpu.memref_slice %arg16[%dma_wait3A_472, %dma_wait3A_473] : memref<2x64xi32, #tpu.memory_space<vmem>> -> memref<1x64xi32, #tpu.memory_space<vmem>>
        %dma_wait3A_475 = tpu.memref_squeeze %dma_wait3A_474 : memref<1x64xi32, #tpu.memory_space<vmem>> -> memref<64xi32, #tpu.memory_space<vmem>>
        %dma_wait3A_476 = arith.constant 0 : i32
        %dma_wait3A_477 = arith.constant 0 : i32
        %dma_wait3A_478 = tpu.memref_slice %arg2[%dma_wait3A_476, %dma_wait3A_477] : memref<10000x16xf32, #tpu.memory_space<hbm>> -> memref<10000x16xf32, #tpu.memory_space<hbm>>
        tpu.wait_indirect_dma semaphore(%arg31 : memref<!tpu.dma_semaphore, #tpu.memory_space<semaphore_mem>>) src(%dma_wait3A_478 : memref<10000x16xf32, #tpu.memory_space<hbm>>) dst(%arg17 : memref<64x16xf32, #tpu.memory_space<vmem>>)
        %dma_wait3A_479 = arith.constant 1 : i32
        %dma_wait3A_480 = arith.constant 0 : i32
        %dma_wait3A_481 = tpu.memref_slice %arg16[%dma_wait3A_479, %dma_wait3A_480] : memref<2x64xi32, #tpu.memory_space<vmem>> -> memref<1x64xi32, #tpu.memory_space<vmem>>
        %dma_wait3A_482 = tpu.memref_squeeze %dma_wait3A_481 : memref<1x64xi32, #tpu.memory_space<vmem>> -> memref<64xi32, #tpu.memory_space<vmem>>
        %dma_wait3A_483 = arith.constant 0 : i32
        %dma_wait3A_484 = arith.constant 0 : i32
        %dma_wait3A_485 = tpu.memref_slice %arg3[%dma_wait3A_483, %dma_wait3A_484] : memref<10000x16xf32, #tpu.memory_space<hbm>> -> memref<10000x16xf32, #tpu.memory_space<hbm>>
        tpu.wait_indirect_dma semaphore(%arg31 : memref<!tpu.dma_semaphore, #tpu.memory_space<semaphore_mem>>) src(%dma_wait3A_485 : memref<10000x16xf32, #tpu.memory_space<hbm>>) dst(%arg18 : memref<64x16xf32, #tpu.memory_space<vmem>>)
        %dma_wait3A_486 = arith.constant 0 : i32
        %dma_wait3A_487 = arith.constant 0 : i32
        %dma_wait3A_488 = tpu.memref_slice %arg16[%dma_wait3A_486, %dma_wait3A_487] : memref<2x64xi32, #tpu.memory_space<vmem>> -> memref<1x64xi32, #tpu.memory_space<vmem>>
        %dma_wait3A_489 = tpu.memref_squeeze %dma_wait3A_488 : memref<1x64xi32, #tpu.memory_space<vmem>> -> memref<64xi32, #tpu.memory_space<vmem>>
        %dma_wait3A_490 = arith.constant 0 : i32
        %dma_wait3A_491 = arith.constant 0 : i32
        %dma_wait3A_492 = tpu.memref_slice %arg4[%dma_wait3A_490, %dma_wait3A_491] : memref<10000x128xf32, #tpu.memory_space<hbm>> -> memref<10000x128xf32, #tpu.memory_space<hbm>>
        tpu.wait_indirect_dma semaphore(%arg31 : memref<!tpu.dma_semaphore, #tpu.memory_space<semaphore_mem>>) src(%dma_wait3A_492 : memref<10000x128xf32, #tpu.memory_space<hbm>>) dst(%arg20 : memref<64x128xf32, #tpu.memory_space<vmem>>)
        %mul3A_493 = arith.constant 3 : i32
        %mul3A_494 = arith.muli %mul3A_493, %add3A_466 : i32
        %parallel_loop3A = arith.constant 0 : i32
        %parallel_loop3A_495 = arith.constant 64 : i32
        %parallel_loop3A_496 = arith.constant 1 : i32
        scf.for %parallel_loop3A_717 = %parallel_loop3A to %parallel_loop3A_495 step %parallel_loop3A_496  : i32 {
          %parallel_loop3A_718 = arith.index_cast %parallel_loop3A_717 : i32 to index
          %parallel_loop3A_719 = arith.constant 0 : index
          %parallel_loop3A_720 = tpu.vector_load %arg17[%parallel_loop3A_718, %parallel_loop3A_719] {strides = array<i32>} : memref<64x16xf32, #tpu.memory_space<vmem>>, vector<1x16xf32>,
          %parallel_loop3A_721 = vector.shape_cast %parallel_loop3A_720 : vector<1x16xf32> to vector<16xf32>
          %parallel_loop3A_722 = arith.index_cast %parallel_loop3A_717 : i32 to index
          %parallel_loop3A_723 = arith.constant 0 : index
          %parallel_loop3A_724 = tpu.vector_load %arg18[%parallel_loop3A_722, %parallel_loop3A_723] {strides = array<i32>} : memref<64x16xf32, #tpu.memory_space<vmem>>, vector<1x16xf32>,
          %parallel_loop3A_725 = vector.shape_cast %parallel_loop3A_724 : vector<1x16xf32> to vector<16xf32>
          %parallel_loop3A_726 = arith.addf %parallel_loop3A_721, %parallel_loop3A_725 : vector<16xf32>
          %parallel_loop3A_727 = arith.constant 2.000000e-01 : f32
          %parallel_loop3A_728 = vector.broadcast %parallel_loop3A_727 : f32 to vector<16xf32>
          %parallel_loop3A_729 = arith.mulf %parallel_loop3A_726, %parallel_loop3A_728 : vector<16xf32>
          %parallel_loop3A_730 = arith.maximumf %parallel_loop3A_726, %parallel_loop3A_729 : vector<16xf32>
          %parallel_loop3A_731 = math.exp %parallel_loop3A_730 : vector<16xf32>
          %parallel_loop3A_732 = arith.index_cast %parallel_loop3A_717 : i32 to index
          %parallel_loop3A_733 = arith.constant 0 : index
          %parallel_loop3A_734 = tpu.vector_load %arg19[%parallel_loop3A_732, %parallel_loop3A_733] {strides = array<i32>} : memref<64x16xf32, #tpu.memory_space<vmem>>, vector<1x16xf32>,
          %parallel_loop3A_735 = vector.shape_cast %parallel_loop3A_734 : vector<1x16xf32> to vector<16xf32>
          %parallel_loop3A_736 = vector.shape_cast %parallel_loop3A_731 : vector<16xf32> to vector<1x16xf32>
          tpu.vector_store %arg19[%parallel_loop3A_732, %parallel_loop3A_733], %parallel_loop3A_736 {strides = array<i32>} : memref<64x16xf32, #tpu.memory_space<vmem>>, vector<1x16xf32>,
          %parallel_loop3A_737 = arith.constant 0 : i32
          %parallel_loop3A_738 = vector.broadcast %parallel_loop3A_737 : i32 to vector<16x1xi32>
          %parallel_loop3A_739 = vector.shape_cast %parallel_loop3A_738 : vector<16x1xi32> to vector<16xi32>
          %parallel_loop3A_740 = tpu.dynamic_gather %parallel_loop3A_731[%parallel_loop3A_739] in [0] : vector<16xf32>, vector<16xi32> -> vector<16xf32>
          %parallel_loop3A_741 = arith.index_cast %parallel_loop3A_717 : i32 to index
          %parallel_loop3A_742 = arith.constant 0 : index
          %parallel_loop3A_743 = tpu.vector_load %arg20[%parallel_loop3A_741, %parallel_loop3A_742] {strides = array<i32>} : memref<64x128xf32, #tpu.memory_space<vmem>>, vector<1x16xf32>,
          %parallel_loop3A_744 = vector.shape_cast %parallel_loop3A_743 : vector<1x16xf32> to vector<16xf32>
          %parallel_loop3A_745 = arith.mulf %parallel_loop3A_744, %parallel_loop3A_740 : vector<16xf32>
          %parallel_loop3A_746 = arith.index_cast %parallel_loop3A_717 : i32 to index
          %parallel_loop3A_747 = arith.constant 0 : index
          %parallel_loop3A_748 = tpu.vector_load %arg20[%parallel_loop3A_746, %parallel_loop3A_747] {strides = array<i32>} : memref<64x128xf32, #tpu.memory_space<vmem>>, vector<1x16xf32>,
          %parallel_loop3A_749 = vector.shape_cast %parallel_loop3A_748 : vector<1x16xf32> to vector<16xf32>
          %parallel_loop3A_750 = vector.shape_cast %parallel_loop3A_745 : vector<16xf32> to vector<1x16xf32>
          tpu.vector_store %arg20[%parallel_loop3A_746, %parallel_loop3A_747], %parallel_loop3A_750 {strides = array<i32>} : memref<64x128xf32, #tpu.memory_space<vmem>>, vector<1x16xf32>,
          %parallel_loop3A_751 = arith.constant 1 : i32
          %parallel_loop3A_752 = vector.broadcast %parallel_loop3A_751 : i32 to vector<16x1xi32>
          %parallel_loop3A_753 = vector.shape_cast %parallel_loop3A_752 : vector<16x1xi32> to vector<16xi32>
          %parallel_loop3A_754 = tpu.dynamic_gather %parallel_loop3A_731[%parallel_loop3A_753] in [0] : vector<16xf32>, vector<16xi32> -> vector<16xf32>
          %parallel_loop3A_755 = arith.index_cast %parallel_loop3A_717 : i32 to index
          %parallel_loop3A_756 = arith.constant 16 : index
          %parallel_loop3A_757 = tpu.vector_load %arg20[%parallel_loop3A_755, %parallel_loop3A_756] {strides = array<i32>} : memref<64x128xf32, #tpu.memory_space<vmem>>, vector<1x16xf32>,
          %parallel_loop3A_758 = vector.shape_cast %parallel_loop3A_757 : vector<1x16xf32> to vector<16xf32>
          %parallel_loop3A_759 = arith.mulf %parallel_loop3A_758, %parallel_loop3A_754 : vector<16xf32>
          %parallel_loop3A_760 = arith.index_cast %parallel_loop3A_717 : i32 to index
          %parallel_loop3A_761 = arith.constant 16 : index
          %parallel_loop3A_762 = tpu.vector_load %arg20[%parallel_loop3A_760, %parallel_loop3A_761] {strides = array<i32>} : memref<64x128xf32, #tpu.memory_space<vmem>>, vector<1x16xf32>,
          %parallel_loop3A_763 = vector.shape_cast %parallel_loop3A_762 : vector<1x16xf32> to vector<16xf32>
          %parallel_loop3A_764 = vector.shape_cast %parallel_loop3A_759 : vector<16xf32> to vector<1x16xf32>
          tpu.vector_store %arg20[%parallel_loop3A_760, %parallel_loop3A_761], %parallel_loop3A_764 {strides = array<i32>} : memref<64x128xf32, #tpu.memory_space<vmem>>, vector<1x16xf32>,
          %parallel_loop3A_765 = arith.constant 2 : i32
          %parallel_loop3A_766 = vector.broadcast %parallel_loop3A_765 : i32 to vector<16x1xi32>
          %parallel_loop3A_767 = vector.shape_cast %parallel_loop3A_766 : vector<16x1xi32> to vector<16xi32>
          %parallel_loop3A_768 = tpu.dynamic_gather %parallel_loop3A_731[%parallel_loop3A_767] in [0] : vector<16xf32>, vector<16xi32> -> vector<16xf32>
          %parallel_loop3A_769 = arith.index_cast %parallel_loop3A_717 : i32 to index
          %parallel_loop3A_770 = arith.constant 32 : index
          %parallel_loop3A_771 = tpu.vector_load %arg20[%parallel_loop3A_769, %parallel_loop3A_770] {strides = array<i32>} : memref<64x128xf32, #tpu.memory_space<vmem>>, vector<1x16xf32>,
          %parallel_loop3A_772 = vector.shape_cast %parallel_loop3A_771 : vector<1x16xf32> to vector<16xf32>
          %parallel_loop3A_773 = arith.mulf %parallel_loop3A_772, %parallel_loop3A_768 : vector<16xf32>
          %parallel_loop3A_774 = arith.index_cast %parallel_loop3A_717 : i32 to index
          %parallel_loop3A_775 = arith.constant 32 : index
          %parallel_loop3A_776 = tpu.vector_load %arg20[%parallel_loop3A_774, %parallel_loop3A_775] {strides = array<i32>} : memref<64x128xf32, #tpu.memory_space<vmem>>, vector<1x16xf32>,
          %parallel_loop3A_777 = vector.shape_cast %parallel_loop3A_776 : vector<1x16xf32> to vector<16xf32>
          %parallel_loop3A_778 = vector.shape_cast %parallel_loop3A_773 : vector<16xf32> to vector<1x16xf32>
          tpu.vector_store %arg20[%parallel_loop3A_774, %parallel_loop3A_775], %parallel_loop3A_778 {strides = array<i32>} : memref<64x128xf32, #tpu.memory_space<vmem>>, vector<1x16xf32>,
          %parallel_loop3A_779 = arith.constant 3 : i32
          %parallel_loop3A_780 = vector.broadcast %parallel_loop3A_779 : i32 to vector<16x1xi32>
          %parallel_loop3A_781 = vector.shape_cast %parallel_loop3A_780 : vector<16x1xi32> to vector<16xi32>
          %parallel_loop3A_782 = tpu.dynamic_gather %parallel_loop3A_731[%parallel_loop3A_781] in [0] : vector<16xf32>, vector<16xi32> -> vector<16xf32>
          %parallel_loop3A_783 = arith.index_cast %parallel_loop3A_717 : i32 to index
          %parallel_loop3A_784 = arith.constant 48 : index
          %parallel_loop3A_785 = tpu.vector_load %arg20[%parallel_loop3A_783, %parallel_loop3A_784] {strides = array<i32>} : memref<64x128xf32, #tpu.memory_space<vmem>>, vector<1x16xf32>,
          %parallel_loop3A_786 = vector.shape_cast %parallel_loop3A_785 : vector<1x16xf32> to vector<16xf32>
          %parallel_loop3A_787 = arith.mulf %parallel_loop3A_786, %parallel_loop3A_782 : vector<16xf32>
          %parallel_loop3A_788 = arith.index_cast %parallel_loop3A_717 : i32 to index
          %parallel_loop3A_789 = arith.constant 48 : index
          %parallel_loop3A_790 = tpu.vector_load %arg20[%parallel_loop3A_788, %parallel_loop3A_789] {strides = array<i32>} : memref<64x128xf32, #tpu.memory_space<vmem>>, vector<1x16xf32>,
          %parallel_loop3A_791 = vector.shape_cast %parallel_loop3A_790 : vector<1x16xf32> to vector<16xf32>
          %parallel_loop3A_792 = vector.shape_cast %parallel_loop3A_787 : vector<16xf32> to vector<1x16xf32>
          tpu.vector_store %arg20[%parallel_loop3A_788, %parallel_loop3A_789], %parallel_loop3A_792 {strides = array<i32>} : memref<64x128xf32, #tpu.memory_space<vmem>>, vector<1x16xf32>,
          %parallel_loop3A_793 = arith.constant 4 : i32
          %parallel_loop3A_794 = vector.broadcast %parallel_loop3A_793 : i32 to vector<16x1xi32>
          %parallel_loop3A_795 = vector.shape_cast %parallel_loop3A_794 : vector<16x1xi32> to vector<16xi32>
          %parallel_loop3A_796 = tpu.dynamic_gather %parallel_loop3A_731[%parallel_loop3A_795] in [0] : vector<16xf32>, vector<16xi32> -> vector<16xf32>
          %parallel_loop3A_797 = arith.index_cast %parallel_loop3A_717 : i32 to index
          %parallel_loop3A_798 = arith.constant 64 : index
          %parallel_loop3A_799 = tpu.vector_load %arg20[%parallel_loop3A_797, %parallel_loop3A_798] {strides = array<i32>} : memref<64x128xf32, #tpu.memory_space<vmem>>, vector<1x16xf32>,
          %parallel_loop3A_800 = vector.shape_cast %parallel_loop3A_799 : vector<1x16xf32> to vector<16xf32>
          %parallel_loop3A_801 = arith.mulf %parallel_loop3A_800, %parallel_loop3A_796 : vector<16xf32>
          %parallel_loop3A_802 = arith.index_cast %parallel_loop3A_717 : i32 to index
          %parallel_loop3A_803 = arith.constant 64 : index
          %parallel_loop3A_804 = tpu.vector_load %arg20[%parallel_loop3A_802, %parallel_loop3A_803] {strides = array<i32>} : memref<64x128xf32, #tpu.memory_space<vmem>>, vector<1x16xf32>,
          %parallel_loop3A_805 = vector.shape_cast %parallel_loop3A_804 : vector<1x16xf32> to vector<16xf32>
          %parallel_loop3A_806 = vector.shape_cast %parallel_loop3A_801 : vector<16xf32> to vector<1x16xf32>
          tpu.vector_store %arg20[%parallel_loop3A_802, %parallel_loop3A_803], %parallel_loop3A_806 {strides = array<i32>} : memref<64x128xf32, #tpu.memory_space<vmem>>, vector<1x16xf32>,
          %parallel_loop3A_807 = arith.constant 5 : i32
          %parallel_loop3A_808 = vector.broadcast %parallel_loop3A_807 : i32 to vector<16x1xi32>
          %parallel_loop3A_809 = vector.shape_cast %parallel_loop3A_808 : vector<16x1xi32> to vector<16xi32>
          %parallel_loop3A_810 = tpu.dynamic_gather %parallel_loop3A_731[%parallel_loop3A_809] in [0] : vector<16xf32>, vector<16xi32> -> vector<16xf32>
          %parallel_loop3A_811 = arith.index_cast %parallel_loop3A_717 : i32 to index
          %parallel_loop3A_812 = arith.constant 80 : index
          %parallel_loop3A_813 = tpu.vector_load %arg20[%parallel_loop3A_811, %parallel_loop3A_812] {strides = array<i32>} : memref<64x128xf32, #tpu.memory_space<vmem>>, vector<1x16xf32>,
          %parallel_loop3A_814 = vector.shape_cast %parallel_loop3A_813 : vector<1x16xf32> to vector<16xf32>
          %parallel_loop3A_815 = arith.mulf %parallel_loop3A_814, %parallel_loop3A_810 : vector<16xf32>
          %parallel_loop3A_816 = arith.index_cast %parallel_loop3A_717 : i32 to index
          %parallel_loop3A_817 = arith.constant 80 : index
          %parallel_loop3A_818 = tpu.vector_load %arg20[%parallel_loop3A_816, %parallel_loop3A_817] {strides = array<i32>} : memref<64x128xf32, #tpu.memory_space<vmem>>, vector<1x16xf32>,
          %parallel_loop3A_819 = vector.shape_cast %parallel_loop3A_818 : vector<1x16xf32> to vector<16xf32>
          %parallel_loop3A_820 = vector.shape_cast %parallel_loop3A_815 : vector<16xf32> to vector<1x16xf32>
          tpu.vector_store %arg20[%parallel_loop3A_816, %parallel_loop3A_817], %parallel_loop3A_820 {strides = array<i32>} : memref<64x128xf32, #tpu.memory_space<vmem>>, vector<1x16xf32>,
          %parallel_loop3A_821 = arith.constant 6 : i32
          %parallel_loop3A_822 = vector.broadcast %parallel_loop3A_821 : i32 to vector<16x1xi32>
          %parallel_loop3A_823 = vector.shape_cast %parallel_loop3A_822 : vector<16x1xi32> to vector<16xi32>
          %parallel_loop3A_824 = tpu.dynamic_gather %parallel_loop3A_731[%parallel_loop3A_823] in [0] : vector<16xf32>, vector<16xi32> -> vector<16xf32>
          %parallel_loop3A_825 = arith.index_cast %parallel_loop3A_717 : i32 to index
          %parallel_loop3A_826 = arith.constant 96 : index
          %parallel_loop3A_827 = tpu.vector_load %arg20[%parallel_loop3A_825, %parallel_loop3A_826] {strides = array<i32>} : memref<64x128xf32, #tpu.memory_space<vmem>>, vector<1x16xf32>,
          %parallel_loop3A_828 = vector.shape_cast %parallel_loop3A_827 : vector<1x16xf32> to vector<16xf32>
          %parallel_loop3A_829 = arith.mulf %parallel_loop3A_828, %parallel_loop3A_824 : vector<16xf32>
          %parallel_loop3A_830 = arith.index_cast %parallel_loop3A_717 : i32 to index
          %parallel_loop3A_831 = arith.constant 96 : index
          %parallel_loop3A_832 = tpu.vector_load %arg20[%parallel_loop3A_830, %parallel_loop3A_831] {strides = array<i32>} : memref<64x128xf32, #tpu.memory_space<vmem>>, vector<1x16xf32>,
          %parallel_loop3A_833 = vector.shape_cast %parallel_loop3A_832 : vector<1x16xf32> to vector<16xf32>
          %parallel_loop3A_834 = vector.shape_cast %parallel_loop3A_829 : vector<16xf32> to vector<1x16xf32>
          tpu.vector_store %arg20[%parallel_loop3A_830, %parallel_loop3A_831], %parallel_loop3A_834 {strides = array<i32>} : memref<64x128xf32, #tpu.memory_space<vmem>>, vector<1x16xf32>,
          %parallel_loop3A_835 = arith.constant 7 : i32
          %parallel_loop3A_836 = vector.broadcast %parallel_loop3A_835 : i32 to vector<16x1xi32>
          %parallel_loop3A_837 = vector.shape_cast %parallel_loop3A_836 : vector<16x1xi32> to vector<16xi32>
          %parallel_loop3A_838 = tpu.dynamic_gather %parallel_loop3A_731[%parallel_loop3A_837] in [0] : vector<16xf32>, vector<16xi32> -> vector<16xf32>
          %parallel_loop3A_839 = arith.index_cast %parallel_loop3A_717 : i32 to index
          %parallel_loop3A_840 = arith.constant 112 : index
          %parallel_loop3A_841 = tpu.vector_load %arg20[%parallel_loop3A_839, %parallel_loop3A_840] {strides = array<i32>} : memref<64x128xf32, #tpu.memory_space<vmem>>, vector<1x16xf32>,
          %parallel_loop3A_842 = vector.shape_cast %parallel_loop3A_841 : vector<1x16xf32> to vector<16xf32>
          %parallel_loop3A_843 = arith.mulf %parallel_loop3A_842, %parallel_loop3A_838 : vector<16xf32>
          %parallel_loop3A_844 = arith.index_cast %parallel_loop3A_717 : i32 to index
          %parallel_loop3A_845 = arith.constant 112 : index
          %parallel_loop3A_846 = tpu.vector_load %arg20[%parallel_loop3A_844, %parallel_loop3A_845] {strides = array<i32>} : memref<64x128xf32, #tpu.memory_space<vmem>>, vector<1x16xf32>,
          %parallel_loop3A_847 = vector.shape_cast %parallel_loop3A_846 : vector<1x16xf32> to vector<16xf32>
          %parallel_loop3A_848 = vector.shape_cast %parallel_loop3A_843 : vector<16xf32> to vector<1x16xf32>
          tpu.vector_store %arg20[%parallel_loop3A_844, %parallel_loop3A_845], %parallel_loop3A_848 {strides = array<i32>} : memref<64x128xf32, #tpu.memory_space<vmem>>, vector<1x16xf32>,
        } {sc.loop_unroll_factor = 1 : i64, sc.parallel_access}
        %ge3A = arith.cmpi sge, %mul3A_494, %select_n3A : i32
        %convert_element_type3A_497 = arith.extui %ge3A : i1 to i32
        %cond3A_498 = arith.constant 0 : i32
        %cond3A_499 = arith.cmpi ne, %convert_element_type3A_497, %cond3A_498 : i32
        scf.if %cond3A_499 {
          %scan3A_717 = arith.constant 0 : i32
          %scan3A_718 = arith.constant 64 : i32
          %scan3A_719 = arith.addi %scan3A_717, %scan3A_718 : i32
          %scan3A_720 = arith.constant 1 : i32
          scf.for %scan3A_722 = %scan3A_717 to %scan3A_719 step %scan3A_720  : i32 {
            %mul3A_723 = arith.constant 1 : i32
            %mul3A_724 = arith.muli %scan3A_722, %mul3A_723 : i32
            %add3A_725 = arith.constant 0 : i32
            %add3A_726 = arith.addi %add3A_725, %mul3A_724 : i32
            %broadcast_in_dim3A = arith.constant 0.000000e+00 : f32
            %broadcast_in_dim3A_727 = vector.broadcast %broadcast_in_dim3A : f32 to vector<16xf32>
            %swap3A = arith.index_cast %add3A_726 : i32 to index
            %swap3A_728 = arith.constant 0 : index
            %swap3A_729 = tpu.vector_load %arg19[%swap3A, %swap3A_728] {strides = array<i32>} : memref<64x16xf32, #tpu.memory_space<vmem>>, vector<1x16xf32>,
            %swap3A_730 = vector.shape_cast %swap3A_729 : vector<1x16xf32> to vector<16xf32>
            %swap3A_731 = vector.shape_cast %broadcast_in_dim3A_727 : vector<16xf32> to vector<1x16xf32>
            tpu.vector_store %arg19[%swap3A, %swap3A_728], %swap3A_731 {strides = array<i32>} : memref<64x16xf32, #tpu.memory_space<vmem>>, vector<1x16xf32>,
            %broadcast_in_dim3A_732 = arith.constant 0.000000e+00 : f32
            %broadcast_in_dim3A_733 = vector.broadcast %broadcast_in_dim3A_732 : f32 to vector<16xf32>
            %swap3A_734 = arith.index_cast %add3A_726 : i32 to index
            %swap3A_735 = arith.constant 0 : index
            %swap3A_736 = tpu.vector_load %arg20[%swap3A_734, %swap3A_735] {strides = array<i32>} : memref<64x128xf32, #tpu.memory_space<vmem>>, vector<1x16xf32>,
            %swap3A_737 = vector.shape_cast %swap3A_736 : vector<1x16xf32> to vector<16xf32>
            %swap3A_738 = vector.shape_cast %broadcast_in_dim3A_733 : vector<16xf32> to vector<1x16xf32>
            tpu.vector_store %arg20[%swap3A_734, %swap3A_735], %swap3A_738 {strides = array<i32>} : memref<64x128xf32, #tpu.memory_space<vmem>>, vector<1x16xf32>,
            %broadcast_in_dim3A_739 = arith.constant 0.000000e+00 : f32
            %broadcast_in_dim3A_740 = vector.broadcast %broadcast_in_dim3A_739 : f32 to vector<16xf32>
            %swap3A_741 = arith.index_cast %add3A_726 : i32 to index
            %swap3A_742 = arith.constant 16 : index
            %swap3A_743 = tpu.vector_load %arg20[%swap3A_741, %swap3A_742] {strides = array<i32>} : memref<64x128xf32, #tpu.memory_space<vmem>>, vector<1x16xf32>,
            %swap3A_744 = vector.shape_cast %swap3A_743 : vector<1x16xf32> to vector<16xf32>
            %swap3A_745 = vector.shape_cast %broadcast_in_dim3A_740 : vector<16xf32> to vector<1x16xf32>
            tpu.vector_store %arg20[%swap3A_741, %swap3A_742], %swap3A_745 {strides = array<i32>} : memref<64x128xf32, #tpu.memory_space<vmem>>, vector<1x16xf32>,
            %broadcast_in_dim3A_746 = arith.constant 0.000000e+00 : f32
            %broadcast_in_dim3A_747 = vector.broadcast %broadcast_in_dim3A_746 : f32 to vector<16xf32>
            %swap3A_748 = arith.index_cast %add3A_726 : i32 to index
            %swap3A_749 = arith.constant 32 : index
            %swap3A_750 = tpu.vector_load %arg20[%swap3A_748, %swap3A_749] {strides = array<i32>} : memref<64x128xf32, #tpu.memory_space<vmem>>, vector<1x16xf32>,
            %swap3A_751 = vector.shape_cast %swap3A_750 : vector<1x16xf32> to vector<16xf32>
            %swap3A_752 = vector.shape_cast %broadcast_in_dim3A_747 : vector<16xf32> to vector<1x16xf32>
            tpu.vector_store %arg20[%swap3A_748, %swap3A_749], %swap3A_752 {strides = array<i32>} : memref<64x128xf32, #tpu.memory_space<vmem>>, vector<1x16xf32>,
            %broadcast_in_dim3A_753 = arith.constant 0.000000e+00 : f32
            %broadcast_in_dim3A_754 = vector.broadcast %broadcast_in_dim3A_753 : f32 to vector<16xf32>
            %swap3A_755 = arith.index_cast %add3A_726 : i32 to index
            %swap3A_756 = arith.constant 48 : index
            %swap3A_757 = tpu.vector_load %arg20[%swap3A_755, %swap3A_756] {strides = array<i32>} : memref<64x128xf32, #tpu.memory_space<vmem>>, vector<1x16xf32>,
            %swap3A_758 = vector.shape_cast %swap3A_757 : vector<1x16xf32> to vector<16xf32>
            %swap3A_759 = vector.shape_cast %broadcast_in_dim3A_754 : vector<16xf32> to vector<1x16xf32>
            tpu.vector_store %arg20[%swap3A_755, %swap3A_756], %swap3A_759 {strides = array<i32>} : memref<64x128xf32, #tpu.memory_space<vmem>>, vector<1x16xf32>,
            %broadcast_in_dim3A_760 = arith.constant 0.000000e+00 : f32
            %broadcast_in_dim3A_761 = vector.broadcast %broadcast_in_dim3A_760 : f32 to vector<16xf32>
            %swap3A_762 = arith.index_cast %add3A_726 : i32 to index
            %swap3A_763 = arith.constant 64 : index
            %swap3A_764 = tpu.vector_load %arg20[%swap3A_762, %swap3A_763] {strides = array<i32>} : memref<64x128xf32, #tpu.memory_space<vmem>>, vector<1x16xf32>,
            %swap3A_765 = vector.shape_cast %swap3A_764 : vector<1x16xf32> to vector<16xf32>
            %swap3A_766 = vector.shape_cast %broadcast_in_dim3A_761 : vector<16xf32> to vector<1x16xf32>
            tpu.vector_store %arg20[%swap3A_762, %swap3A_763], %swap3A_766 {strides = array<i32>} : memref<64x128xf32, #tpu.memory_space<vmem>>, vector<1x16xf32>,
            %broadcast_in_dim3A_767 = arith.constant 0.000000e+00 : f32
            %broadcast_in_dim3A_768 = vector.broadcast %broadcast_in_dim3A_767 : f32 to vector<16xf32>
            %swap3A_769 = arith.index_cast %add3A_726 : i32 to index
            %swap3A_770 = arith.constant 80 : index
            %swap3A_771 = tpu.vector_load %arg20[%swap3A_769, %swap3A_770] {strides = array<i32>} : memref<64x128xf32, #tpu.memory_space<vmem>>, vector<1x16xf32>,
            %swap3A_772 = vector.shape_cast %swap3A_771 : vector<1x16xf32> to vector<16xf32>
            %swap3A_773 = vector.shape_cast %broadcast_in_dim3A_768 : vector<16xf32> to vector<1x16xf32>
            tpu.vector_store %arg20[%swap3A_769, %swap3A_770], %swap3A_773 {strides = array<i32>} : memref<64x128xf32, #tpu.memory_space<vmem>>, vector<1x16xf32>,
            %broadcast_in_dim3A_774 = arith.constant 0.000000e+00 : f32
            %broadcast_in_dim3A_775 = vector.broadcast %broadcast_in_dim3A_774 : f32 to vector<16xf32>
            %swap3A_776 = arith.index_cast %add3A_726 : i32 to index
            %swap3A_777 = arith.constant 96 : index
            %swap3A_778 = tpu.vector_load %arg20[%swap3A_776, %swap3A_777] {strides = array<i32>} : memref<64x128xf32, #tpu.memory_space<vmem>>, vector<1x16xf32>,
            %swap3A_779 = vector.shape_cast %swap3A_778 : vector<1x16xf32> to vector<16xf32>
            %swap3A_780 = vector.shape_cast %broadcast_in_dim3A_775 : vector<16xf32> to vector<1x16xf32>
            tpu.vector_store %arg20[%swap3A_776, %swap3A_777], %swap3A_780 {strides = array<i32>} : memref<64x128xf32, #tpu.memory_space<vmem>>, vector<1x16xf32>,
            %broadcast_in_dim3A_781 = arith.constant 0.000000e+00 : f32
            %broadcast_in_dim3A_782 = vector.broadcast %broadcast_in_dim3A_781 : f32 to vector<16xf32>
            %swap3A_783 = arith.index_cast %add3A_726 : i32 to index
            %swap3A_784 = arith.constant 112 : index
            %swap3A_785 = tpu.vector_load %arg20[%swap3A_783, %swap3A_784] {strides = array<i32>} : memref<64x128xf32, #tpu.memory_space<vmem>>, vector<1x16xf32>,
            %swap3A_786 = vector.shape_cast %swap3A_785 : vector<1x16xf32> to vector<16xf32>
            %swap3A_787 = vector.shape_cast %broadcast_in_dim3A_782 : vector<16xf32> to vector<1x16xf32>
            tpu.vector_store %arg20[%swap3A_783, %swap3A_784], %swap3A_787 {strides = array<i32>} : memref<64x128xf32, #tpu.memory_space<vmem>>, vector<1x16xf32>,
          }
          %scan3A_721 = arith.constant 64 : i32
        } else {
        }
        %dma_start3A_500 = arith.constant 1 : i32
        %dma_start3A_501 = arith.constant 0 : i32
        %dma_start3A_502 = tpu.memref_slice %arg16[%dma_start3A_500, %dma_start3A_501] : memref<2x64xi32, #tpu.memory_space<vmem>> -> memref<1x64xi32, #tpu.memory_space<vmem>>
        %dma_start3A_503 = tpu.memref_squeeze %dma_start3A_502 : memref<1x64xi32, #tpu.memory_space<vmem>> -> memref<64xi32, #tpu.memory_space<vmem>>
        %dma_start3A_504 = arith.constant 0 : i32
        %dma_start3A_505 = arith.constant 0 : i32
        %dma_start3A_506 = tpu.memref_slice %arg15[%dma_start3A_504, %dma_start3A_505] : memref<10240x16xf32, #tpu.memory_space<vmem_shared>> -> memref<10240x16xf32, #tpu.memory_space<vmem_shared>>
        tpu.enqueue_indirect_dma source(%arg19 : memref<64x16xf32, #tpu.memory_space<vmem>>) target(%dma_start3A_506 : memref<10240x16xf32, #tpu.memory_space<vmem_shared>>) offsets(%dma_start3A_503 : memref<64xi32, #tpu.memory_space<vmem>>) semaphore(%arg34 : memref<!tpu.dma_semaphore, #tpu.memory_space<semaphore_mem>>) {add = true}
        %dma_start3A_507 = arith.constant 1 : i32
        %dma_start3A_508 = arith.constant 0 : i32
        %dma_start3A_509 = tpu.memref_slice %arg16[%dma_start3A_507, %dma_start3A_508] : memref<2x64xi32, #tpu.memory_space<vmem>> -> memref<1x64xi32, #tpu.memory_space<vmem>>
        %dma_start3A_510 = tpu.memref_squeeze %dma_start3A_509 : memref<1x64xi32, #tpu.memory_space<vmem>> -> memref<64xi32, #tpu.memory_space<vmem>>
        %dma_start3A_511 = arith.constant 0 : i32
        %dma_start3A_512 = arith.constant 0 : i32
        %dma_start3A_513 = tpu.memref_slice %arg14[%dma_start3A_511, %dma_start3A_512] : memref<10240x128xf32, #tpu.memory_space<vmem_shared>> -> memref<10240x128xf32, #tpu.memory_space<vmem_shared>>
        tpu.enqueue_indirect_dma source(%arg20 : memref<64x128xf32, #tpu.memory_space<vmem>>) target(%dma_start3A_513 : memref<10240x128xf32, #tpu.memory_space<vmem_shared>>) offsets(%dma_start3A_510 : memref<64xi32, #tpu.memory_space<vmem>>) semaphore(%arg34 : memref<!tpu.dma_semaphore, #tpu.memory_space<semaphore_mem>>) {add = true}
        %dma_wait3A_514 = arith.constant 0 : i32
        %dma_wait3A_515 = arith.constant 0 : i32
        %dma_wait3A_516 = tpu.memref_slice %arg21[%dma_wait3A_514, %dma_wait3A_515] : memref<2x64xi32, #tpu.memory_space<vmem>> -> memref<1x64xi32, #tpu.memory_space<vmem>>
        %dma_wait3A_517 = tpu.memref_squeeze %dma_wait3A_516 : memref<1x64xi32, #tpu.memory_space<vmem>> -> memref<64xi32, #tpu.memory_space<vmem>>
        %dma_wait3A_518 = arith.constant 0 : i32
        %dma_wait3A_519 = arith.constant 0 : i32
        %dma_wait3A_520 = tpu.memref_slice %arg2[%dma_wait3A_518, %dma_wait3A_519] : memref<10000x16xf32, #tpu.memory_space<hbm>> -> memref<10000x16xf32, #tpu.memory_space<hbm>>
        tpu.wait_indirect_dma semaphore(%arg32 : memref<!tpu.dma_semaphore, #tpu.memory_space<semaphore_mem>>) src(%dma_wait3A_520 : memref<10000x16xf32, #tpu.memory_space<hbm>>) dst(%arg22 : memref<64x16xf32, #tpu.memory_space<vmem>>)
        %dma_wait3A_521 = arith.constant 1 : i32
        %dma_wait3A_522 = arith.constant 0 : i32
        %dma_wait3A_523 = tpu.memref_slice %arg21[%dma_wait3A_521, %dma_wait3A_522] : memref<2x64xi32, #tpu.memory_space<vmem>> -> memref<1x64xi32, #tpu.memory_space<vmem>>
        %dma_wait3A_524 = tpu.memref_squeeze %dma_wait3A_523 : memref<1x64xi32, #tpu.memory_space<vmem>> -> memref<64xi32, #tpu.memory_space<vmem>>
        %dma_wait3A_525 = arith.constant 0 : i32
        %dma_wait3A_526 = arith.constant 0 : i32
        %dma_wait3A_527 = tpu.memref_slice %arg3[%dma_wait3A_525, %dma_wait3A_526] : memref<10000x16xf32, #tpu.memory_space<hbm>> -> memref<10000x16xf32, #tpu.memory_space<hbm>>
        tpu.wait_indirect_dma semaphore(%arg32 : memref<!tpu.dma_semaphore, #tpu.memory_space<semaphore_mem>>) src(%dma_wait3A_527 : memref<10000x16xf32, #tpu.memory_space<hbm>>) dst(%arg23 : memref<64x16xf32, #tpu.memory_space<vmem>>)
        %dma_wait3A_528 = arith.constant 0 : i32
        %dma_wait3A_529 = arith.constant 0 : i32
        %dma_wait3A_530 = tpu.memref_slice %arg21[%dma_wait3A_528, %dma_wait3A_529] : memref<2x64xi32, #tpu.memory_space<vmem>> -> memref<1x64xi32, #tpu.memory_space<vmem>>
        %dma_wait3A_531 = tpu.memref_squeeze %dma_wait3A_530 : memref<1x64xi32, #tpu.memory_space<vmem>> -> memref<64xi32, #tpu.memory_space<vmem>>
        %dma_wait3A_532 = arith.constant 0 : i32
        %dma_wait3A_533 = arith.constant 0 : i32
        %dma_wait3A_534 = tpu.memref_slice %arg4[%dma_wait3A_532, %dma_wait3A_533] : memref<10000x128xf32, #tpu.memory_space<hbm>> -> memref<10000x128xf32, #tpu.memory_space<hbm>>
        tpu.wait_indirect_dma semaphore(%arg32 : memref<!tpu.dma_semaphore, #tpu.memory_space<semaphore_mem>>) src(%dma_wait3A_534 : memref<10000x128xf32, #tpu.memory_space<hbm>>) dst(%arg25 : memref<64x128xf32, #tpu.memory_space<vmem>>)
        %mul3A_535 = arith.constant 3 : i32
        %mul3A_536 = arith.muli %mul3A_535, %add3A_466 : i32
        %add3A_537 = arith.constant 1 : i32
        %add3A_538 = arith.addi %mul3A_536, %add3A_537 : i32
        %parallel_loop3A_539 = arith.constant 0 : i32
        %parallel_loop3A_540 = arith.constant 64 : i32
        %parallel_loop3A_541 = arith.constant 1 : i32
        scf.for %parallel_loop3A_717 = %parallel_loop3A_539 to %parallel_loop3A_540 step %parallel_loop3A_541  : i32 {
          %parallel_loop3A_718 = arith.index_cast %parallel_loop3A_717 : i32 to index
          %parallel_loop3A_719 = arith.constant 0 : index
          %parallel_loop3A_720 = tpu.vector_load %arg22[%parallel_loop3A_718, %parallel_loop3A_719] {strides = array<i32>} : memref<64x16xf32, #tpu.memory_space<vmem>>, vector<1x16xf32>,
          %parallel_loop3A_721 = vector.shape_cast %parallel_loop3A_720 : vector<1x16xf32> to vector<16xf32>
          %parallel_loop3A_722 = arith.index_cast %parallel_loop3A_717 : i32 to index
          %parallel_loop3A_723 = arith.constant 0 : index
          %parallel_loop3A_724 = tpu.vector_load %arg23[%parallel_loop3A_722, %parallel_loop3A_723] {strides = array<i32>} : memref<64x16xf32, #tpu.memory_space<vmem>>, vector<1x16xf32>,
          %parallel_loop3A_725 = vector.shape_cast %parallel_loop3A_724 : vector<1x16xf32> to vector<16xf32>
          %parallel_loop3A_726 = arith.addf %parallel_loop3A_721, %parallel_loop3A_725 : vector<16xf32>
          %parallel_loop3A_727 = arith.constant 2.000000e-01 : f32
          %parallel_loop3A_728 = vector.broadcast %parallel_loop3A_727 : f32 to vector<16xf32>
          %parallel_loop3A_729 = arith.mulf %parallel_loop3A_726, %parallel_loop3A_728 : vector<16xf32>
          %parallel_loop3A_730 = arith.maximumf %parallel_loop3A_726, %parallel_loop3A_729 : vector<16xf32>
          %parallel_loop3A_731 = math.exp %parallel_loop3A_730 : vector<16xf32>
          %parallel_loop3A_732 = arith.index_cast %parallel_loop3A_717 : i32 to index
          %parallel_loop3A_733 = arith.constant 0 : index
          %parallel_loop3A_734 = tpu.vector_load %arg24[%parallel_loop3A_732, %parallel_loop3A_733] {strides = array<i32>} : memref<64x16xf32, #tpu.memory_space<vmem>>, vector<1x16xf32>,
          %parallel_loop3A_735 = vector.shape_cast %parallel_loop3A_734 : vector<1x16xf32> to vector<16xf32>
          %parallel_loop3A_736 = vector.shape_cast %parallel_loop3A_731 : vector<16xf32> to vector<1x16xf32>
          tpu.vector_store %arg24[%parallel_loop3A_732, %parallel_loop3A_733], %parallel_loop3A_736 {strides = array<i32>} : memref<64x16xf32, #tpu.memory_space<vmem>>, vector<1x16xf32>,
          %parallel_loop3A_737 = arith.constant 0 : i32
          %parallel_loop3A_738 = vector.broadcast %parallel_loop3A_737 : i32 to vector<16x1xi32>
          %parallel_loop3A_739 = vector.shape_cast %parallel_loop3A_738 : vector<16x1xi32> to vector<16xi32>
          %parallel_loop3A_740 = tpu.dynamic_gather %parallel_loop3A_731[%parallel_loop3A_739] in [0] : vector<16xf32>, vector<16xi32> -> vector<16xf32>
          %parallel_loop3A_741 = arith.index_cast %parallel_loop3A_717 : i32 to index
          %parallel_loop3A_742 = arith.constant 0 : index
          %parallel_loop3A_743 = tpu.vector_load %arg25[%parallel_loop3A_741, %parallel_loop3A_742] {strides = array<i32>} : memref<64x128xf32, #tpu.memory_space<vmem>>, vector<1x16xf32>,
          %parallel_loop3A_744 = vector.shape_cast %parallel_loop3A_743 : vector<1x16xf32> to vector<16xf32>
          %parallel_loop3A_745 = arith.mulf %parallel_loop3A_744, %parallel_loop3A_740 : vector<16xf32>
          %parallel_loop3A_746 = arith.index_cast %parallel_loop3A_717 : i32 to index
          %parallel_loop3A_747 = arith.constant 0 : index
          %parallel_loop3A_748 = tpu.vector_load %arg25[%parallel_loop3A_746, %parallel_loop3A_747] {strides = array<i32>} : memref<64x128xf32, #tpu.memory_space<vmem>>, vector<1x16xf32>,
          %parallel_loop3A_749 = vector.shape_cast %parallel_loop3A_748 : vector<1x16xf32> to vector<16xf32>
          %parallel_loop3A_750 = vector.shape_cast %parallel_loop3A_745 : vector<16xf32> to vector<1x16xf32>
          tpu.vector_store %arg25[%parallel_loop3A_746, %parallel_loop3A_747], %parallel_loop3A_750 {strides = array<i32>} : memref<64x128xf32, #tpu.memory_space<vmem>>, vector<1x16xf32>,
          %parallel_loop3A_751 = arith.constant 1 : i32
          %parallel_loop3A_752 = vector.broadcast %parallel_loop3A_751 : i32 to vector<16x1xi32>
          %parallel_loop3A_753 = vector.shape_cast %parallel_loop3A_752 : vector<16x1xi32> to vector<16xi32>
          %parallel_loop3A_754 = tpu.dynamic_gather %parallel_loop3A_731[%parallel_loop3A_753] in [0] : vector<16xf32>, vector<16xi32> -> vector<16xf32>
          %parallel_loop3A_755 = arith.index_cast %parallel_loop3A_717 : i32 to index
          %parallel_loop3A_756 = arith.constant 16 : index
          %parallel_loop3A_757 = tpu.vector_load %arg25[%parallel_loop3A_755, %parallel_loop3A_756] {strides = array<i32>} : memref<64x128xf32, #tpu.memory_space<vmem>>, vector<1x16xf32>,
          %parallel_loop3A_758 = vector.shape_cast %parallel_loop3A_757 : vector<1x16xf32> to vector<16xf32>
          %parallel_loop3A_759 = arith.mulf %parallel_loop3A_758, %parallel_loop3A_754 : vector<16xf32>
          %parallel_loop3A_760 = arith.index_cast %parallel_loop3A_717 : i32 to index
          %parallel_loop3A_761 = arith.constant 16 : index
          %parallel_loop3A_762 = tpu.vector_load %arg25[%parallel_loop3A_760, %parallel_loop3A_761] {strides = array<i32>} : memref<64x128xf32, #tpu.memory_space<vmem>>, vector<1x16xf32>,
          %parallel_loop3A_763 = vector.shape_cast %parallel_loop3A_762 : vector<1x16xf32> to vector<16xf32>
          %parallel_loop3A_764 = vector.shape_cast %parallel_loop3A_759 : vector<16xf32> to vector<1x16xf32>
          tpu.vector_store %arg25[%parallel_loop3A_760, %parallel_loop3A_761], %parallel_loop3A_764 {strides = array<i32>} : memref<64x128xf32, #tpu.memory_space<vmem>>, vector<1x16xf32>,
          %parallel_loop3A_765 = arith.constant 2 : i32
          %parallel_loop3A_766 = vector.broadcast %parallel_loop3A_765 : i32 to vector<16x1xi32>
          %parallel_loop3A_767 = vector.shape_cast %parallel_loop3A_766 : vector<16x1xi32> to vector<16xi32>
          %parallel_loop3A_768 = tpu.dynamic_gather %parallel_loop3A_731[%parallel_loop3A_767] in [0] : vector<16xf32>, vector<16xi32> -> vector<16xf32>
          %parallel_loop3A_769 = arith.index_cast %parallel_loop3A_717 : i32 to index
          %parallel_loop3A_770 = arith.constant 32 : index
          %parallel_loop3A_771 = tpu.vector_load %arg25[%parallel_loop3A_769, %parallel_loop3A_770] {strides = array<i32>} : memref<64x128xf32, #tpu.memory_space<vmem>>, vector<1x16xf32>,
          %parallel_loop3A_772 = vector.shape_cast %parallel_loop3A_771 : vector<1x16xf32> to vector<16xf32>
          %parallel_loop3A_773 = arith.mulf %parallel_loop3A_772, %parallel_loop3A_768 : vector<16xf32>
          %parallel_loop3A_774 = arith.index_cast %parallel_loop3A_717 : i32 to index
          %parallel_loop3A_775 = arith.constant 32 : index
          %parallel_loop3A_776 = tpu.vector_load %arg25[%parallel_loop3A_774, %parallel_loop3A_775] {strides = array<i32>} : memref<64x128xf32, #tpu.memory_space<vmem>>, vector<1x16xf32>,
          %parallel_loop3A_777 = vector.shape_cast %parallel_loop3A_776 : vector<1x16xf32> to vector<16xf32>
          %parallel_loop3A_778 = vector.shape_cast %parallel_loop3A_773 : vector<16xf32> to vector<1x16xf32>
          tpu.vector_store %arg25[%parallel_loop3A_774, %parallel_loop3A_775], %parallel_loop3A_778 {strides = array<i32>} : memref<64x128xf32, #tpu.memory_space<vmem>>, vector<1x16xf32>,
          %parallel_loop3A_779 = arith.constant 3 : i32
          %parallel_loop3A_780 = vector.broadcast %parallel_loop3A_779 : i32 to vector<16x1xi32>
          %parallel_loop3A_781 = vector.shape_cast %parallel_loop3A_780 : vector<16x1xi32> to vector<16xi32>
          %parallel_loop3A_782 = tpu.dynamic_gather %parallel_loop3A_731[%parallel_loop3A_781] in [0] : vector<16xf32>, vector<16xi32> -> vector<16xf32>
          %parallel_loop3A_783 = arith.index_cast %parallel_loop3A_717 : i32 to index
          %parallel_loop3A_784 = arith.constant 48 : index
          %parallel_loop3A_785 = tpu.vector_load %arg25[%parallel_loop3A_783, %parallel_loop3A_784] {strides = array<i32>} : memref<64x128xf32, #tpu.memory_space<vmem>>, vector<1x16xf32>,
          %parallel_loop3A_786 = vector.shape_cast %parallel_loop3A_785 : vector<1x16xf32> to vector<16xf32>
          %parallel_loop3A_787 = arith.mulf %parallel_loop3A_786, %parallel_loop3A_782 : vector<16xf32>
          %parallel_loop3A_788 = arith.index_cast %parallel_loop3A_717 : i32 to index
          %parallel_loop3A_789 = arith.constant 48 : index
          %parallel_loop3A_790 = tpu.vector_load %arg25[%parallel_loop3A_788, %parallel_loop3A_789] {strides = array<i32>} : memref<64x128xf32, #tpu.memory_space<vmem>>, vector<1x16xf32>,
          %parallel_loop3A_791 = vector.shape_cast %parallel_loop3A_790 : vector<1x16xf32> to vector<16xf32>
          %parallel_loop3A_792 = vector.shape_cast %parallel_loop3A_787 : vector<16xf32> to vector<1x16xf32>
          tpu.vector_store %arg25[%parallel_loop3A_788, %parallel_loop3A_789], %parallel_loop3A_792 {strides = array<i32>} : memref<64x128xf32, #tpu.memory_space<vmem>>, vector<1x16xf32>,
          %parallel_loop3A_793 = arith.constant 4 : i32
          %parallel_loop3A_794 = vector.broadcast %parallel_loop3A_793 : i32 to vector<16x1xi32>
          %parallel_loop3A_795 = vector.shape_cast %parallel_loop3A_794 : vector<16x1xi32> to vector<16xi32>
          %parallel_loop3A_796 = tpu.dynamic_gather %parallel_loop3A_731[%parallel_loop3A_795] in [0] : vector<16xf32>, vector<16xi32> -> vector<16xf32>
          %parallel_loop3A_797 = arith.index_cast %parallel_loop3A_717 : i32 to index
          %parallel_loop3A_798 = arith.constant 64 : index
          %parallel_loop3A_799 = tpu.vector_load %arg25[%parallel_loop3A_797, %parallel_loop3A_798] {strides = array<i32>} : memref<64x128xf32, #tpu.memory_space<vmem>>, vector<1x16xf32>,
          %parallel_loop3A_800 = vector.shape_cast %parallel_loop3A_799 : vector<1x16xf32> to vector<16xf32>
          %parallel_loop3A_801 = arith.mulf %parallel_loop3A_800, %parallel_loop3A_796 : vector<16xf32>
          %parallel_loop3A_802 = arith.index_cast %parallel_loop3A_717 : i32 to index
          %parallel_loop3A_803 = arith.constant 64 : index
          %parallel_loop3A_804 = tpu.vector_load %arg25[%parallel_loop3A_802, %parallel_loop3A_803] {strides = array<i32>} : memref<64x128xf32, #tpu.memory_space<vmem>>, vector<1x16xf32>,
          %parallel_loop3A_805 = vector.shape_cast %parallel_loop3A_804 : vector<1x16xf32> to vector<16xf32>
          %parallel_loop3A_806 = vector.shape_cast %parallel_loop3A_801 : vector<16xf32> to vector<1x16xf32>
          tpu.vector_store %arg25[%parallel_loop3A_802, %parallel_loop3A_803], %parallel_loop3A_806 {strides = array<i32>} : memref<64x128xf32, #tpu.memory_space<vmem>>, vector<1x16xf32>,
          %parallel_loop3A_807 = arith.constant 5 : i32
          %parallel_loop3A_808 = vector.broadcast %parallel_loop3A_807 : i32 to vector<16x1xi32>
          %parallel_loop3A_809 = vector.shape_cast %parallel_loop3A_808 : vector<16x1xi32> to vector<16xi32>
          %parallel_loop3A_810 = tpu.dynamic_gather %parallel_loop3A_731[%parallel_loop3A_809] in [0] : vector<16xf32>, vector<16xi32> -> vector<16xf32>
          %parallel_loop3A_811 = arith.index_cast %parallel_loop3A_717 : i32 to index
          %parallel_loop3A_812 = arith.constant 80 : index
          %parallel_loop3A_813 = tpu.vector_load %arg25[%parallel_loop3A_811, %parallel_loop3A_812] {strides = array<i32>} : memref<64x128xf32, #tpu.memory_space<vmem>>, vector<1x16xf32>,
          %parallel_loop3A_814 = vector.shape_cast %parallel_loop3A_813 : vector<1x16xf32> to vector<16xf32>
          %parallel_loop3A_815 = arith.mulf %parallel_loop3A_814, %parallel_loop3A_810 : vector<16xf32>
          %parallel_loop3A_816 = arith.index_cast %parallel_loop3A_717 : i32 to index
          %parallel_loop3A_817 = arith.constant 80 : index
          %parallel_loop3A_818 = tpu.vector_load %arg25[%parallel_loop3A_816, %parallel_loop3A_817] {strides = array<i32>} : memref<64x128xf32, #tpu.memory_space<vmem>>, vector<1x16xf32>,
          %parallel_loop3A_819 = vector.shape_cast %parallel_loop3A_818 : vector<1x16xf32> to vector<16xf32>
          %parallel_loop3A_820 = vector.shape_cast %parallel_loop3A_815 : vector<16xf32> to vector<1x16xf32>
          tpu.vector_store %arg25[%parallel_loop3A_816, %parallel_loop3A_817], %parallel_loop3A_820 {strides = array<i32>} : memref<64x128xf32, #tpu.memory_space<vmem>>, vector<1x16xf32>,
          %parallel_loop3A_821 = arith.constant 6 : i32
          %parallel_loop3A_822 = vector.broadcast %parallel_loop3A_821 : i32 to vector<16x1xi32>
          %parallel_loop3A_823 = vector.shape_cast %parallel_loop3A_822 : vector<16x1xi32> to vector<16xi32>
          %parallel_loop3A_824 = tpu.dynamic_gather %parallel_loop3A_731[%parallel_loop3A_823] in [0] : vector<16xf32>, vector<16xi32> -> vector<16xf32>
          %parallel_loop3A_825 = arith.index_cast %parallel_loop3A_717 : i32 to index
          %parallel_loop3A_826 = arith.constant 96 : index
          %parallel_loop3A_827 = tpu.vector_load %arg25[%parallel_loop3A_825, %parallel_loop3A_826] {strides = array<i32>} : memref<64x128xf32, #tpu.memory_space<vmem>>, vector<1x16xf32>,
          %parallel_loop3A_828 = vector.shape_cast %parallel_loop3A_827 : vector<1x16xf32> to vector<16xf32>
          %parallel_loop3A_829 = arith.mulf %parallel_loop3A_828, %parallel_loop3A_824 : vector<16xf32>
          %parallel_loop3A_830 = arith.index_cast %parallel_loop3A_717 : i32 to index
          %parallel_loop3A_831 = arith.constant 96 : index
          %parallel_loop3A_832 = tpu.vector_load %arg25[%parallel_loop3A_830, %parallel_loop3A_831] {strides = array<i32>} : memref<64x128xf32, #tpu.memory_space<vmem>>, vector<1x16xf32>,
          %parallel_loop3A_833 = vector.shape_cast %parallel_loop3A_832 : vector<1x16xf32> to vector<16xf32>
          %parallel_loop3A_834 = vector.shape_cast %parallel_loop3A_829 : vector<16xf32> to vector<1x16xf32>
          tpu.vector_store %arg25[%parallel_loop3A_830, %parallel_loop3A_831], %parallel_loop3A_834 {strides = array<i32>} : memref<64x128xf32, #tpu.memory_space<vmem>>, vector<1x16xf32>,
          %parallel_loop3A_835 = arith.constant 7 : i32
          %parallel_loop3A_836 = vector.broadcast %parallel_loop3A_835 : i32 to vector<16x1xi32>
          %parallel_loop3A_837 = vector.shape_cast %parallel_loop3A_836 : vector<16x1xi32> to vector<16xi32>
          %parallel_loop3A_838 = tpu.dynamic_gather %parallel_loop3A_731[%parallel_loop3A_837] in [0] : vector<16xf32>, vector<16xi32> -> vector<16xf32>
          %parallel_loop3A_839 = arith.index_cast %parallel_loop3A_717 : i32 to index
          %parallel_loop3A_840 = arith.constant 112 : index
          %parallel_loop3A_841 = tpu.vector_load %arg25[%parallel_loop3A_839, %parallel_loop3A_840] {strides = array<i32>} : memref<64x128xf32, #tpu.memory_space<vmem>>, vector<1x16xf32>,
          %parallel_loop3A_842 = vector.shape_cast %parallel_loop3A_841 : vector<1x16xf32> to vector<16xf32>
          %parallel_loop3A_843 = arith.mulf %parallel_loop3A_842, %parallel_loop3A_838 : vector<16xf32>
          %parallel_loop3A_844 = arith.index_cast %parallel_loop3A_717 : i32 to index
          %parallel_loop3A_845 = arith.constant 112 : index
          %parallel_loop3A_846 = tpu.vector_load %arg25[%parallel_loop3A_844, %parallel_loop3A_845] {strides = array<i32>} : memref<64x128xf32, #tpu.memory_space<vmem>>, vector<1x16xf32>,
          %parallel_loop3A_847 = vector.shape_cast %parallel_loop3A_846 : vector<1x16xf32> to vector<16xf32>
          %parallel_loop3A_848 = vector.shape_cast %parallel_loop3A_843 : vector<16xf32> to vector<1x16xf32>
          tpu.vector_store %arg25[%parallel_loop3A_844, %parallel_loop3A_845], %parallel_loop3A_848 {strides = array<i32>} : memref<64x128xf32, #tpu.memory_space<vmem>>, vector<1x16xf32>,
        } {sc.loop_unroll_factor = 1 : i64, sc.parallel_access}
        %ge3A_542 = arith.cmpi sge, %add3A_538, %select_n3A : i32
        %convert_element_type3A_543 = arith.extui %ge3A_542 : i1 to i32
        %cond3A_544 = arith.constant 0 : i32
        %cond3A_545 = arith.cmpi ne, %convert_element_type3A_543, %cond3A_544 : i32
        scf.if %cond3A_545 {
          %scan3A_717 = arith.constant 0 : i32
          %scan3A_718 = arith.constant 64 : i32
          %scan3A_719 = arith.addi %scan3A_717, %scan3A_718 : i32
          %scan3A_720 = arith.constant 1 : i32
          scf.for %scan3A_722 = %scan3A_717 to %scan3A_719 step %scan3A_720  : i32 {
            %mul3A_723 = arith.constant 1 : i32
            %mul3A_724 = arith.muli %scan3A_722, %mul3A_723 : i32
            %add3A_725 = arith.constant 0 : i32
            %add3A_726 = arith.addi %add3A_725, %mul3A_724 : i32
            %broadcast_in_dim3A = arith.constant 0.000000e+00 : f32
            %broadcast_in_dim3A_727 = vector.broadcast %broadcast_in_dim3A : f32 to vector<16xf32>
            %swap3A = arith.index_cast %add3A_726 : i32 to index
            %swap3A_728 = arith.constant 0 : index
            %swap3A_729 = tpu.vector_load %arg24[%swap3A, %swap3A_728] {strides = array<i32>} : memref<64x16xf32, #tpu.memory_space<vmem>>, vector<1x16xf32>,
            %swap3A_730 = vector.shape_cast %swap3A_729 : vector<1x16xf32> to vector<16xf32>
            %swap3A_731 = vector.shape_cast %broadcast_in_dim3A_727 : vector<16xf32> to vector<1x16xf32>
            tpu.vector_store %arg24[%swap3A, %swap3A_728], %swap3A_731 {strides = array<i32>} : memref<64x16xf32, #tpu.memory_space<vmem>>, vector<1x16xf32>,
            %broadcast_in_dim3A_732 = arith.constant 0.000000e+00 : f32
            %broadcast_in_dim3A_733 = vector.broadcast %broadcast_in_dim3A_732 : f32 to vector<16xf32>
            %swap3A_734 = arith.index_cast %add3A_726 : i32 to index
            %swap3A_735 = arith.constant 0 : index
            %swap3A_736 = tpu.vector_load %arg25[%swap3A_734, %swap3A_735] {strides = array<i32>} : memref<64x128xf32, #tpu.memory_space<vmem>>, vector<1x16xf32>,
            %swap3A_737 = vector.shape_cast %swap3A_736 : vector<1x16xf32> to vector<16xf32>
            %swap3A_738 = vector.shape_cast %broadcast_in_dim3A_733 : vector<16xf32> to vector<1x16xf32>
            tpu.vector_store %arg25[%swap3A_734, %swap3A_735], %swap3A_738 {strides = array<i32>} : memref<64x128xf32, #tpu.memory_space<vmem>>, vector<1x16xf32>,
            %broadcast_in_dim3A_739 = arith.constant 0.000000e+00 : f32
            %broadcast_in_dim3A_740 = vector.broadcast %broadcast_in_dim3A_739 : f32 to vector<16xf32>
            %swap3A_741 = arith.index_cast %add3A_726 : i32 to index
            %swap3A_742 = arith.constant 16 : index
            %swap3A_743 = tpu.vector_load %arg25[%swap3A_741, %swap3A_742] {strides = array<i32>} : memref<64x128xf32, #tpu.memory_space<vmem>>, vector<1x16xf32>,
            %swap3A_744 = vector.shape_cast %swap3A_743 : vector<1x16xf32> to vector<16xf32>
            %swap3A_745 = vector.shape_cast %broadcast_in_dim3A_740 : vector<16xf32> to vector<1x16xf32>
            tpu.vector_store %arg25[%swap3A_741, %swap3A_742], %swap3A_745 {strides = array<i32>} : memref<64x128xf32, #tpu.memory_space<vmem>>, vector<1x16xf32>,
            %broadcast_in_dim3A_746 = arith.constant 0.000000e+00 : f32
            %broadcast_in_dim3A_747 = vector.broadcast %broadcast_in_dim3A_746 : f32 to vector<16xf32>
            %swap3A_748 = arith.index_cast %add3A_726 : i32 to index
            %swap3A_749 = arith.constant 32 : index
            %swap3A_750 = tpu.vector_load %arg25[%swap3A_748, %swap3A_749] {strides = array<i32>} : memref<64x128xf32, #tpu.memory_space<vmem>>, vector<1x16xf32>,
            %swap3A_751 = vector.shape_cast %swap3A_750 : vector<1x16xf32> to vector<16xf32>
            %swap3A_752 = vector.shape_cast %broadcast_in_dim3A_747 : vector<16xf32> to vector<1x16xf32>
            tpu.vector_store %arg25[%swap3A_748, %swap3A_749], %swap3A_752 {strides = array<i32>} : memref<64x128xf32, #tpu.memory_space<vmem>>, vector<1x16xf32>,
            %broadcast_in_dim3A_753 = arith.constant 0.000000e+00 : f32
            %broadcast_in_dim3A_754 = vector.broadcast %broadcast_in_dim3A_753 : f32 to vector<16xf32>
            %swap3A_755 = arith.index_cast %add3A_726 : i32 to index
            %swap3A_756 = arith.constant 48 : index
            %swap3A_757 = tpu.vector_load %arg25[%swap3A_755, %swap3A_756] {strides = array<i32>} : memref<64x128xf32, #tpu.memory_space<vmem>>, vector<1x16xf32>,
            %swap3A_758 = vector.shape_cast %swap3A_757 : vector<1x16xf32> to vector<16xf32>
            %swap3A_759 = vector.shape_cast %broadcast_in_dim3A_754 : vector<16xf32> to vector<1x16xf32>
            tpu.vector_store %arg25[%swap3A_755, %swap3A_756], %swap3A_759 {strides = array<i32>} : memref<64x128xf32, #tpu.memory_space<vmem>>, vector<1x16xf32>,
            %broadcast_in_dim3A_760 = arith.constant 0.000000e+00 : f32
            %broadcast_in_dim3A_761 = vector.broadcast %broadcast_in_dim3A_760 : f32 to vector<16xf32>
            %swap3A_762 = arith.index_cast %add3A_726 : i32 to index
            %swap3A_763 = arith.constant 64 : index
            %swap3A_764 = tpu.vector_load %arg25[%swap3A_762, %swap3A_763] {strides = array<i32>} : memref<64x128xf32, #tpu.memory_space<vmem>>, vector<1x16xf32>,
            %swap3A_765 = vector.shape_cast %swap3A_764 : vector<1x16xf32> to vector<16xf32>
            %swap3A_766 = vector.shape_cast %broadcast_in_dim3A_761 : vector<16xf32> to vector<1x16xf32>
            tpu.vector_store %arg25[%swap3A_762, %swap3A_763], %swap3A_766 {strides = array<i32>} : memref<64x128xf32, #tpu.memory_space<vmem>>, vector<1x16xf32>,
            %broadcast_in_dim3A_767 = arith.constant 0.000000e+00 : f32
            %broadcast_in_dim3A_768 = vector.broadcast %broadcast_in_dim3A_767 : f32 to vector<16xf32>
            %swap3A_769 = arith.index_cast %add3A_726 : i32 to index
            %swap3A_770 = arith.constant 80 : index
            %swap3A_771 = tpu.vector_load %arg25[%swap3A_769, %swap3A_770] {strides = array<i32>} : memref<64x128xf32, #tpu.memory_space<vmem>>, vector<1x16xf32>,
            %swap3A_772 = vector.shape_cast %swap3A_771 : vector<1x16xf32> to vector<16xf32>
            %swap3A_773 = vector.shape_cast %broadcast_in_dim3A_768 : vector<16xf32> to vector<1x16xf32>
            tpu.vector_store %arg25[%swap3A_769, %swap3A_770], %swap3A_773 {strides = array<i32>} : memref<64x128xf32, #tpu.memory_space<vmem>>, vector<1x16xf32>,
            %broadcast_in_dim3A_774 = arith.constant 0.000000e+00 : f32
            %broadcast_in_dim3A_775 = vector.broadcast %broadcast_in_dim3A_774 : f32 to vector<16xf32>
            %swap3A_776 = arith.index_cast %add3A_726 : i32 to index
            %swap3A_777 = arith.constant 96 : index
            %swap3A_778 = tpu.vector_load %arg25[%swap3A_776, %swap3A_777] {strides = array<i32>} : memref<64x128xf32, #tpu.memory_space<vmem>>, vector<1x16xf32>,
            %swap3A_779 = vector.shape_cast %swap3A_778 : vector<1x16xf32> to vector<16xf32>
            %swap3A_780 = vector.shape_cast %broadcast_in_dim3A_775 : vector<16xf32> to vector<1x16xf32>
            tpu.vector_store %arg25[%swap3A_776, %swap3A_777], %swap3A_780 {strides = array<i32>} : memref<64x128xf32, #tpu.memory_space<vmem>>, vector<1x16xf32>,
            %broadcast_in_dim3A_781 = arith.constant 0.000000e+00 : f32
            %broadcast_in_dim3A_782 = vector.broadcast %broadcast_in_dim3A_781 : f32 to vector<16xf32>
            %swap3A_783 = arith.index_cast %add3A_726 : i32 to index
            %swap3A_784 = arith.constant 112 : index
            %swap3A_785 = tpu.vector_load %arg25[%swap3A_783, %swap3A_784] {strides = array<i32>} : memref<64x128xf32, #tpu.memory_space<vmem>>, vector<1x16xf32>,
            %swap3A_786 = vector.shape_cast %swap3A_785 : vector<1x16xf32> to vector<16xf32>
            %swap3A_787 = vector.shape_cast %broadcast_in_dim3A_782 : vector<16xf32> to vector<1x16xf32>
            tpu.vector_store %arg25[%swap3A_783, %swap3A_784], %swap3A_787 {strides = array<i32>} : memref<64x128xf32, #tpu.memory_space<vmem>>, vector<1x16xf32>,
          }
          %scan3A_721 = arith.constant 64 : i32
        } else {
        }
        %dma_start3A_546 = arith.constant 1 : i32
        %dma_start3A_547 = arith.constant 0 : i32
        %dma_start3A_548 = tpu.memref_slice %arg21[%dma_start3A_546, %dma_start3A_547] : memref<2x64xi32, #tpu.memory_space<vmem>> -> memref<1x64xi32, #tpu.memory_space<vmem>>
        %dma_start3A_549 = tpu.memref_squeeze %dma_start3A_548 : memref<1x64xi32, #tpu.memory_space<vmem>> -> memref<64xi32, #tpu.memory_space<vmem>>
        %dma_start3A_550 = arith.constant 0 : i32
        %dma_start3A_551 = arith.constant 0 : i32
        %dma_start3A_552 = tpu.memref_slice %arg15[%dma_start3A_550, %dma_start3A_551] : memref<10240x16xf32, #tpu.memory_space<vmem_shared>> -> memref<10240x16xf32, #tpu.memory_space<vmem_shared>>
        tpu.enqueue_indirect_dma source(%arg24 : memref<64x16xf32, #tpu.memory_space<vmem>>) target(%dma_start3A_552 : memref<10240x16xf32, #tpu.memory_space<vmem_shared>>) offsets(%dma_start3A_549 : memref<64xi32, #tpu.memory_space<vmem>>) semaphore(%arg35 : memref<!tpu.dma_semaphore, #tpu.memory_space<semaphore_mem>>) {add = true}
        %dma_start3A_553 = arith.constant 1 : i32
        %dma_start3A_554 = arith.constant 0 : i32
        %dma_start3A_555 = tpu.memref_slice %arg21[%dma_start3A_553, %dma_start3A_554] : memref<2x64xi32, #tpu.memory_space<vmem>> -> memref<1x64xi32, #tpu.memory_space<vmem>>
        %dma_start3A_556 = tpu.memref_squeeze %dma_start3A_555 : memref<1x64xi32, #tpu.memory_space<vmem>> -> memref<64xi32, #tpu.memory_space<vmem>>
        %dma_start3A_557 = arith.constant 0 : i32
        %dma_start3A_558 = arith.constant 0 : i32
        %dma_start3A_559 = tpu.memref_slice %arg14[%dma_start3A_557, %dma_start3A_558] : memref<10240x128xf32, #tpu.memory_space<vmem_shared>> -> memref<10240x128xf32, #tpu.memory_space<vmem_shared>>
        tpu.enqueue_indirect_dma source(%arg25 : memref<64x128xf32, #tpu.memory_space<vmem>>) target(%dma_start3A_559 : memref<10240x128xf32, #tpu.memory_space<vmem_shared>>) offsets(%dma_start3A_556 : memref<64xi32, #tpu.memory_space<vmem>>) semaphore(%arg35 : memref<!tpu.dma_semaphore, #tpu.memory_space<semaphore_mem>>) {add = true}
        %dma_wait3A_560 = arith.constant 1 : i32
        %dma_wait3A_561 = arith.constant 0 : i32
        %dma_wait3A_562 = tpu.memref_slice %arg16[%dma_wait3A_560, %dma_wait3A_561] : memref<2x64xi32, #tpu.memory_space<vmem>> -> memref<1x64xi32, #tpu.memory_space<vmem>>
        %dma_wait3A_563 = tpu.memref_squeeze %dma_wait3A_562 : memref<1x64xi32, #tpu.memory_space<vmem>> -> memref<64xi32, #tpu.memory_space<vmem>>
        %dma_wait3A_564 = arith.constant 0 : i32
        %dma_wait3A_565 = arith.constant 0 : i32
        %dma_wait3A_566 = tpu.memref_slice %arg15[%dma_wait3A_564, %dma_wait3A_565] : memref<10240x16xf32, #tpu.memory_space<vmem_shared>> -> memref<10240x16xf32, #tpu.memory_space<vmem_shared>>
        tpu.wait_indirect_dma semaphore(%arg34 : memref<!tpu.dma_semaphore, #tpu.memory_space<semaphore_mem>>) src(%arg19 : memref<64x16xf32, #tpu.memory_space<vmem>>) dst(%dma_wait3A_566 : memref<10240x16xf32, #tpu.memory_space<vmem_shared>>)
        %dma_wait3A_567 = arith.constant 1 : i32
        %dma_wait3A_568 = arith.constant 0 : i32
        %dma_wait3A_569 = tpu.memref_slice %arg16[%dma_wait3A_567, %dma_wait3A_568] : memref<2x64xi32, #tpu.memory_space<vmem>> -> memref<1x64xi32, #tpu.memory_space<vmem>>
        %dma_wait3A_570 = tpu.memref_squeeze %dma_wait3A_569 : memref<1x64xi32, #tpu.memory_space<vmem>> -> memref<64xi32, #tpu.memory_space<vmem>>
        %dma_wait3A_571 = arith.constant 0 : i32
        %dma_wait3A_572 = arith.constant 0 : i32
        %dma_wait3A_573 = tpu.memref_slice %arg14[%dma_wait3A_571, %dma_wait3A_572] : memref<10240x128xf32, #tpu.memory_space<vmem_shared>> -> memref<10240x128xf32, #tpu.memory_space<vmem_shared>>
        tpu.wait_indirect_dma semaphore(%arg34 : memref<!tpu.dma_semaphore, #tpu.memory_space<semaphore_mem>>) src(%arg20 : memref<64x128xf32, #tpu.memory_space<vmem>>) dst(%dma_wait3A_573 : memref<10240x128xf32, #tpu.memory_space<vmem_shared>>)
        %mul3A_574 = arith.constant 3 : i32
        %mul3A_575 = arith.muli %mul3A_574, %add3A_466 : i32
        %add3A_576 = arith.constant 3 : i32
        %add3A_577 = arith.addi %mul3A_575, %add3A_576 : i32
        %lt3A = arith.cmpi slt, %add3A_577, %select_n3A : i32
        %mul3A_578 = arith.constant 16 : i32
        %mul3A_579 = arith.muli %add3A_577, %mul3A_578 : i32
        %add3A_580 = arith.addi %arg1, %mul3A_579 : i32
        %select_n3A_581 = arith.select %lt3A, %add3A_580, %arg1 : i32
        %mul3A_582 = arith.constant 64 : i32
        %mul3A_583 = arith.muli %select_n3A_581, %mul3A_582 : i32
        %dma_start3A_584 = arith.constant 0 : i32
        %dma_start3A_585 = tpu.memref_slice %arg5[%dma_start3A_584, %mul3A_583] : memref<2x160000xi32, #tpu.memory_space<hbm>> -> memref<2x64xi32, #tpu.memory_space<hbm>>
        %dma_start3A_586 = arith.constant 0 : i32
        %dma_start3A_587 = tpu.memref_slice %arg5[%dma_start3A_586, %mul3A_583] : memref<2x160000xi32, #tpu.memory_space<hbm>> -> memref<2x64xi32, #tpu.memory_space<hbm>>
        tpu.enqueue_dma source(%dma_start3A_587 : memref<2x64xi32, #tpu.memory_space<hbm>>) target(%arg16 : memref<2x64xi32, #tpu.memory_space<vmem>>) target_semaphore(%arg37 : memref<!tpu.dma_semaphore, #tpu.memory_space<semaphore_mem>>)
        %mul3A_588 = arith.constant 64 : i32
        %mul3A_589 = arith.muli %select_n3A_581, %mul3A_588 : i32
        %dma_wait3A_590 = arith.constant 0 : i32
        %dma_wait3A_591 = tpu.memref_slice %arg5[%dma_wait3A_590, %mul3A_589] : memref<2x160000xi32, #tpu.memory_space<hbm>> -> memref<2x64xi32, #tpu.memory_space<hbm>>
        %dma_wait3A_592 = arith.constant 0 : i32
        %dma_wait3A_593 = tpu.memref_slice %arg5[%dma_wait3A_592, %mul3A_589] : memref<2x160000xi32, #tpu.memory_space<hbm>> -> memref<2x64xi32, #tpu.memory_space<hbm>>
        tpu.wait_dma2 semaphore(%arg37 : memref<!tpu.dma_semaphore, #tpu.memory_space<semaphore_mem>>) src(%dma_wait3A_593 : memref<2x64xi32, #tpu.memory_space<hbm>>) dst(%arg16 : memref<2x64xi32, #tpu.memory_space<vmem>>)
        %dma_start3A_594 = arith.constant 0 : i32
        %dma_start3A_595 = arith.constant 0 : i32
        %dma_start3A_596 = tpu.memref_slice %arg16[%dma_start3A_594, %dma_start3A_595] : memref<2x64xi32, #tpu.memory_space<vmem>> -> memref<1x64xi32, #tpu.memory_space<vmem>>
        %dma_start3A_597 = tpu.memref_squeeze %dma_start3A_596 : memref<1x64xi32, #tpu.memory_space<vmem>> -> memref<64xi32, #tpu.memory_space<vmem>>
        %dma_start3A_598 = arith.constant 0 : i32
        %dma_start3A_599 = arith.constant 0 : i32
        %dma_start3A_600 = tpu.memref_slice %arg2[%dma_start3A_598, %dma_start3A_599] : memref<10000x16xf32, #tpu.memory_space<hbm>> -> memref<10000x16xf32, #tpu.memory_space<hbm>>
        tpu.enqueue_indirect_dma source(%dma_start3A_600 : memref<10000x16xf32, #tpu.memory_space<hbm>>) target(%arg17 : memref<64x16xf32, #tpu.memory_space<vmem>>) offsets(%dma_start3A_597 : memref<64xi32, #tpu.memory_space<vmem>>) semaphore(%arg31 : memref<!tpu.dma_semaphore, #tpu.memory_space<semaphore_mem>>)
        %dma_start3A_601 = arith.constant 1 : i32
        %dma_start3A_602 = arith.constant 0 : i32
        %dma_start3A_603 = tpu.memref_slice %arg16[%dma_start3A_601, %dma_start3A_602] : memref<2x64xi32, #tpu.memory_space<vmem>> -> memref<1x64xi32, #tpu.memory_space<vmem>>
        %dma_start3A_604 = tpu.memref_squeeze %dma_start3A_603 : memref<1x64xi32, #tpu.memory_space<vmem>> -> memref<64xi32, #tpu.memory_space<vmem>>
        %dma_start3A_605 = arith.constant 0 : i32
        %dma_start3A_606 = arith.constant 0 : i32
        %dma_start3A_607 = tpu.memref_slice %arg3[%dma_start3A_605, %dma_start3A_606] : memref<10000x16xf32, #tpu.memory_space<hbm>> -> memref<10000x16xf32, #tpu.memory_space<hbm>>
        tpu.enqueue_indirect_dma source(%dma_start3A_607 : memref<10000x16xf32, #tpu.memory_space<hbm>>) target(%arg18 : memref<64x16xf32, #tpu.memory_space<vmem>>) offsets(%dma_start3A_604 : memref<64xi32, #tpu.memory_space<vmem>>) semaphore(%arg31 : memref<!tpu.dma_semaphore, #tpu.memory_space<semaphore_mem>>)
        %dma_start3A_608 = arith.constant 0 : i32
        %dma_start3A_609 = arith.constant 0 : i32
        %dma_start3A_610 = tpu.memref_slice %arg16[%dma_start3A_608, %dma_start3A_609] : memref<2x64xi32, #tpu.memory_space<vmem>> -> memref<1x64xi32, #tpu.memory_space<vmem>>
        %dma_start3A_611 = tpu.memref_squeeze %dma_start3A_610 : memref<1x64xi32, #tpu.memory_space<vmem>> -> memref<64xi32, #tpu.memory_space<vmem>>
        %dma_start3A_612 = arith.constant 0 : i32
        %dma_start3A_613 = arith.constant 0 : i32
        %dma_start3A_614 = tpu.memref_slice %arg4[%dma_start3A_612, %dma_start3A_613] : memref<10000x128xf32, #tpu.memory_space<hbm>> -> memref<10000x128xf32, #tpu.memory_space<hbm>>
        tpu.enqueue_indirect_dma source(%dma_start3A_614 : memref<10000x128xf32, #tpu.memory_space<hbm>>) target(%arg20 : memref<64x128xf32, #tpu.memory_space<vmem>>) offsets(%dma_start3A_611 : memref<64xi32, #tpu.memory_space<vmem>>) semaphore(%arg31 : memref<!tpu.dma_semaphore, #tpu.memory_space<semaphore_mem>>)
        %dma_wait3A_615 = arith.constant 0 : i32
        %dma_wait3A_616 = arith.constant 0 : i32
        %dma_wait3A_617 = tpu.memref_slice %arg26[%dma_wait3A_615, %dma_wait3A_616] : memref<2x64xi32, #tpu.memory_space<vmem>> -> memref<1x64xi32, #tpu.memory_space<vmem>>
        %dma_wait3A_618 = tpu.memref_squeeze %dma_wait3A_617 : memref<1x64xi32, #tpu.memory_space<vmem>> -> memref<64xi32, #tpu.memory_space<vmem>>
        %dma_wait3A_619 = arith.constant 0 : i32
        %dma_wait3A_620 = arith.constant 0 : i32
        %dma_wait3A_621 = tpu.memref_slice %arg2[%dma_wait3A_619, %dma_wait3A_620] : memref<10000x16xf32, #tpu.memory_space<hbm>> -> memref<10000x16xf32, #tpu.memory_space<hbm>>
        tpu.wait_indirect_dma semaphore(%arg33 : memref<!tpu.dma_semaphore, #tpu.memory_space<semaphore_mem>>) src(%dma_wait3A_621 : memref<10000x16xf32, #tpu.memory_space<hbm>>) dst(%arg27 : memref<64x16xf32, #tpu.memory_space<vmem>>)
        %dma_wait3A_622 = arith.constant 1 : i32
        %dma_wait3A_623 = arith.constant 0 : i32
        %dma_wait3A_624 = tpu.memref_slice %arg26[%dma_wait3A_622, %dma_wait3A_623] : memref<2x64xi32, #tpu.memory_space<vmem>> -> memref<1x64xi32, #tpu.memory_space<vmem>>
        %dma_wait3A_625 = tpu.memref_squeeze %dma_wait3A_624 : memref<1x64xi32, #tpu.memory_space<vmem>> -> memref<64xi32, #tpu.memory_space<vmem>>
        %dma_wait3A_626 = arith.constant 0 : i32
        %dma_wait3A_627 = arith.constant 0 : i32
        %dma_wait3A_628 = tpu.memref_slice %arg3[%dma_wait3A_626, %dma_wait3A_627] : memref<10000x16xf32, #tpu.memory_space<hbm>> -> memref<10000x16xf32, #tpu.memory_space<hbm>>
        tpu.wait_indirect_dma semaphore(%arg33 : memref<!tpu.dma_semaphore, #tpu.memory_space<semaphore_mem>>) src(%dma_wait3A_628 : memref<10000x16xf32, #tpu.memory_space<hbm>>) dst(%arg28 : memref<64x16xf32, #tpu.memory_space<vmem>>)
        %dma_wait3A_629 = arith.constant 0 : i32
        %dma_wait3A_630 = arith.constant 0 : i32
        %dma_wait3A_631 = tpu.memref_slice %arg26[%dma_wait3A_629, %dma_wait3A_630] : memref<2x64xi32, #tpu.memory_space<vmem>> -> memref<1x64xi32, #tpu.memory_space<vmem>>
        %dma_wait3A_632 = tpu.memref_squeeze %dma_wait3A_631 : memref<1x64xi32, #tpu.memory_space<vmem>> -> memref<64xi32, #tpu.memory_space<vmem>>
        %dma_wait3A_633 = arith.constant 0 : i32
        %dma_wait3A_634 = arith.constant 0 : i32
        %dma_wait3A_635 = tpu.memref_slice %arg4[%dma_wait3A_633, %dma_wait3A_634] : memref<10000x128xf32, #tpu.memory_space<hbm>> -> memref<10000x128xf32, #tpu.memory_space<hbm>>
        tpu.wait_indirect_dma semaphore(%arg33 : memref<!tpu.dma_semaphore, #tpu.memory_space<semaphore_mem>>) src(%dma_wait3A_635 : memref<10000x128xf32, #tpu.memory_space<hbm>>) dst(%arg30 : memref<64x128xf32, #tpu.memory_space<vmem>>)
        %mul3A_636 = arith.constant 3 : i32
        %mul3A_637 = arith.muli %mul3A_636, %add3A_466 : i32
        %add3A_638 = arith.constant 2 : i32
        %add3A_639 = arith.addi %mul3A_637, %add3A_638 : i32
        %parallel_loop3A_640 = arith.constant 0 : i32
        %parallel_loop3A_641 = arith.constant 64 : i32
        %parallel_loop3A_642 = arith.constant 1 : i32
        scf.for %parallel_loop3A_717 = %parallel_loop3A_640 to %parallel_loop3A_641 step %parallel_loop3A_642  : i32 {
          %parallel_loop3A_718 = arith.index_cast %parallel_loop3A_717 : i32 to index
          %parallel_loop3A_719 = arith.constant 0 : index
          %parallel_loop3A_720 = tpu.vector_load %arg27[%parallel_loop3A_718, %parallel_loop3A_719] {strides = array<i32>} : memref<64x16xf32, #tpu.memory_space<vmem>>, vector<1x16xf32>,
          %parallel_loop3A_721 = vector.shape_cast %parallel_loop3A_720 : vector<1x16xf32> to vector<16xf32>
          %parallel_loop3A_722 = arith.index_cast %parallel_loop3A_717 : i32 to index
          %parallel_loop3A_723 = arith.constant 0 : index
          %parallel_loop3A_724 = tpu.vector_load %arg28[%parallel_loop3A_722, %parallel_loop3A_723] {strides = array<i32>} : memref<64x16xf32, #tpu.memory_space<vmem>>, vector<1x16xf32>,
          %parallel_loop3A_725 = vector.shape_cast %parallel_loop3A_724 : vector<1x16xf32> to vector<16xf32>
          %parallel_loop3A_726 = arith.addf %parallel_loop3A_721, %parallel_loop3A_725 : vector<16xf32>
          %parallel_loop3A_727 = arith.constant 2.000000e-01 : f32
          %parallel_loop3A_728 = vector.broadcast %parallel_loop3A_727 : f32 to vector<16xf32>
          %parallel_loop3A_729 = arith.mulf %parallel_loop3A_726, %parallel_loop3A_728 : vector<16xf32>
          %parallel_loop3A_730 = arith.maximumf %parallel_loop3A_726, %parallel_loop3A_729 : vector<16xf32>
          %parallel_loop3A_731 = math.exp %parallel_loop3A_730 : vector<16xf32>
          %parallel_loop3A_732 = arith.index_cast %parallel_loop3A_717 : i32 to index
          %parallel_loop3A_733 = arith.constant 0 : index
          %parallel_loop3A_734 = tpu.vector_load %arg29[%parallel_loop3A_732, %parallel_loop3A_733] {strides = array<i32>} : memref<64x16xf32, #tpu.memory_space<vmem>>, vector<1x16xf32>,
          %parallel_loop3A_735 = vector.shape_cast %parallel_loop3A_734 : vector<1x16xf32> to vector<16xf32>
          %parallel_loop3A_736 = vector.shape_cast %parallel_loop3A_731 : vector<16xf32> to vector<1x16xf32>
          tpu.vector_store %arg29[%parallel_loop3A_732, %parallel_loop3A_733], %parallel_loop3A_736 {strides = array<i32>} : memref<64x16xf32, #tpu.memory_space<vmem>>, vector<1x16xf32>,
          %parallel_loop3A_737 = arith.constant 0 : i32
          %parallel_loop3A_738 = vector.broadcast %parallel_loop3A_737 : i32 to vector<16x1xi32>
          %parallel_loop3A_739 = vector.shape_cast %parallel_loop3A_738 : vector<16x1xi32> to vector<16xi32>
          %parallel_loop3A_740 = tpu.dynamic_gather %parallel_loop3A_731[%parallel_loop3A_739] in [0] : vector<16xf32>, vector<16xi32> -> vector<16xf32>
          %parallel_loop3A_741 = arith.index_cast %parallel_loop3A_717 : i32 to index
          %parallel_loop3A_742 = arith.constant 0 : index
          %parallel_loop3A_743 = tpu.vector_load %arg30[%parallel_loop3A_741, %parallel_loop3A_742] {strides = array<i32>} : memref<64x128xf32, #tpu.memory_space<vmem>>, vector<1x16xf32>,
          %parallel_loop3A_744 = vector.shape_cast %parallel_loop3A_743 : vector<1x16xf32> to vector<16xf32>
          %parallel_loop3A_745 = arith.mulf %parallel_loop3A_744, %parallel_loop3A_740 : vector<16xf32>
          %parallel_loop3A_746 = arith.index_cast %parallel_loop3A_717 : i32 to index
          %parallel_loop3A_747 = arith.constant 0 : index
          %parallel_loop3A_748 = tpu.vector_load %arg30[%parallel_loop3A_746, %parallel_loop3A_747] {strides = array<i32>} : memref<64x128xf32, #tpu.memory_space<vmem>>, vector<1x16xf32>,
          %parallel_loop3A_749 = vector.shape_cast %parallel_loop3A_748 : vector<1x16xf32> to vector<16xf32>
          %parallel_loop3A_750 = vector.shape_cast %parallel_loop3A_745 : vector<16xf32> to vector<1x16xf32>
          tpu.vector_store %arg30[%parallel_loop3A_746, %parallel_loop3A_747], %parallel_loop3A_750 {strides = array<i32>} : memref<64x128xf32, #tpu.memory_space<vmem>>, vector<1x16xf32>,
          %parallel_loop3A_751 = arith.constant 1 : i32
          %parallel_loop3A_752 = vector.broadcast %parallel_loop3A_751 : i32 to vector<16x1xi32>
          %parallel_loop3A_753 = vector.shape_cast %parallel_loop3A_752 : vector<16x1xi32> to vector<16xi32>
          %parallel_loop3A_754 = tpu.dynamic_gather %parallel_loop3A_731[%parallel_loop3A_753] in [0] : vector<16xf32>, vector<16xi32> -> vector<16xf32>
          %parallel_loop3A_755 = arith.index_cast %parallel_loop3A_717 : i32 to index
          %parallel_loop3A_756 = arith.constant 16 : index
          %parallel_loop3A_757 = tpu.vector_load %arg30[%parallel_loop3A_755, %parallel_loop3A_756] {strides = array<i32>} : memref<64x128xf32, #tpu.memory_space<vmem>>, vector<1x16xf32>,
          %parallel_loop3A_758 = vector.shape_cast %parallel_loop3A_757 : vector<1x16xf32> to vector<16xf32>
          %parallel_loop3A_759 = arith.mulf %parallel_loop3A_758, %parallel_loop3A_754 : vector<16xf32>
          %parallel_loop3A_760 = arith.index_cast %parallel_loop3A_717 : i32 to index
          %parallel_loop3A_761 = arith.constant 16 : index
          %parallel_loop3A_762 = tpu.vector_load %arg30[%parallel_loop3A_760, %parallel_loop3A_761] {strides = array<i32>} : memref<64x128xf32, #tpu.memory_space<vmem>>, vector<1x16xf32>,
          %parallel_loop3A_763 = vector.shape_cast %parallel_loop3A_762 : vector<1x16xf32> to vector<16xf32>
          %parallel_loop3A_764 = vector.shape_cast %parallel_loop3A_759 : vector<16xf32> to vector<1x16xf32>
          tpu.vector_store %arg30[%parallel_loop3A_760, %parallel_loop3A_761], %parallel_loop3A_764 {strides = array<i32>} : memref<64x128xf32, #tpu.memory_space<vmem>>, vector<1x16xf32>,
          %parallel_loop3A_765 = arith.constant 2 : i32
          %parallel_loop3A_766 = vector.broadcast %parallel_loop3A_765 : i32 to vector<16x1xi32>
          %parallel_loop3A_767 = vector.shape_cast %parallel_loop3A_766 : vector<16x1xi32> to vector<16xi32>
          %parallel_loop3A_768 = tpu.dynamic_gather %parallel_loop3A_731[%parallel_loop3A_767] in [0] : vector<16xf32>, vector<16xi32> -> vector<16xf32>
          %parallel_loop3A_769 = arith.index_cast %parallel_loop3A_717 : i32 to index
          %parallel_loop3A_770 = arith.constant 32 : index
          %parallel_loop3A_771 = tpu.vector_load %arg30[%parallel_loop3A_769, %parallel_loop3A_770] {strides = array<i32>} : memref<64x128xf32, #tpu.memory_space<vmem>>, vector<1x16xf32>,
          %parallel_loop3A_772 = vector.shape_cast %parallel_loop3A_771 : vector<1x16xf32> to vector<16xf32>
          %parallel_loop3A_773 = arith.mulf %parallel_loop3A_772, %parallel_loop3A_768 : vector<16xf32>
          %parallel_loop3A_774 = arith.index_cast %parallel_loop3A_717 : i32 to index
          %parallel_loop3A_775 = arith.constant 32 : index
          %parallel_loop3A_776 = tpu.vector_load %arg30[%parallel_loop3A_774, %parallel_loop3A_775] {strides = array<i32>} : memref<64x128xf32, #tpu.memory_space<vmem>>, vector<1x16xf32>,
          %parallel_loop3A_777 = vector.shape_cast %parallel_loop3A_776 : vector<1x16xf32> to vector<16xf32>
          %parallel_loop3A_778 = vector.shape_cast %parallel_loop3A_773 : vector<16xf32> to vector<1x16xf32>
          tpu.vector_store %arg30[%parallel_loop3A_774, %parallel_loop3A_775], %parallel_loop3A_778 {strides = array<i32>} : memref<64x128xf32, #tpu.memory_space<vmem>>, vector<1x16xf32>,
          %parallel_loop3A_779 = arith.constant 3 : i32
          %parallel_loop3A_780 = vector.broadcast %parallel_loop3A_779 : i32 to vector<16x1xi32>
          %parallel_loop3A_781 = vector.shape_cast %parallel_loop3A_780 : vector<16x1xi32> to vector<16xi32>
          %parallel_loop3A_782 = tpu.dynamic_gather %parallel_loop3A_731[%parallel_loop3A_781] in [0] : vector<16xf32>, vector<16xi32> -> vector<16xf32>
          %parallel_loop3A_783 = arith.index_cast %parallel_loop3A_717 : i32 to index
          %parallel_loop3A_784 = arith.constant 48 : index
          %parallel_loop3A_785 = tpu.vector_load %arg30[%parallel_loop3A_783, %parallel_loop3A_784] {strides = array<i32>} : memref<64x128xf32, #tpu.memory_space<vmem>>, vector<1x16xf32>,
          %parallel_loop3A_786 = vector.shape_cast %parallel_loop3A_785 : vector<1x16xf32> to vector<16xf32>
          %parallel_loop3A_787 = arith.mulf %parallel_loop3A_786, %parallel_loop3A_782 : vector<16xf32>
          %parallel_loop3A_788 = arith.index_cast %parallel_loop3A_717 : i32 to index
          %parallel_loop3A_789 = arith.constant 48 : index
          %parallel_loop3A_790 = tpu.vector_load %arg30[%parallel_loop3A_788, %parallel_loop3A_789] {strides = array<i32>} : memref<64x128xf32, #tpu.memory_space<vmem>>, vector<1x16xf32>,
          %parallel_loop3A_791 = vector.shape_cast %parallel_loop3A_790 : vector<1x16xf32> to vector<16xf32>
          %parallel_loop3A_792 = vector.shape_cast %parallel_loop3A_787 : vector<16xf32> to vector<1x16xf32>
          tpu.vector_store %arg30[%parallel_loop3A_788, %parallel_loop3A_789], %parallel_loop3A_792 {strides = array<i32>} : memref<64x128xf32, #tpu.memory_space<vmem>>, vector<1x16xf32>,
          %parallel_loop3A_793 = arith.constant 4 : i32
          %parallel_loop3A_794 = vector.broadcast %parallel_loop3A_793 : i32 to vector<16x1xi32>
          %parallel_loop3A_795 = vector.shape_cast %parallel_loop3A_794 : vector<16x1xi32> to vector<16xi32>
          %parallel_loop3A_796 = tpu.dynamic_gather %parallel_loop3A_731[%parallel_loop3A_795] in [0] : vector<16xf32>, vector<16xi32> -> vector<16xf32>
          %parallel_loop3A_797 = arith.index_cast %parallel_loop3A_717 : i32 to index
          %parallel_loop3A_798 = arith.constant 64 : index
          %parallel_loop3A_799 = tpu.vector_load %arg30[%parallel_loop3A_797, %parallel_loop3A_798] {strides = array<i32>} : memref<64x128xf32, #tpu.memory_space<vmem>>, vector<1x16xf32>,
          %parallel_loop3A_800 = vector.shape_cast %parallel_loop3A_799 : vector<1x16xf32> to vector<16xf32>
          %parallel_loop3A_801 = arith.mulf %parallel_loop3A_800, %parallel_loop3A_796 : vector<16xf32>
          %parallel_loop3A_802 = arith.index_cast %parallel_loop3A_717 : i32 to index
          %parallel_loop3A_803 = arith.constant 64 : index
          %parallel_loop3A_804 = tpu.vector_load %arg30[%parallel_loop3A_802, %parallel_loop3A_803] {strides = array<i32>} : memref<64x128xf32, #tpu.memory_space<vmem>>, vector<1x16xf32>,
          %parallel_loop3A_805 = vector.shape_cast %parallel_loop3A_804 : vector<1x16xf32> to vector<16xf32>
          %parallel_loop3A_806 = vector.shape_cast %parallel_loop3A_801 : vector<16xf32> to vector<1x16xf32>
          tpu.vector_store %arg30[%parallel_loop3A_802, %parallel_loop3A_803], %parallel_loop3A_806 {strides = array<i32>} : memref<64x128xf32, #tpu.memory_space<vmem>>, vector<1x16xf32>,
          %parallel_loop3A_807 = arith.constant 5 : i32
          %parallel_loop3A_808 = vector.broadcast %parallel_loop3A_807 : i32 to vector<16x1xi32>
          %parallel_loop3A_809 = vector.shape_cast %parallel_loop3A_808 : vector<16x1xi32> to vector<16xi32>
          %parallel_loop3A_810 = tpu.dynamic_gather %parallel_loop3A_731[%parallel_loop3A_809] in [0] : vector<16xf32>, vector<16xi32> -> vector<16xf32>
          %parallel_loop3A_811 = arith.index_cast %parallel_loop3A_717 : i32 to index
          %parallel_loop3A_812 = arith.constant 80 : index
          %parallel_loop3A_813 = tpu.vector_load %arg30[%parallel_loop3A_811, %parallel_loop3A_812] {strides = array<i32>} : memref<64x128xf32, #tpu.memory_space<vmem>>, vector<1x16xf32>,
          %parallel_loop3A_814 = vector.shape_cast %parallel_loop3A_813 : vector<1x16xf32> to vector<16xf32>
          %parallel_loop3A_815 = arith.mulf %parallel_loop3A_814, %parallel_loop3A_810 : vector<16xf32>
          %parallel_loop3A_816 = arith.index_cast %parallel_loop3A_717 : i32 to index
          %parallel_loop3A_817 = arith.constant 80 : index
          %parallel_loop3A_818 = tpu.vector_load %arg30[%parallel_loop3A_816, %parallel_loop3A_817] {strides = array<i32>} : memref<64x128xf32, #tpu.memory_space<vmem>>, vector<1x16xf32>,
          %parallel_loop3A_819 = vector.shape_cast %parallel_loop3A_818 : vector<1x16xf32> to vector<16xf32>
          %parallel_loop3A_820 = vector.shape_cast %parallel_loop3A_815 : vector<16xf32> to vector<1x16xf32>
          tpu.vector_store %arg30[%parallel_loop3A_816, %parallel_loop3A_817], %parallel_loop3A_820 {strides = array<i32>} : memref<64x128xf32, #tpu.memory_space<vmem>>, vector<1x16xf32>,
          %parallel_loop3A_821 = arith.constant 6 : i32
          %parallel_loop3A_822 = vector.broadcast %parallel_loop3A_821 : i32 to vector<16x1xi32>
          %parallel_loop3A_823 = vector.shape_cast %parallel_loop3A_822 : vector<16x1xi32> to vector<16xi32>
          %parallel_loop3A_824 = tpu.dynamic_gather %parallel_loop3A_731[%parallel_loop3A_823] in [0] : vector<16xf32>, vector<16xi32> -> vector<16xf32>
          %parallel_loop3A_825 = arith.index_cast %parallel_loop3A_717 : i32 to index
          %parallel_loop3A_826 = arith.constant 96 : index
          %parallel_loop3A_827 = tpu.vector_load %arg30[%parallel_loop3A_825, %parallel_loop3A_826] {strides = array<i32>} : memref<64x128xf32, #tpu.memory_space<vmem>>, vector<1x16xf32>,
          %parallel_loop3A_828 = vector.shape_cast %parallel_loop3A_827 : vector<1x16xf32> to vector<16xf32>
          %parallel_loop3A_829 = arith.mulf %parallel_loop3A_828, %parallel_loop3A_824 : vector<16xf32>
          %parallel_loop3A_830 = arith.index_cast %parallel_loop3A_717 : i32 to index
          %parallel_loop3A_831 = arith.constant 96 : index
          %parallel_loop3A_832 = tpu.vector_load %arg30[%parallel_loop3A_830, %parallel_loop3A_831] {strides = array<i32>} : memref<64x128xf32, #tpu.memory_space<vmem>>, vector<1x16xf32>,
          %parallel_loop3A_833 = vector.shape_cast %parallel_loop3A_832 : vector<1x16xf32> to vector<16xf32>
          %parallel_loop3A_834 = vector.shape_cast %parallel_loop3A_829 : vector<16xf32> to vector<1x16xf32>
          tpu.vector_store %arg30[%parallel_loop3A_830, %parallel_loop3A_831], %parallel_loop3A_834 {strides = array<i32>} : memref<64x128xf32, #tpu.memory_space<vmem>>, vector<1x16xf32>,
          %parallel_loop3A_835 = arith.constant 7 : i32
          %parallel_loop3A_836 = vector.broadcast %parallel_loop3A_835 : i32 to vector<16x1xi32>
          %parallel_loop3A_837 = vector.shape_cast %parallel_loop3A_836 : vector<16x1xi32> to vector<16xi32>
          %parallel_loop3A_838 = tpu.dynamic_gather %parallel_loop3A_731[%parallel_loop3A_837] in [0] : vector<16xf32>, vector<16xi32> -> vector<16xf32>
          %parallel_loop3A_839 = arith.index_cast %parallel_loop3A_717 : i32 to index
          %parallel_loop3A_840 = arith.constant 112 : index
          %parallel_loop3A_841 = tpu.vector_load %arg30[%parallel_loop3A_839, %parallel_loop3A_840] {strides = array<i32>} : memref<64x128xf32, #tpu.memory_space<vmem>>, vector<1x16xf32>,
          %parallel_loop3A_842 = vector.shape_cast %parallel_loop3A_841 : vector<1x16xf32> to vector<16xf32>
          %parallel_loop3A_843 = arith.mulf %parallel_loop3A_842, %parallel_loop3A_838 : vector<16xf32>
          %parallel_loop3A_844 = arith.index_cast %parallel_loop3A_717 : i32 to index
          %parallel_loop3A_845 = arith.constant 112 : index
          %parallel_loop3A_846 = tpu.vector_load %arg30[%parallel_loop3A_844, %parallel_loop3A_845] {strides = array<i32>} : memref<64x128xf32, #tpu.memory_space<vmem>>, vector<1x16xf32>,
          %parallel_loop3A_847 = vector.shape_cast %parallel_loop3A_846 : vector<1x16xf32> to vector<16xf32>
          %parallel_loop3A_848 = vector.shape_cast %parallel_loop3A_843 : vector<16xf32> to vector<1x16xf32>
          tpu.vector_store %arg30[%parallel_loop3A_844, %parallel_loop3A_845], %parallel_loop3A_848 {strides = array<i32>} : memref<64x128xf32, #tpu.memory_space<vmem>>, vector<1x16xf32>,
        } {sc.loop_unroll_factor = 1 : i64, sc.parallel_access}
        %ge3A_643 = arith.cmpi sge, %add3A_639, %select_n3A : i32
        %convert_element_type3A_644 = arith.extui %ge3A_643 : i1 to i32
        %cond3A_645 = arith.constant 0 : i32
        %cond3A_646 = arith.cmpi ne, %convert_element_type3A_644, %cond3A_645 : i32
        scf.if %cond3A_646 {
          %scan3A_717 = arith.constant 0 : i32
          %scan3A_718 = arith.constant 64 : i32
          %scan3A_719 = arith.addi %scan3A_717, %scan3A_718 : i32
          %scan3A_720 = arith.constant 1 : i32
          scf.for %scan3A_722 = %scan3A_717 to %scan3A_719 step %scan3A_720  : i32 {
            %mul3A_723 = arith.constant 1 : i32
            %mul3A_724 = arith.muli %scan3A_722, %mul3A_723 : i32
            %add3A_725 = arith.constant 0 : i32
            %add3A_726 = arith.addi %add3A_725, %mul3A_724 : i32
            %broadcast_in_dim3A = arith.constant 0.000000e+00 : f32
            %broadcast_in_dim3A_727 = vector.broadcast %broadcast_in_dim3A : f32 to vector<16xf32>
            %swap3A = arith.index_cast %add3A_726 : i32 to index
            %swap3A_728 = arith.constant 0 : index
            %swap3A_729 = tpu.vector_load %arg29[%swap3A, %swap3A_728] {strides = array<i32>} : memref<64x16xf32, #tpu.memory_space<vmem>>, vector<1x16xf32>,
            %swap3A_730 = vector.shape_cast %swap3A_729 : vector<1x16xf32> to vector<16xf32>
            %swap3A_731 = vector.shape_cast %broadcast_in_dim3A_727 : vector<16xf32> to vector<1x16xf32>
            tpu.vector_store %arg29[%swap3A, %swap3A_728], %swap3A_731 {strides = array<i32>} : memref<64x16xf32, #tpu.memory_space<vmem>>, vector<1x16xf32>,
            %broadcast_in_dim3A_732 = arith.constant 0.000000e+00 : f32
            %broadcast_in_dim3A_733 = vector.broadcast %broadcast_in_dim3A_732 : f32 to vector<16xf32>
            %swap3A_734 = arith.index_cast %add3A_726 : i32 to index
            %swap3A_735 = arith.constant 0 : index
            %swap3A_736 = tpu.vector_load %arg30[%swap3A_734, %swap3A_735] {strides = array<i32>} : memref<64x128xf32, #tpu.memory_space<vmem>>, vector<1x16xf32>,
            %swap3A_737 = vector.shape_cast %swap3A_736 : vector<1x16xf32> to vector<16xf32>
            %swap3A_738 = vector.shape_cast %broadcast_in_dim3A_733 : vector<16xf32> to vector<1x16xf32>
            tpu.vector_store %arg30[%swap3A_734, %swap3A_735], %swap3A_738 {strides = array<i32>} : memref<64x128xf32, #tpu.memory_space<vmem>>, vector<1x16xf32>,
            %broadcast_in_dim3A_739 = arith.constant 0.000000e+00 : f32
            %broadcast_in_dim3A_740 = vector.broadcast %broadcast_in_dim3A_739 : f32 to vector<16xf32>
            %swap3A_741 = arith.index_cast %add3A_726 : i32 to index
            %swap3A_742 = arith.constant 16 : index
            %swap3A_743 = tpu.vector_load %arg30[%swap3A_741, %swap3A_742] {strides = array<i32>} : memref<64x128xf32, #tpu.memory_space<vmem>>, vector<1x16xf32>,
            %swap3A_744 = vector.shape_cast %swap3A_743 : vector<1x16xf32> to vector<16xf32>
            %swap3A_745 = vector.shape_cast %broadcast_in_dim3A_740 : vector<16xf32> to vector<1x16xf32>
            tpu.vector_store %arg30[%swap3A_741, %swap3A_742], %swap3A_745 {strides = array<i32>} : memref<64x128xf32, #tpu.memory_space<vmem>>, vector<1x16xf32>,
            %broadcast_in_dim3A_746 = arith.constant 0.000000e+00 : f32
            %broadcast_in_dim3A_747 = vector.broadcast %broadcast_in_dim3A_746 : f32 to vector<16xf32>
            %swap3A_748 = arith.index_cast %add3A_726 : i32 to index
            %swap3A_749 = arith.constant 32 : index
            %swap3A_750 = tpu.vector_load %arg30[%swap3A_748, %swap3A_749] {strides = array<i32>} : memref<64x128xf32, #tpu.memory_space<vmem>>, vector<1x16xf32>,
            %swap3A_751 = vector.shape_cast %swap3A_750 : vector<1x16xf32> to vector<16xf32>
            %swap3A_752 = vector.shape_cast %broadcast_in_dim3A_747 : vector<16xf32> to vector<1x16xf32>
            tpu.vector_store %arg30[%swap3A_748, %swap3A_749], %swap3A_752 {strides = array<i32>} : memref<64x128xf32, #tpu.memory_space<vmem>>, vector<1x16xf32>,
            %broadcast_in_dim3A_753 = arith.constant 0.000000e+00 : f32
            %broadcast_in_dim3A_754 = vector.broadcast %broadcast_in_dim3A_753 : f32 to vector<16xf32>
            %swap3A_755 = arith.index_cast %add3A_726 : i32 to index
            %swap3A_756 = arith.constant 48 : index
            %swap3A_757 = tpu.vector_load %arg30[%swap3A_755, %swap3A_756] {strides = array<i32>} : memref<64x128xf32, #tpu.memory_space<vmem>>, vector<1x16xf32>,
            %swap3A_758 = vector.shape_cast %swap3A_757 : vector<1x16xf32> to vector<16xf32>
            %swap3A_759 = vector.shape_cast %broadcast_in_dim3A_754 : vector<16xf32> to vector<1x16xf32>
            tpu.vector_store %arg30[%swap3A_755, %swap3A_756], %swap3A_759 {strides = array<i32>} : memref<64x128xf32, #tpu.memory_space<vmem>>, vector<1x16xf32>,
            %broadcast_in_dim3A_760 = arith.constant 0.000000e+00 : f32
            %broadcast_in_dim3A_761 = vector.broadcast %broadcast_in_dim3A_760 : f32 to vector<16xf32>
            %swap3A_762 = arith.index_cast %add3A_726 : i32 to index
            %swap3A_763 = arith.constant 64 : index
            %swap3A_764 = tpu.vector_load %arg30[%swap3A_762, %swap3A_763] {strides = array<i32>} : memref<64x128xf32, #tpu.memory_space<vmem>>, vector<1x16xf32>,
            %swap3A_765 = vector.shape_cast %swap3A_764 : vector<1x16xf32> to vector<16xf32>
            %swap3A_766 = vector.shape_cast %broadcast_in_dim3A_761 : vector<16xf32> to vector<1x16xf32>
            tpu.vector_store %arg30[%swap3A_762, %swap3A_763], %swap3A_766 {strides = array<i32>} : memref<64x128xf32, #tpu.memory_space<vmem>>, vector<1x16xf32>,
            %broadcast_in_dim3A_767 = arith.constant 0.000000e+00 : f32
            %broadcast_in_dim3A_768 = vector.broadcast %broadcast_in_dim3A_767 : f32 to vector<16xf32>
            %swap3A_769 = arith.index_cast %add3A_726 : i32 to index
            %swap3A_770 = arith.constant 80 : index
            %swap3A_771 = tpu.vector_load %arg30[%swap3A_769, %swap3A_770] {strides = array<i32>} : memref<64x128xf32, #tpu.memory_space<vmem>>, vector<1x16xf32>,
            %swap3A_772 = vector.shape_cast %swap3A_771 : vector<1x16xf32> to vector<16xf32>
            %swap3A_773 = vector.shape_cast %broadcast_in_dim3A_768 : vector<16xf32> to vector<1x16xf32>
            tpu.vector_store %arg30[%swap3A_769, %swap3A_770], %swap3A_773 {strides = array<i32>} : memref<64x128xf32, #tpu.memory_space<vmem>>, vector<1x16xf32>,
            %broadcast_in_dim3A_774 = arith.constant 0.000000e+00 : f32
            %broadcast_in_dim3A_775 = vector.broadcast %broadcast_in_dim3A_774 : f32 to vector<16xf32>
            %swap3A_776 = arith.index_cast %add3A_726 : i32 to index
            %swap3A_777 = arith.constant 96 : index
            %swap3A_778 = tpu.vector_load %arg30[%swap3A_776, %swap3A_777] {strides = array<i32>} : memref<64x128xf32, #tpu.memory_space<vmem>>, vector<1x16xf32>,
            %swap3A_779 = vector.shape_cast %swap3A_778 : vector<1x16xf32> to vector<16xf32>
            %swap3A_780 = vector.shape_cast %broadcast_in_dim3A_775 : vector<16xf32> to vector<1x16xf32>
            tpu.vector_store %arg30[%swap3A_776, %swap3A_777], %swap3A_780 {strides = array<i32>} : memref<64x128xf32, #tpu.memory_space<vmem>>, vector<1x16xf32>,
            %broadcast_in_dim3A_781 = arith.constant 0.000000e+00 : f32
            %broadcast_in_dim3A_782 = vector.broadcast %broadcast_in_dim3A_781 : f32 to vector<16xf32>
            %swap3A_783 = arith.index_cast %add3A_726 : i32 to index
            %swap3A_784 = arith.constant 112 : index
            %swap3A_785 = tpu.vector_load %arg30[%swap3A_783, %swap3A_784] {strides = array<i32>} : memref<64x128xf32, #tpu.memory_space<vmem>>, vector<1x16xf32>,
            %swap3A_786 = vector.shape_cast %swap3A_785 : vector<1x16xf32> to vector<16xf32>
            %swap3A_787 = vector.shape_cast %broadcast_in_dim3A_782 : vector<16xf32> to vector<1x16xf32>
            tpu.vector_store %arg30[%swap3A_783, %swap3A_784], %swap3A_787 {strides = array<i32>} : memref<64x128xf32, #tpu.memory_space<vmem>>, vector<1x16xf32>,
          }
          %scan3A_721 = arith.constant 64 : i32
        } else {
        }
        %dma_start3A_647 = arith.constant 1 : i32
        %dma_start3A_648 = arith.constant 0 : i32
        %dma_start3A_649 = tpu.memref_slice %arg26[%dma_start3A_647, %dma_start3A_648] : memref<2x64xi32, #tpu.memory_space<vmem>> -> memref<1x64xi32, #tpu.memory_space<vmem>>
        %dma_start3A_650 = tpu.memref_squeeze %dma_start3A_649 : memref<1x64xi32, #tpu.memory_space<vmem>> -> memref<64xi32, #tpu.memory_space<vmem>>
        %dma_start3A_651 = arith.constant 0 : i32
        %dma_start3A_652 = arith.constant 0 : i32
        %dma_start3A_653 = tpu.memref_slice %arg15[%dma_start3A_651, %dma_start3A_652] : memref<10240x16xf32, #tpu.memory_space<vmem_shared>> -> memref<10240x16xf32, #tpu.memory_space<vmem_shared>>
        tpu.enqueue_indirect_dma source(%arg29 : memref<64x16xf32, #tpu.memory_space<vmem>>) target(%dma_start3A_653 : memref<10240x16xf32, #tpu.memory_space<vmem_shared>>) offsets(%dma_start3A_650 : memref<64xi32, #tpu.memory_space<vmem>>) semaphore(%arg36 : memref<!tpu.dma_semaphore, #tpu.memory_space<semaphore_mem>>) {add = true}
        %dma_start3A_654 = arith.constant 1 : i32
        %dma_start3A_655 = arith.constant 0 : i32
        %dma_start3A_656 = tpu.memref_slice %arg26[%dma_start3A_654, %dma_start3A_655] : memref<2x64xi32, #tpu.memory_space<vmem>> -> memref<1x64xi32, #tpu.memory_space<vmem>>
        %dma_start3A_657 = tpu.memref_squeeze %dma_start3A_656 : memref<1x64xi32, #tpu.memory_space<vmem>> -> memref<64xi32, #tpu.memory_space<vmem>>
        %dma_start3A_658 = arith.constant 0 : i32
        %dma_start3A_659 = arith.constant 0 : i32
        %dma_start3A_660 = tpu.memref_slice %arg14[%dma_start3A_658, %dma_start3A_659] : memref<10240x128xf32, #tpu.memory_space<vmem_shared>> -> memref<10240x128xf32, #tpu.memory_space<vmem_shared>>
        tpu.enqueue_indirect_dma source(%arg30 : memref<64x128xf32, #tpu.memory_space<vmem>>) target(%dma_start3A_660 : memref<10240x128xf32, #tpu.memory_space<vmem_shared>>) offsets(%dma_start3A_657 : memref<64xi32, #tpu.memory_space<vmem>>) semaphore(%arg36 : memref<!tpu.dma_semaphore, #tpu.memory_space<semaphore_mem>>) {add = true}
        %dma_wait3A_661 = arith.constant 1 : i32
        %dma_wait3A_662 = arith.constant 0 : i32
        %dma_wait3A_663 = tpu.memref_slice %arg21[%dma_wait3A_661, %dma_wait3A_662] : memref<2x64xi32, #tpu.memory_space<vmem>> -> memref<1x64xi32, #tpu.memory_space<vmem>>
        %dma_wait3A_664 = tpu.memref_squeeze %dma_wait3A_663 : memref<1x64xi32, #tpu.memory_space<vmem>> -> memref<64xi32, #tpu.memory_space<vmem>>
        %dma_wait3A_665 = arith.constant 0 : i32
        %dma_wait3A_666 = arith.constant 0 : i32
        %dma_wait3A_667 = tpu.memref_slice %arg15[%dma_wait3A_665, %dma_wait3A_666] : memref<10240x16xf32, #tpu.memory_space<vmem_shared>> -> memref<10240x16xf32, #tpu.memory_space<vmem_shared>>
        tpu.wait_indirect_dma semaphore(%arg35 : memref<!tpu.dma_semaphore, #tpu.memory_space<semaphore_mem>>) src(%arg24 : memref<64x16xf32, #tpu.memory_space<vmem>>) dst(%dma_wait3A_667 : memref<10240x16xf32, #tpu.memory_space<vmem_shared>>)
        %dma_wait3A_668 = arith.constant 1 : i32
        %dma_wait3A_669 = arith.constant 0 : i32
        %dma_wait3A_670 = tpu.memref_slice %arg21[%dma_wait3A_668, %dma_wait3A_669] : memref<2x64xi32, #tpu.memory_space<vmem>> -> memref<1x64xi32, #tpu.memory_space<vmem>>
        %dma_wait3A_671 = tpu.memref_squeeze %dma_wait3A_670 : memref<1x64xi32, #tpu.memory_space<vmem>> -> memref<64xi32, #tpu.memory_space<vmem>>
        %dma_wait3A_672 = arith.constant 0 : i32
        %dma_wait3A_673 = arith.constant 0 : i32
        %dma_wait3A_674 = tpu.memref_slice %arg14[%dma_wait3A_672, %dma_wait3A_673] : memref<10240x128xf32, #tpu.memory_space<vmem_shared>> -> memref<10240x128xf32, #tpu.memory_space<vmem_shared>>
        tpu.wait_indirect_dma semaphore(%arg35 : memref<!tpu.dma_semaphore, #tpu.memory_space<semaphore_mem>>) src(%arg25 : memref<64x128xf32, #tpu.memory_space<vmem>>) dst(%dma_wait3A_674 : memref<10240x128xf32, #tpu.memory_space<vmem_shared>>)
        %mul3A_675 = arith.constant 3 : i32
        %mul3A_676 = arith.muli %mul3A_675, %add3A_466 : i32
        %add3A_677 = arith.constant 4 : i32
        %add3A_678 = arith.addi %mul3A_676, %add3A_677 : i32
        %lt3A_679 = arith.cmpi slt, %add3A_678, %select_n3A : i32
        %mul3A_680 = arith.constant 16 : i32
        %mul3A_681 = arith.muli %add3A_678, %mul3A_680 : i32
        %add3A_682 = arith.addi %arg1, %mul3A_681 : i32
        %select_n3A_683 = arith.select %lt3A_679, %add3A_682, %arg1 : i32
        %mul3A_684 = arith.constant 64 : i32
        %mul3A_685 = arith.muli %select_n3A_683, %mul3A_684 : i32
        %dma_start3A_686 = arith.constant 0 : i32
        %dma_start3A_687 = tpu.memref_slice %arg5[%dma_start3A_686, %mul3A_685] : memref<2x160000xi32, #tpu.memory_space<hbm>> -> memref<2x64xi32, #tpu.memory_space<hbm>>
        %dma_start3A_688 = arith.constant 0 : i32
        %dma_start3A_689 = tpu.memref_slice %arg5[%dma_start3A_688, %mul3A_685] : memref<2x160000xi32, #tpu.memory_space<hbm>> -> memref<2x64xi32, #tpu.memory_space<hbm>>
        tpu.enqueue_dma source(%dma_start3A_689 : memref<2x64xi32, #tpu.memory_space<hbm>>) target(%arg21 : memref<2x64xi32, #tpu.memory_space<vmem>>) target_semaphore(%arg38 : memref<!tpu.dma_semaphore, #tpu.memory_space<semaphore_mem>>)
        %mul3A_690 = arith.constant 64 : i32
        %mul3A_691 = arith.muli %select_n3A_683, %mul3A_690 : i32
        %dma_wait3A_692 = arith.constant 0 : i32
        %dma_wait3A_693 = tpu.memref_slice %arg5[%dma_wait3A_692, %mul3A_691] : memref<2x160000xi32, #tpu.memory_space<hbm>> -> memref<2x64xi32, #tpu.memory_space<hbm>>
        %dma_wait3A_694 = arith.constant 0 : i32
        %dma_wait3A_695 = tpu.memref_slice %arg5[%dma_wait3A_694, %mul3A_691] : memref<2x160000xi32, #tpu.memory_space<hbm>> -> memref<2x64xi32, #tpu.memory_space<hbm>>
        tpu.wait_dma2 semaphore(%arg38 : memref<!tpu.dma_semaphore, #tpu.memory_space<semaphore_mem>>) src(%dma_wait3A_695 : memref<2x64xi32, #tpu.memory_space<hbm>>) dst(%arg21 : memref<2x64xi32, #tpu.memory_space<vmem>>)
        %dma_start3A_696 = arith.constant 0 : i32
        %dma_start3A_697 = arith.constant 0 : i32
        %dma_start3A_698 = tpu.memref_slice %arg21[%dma_start3A_696, %dma_start3A_697] : memref<2x64xi32, #tpu.memory_space<vmem>> -> memref<1x64xi32, #tpu.memory_space<vmem>>
        %dma_start3A_699 = tpu.memref_squeeze %dma_start3A_698 : memref<1x64xi32, #tpu.memory_space<vmem>> -> memref<64xi32, #tpu.memory_space<vmem>>
        %dma_start3A_700 = arith.constant 0 : i32
        %dma_start3A_701 = arith.constant 0 : i32
        %dma_start3A_702 = tpu.memref_slice %arg2[%dma_start3A_700, %dma_start3A_701] : memref<10000x16xf32, #tpu.memory_space<hbm>> -> memref<10000x16xf32, #tpu.memory_space<hbm>>
        tpu.enqueue_indirect_dma source(%dma_start3A_702 : memref<10000x16xf32, #tpu.memory_space<hbm>>) target(%arg22 : memref<64x16xf32, #tpu.memory_space<vmem>>) offsets(%dma_start3A_699 : memref<64xi32, #tpu.memory_space<vmem>>) semaphore(%arg32 : memref<!tpu.dma_semaphore, #tpu.memory_space<semaphore_mem>>)
        %dma_start3A_703 = arith.constant 1 : i32
        %dma_start3A_704 = arith.constant 0 : i32
        %dma_start3A_705 = tpu.memref_slice %arg21[%dma_start3A_703, %dma_start3A_704] : memref<2x64xi32, #tpu.memory_space<vmem>> -> memref<1x64xi32, #tpu.memory_space<vmem>>
        %dma_start3A_706 = tpu.memref_squeeze %dma_start3A_705 : memref<1x64xi32, #tpu.memory_space<vmem>> -> memref<64xi32, #tpu.memory_space<vmem>>
        %dma_start3A_707 = arith.constant 0 : i32
        %dma_start3A_708 = arith.constant 0 : i32
        %dma_start3A_709 = tpu.memref_slice %arg3[%dma_start3A_707, %dma_start3A_708] : memref<10000x16xf32, #tpu.memory_space<hbm>> -> memref<10000x16xf32, #tpu.memory_space<hbm>>
        tpu.enqueue_indirect_dma source(%dma_start3A_709 : memref<10000x16xf32, #tpu.memory_space<hbm>>) target(%arg23 : memref<64x16xf32, #tpu.memory_space<vmem>>) offsets(%dma_start3A_706 : memref<64xi32, #tpu.memory_space<vmem>>) semaphore(%arg32 : memref<!tpu.dma_semaphore, #tpu.memory_space<semaphore_mem>>)
        %dma_start3A_710 = arith.constant 0 : i32
        %dma_start3A_711 = arith.constant 0 : i32
        %dma_start3A_712 = tpu.memref_slice %arg21[%dma_start3A_710, %dma_start3A_711] : memref<2x64xi32, #tpu.memory_space<vmem>> -> memref<1x64xi32, #tpu.memory_space<vmem>>
        %dma_start3A_713 = tpu.memref_squeeze %dma_start3A_712 : memref<1x64xi32, #tpu.memory_space<vmem>> -> memref<64xi32, #tpu.memory_space<vmem>>
        %dma_start3A_714 = arith.constant 0 : i32
        %dma_start3A_715 = arith.constant 0 : i32
        %dma_start3A_716 = tpu.memref_slice %arg4[%dma_start3A_714, %dma_start3A_715] : memref<10000x128xf32, #tpu.memory_space<hbm>> -> memref<10000x128xf32, #tpu.memory_space<hbm>>
        tpu.enqueue_indirect_dma source(%dma_start3A_716 : memref<10000x128xf32, #tpu.memory_space<hbm>>) target(%arg25 : memref<64x128xf32, #tpu.memory_space<vmem>>) offsets(%dma_start3A_713 : memref<64xi32, #tpu.memory_space<vmem>>) semaphore(%arg32 : memref<!tpu.dma_semaphore, #tpu.memory_space<semaphore_mem>>)
      }
      %scan3A_388 = arith.constant 53 : i32
      %dma_wait3A_389 = arith.constant 0 : i32
      %dma_wait3A_390 = arith.constant 0 : i32
      %dma_wait3A_391 = tpu.memref_slice %arg16[%dma_wait3A_389, %dma_wait3A_390] : memref<2x64xi32, #tpu.memory_space<vmem>> -> memref<1x64xi32, #tpu.memory_space<vmem>>
      %dma_wait3A_392 = tpu.memref_squeeze %dma_wait3A_391 : memref<1x64xi32, #tpu.memory_space<vmem>> -> memref<64xi32, #tpu.memory_space<vmem>>
      %dma_wait3A_393 = arith.constant 0 : i32
      %dma_wait3A_394 = arith.constant 0 : i32
      %dma_wait3A_395 = tpu.memref_slice %arg2[%dma_wait3A_393, %dma_wait3A_394] : memref<10000x16xf32, #tpu.memory_space<hbm>> -> memref<10000x16xf32, #tpu.memory_space<hbm>>
      tpu.wait_indirect_dma semaphore(%arg31 : memref<!tpu.dma_semaphore, #tpu.memory_space<semaphore_mem>>) src(%dma_wait3A_395 : memref<10000x16xf32, #tpu.memory_space<hbm>>) dst(%arg17 : memref<64x16xf32, #tpu.memory_space<vmem>>)
      %dma_wait3A_396 = arith.constant 1 : i32
      %dma_wait3A_397 = arith.constant 0 : i32
      %dma_wait3A_398 = tpu.memref_slice %arg16[%dma_wait3A_396, %dma_wait3A_397] : memref<2x64xi32, #tpu.memory_space<vmem>> -> memref<1x64xi32, #tpu.memory_space<vmem>>
      %dma_wait3A_399 = tpu.memref_squeeze %dma_wait3A_398 : memref<1x64xi32, #tpu.memory_space<vmem>> -> memref<64xi32, #tpu.memory_space<vmem>>
      %dma_wait3A_400 = arith.constant 0 : i32
      %dma_wait3A_401 = arith.constant 0 : i32
      %dma_wait3A_402 = tpu.memref_slice %arg3[%dma_wait3A_400, %dma_wait3A_401] : memref<10000x16xf32, #tpu.memory_space<hbm>> -> memref<10000x16xf32, #tpu.memory_space<hbm>>
      tpu.wait_indirect_dma semaphore(%arg31 : memref<!tpu.dma_semaphore, #tpu.memory_space<semaphore_mem>>) src(%dma_wait3A_402 : memref<10000x16xf32, #tpu.memory_space<hbm>>) dst(%arg18 : memref<64x16xf32, #tpu.memory_space<vmem>>)
      %dma_wait3A_403 = arith.constant 0 : i32
      %dma_wait3A_404 = arith.constant 0 : i32
      %dma_wait3A_405 = tpu.memref_slice %arg16[%dma_wait3A_403, %dma_wait3A_404] : memref<2x64xi32, #tpu.memory_space<vmem>> -> memref<1x64xi32, #tpu.memory_space<vmem>>
      %dma_wait3A_406 = tpu.memref_squeeze %dma_wait3A_405 : memref<1x64xi32, #tpu.memory_space<vmem>> -> memref<64xi32, #tpu.memory_space<vmem>>
      %dma_wait3A_407 = arith.constant 0 : i32
      %dma_wait3A_408 = arith.constant 0 : i32
      %dma_wait3A_409 = tpu.memref_slice %arg4[%dma_wait3A_407, %dma_wait3A_408] : memref<10000x128xf32, #tpu.memory_space<hbm>> -> memref<10000x128xf32, #tpu.memory_space<hbm>>
      tpu.wait_indirect_dma semaphore(%arg31 : memref<!tpu.dma_semaphore, #tpu.memory_space<semaphore_mem>>) src(%dma_wait3A_409 : memref<10000x128xf32, #tpu.memory_space<hbm>>) dst(%arg20 : memref<64x128xf32, #tpu.memory_space<vmem>>)
      %dma_wait3A_410 = arith.constant 0 : i32
      %dma_wait3A_411 = arith.constant 0 : i32
      %dma_wait3A_412 = tpu.memref_slice %arg21[%dma_wait3A_410, %dma_wait3A_411] : memref<2x64xi32, #tpu.memory_space<vmem>> -> memref<1x64xi32, #tpu.memory_space<vmem>>
      %dma_wait3A_413 = tpu.memref_squeeze %dma_wait3A_412 : memref<1x64xi32, #tpu.memory_space<vmem>> -> memref<64xi32, #tpu.memory_space<vmem>>
      %dma_wait3A_414 = arith.constant 0 : i32
      %dma_wait3A_415 = arith.constant 0 : i32
      %dma_wait3A_416 = tpu.memref_slice %arg2[%dma_wait3A_414, %dma_wait3A_415] : memref<10000x16xf32, #tpu.memory_space<hbm>> -> memref<10000x16xf32, #tpu.memory_space<hbm>>
      tpu.wait_indirect_dma semaphore(%arg32 : memref<!tpu.dma_semaphore, #tpu.memory_space<semaphore_mem>>) src(%dma_wait3A_416 : memref<10000x16xf32, #tpu.memory_space<hbm>>) dst(%arg22 : memref<64x16xf32, #tpu.memory_space<vmem>>)
      %dma_wait3A_417 = arith.constant 1 : i32
      %dma_wait3A_418 = arith.constant 0 : i32
      %dma_wait3A_419 = tpu.memref_slice %arg21[%dma_wait3A_417, %dma_wait3A_418] : memref<2x64xi32, #tpu.memory_space<vmem>> -> memref<1x64xi32, #tpu.memory_space<vmem>>
      %dma_wait3A_420 = tpu.memref_squeeze %dma_wait3A_419 : memref<1x64xi32, #tpu.memory_space<vmem>> -> memref<64xi32, #tpu.memory_space<vmem>>
      %dma_wait3A_421 = arith.constant 0 : i32
      %dma_wait3A_422 = arith.constant 0 : i32
      %dma_wait3A_423 = tpu.memref_slice %arg3[%dma_wait3A_421, %dma_wait3A_422] : memref<10000x16xf32, #tpu.memory_space<hbm>> -> memref<10000x16xf32, #tpu.memory_space<hbm>>
      tpu.wait_indirect_dma semaphore(%arg32 : memref<!tpu.dma_semaphore, #tpu.memory_space<semaphore_mem>>) src(%dma_wait3A_423 : memref<10000x16xf32, #tpu.memory_space<hbm>>) dst(%arg23 : memref<64x16xf32, #tpu.memory_space<vmem>>)
      %dma_wait3A_424 = arith.constant 0 : i32
      %dma_wait3A_425 = arith.constant 0 : i32
      %dma_wait3A_426 = tpu.memref_slice %arg21[%dma_wait3A_424, %dma_wait3A_425] : memref<2x64xi32, #tpu.memory_space<vmem>> -> memref<1x64xi32, #tpu.memory_space<vmem>>
      %dma_wait3A_427 = tpu.memref_squeeze %dma_wait3A_426 : memref<1x64xi32, #tpu.memory_space<vmem>> -> memref<64xi32, #tpu.memory_space<vmem>>
      %dma_wait3A_428 = arith.constant 0 : i32
      %dma_wait3A_429 = arith.constant 0 : i32
      %dma_wait3A_430 = tpu.memref_slice %arg4[%dma_wait3A_428, %dma_wait3A_429] : memref<10000x128xf32, #tpu.memory_space<hbm>> -> memref<10000x128xf32, #tpu.memory_space<hbm>>
      tpu.wait_indirect_dma semaphore(%arg32 : memref<!tpu.dma_semaphore, #tpu.memory_space<semaphore_mem>>) src(%dma_wait3A_430 : memref<10000x128xf32, #tpu.memory_space<hbm>>) dst(%arg25 : memref<64x128xf32, #tpu.memory_space<vmem>>)
      %dma_wait3A_431 = arith.constant 1 : i32
      %dma_wait3A_432 = arith.constant 0 : i32
      %dma_wait3A_433 = tpu.memref_slice %arg26[%dma_wait3A_431, %dma_wait3A_432] : memref<2x64xi32, #tpu.memory_space<vmem>> -> memref<1x64xi32, #tpu.memory_space<vmem>>
      %dma_wait3A_434 = tpu.memref_squeeze %dma_wait3A_433 : memref<1x64xi32, #tpu.memory_space<vmem>> -> memref<64xi32, #tpu.memory_space<vmem>>
      %dma_wait3A_435 = arith.constant 0 : i32
      %dma_wait3A_436 = arith.constant 0 : i32
      %dma_wait3A_437 = tpu.memref_slice %arg15[%dma_wait3A_435, %dma_wait3A_436] : memref<10240x16xf32, #tpu.memory_space<vmem_shared>> -> memref<10240x16xf32, #tpu.memory_space<vmem_shared>>
      tpu.wait_indirect_dma semaphore(%arg36 : memref<!tpu.dma_semaphore, #tpu.memory_space<semaphore_mem>>) src(%arg29 : memref<64x16xf32, #tpu.memory_space<vmem>>) dst(%dma_wait3A_437 : memref<10240x16xf32, #tpu.memory_space<vmem_shared>>)
      %dma_wait3A_438 = arith.constant 1 : i32
      %dma_wait3A_439 = arith.constant 0 : i32
      %dma_wait3A_440 = tpu.memref_slice %arg26[%dma_wait3A_438, %dma_wait3A_439] : memref<2x64xi32, #tpu.memory_space<vmem>> -> memref<1x64xi32, #tpu.memory_space<vmem>>
      %dma_wait3A_441 = tpu.memref_squeeze %dma_wait3A_440 : memref<1x64xi32, #tpu.memory_space<vmem>> -> memref<64xi32, #tpu.memory_space<vmem>>
      %dma_wait3A_442 = arith.constant 0 : i32
      %dma_wait3A_443 = arith.constant 0 : i32
      %dma_wait3A_444 = tpu.memref_slice %arg14[%dma_wait3A_442, %dma_wait3A_443] : memref<10240x128xf32, #tpu.memory_space<vmem_shared>> -> memref<10240x128xf32, #tpu.memory_space<vmem_shared>>
      tpu.wait_indirect_dma semaphore(%arg36 : memref<!tpu.dma_semaphore, #tpu.memory_space<semaphore_mem>>) src(%arg30 : memref<64x128xf32, #tpu.memory_space<vmem>>) dst(%dma_wait3A_444 : memref<10240x128xf32, #tpu.memory_space<vmem_shared>>)
      %barrier3A_445 = arith.constant 0 : index
      tpu.barrier barrier_id(%barrier3A_445)
      %dma_start3A_446 = arith.constant 0 : i32
      %dma_start3A_447 = tpu.memref_slice %arg10[%mul3A_32, %dma_start3A_446] : memref<10240x128xf32, #tpu.memory_space<hbm>> -> memref<640x128xf32, #tpu.memory_space<hbm>>
      %dma_start3A_448 = arith.constant 0 : i32
      %dma_start3A_449 = tpu.memref_slice %arg14[%mul3A_32, %dma_start3A_448] : memref<10240x128xf32, #tpu.memory_space<vmem_shared>> -> memref<640x128xf32, #tpu.memory_space<vmem_shared>>
      tpu.enqueue_dma source(%dma_start3A_449 : memref<640x128xf32, #tpu.memory_space<vmem_shared>>) target(%dma_start3A_447 : memref<640x128xf32, #tpu.memory_space<hbm>>) target_semaphore(%arg31 : memref<!tpu.dma_semaphore, #tpu.memory_space<semaphore_mem>>)
      %dma_start3A_450 = arith.constant 0 : i32
      %dma_start3A_451 = tpu.memref_slice %arg11[%mul3A_32, %dma_start3A_450] : memref<10240x16xf32, #tpu.memory_space<hbm>> -> memref<640x16xf32, #tpu.memory_space<hbm>>
      %dma_start3A_452 = arith.constant 0 : i32
      %dma_start3A_453 = tpu.memref_slice %arg15[%mul3A_32, %dma_start3A_452] : memref<10240x16xf32, #tpu.memory_space<vmem_shared>> -> memref<640x16xf32, #tpu.memory_space<vmem_shared>>
      tpu.enqueue_dma source(%dma_start3A_453 : memref<640x16xf32, #tpu.memory_space<vmem_shared>>) target(%dma_start3A_451 : memref<640x16xf32, #tpu.memory_space<hbm>>) target_semaphore(%arg32 : memref<!tpu.dma_semaphore, #tpu.memory_space<semaphore_mem>>)
      %dma_wait3A_454 = arith.constant 0 : i32
      %dma_wait3A_455 = tpu.memref_slice %arg10[%mul3A_32, %dma_wait3A_454] : memref<10240x128xf32, #tpu.memory_space<hbm>> -> memref<640x128xf32, #tpu.memory_space<hbm>>
      %dma_wait3A_456 = arith.constant 0 : i32
      %dma_wait3A_457 = tpu.memref_slice %arg14[%mul3A_32, %dma_wait3A_456] : memref<10240x128xf32, #tpu.memory_space<vmem_shared>> -> memref<640x128xf32, #tpu.memory_space<vmem_shared>>
      tpu.wait_dma2 semaphore(%arg31 : memref<!tpu.dma_semaphore, #tpu.memory_space<semaphore_mem>>) src(%dma_wait3A_457 : memref<640x128xf32, #tpu.memory_space<vmem_shared>>) dst(%dma_wait3A_455 : memref<640x128xf32, #tpu.memory_space<hbm>>)
      %dma_wait3A_458 = arith.constant 0 : i32
      %dma_wait3A_459 = tpu.memref_slice %arg11[%mul3A_32, %dma_wait3A_458] : memref<10240x16xf32, #tpu.memory_space<hbm>> -> memref<640x16xf32, #tpu.memory_space<hbm>>
      %dma_wait3A_460 = arith.constant 0 : i32
      %dma_wait3A_461 = tpu.memref_slice %arg15[%mul3A_32, %dma_wait3A_460] : memref<10240x16xf32, #tpu.memory_space<vmem_shared>> -> memref<640x16xf32, #tpu.memory_space<vmem_shared>>
      tpu.wait_dma2 semaphore(%arg32 : memref<!tpu.dma_semaphore, #tpu.memory_space<semaphore_mem>>) src(%dma_wait3A_461 : memref<640x16xf32, #tpu.memory_space<vmem_shared>>) dst(%dma_wait3A_459 : memref<640x16xf32, #tpu.memory_space<hbm>>)
    } else {
    }
    %eq3A_2 = arith.constant 1 : i32
    %eq3A_3 = arith.cmpi eq, %arg0, %eq3A_2 : i32
    %convert_element_type3A_4 = arith.extui %eq3A_3 : i1 to i32
    %cond3A_5 = arith.constant 0 : i32
    %cond3A_6 = arith.cmpi ne, %convert_element_type3A_4, %cond3A_5 : i32
    scf.if %cond3A_6 {
      %sub3A = arith.constant 2500 : i32
      %sub3A_7 = arith.subi %sub3A, %arg1 : i32
      %add3A = arith.constant 16 : i32
      %add3A_8 = arith.addi %sub3A_7, %add3A : i32
      %sub3A_9 = arith.constant 1 : i32
      %sub3A_10 = arith.subi %add3A_8, %sub3A_9 : i32
      %jit3A = arith.constant 16 : i32
      %div3A = arith.divsi %sub3A_10, %jit3A : i32
      %sign3A = arith.constant 0 : i32
      %sign3A_11 = arith.cmpi sgt, %sub3A_10, %sign3A : i32
      %sign3A_12 = arith.extui %sign3A_11 : i1 to i32
      %sign3A_13 = arith.constant 0 : i32
      %sign3A_14 = arith.cmpi slt, %sub3A_10, %sign3A_13 : i32
      %sign3A_15 = arith.extui %sign3A_14 : i1 to i32
      %sign3A_16 = arith.subi %sign3A_12, %sign3A_15 : i32
      %sign3A_17 = arith.constant 0 : i32
      %sign3A_18 = arith.cmpi sgt, %jit3A, %sign3A_17 : i32
      %sign3A_19 = arith.extui %sign3A_18 : i1 to i32
      %sign3A_20 = arith.constant 0 : i32
      %sign3A_21 = arith.cmpi slt, %jit3A, %sign3A_20 : i32
      %sign3A_22 = arith.extui %sign3A_21 : i1 to i32
      %sign3A_23 = arith.subi %sign3A_19, %sign3A_22 : i32
      %ne3A = arith.cmpi ne, %sign3A_16, %sign3A_23 : i32
      %rem3A = arith.remsi %sub3A_10, %jit3A : i32
      %ne3A_24 = arith.constant 0 : i32
      %ne3A_25 = arith.cmpi ne, %rem3A, %ne3A_24 : i32
      %and3A = arith.andi %ne3A, %ne3A_25 : i1
      %sub3A_26 = arith.constant 1 : i32
      %sub3A_27 = arith.subi %div3A, %sub3A_26 : i32
      %select_n3A = arith.select %and3A, %sub3A_27, %div3A : i32
      %scan3A = arith.constant 0 : i32
      %scan3A_28 = arith.constant 64 : i32
      %scan3A_29 = arith.addi %scan3A, %scan3A_28 : i32
      %scan3A_30 = arith.constant 1 : i32
      scf.for %scan3A_462 = %scan3A to %scan3A_29 step %scan3A_30  : i32 {
        %mul3A_463 = arith.constant 1 : i32
        %mul3A_464 = arith.muli %scan3A_462, %mul3A_463 : i32
        %add3A_465 = arith.constant 0 : i32
        %add3A_466 = arith.addi %add3A_465, %mul3A_464 : i32
        %broadcast_in_dim3A = arith.constant 0.000000e+00 : f32
        %broadcast_in_dim3A_467 = vector.broadcast %broadcast_in_dim3A : f32 to vector<16xf32>
        %swap3A = arith.index_cast %add3A_466 : i32 to index
        %swap3A_468 = arith.constant 0 : index
        %swap3A_469 = tpu.vector_load %arg19[%swap3A, %swap3A_468] {strides = array<i32>} : memref<64x16xf32, #tpu.memory_space<vmem>>, vector<1x16xf32>,
        %swap3A_470 = vector.shape_cast %swap3A_469 : vector<1x16xf32> to vector<16xf32>
        %swap3A_471 = vector.shape_cast %broadcast_in_dim3A_467 : vector<16xf32> to vector<1x16xf32>
        tpu.vector_store %arg19[%swap3A, %swap3A_468], %swap3A_471 {strides = array<i32>} : memref<64x16xf32, #tpu.memory_space<vmem>>, vector<1x16xf32>,
        %broadcast_in_dim3A_472 = arith.constant 0.000000e+00 : f32
        %broadcast_in_dim3A_473 = vector.broadcast %broadcast_in_dim3A_472 : f32 to vector<16xf32>
        %swap3A_474 = arith.index_cast %add3A_466 : i32 to index
        %swap3A_475 = arith.constant 0 : index
        %swap3A_476 = tpu.vector_load %arg20[%swap3A_474, %swap3A_475] {strides = array<i32>} : memref<64x128xf32, #tpu.memory_space<vmem>>, vector<1x16xf32>,
        %swap3A_477 = vector.shape_cast %swap3A_476 : vector<1x16xf32> to vector<16xf32>
        %swap3A_478 = vector.shape_cast %broadcast_in_dim3A_473 : vector<16xf32> to vector<1x16xf32>
        tpu.vector_store %arg20[%swap3A_474, %swap3A_475], %swap3A_478 {strides = array<i32>} : memref<64x128xf32, #tpu.memory_space<vmem>>, vector<1x16xf32>,
        %broadcast_in_dim3A_479 = arith.constant 0.000000e+00 : f32
        %broadcast_in_dim3A_480 = vector.broadcast %broadcast_in_dim3A_479 : f32 to vector<16xf32>
        %swap3A_481 = arith.index_cast %add3A_466 : i32 to index
        %swap3A_482 = arith.constant 16 : index
        %swap3A_483 = tpu.vector_load %arg20[%swap3A_481, %swap3A_482] {strides = array<i32>} : memref<64x128xf32, #tpu.memory_space<vmem>>, vector<1x16xf32>,
        %swap3A_484 = vector.shape_cast %swap3A_483 : vector<1x16xf32> to vector<16xf32>
        %swap3A_485 = vector.shape_cast %broadcast_in_dim3A_480 : vector<16xf32> to vector<1x16xf32>
        tpu.vector_store %arg20[%swap3A_481, %swap3A_482], %swap3A_485 {strides = array<i32>} : memref<64x128xf32, #tpu.memory_space<vmem>>, vector<1x16xf32>,
        %broadcast_in_dim3A_486 = arith.constant 0.000000e+00 : f32
        %broadcast_in_dim3A_487 = vector.broadcast %broadcast_in_dim3A_486 : f32 to vector<16xf32>
        %swap3A_488 = arith.index_cast %add3A_466 : i32 to index
        %swap3A_489 = arith.constant 32 : index
        %swap3A_490 = tpu.vector_load %arg20[%swap3A_488, %swap3A_489] {strides = array<i32>} : memref<64x128xf32, #tpu.memory_space<vmem>>, vector<1x16xf32>,
        %swap3A_491 = vector.shape_cast %swap3A_490 : vector<1x16xf32> to vector<16xf32>
        %swap3A_492 = vector.shape_cast %broadcast_in_dim3A_487 : vector<16xf32> to vector<1x16xf32>
        tpu.vector_store %arg20[%swap3A_488, %swap3A_489], %swap3A_492 {strides = array<i32>} : memref<64x128xf32, #tpu.memory_space<vmem>>, vector<1x16xf32>,
        %broadcast_in_dim3A_493 = arith.constant 0.000000e+00 : f32
        %broadcast_in_dim3A_494 = vector.broadcast %broadcast_in_dim3A_493 : f32 to vector<16xf32>
        %swap3A_495 = arith.index_cast %add3A_466 : i32 to index
        %swap3A_496 = arith.constant 48 : index
        %swap3A_497 = tpu.vector_load %arg20[%swap3A_495, %swap3A_496] {strides = array<i32>} : memref<64x128xf32, #tpu.memory_space<vmem>>, vector<1x16xf32>,
        %swap3A_498 = vector.shape_cast %swap3A_497 : vector<1x16xf32> to vector<16xf32>
        %swap3A_499 = vector.shape_cast %broadcast_in_dim3A_494 : vector<16xf32> to vector<1x16xf32>
        tpu.vector_store %arg20[%swap3A_495, %swap3A_496], %swap3A_499 {strides = array<i32>} : memref<64x128xf32, #tpu.memory_space<vmem>>, vector<1x16xf32>,
        %broadcast_in_dim3A_500 = arith.constant 0.000000e+00 : f32
        %broadcast_in_dim3A_501 = vector.broadcast %broadcast_in_dim3A_500 : f32 to vector<16xf32>
        %swap3A_502 = arith.index_cast %add3A_466 : i32 to index
        %swap3A_503 = arith.constant 64 : index
        %swap3A_504 = tpu.vector_load %arg20[%swap3A_502, %swap3A_503] {strides = array<i32>} : memref<64x128xf32, #tpu.memory_space<vmem>>, vector<1x16xf32>,
        %swap3A_505 = vector.shape_cast %swap3A_504 : vector<1x16xf32> to vector<16xf32>
        %swap3A_506 = vector.shape_cast %broadcast_in_dim3A_501 : vector<16xf32> to vector<1x16xf32>
        tpu.vector_store %arg20[%swap3A_502, %swap3A_503], %swap3A_506 {strides = array<i32>} : memref<64x128xf32, #tpu.memory_space<vmem>>, vector<1x16xf32>,
        %broadcast_in_dim3A_507 = arith.constant 0.000000e+00 : f32
        %broadcast_in_dim3A_508 = vector.broadcast %broadcast_in_dim3A_507 : f32 to vector<16xf32>
        %swap3A_509 = arith.index_cast %add3A_466 : i32 to index
        %swap3A_510 = arith.constant 80 : index
        %swap3A_511 = tpu.vector_load %arg20[%swap3A_509, %swap3A_510] {strides = array<i32>} : memref<64x128xf32, #tpu.memory_space<vmem>>, vector<1x16xf32>,
        %swap3A_512 = vector.shape_cast %swap3A_511 : vector<1x16xf32> to vector<16xf32>
        %swap3A_513 = vector.shape_cast %broadcast_in_dim3A_508 : vector<16xf32> to vector<1x16xf32>
        tpu.vector_store %arg20[%swap3A_509, %swap3A_510], %swap3A_513 {strides = array<i32>} : memref<64x128xf32, #tpu.memory_space<vmem>>, vector<1x16xf32>,
        %broadcast_in_dim3A_514 = arith.constant 0.000000e+00 : f32
        %broadcast_in_dim3A_515 = vector.broadcast %broadcast_in_dim3A_514 : f32 to vector<16xf32>
        %swap3A_516 = arith.index_cast %add3A_466 : i32 to index
        %swap3A_517 = arith.constant 96 : index
        %swap3A_518 = tpu.vector_load %arg20[%swap3A_516, %swap3A_517] {strides = array<i32>} : memref<64x128xf32, #tpu.memory_space<vmem>>, vector<1x16xf32>,
        %swap3A_519 = vector.shape_cast %swap3A_518 : vector<1x16xf32> to vector<16xf32>
        %swap3A_520 = vector.shape_cast %broadcast_in_dim3A_515 : vector<16xf32> to vector<1x16xf32>
        tpu.vector_store %arg20[%swap3A_516, %swap3A_517], %swap3A_520 {strides = array<i32>} : memref<64x128xf32, #tpu.memory_space<vmem>>, vector<1x16xf32>,
        %broadcast_in_dim3A_521 = arith.constant 0.000000e+00 : f32
        %broadcast_in_dim3A_522 = vector.broadcast %broadcast_in_dim3A_521 : f32 to vector<16xf32>
        %swap3A_523 = arith.index_cast %add3A_466 : i32 to index
        %swap3A_524 = arith.constant 112 : index
        %swap3A_525 = tpu.vector_load %arg20[%swap3A_523, %swap3A_524] {strides = array<i32>} : memref<64x128xf32, #tpu.memory_space<vmem>>, vector<1x16xf32>,
        %swap3A_526 = vector.shape_cast %swap3A_525 : vector<1x16xf32> to vector<16xf32>
        %swap3A_527 = vector.shape_cast %broadcast_in_dim3A_522 : vector<16xf32> to vector<1x16xf32>
        tpu.vector_store %arg20[%swap3A_523, %swap3A_524], %swap3A_527 {strides = array<i32>} : memref<64x128xf32, #tpu.memory_space<vmem>>, vector<1x16xf32>,
      }
      %scan3A_31 = arith.constant 64 : i32
      %mul3A = arith.constant 640 : i32
      %mul3A_32 = arith.muli %arg1, %mul3A : i32
      %add3A_33 = arith.constant 0 : i32
      %add3A_34 = arith.addi %mul3A_32, %add3A_33 : i32
      %dma_start3A = arith.constant 0 : i32
      %dma_start3A_35 = tpu.memref_slice %arg14[%add3A_34, %dma_start3A] : memref<10240x128xf32, #tpu.memory_space<vmem_shared>> -> memref<64x128xf32, #tpu.memory_space<vmem_shared>>
      %dma_start3A_36 = arith.constant 0 : i32
      %dma_start3A_37 = tpu.memref_slice %arg14[%add3A_34, %dma_start3A_36] : memref<10240x128xf32, #tpu.memory_space<vmem_shared>> -> memref<64x128xf32, #tpu.memory_space<vmem_shared>>
      tpu.enqueue_dma source(%arg20 : memref<64x128xf32, #tpu.memory_space<vmem>>) target(%dma_start3A_37 : memref<64x128xf32, #tpu.memory_space<vmem_shared>>) target_semaphore(%arg31 : memref<!tpu.dma_semaphore, #tpu.memory_space<semaphore_mem>>)
      %add3A_38 = arith.constant 0 : i32
      %add3A_39 = arith.addi %mul3A_32, %add3A_38 : i32
      %dma_start3A_40 = arith.constant 0 : i32
      %dma_start3A_41 = tpu.memref_slice %arg15[%add3A_39, %dma_start3A_40] : memref<10240x16xf32, #tpu.memory_space<vmem_shared>> -> memref<64x16xf32, #tpu.memory_space<vmem_shared>>
      %dma_start3A_42 = arith.constant 0 : i32
      %dma_start3A_43 = tpu.memref_slice %arg15[%add3A_39, %dma_start3A_42] : memref<10240x16xf32, #tpu.memory_space<vmem_shared>> -> memref<64x16xf32, #tpu.memory_space<vmem_shared>>
      tpu.enqueue_dma source(%arg19 : memref<64x16xf32, #tpu.memory_space<vmem>>) target(%dma_start3A_43 : memref<64x16xf32, #tpu.memory_space<vmem_shared>>) target_semaphore(%arg31 : memref<!tpu.dma_semaphore, #tpu.memory_space<semaphore_mem>>)
      %add3A_44 = arith.constant 64 : i32
      %add3A_45 = arith.addi %mul3A_32, %add3A_44 : i32
      %dma_start3A_46 = arith.constant 0 : i32
      %dma_start3A_47 = tpu.memref_slice %arg14[%add3A_45, %dma_start3A_46] : memref<10240x128xf32, #tpu.memory_space<vmem_shared>> -> memref<64x128xf32, #tpu.memory_space<vmem_shared>>
      %dma_start3A_48 = arith.constant 0 : i32
      %dma_start3A_49 = tpu.memref_slice %arg14[%add3A_45, %dma_start3A_48] : memref<10240x128xf32, #tpu.memory_space<vmem_shared>> -> memref<64x128xf32, #tpu.memory_space<vmem_shared>>
      tpu.enqueue_dma source(%arg20 : memref<64x128xf32, #tpu.memory_space<vmem>>) target(%dma_start3A_49 : memref<64x128xf32, #tpu.memory_space<vmem_shared>>) target_semaphore(%arg31 : memref<!tpu.dma_semaphore, #tpu.memory_space<semaphore_mem>>)
      %add3A_50 = arith.constant 64 : i32
      %add3A_51 = arith.addi %mul3A_32, %add3A_50 : i32
      %dma_start3A_52 = arith.constant 0 : i32
      %dma_start3A_53 = tpu.memref_slice %arg15[%add3A_51, %dma_start3A_52] : memref<10240x16xf32, #tpu.memory_space<vmem_shared>> -> memref<64x16xf32, #tpu.memory_space<vmem_shared>>
      %dma_start3A_54 = arith.constant 0 : i32
      %dma_start3A_55 = tpu.memref_slice %arg15[%add3A_51, %dma_start3A_54] : memref<10240x16xf32, #tpu.memory_space<vmem_shared>> -> memref<64x16xf32, #tpu.memory_space<vmem_shared>>
      tpu.enqueue_dma source(%arg19 : memref<64x16xf32, #tpu.memory_space<vmem>>) target(%dma_start3A_55 : memref<64x16xf32, #tpu.memory_space<vmem_shared>>) target_semaphore(%arg31 : memref<!tpu.dma_semaphore, #tpu.memory_space<semaphore_mem>>)
      %add3A_56 = arith.constant 128 : i32
      %add3A_57 = arith.addi %mul3A_32, %add3A_56 : i32
      %dma_start3A_58 = arith.constant 0 : i32
      %dma_start3A_59 = tpu.memref_slice %arg14[%add3A_57, %dma_start3A_58] : memref<10240x128xf32, #tpu.memory_space<vmem_shared>> -> memref<64x128xf32, #tpu.memory_space<vmem_shared>>
      %dma_start3A_60 = arith.constant 0 : i32
      %dma_start3A_61 = tpu.memref_slice %arg14[%add3A_57, %dma_start3A_60] : memref<10240x128xf32, #tpu.memory_space<vmem_shared>> -> memref<64x128xf32, #tpu.memory_space<vmem_shared>>
      tpu.enqueue_dma source(%arg20 : memref<64x128xf32, #tpu.memory_space<vmem>>) target(%dma_start3A_61 : memref<64x128xf32, #tpu.memory_space<vmem_shared>>) target_semaphore(%arg31 : memref<!tpu.dma_semaphore, #tpu.memory_space<semaphore_mem>>)
      %add3A_62 = arith.constant 128 : i32
      %add3A_63 = arith.addi %mul3A_32, %add3A_62 : i32
      %dma_start3A_64 = arith.constant 0 : i32
      %dma_start3A_65 = tpu.memref_slice %arg15[%add3A_63, %dma_start3A_64] : memref<10240x16xf32, #tpu.memory_space<vmem_shared>> -> memref<64x16xf32, #tpu.memory_space<vmem_shared>>
      %dma_start3A_66 = arith.constant 0 : i32
      %dma_start3A_67 = tpu.memref_slice %arg15[%add3A_63, %dma_start3A_66] : memref<10240x16xf32, #tpu.memory_space<vmem_shared>> -> memref<64x16xf32, #tpu.memory_space<vmem_shared>>
      tpu.enqueue_dma source(%arg19 : memref<64x16xf32, #tpu.memory_space<vmem>>) target(%dma_start3A_67 : memref<64x16xf32, #tpu.memory_space<vmem_shared>>) target_semaphore(%arg31 : memref<!tpu.dma_semaphore, #tpu.memory_space<semaphore_mem>>)
      %add3A_68 = arith.constant 192 : i32
      %add3A_69 = arith.addi %mul3A_32, %add3A_68 : i32
      %dma_start3A_70 = arith.constant 0 : i32
      %dma_start3A_71 = tpu.memref_slice %arg14[%add3A_69, %dma_start3A_70] : memref<10240x128xf32, #tpu.memory_space<vmem_shared>> -> memref<64x128xf32, #tpu.memory_space<vmem_shared>>
      %dma_start3A_72 = arith.constant 0 : i32
      %dma_start3A_73 = tpu.memref_slice %arg14[%add3A_69, %dma_start3A_72] : memref<10240x128xf32, #tpu.memory_space<vmem_shared>> -> memref<64x128xf32, #tpu.memory_space<vmem_shared>>
      tpu.enqueue_dma source(%arg20 : memref<64x128xf32, #tpu.memory_space<vmem>>) target(%dma_start3A_73 : memref<64x128xf32, #tpu.memory_space<vmem_shared>>) target_semaphore(%arg31 : memref<!tpu.dma_semaphore, #tpu.memory_space<semaphore_mem>>)
      %add3A_74 = arith.constant 192 : i32
      %add3A_75 = arith.addi %mul3A_32, %add3A_74 : i32
      %dma_start3A_76 = arith.constant 0 : i32
      %dma_start3A_77 = tpu.memref_slice %arg15[%add3A_75, %dma_start3A_76] : memref<10240x16xf32, #tpu.memory_space<vmem_shared>> -> memref<64x16xf32, #tpu.memory_space<vmem_shared>>
      %dma_start3A_78 = arith.constant 0 : i32
      %dma_start3A_79 = tpu.memref_slice %arg15[%add3A_75, %dma_start3A_78] : memref<10240x16xf32, #tpu.memory_space<vmem_shared>> -> memref<64x16xf32, #tpu.memory_space<vmem_shared>>
      tpu.enqueue_dma source(%arg19 : memref<64x16xf32, #tpu.memory_space<vmem>>) target(%dma_start3A_79 : memref<64x16xf32, #tpu.memory_space<vmem_shared>>) target_semaphore(%arg31 : memref<!tpu.dma_semaphore, #tpu.memory_space<semaphore_mem>>)
      %add3A_80 = arith.constant 256 : i32
      %add3A_81 = arith.addi %mul3A_32, %add3A_80 : i32
      %dma_start3A_82 = arith.constant 0 : i32
      %dma_start3A_83 = tpu.memref_slice %arg14[%add3A_81, %dma_start3A_82] : memref<10240x128xf32, #tpu.memory_space<vmem_shared>> -> memref<64x128xf32, #tpu.memory_space<vmem_shared>>
      %dma_start3A_84 = arith.constant 0 : i32
      %dma_start3A_85 = tpu.memref_slice %arg14[%add3A_81, %dma_start3A_84] : memref<10240x128xf32, #tpu.memory_space<vmem_shared>> -> memref<64x128xf32, #tpu.memory_space<vmem_shared>>
      tpu.enqueue_dma source(%arg20 : memref<64x128xf32, #tpu.memory_space<vmem>>) target(%dma_start3A_85 : memref<64x128xf32, #tpu.memory_space<vmem_shared>>) target_semaphore(%arg31 : memref<!tpu.dma_semaphore, #tpu.memory_space<semaphore_mem>>)
      %add3A_86 = arith.constant 256 : i32
      %add3A_87 = arith.addi %mul3A_32, %add3A_86 : i32
      %dma_start3A_88 = arith.constant 0 : i32
      %dma_start3A_89 = tpu.memref_slice %arg15[%add3A_87, %dma_start3A_88] : memref<10240x16xf32, #tpu.memory_space<vmem_shared>> -> memref<64x16xf32, #tpu.memory_space<vmem_shared>>
      %dma_start3A_90 = arith.constant 0 : i32
      %dma_start3A_91 = tpu.memref_slice %arg15[%add3A_87, %dma_start3A_90] : memref<10240x16xf32, #tpu.memory_space<vmem_shared>> -> memref<64x16xf32, #tpu.memory_space<vmem_shared>>
      tpu.enqueue_dma source(%arg19 : memref<64x16xf32, #tpu.memory_space<vmem>>) target(%dma_start3A_91 : memref<64x16xf32, #tpu.memory_space<vmem_shared>>) target_semaphore(%arg31 : memref<!tpu.dma_semaphore, #tpu.memory_space<semaphore_mem>>)
      %add3A_92 = arith.constant 320 : i32
      %add3A_93 = arith.addi %mul3A_32, %add3A_92 : i32
      %dma_start3A_94 = arith.constant 0 : i32
      %dma_start3A_95 = tpu.memref_slice %arg14[%add3A_93, %dma_start3A_94] : memref<10240x128xf32, #tpu.memory_space<vmem_shared>> -> memref<64x128xf32, #tpu.memory_space<vmem_shared>>
      %dma_start3A_96 = arith.constant 0 : i32
      %dma_start3A_97 = tpu.memref_slice %arg14[%add3A_93, %dma_start3A_96] : memref<10240x128xf32, #tpu.memory_space<vmem_shared>> -> memref<64x128xf32, #tpu.memory_space<vmem_shared>>
      tpu.enqueue_dma source(%arg20 : memref<64x128xf32, #tpu.memory_space<vmem>>) target(%dma_start3A_97 : memref<64x128xf32, #tpu.memory_space<vmem_shared>>) target_semaphore(%arg31 : memref<!tpu.dma_semaphore, #tpu.memory_space<semaphore_mem>>)
      %add3A_98 = arith.constant 320 : i32
      %add3A_99 = arith.addi %mul3A_32, %add3A_98 : i32
      %dma_start3A_100 = arith.constant 0 : i32
      %dma_start3A_101 = tpu.memref_slice %arg15[%add3A_99, %dma_start3A_100] : memref<10240x16xf32, #tpu.memory_space<vmem_shared>> -> memref<64x16xf32, #tpu.memory_space<vmem_shared>>
      %dma_start3A_102 = arith.constant 0 : i32
      %dma_start3A_103 = tpu.memref_slice %arg15[%add3A_99, %dma_start3A_102] : memref<10240x16xf32, #tpu.memory_space<vmem_shared>> -> memref<64x16xf32, #tpu.memory_space<vmem_shared>>
      tpu.enqueue_dma source(%arg19 : memref<64x16xf32, #tpu.memory_space<vmem>>) target(%dma_start3A_103 : memref<64x16xf32, #tpu.memory_space<vmem_shared>>) target_semaphore(%arg31 : memref<!tpu.dma_semaphore, #tpu.memory_space<semaphore_mem>>)
      %add3A_104 = arith.constant 384 : i32
      %add3A_105 = arith.addi %mul3A_32, %add3A_104 : i32
      %dma_start3A_106 = arith.constant 0 : i32
      %dma_start3A_107 = tpu.memref_slice %arg14[%add3A_105, %dma_start3A_106] : memref<10240x128xf32, #tpu.memory_space<vmem_shared>> -> memref<64x128xf32, #tpu.memory_space<vmem_shared>>
      %dma_start3A_108 = arith.constant 0 : i32
      %dma_start3A_109 = tpu.memref_slice %arg14[%add3A_105, %dma_start3A_108] : memref<10240x128xf32, #tpu.memory_space<vmem_shared>> -> memref<64x128xf32, #tpu.memory_space<vmem_shared>>
      tpu.enqueue_dma source(%arg20 : memref<64x128xf32, #tpu.memory_space<vmem>>) target(%dma_start3A_109 : memref<64x128xf32, #tpu.memory_space<vmem_shared>>) target_semaphore(%arg31 : memref<!tpu.dma_semaphore, #tpu.memory_space<semaphore_mem>>)
      %add3A_110 = arith.constant 384 : i32
      %add3A_111 = arith.addi %mul3A_32, %add3A_110 : i32
      %dma_start3A_112 = arith.constant 0 : i32
      %dma_start3A_113 = tpu.memref_slice %arg15[%add3A_111, %dma_start3A_112] : memref<10240x16xf32, #tpu.memory_space<vmem_shared>> -> memref<64x16xf32, #tpu.memory_space<vmem_shared>>
      %dma_start3A_114 = arith.constant 0 : i32
      %dma_start3A_115 = tpu.memref_slice %arg15[%add3A_111, %dma_start3A_114] : memref<10240x16xf32, #tpu.memory_space<vmem_shared>> -> memref<64x16xf32, #tpu.memory_space<vmem_shared>>
      tpu.enqueue_dma source(%arg19 : memref<64x16xf32, #tpu.memory_space<vmem>>) target(%dma_start3A_115 : memref<64x16xf32, #tpu.memory_space<vmem_shared>>) target_semaphore(%arg31 : memref<!tpu.dma_semaphore, #tpu.memory_space<semaphore_mem>>)
      %add3A_116 = arith.constant 448 : i32
      %add3A_117 = arith.addi %mul3A_32, %add3A_116 : i32
      %dma_start3A_118 = arith.constant 0 : i32
      %dma_start3A_119 = tpu.memref_slice %arg14[%add3A_117, %dma_start3A_118] : memref<10240x128xf32, #tpu.memory_space<vmem_shared>> -> memref<64x128xf32, #tpu.memory_space<vmem_shared>>
      %dma_start3A_120 = arith.constant 0 : i32
      %dma_start3A_121 = tpu.memref_slice %arg14[%add3A_117, %dma_start3A_120] : memref<10240x128xf32, #tpu.memory_space<vmem_shared>> -> memref<64x128xf32, #tpu.memory_space<vmem_shared>>
      tpu.enqueue_dma source(%arg20 : memref<64x128xf32, #tpu.memory_space<vmem>>) target(%dma_start3A_121 : memref<64x128xf32, #tpu.memory_space<vmem_shared>>) target_semaphore(%arg31 : memref<!tpu.dma_semaphore, #tpu.memory_space<semaphore_mem>>)
      %add3A_122 = arith.constant 448 : i32
      %add3A_123 = arith.addi %mul3A_32, %add3A_122 : i32
      %dma_start3A_124 = arith.constant 0 : i32
      %dma_start3A_125 = tpu.memref_slice %arg15[%add3A_123, %dma_start3A_124] : memref<10240x16xf32, #tpu.memory_space<vmem_shared>> -> memref<64x16xf32, #tpu.memory_space<vmem_shared>>
      %dma_start3A_126 = arith.constant 0 : i32
      %dma_start3A_127 = tpu.memref_slice %arg15[%add3A_123, %dma_start3A_126] : memref<10240x16xf32, #tpu.memory_space<vmem_shared>> -> memref<64x16xf32, #tpu.memory_space<vmem_shared>>
      tpu.enqueue_dma source(%arg19 : memref<64x16xf32, #tpu.memory_space<vmem>>) target(%dma_start3A_127 : memref<64x16xf32, #tpu.memory_space<vmem_shared>>) target_semaphore(%arg31 : memref<!tpu.dma_semaphore, #tpu.memory_space<semaphore_mem>>)
      %add3A_128 = arith.constant 512 : i32
      %add3A_129 = arith.addi %mul3A_32, %add3A_128 : i32
      %dma_start3A_130 = arith.constant 0 : i32
      %dma_start3A_131 = tpu.memref_slice %arg14[%add3A_129, %dma_start3A_130] : memref<10240x128xf32, #tpu.memory_space<vmem_shared>> -> memref<64x128xf32, #tpu.memory_space<vmem_shared>>
      %dma_start3A_132 = arith.constant 0 : i32
      %dma_start3A_133 = tpu.memref_slice %arg14[%add3A_129, %dma_start3A_132] : memref<10240x128xf32, #tpu.memory_space<vmem_shared>> -> memref<64x128xf32, #tpu.memory_space<vmem_shared>>
      tpu.enqueue_dma source(%arg20 : memref<64x128xf32, #tpu.memory_space<vmem>>) target(%dma_start3A_133 : memref<64x128xf32, #tpu.memory_space<vmem_shared>>) target_semaphore(%arg31 : memref<!tpu.dma_semaphore, #tpu.memory_space<semaphore_mem>>)
      %add3A_134 = arith.constant 512 : i32
      %add3A_135 = arith.addi %mul3A_32, %add3A_134 : i32
      %dma_start3A_136 = arith.constant 0 : i32
      %dma_start3A_137 = tpu.memref_slice %arg15[%add3A_135, %dma_start3A_136] : memref<10240x16xf32, #tpu.memory_space<vmem_shared>> -> memref<64x16xf32, #tpu.memory_space<vmem_shared>>
      %dma_start3A_138 = arith.constant 0 : i32
      %dma_start3A_139 = tpu.memref_slice %arg15[%add3A_135, %dma_start3A_138] : memref<10240x16xf32, #tpu.memory_space<vmem_shared>> -> memref<64x16xf32, #tpu.memory_space<vmem_shared>>
      tpu.enqueue_dma source(%arg19 : memref<64x16xf32, #tpu.memory_space<vmem>>) target(%dma_start3A_139 : memref<64x16xf32, #tpu.memory_space<vmem_shared>>) target_semaphore(%arg31 : memref<!tpu.dma_semaphore, #tpu.memory_space<semaphore_mem>>)
      %add3A_140 = arith.constant 576 : i32
      %add3A_141 = arith.addi %mul3A_32, %add3A_140 : i32
      %dma_start3A_142 = arith.constant 0 : i32
      %dma_start3A_143 = tpu.memref_slice %arg14[%add3A_141, %dma_start3A_142] : memref<10240x128xf32, #tpu.memory_space<vmem_shared>> -> memref<64x128xf32, #tpu.memory_space<vmem_shared>>
      %dma_start3A_144 = arith.constant 0 : i32
      %dma_start3A_145 = tpu.memref_slice %arg14[%add3A_141, %dma_start3A_144] : memref<10240x128xf32, #tpu.memory_space<vmem_shared>> -> memref<64x128xf32, #tpu.memory_space<vmem_shared>>
      tpu.enqueue_dma source(%arg20 : memref<64x128xf32, #tpu.memory_space<vmem>>) target(%dma_start3A_145 : memref<64x128xf32, #tpu.memory_space<vmem_shared>>) target_semaphore(%arg31 : memref<!tpu.dma_semaphore, #tpu.memory_space<semaphore_mem>>)
      %add3A_146 = arith.constant 576 : i32
      %add3A_147 = arith.addi %mul3A_32, %add3A_146 : i32
      %dma_start3A_148 = arith.constant 0 : i32
      %dma_start3A_149 = tpu.memref_slice %arg15[%add3A_147, %dma_start3A_148] : memref<10240x16xf32, #tpu.memory_space<vmem_shared>> -> memref<64x16xf32, #tpu.memory_space<vmem_shared>>
      %dma_start3A_150 = arith.constant 0 : i32
      %dma_start3A_151 = tpu.memref_slice %arg15[%add3A_147, %dma_start3A_150] : memref<10240x16xf32, #tpu.memory_space<vmem_shared>> -> memref<64x16xf32, #tpu.memory_space<vmem_shared>>
      tpu.enqueue_dma source(%arg19 : memref<64x16xf32, #tpu.memory_space<vmem>>) target(%dma_start3A_151 : memref<64x16xf32, #tpu.memory_space<vmem_shared>>) target_semaphore(%arg31 : memref<!tpu.dma_semaphore, #tpu.memory_space<semaphore_mem>>)
      %add3A_152 = arith.constant 0 : i32
      %add3A_153 = arith.addi %mul3A_32, %add3A_152 : i32
      %dma_wait3A = arith.constant 0 : i32
      %dma_wait3A_154 = tpu.memref_slice %arg14[%add3A_153, %dma_wait3A] : memref<10240x128xf32, #tpu.memory_space<vmem_shared>> -> memref<64x128xf32, #tpu.memory_space<vmem_shared>>
      %dma_wait3A_155 = arith.constant 0 : i32
      %dma_wait3A_156 = tpu.memref_slice %arg14[%add3A_153, %dma_wait3A_155] : memref<10240x128xf32, #tpu.memory_space<vmem_shared>> -> memref<64x128xf32, #tpu.memory_space<vmem_shared>>
      tpu.wait_dma2 semaphore(%arg31 : memref<!tpu.dma_semaphore, #tpu.memory_space<semaphore_mem>>) src(%arg20 : memref<64x128xf32, #tpu.memory_space<vmem>>) dst(%dma_wait3A_156 : memref<64x128xf32, #tpu.memory_space<vmem_shared>>)
      %add3A_157 = arith.constant 0 : i32
      %add3A_158 = arith.addi %mul3A_32, %add3A_157 : i32
      %dma_wait3A_159 = arith.constant 0 : i32
      %dma_wait3A_160 = tpu.memref_slice %arg15[%add3A_158, %dma_wait3A_159] : memref<10240x16xf32, #tpu.memory_space<vmem_shared>> -> memref<64x16xf32, #tpu.memory_space<vmem_shared>>
      %dma_wait3A_161 = arith.constant 0 : i32
      %dma_wait3A_162 = tpu.memref_slice %arg15[%add3A_158, %dma_wait3A_161] : memref<10240x16xf32, #tpu.memory_space<vmem_shared>> -> memref<64x16xf32, #tpu.memory_space<vmem_shared>>
      tpu.wait_dma2 semaphore(%arg31 : memref<!tpu.dma_semaphore, #tpu.memory_space<semaphore_mem>>) src(%arg19 : memref<64x16xf32, #tpu.memory_space<vmem>>) dst(%dma_wait3A_162 : memref<64x16xf32, #tpu.memory_space<vmem_shared>>)
      %add3A_163 = arith.constant 64 : i32
      %add3A_164 = arith.addi %mul3A_32, %add3A_163 : i32
      %dma_wait3A_165 = arith.constant 0 : i32
      %dma_wait3A_166 = tpu.memref_slice %arg14[%add3A_164, %dma_wait3A_165] : memref<10240x128xf32, #tpu.memory_space<vmem_shared>> -> memref<64x128xf32, #tpu.memory_space<vmem_shared>>
      %dma_wait3A_167 = arith.constant 0 : i32
      %dma_wait3A_168 = tpu.memref_slice %arg14[%add3A_164, %dma_wait3A_167] : memref<10240x128xf32, #tpu.memory_space<vmem_shared>> -> memref<64x128xf32, #tpu.memory_space<vmem_shared>>
      tpu.wait_dma2 semaphore(%arg31 : memref<!tpu.dma_semaphore, #tpu.memory_space<semaphore_mem>>) src(%arg20 : memref<64x128xf32, #tpu.memory_space<vmem>>) dst(%dma_wait3A_168 : memref<64x128xf32, #tpu.memory_space<vmem_shared>>)
      %add3A_169 = arith.constant 64 : i32
      %add3A_170 = arith.addi %mul3A_32, %add3A_169 : i32
      %dma_wait3A_171 = arith.constant 0 : i32
      %dma_wait3A_172 = tpu.memref_slice %arg15[%add3A_170, %dma_wait3A_171] : memref<10240x16xf32, #tpu.memory_space<vmem_shared>> -> memref<64x16xf32, #tpu.memory_space<vmem_shared>>
      %dma_wait3A_173 = arith.constant 0 : i32
      %dma_wait3A_174 = tpu.memref_slice %arg15[%add3A_170, %dma_wait3A_173] : memref<10240x16xf32, #tpu.memory_space<vmem_shared>> -> memref<64x16xf32, #tpu.memory_space<vmem_shared>>
      tpu.wait_dma2 semaphore(%arg31 : memref<!tpu.dma_semaphore, #tpu.memory_space<semaphore_mem>>) src(%arg19 : memref<64x16xf32, #tpu.memory_space<vmem>>) dst(%dma_wait3A_174 : memref<64x16xf32, #tpu.memory_space<vmem_shared>>)
      %add3A_175 = arith.constant 128 : i32
      %add3A_176 = arith.addi %mul3A_32, %add3A_175 : i32
      %dma_wait3A_177 = arith.constant 0 : i32
      %dma_wait3A_178 = tpu.memref_slice %arg14[%add3A_176, %dma_wait3A_177] : memref<10240x128xf32, #tpu.memory_space<vmem_shared>> -> memref<64x128xf32, #tpu.memory_space<vmem_shared>>
      %dma_wait3A_179 = arith.constant 0 : i32
      %dma_wait3A_180 = tpu.memref_slice %arg14[%add3A_176, %dma_wait3A_179] : memref<10240x128xf32, #tpu.memory_space<vmem_shared>> -> memref<64x128xf32, #tpu.memory_space<vmem_shared>>
      tpu.wait_dma2 semaphore(%arg31 : memref<!tpu.dma_semaphore, #tpu.memory_space<semaphore_mem>>) src(%arg20 : memref<64x128xf32, #tpu.memory_space<vmem>>) dst(%dma_wait3A_180 : memref<64x128xf32, #tpu.memory_space<vmem_shared>>)
      %add3A_181 = arith.constant 128 : i32
      %add3A_182 = arith.addi %mul3A_32, %add3A_181 : i32
      %dma_wait3A_183 = arith.constant 0 : i32
      %dma_wait3A_184 = tpu.memref_slice %arg15[%add3A_182, %dma_wait3A_183] : memref<10240x16xf32, #tpu.memory_space<vmem_shared>> -> memref<64x16xf32, #tpu.memory_space<vmem_shared>>
      %dma_wait3A_185 = arith.constant 0 : i32
      %dma_wait3A_186 = tpu.memref_slice %arg15[%add3A_182, %dma_wait3A_185] : memref<10240x16xf32, #tpu.memory_space<vmem_shared>> -> memref<64x16xf32, #tpu.memory_space<vmem_shared>>
      tpu.wait_dma2 semaphore(%arg31 : memref<!tpu.dma_semaphore, #tpu.memory_space<semaphore_mem>>) src(%arg19 : memref<64x16xf32, #tpu.memory_space<vmem>>) dst(%dma_wait3A_186 : memref<64x16xf32, #tpu.memory_space<vmem_shared>>)
      %add3A_187 = arith.constant 192 : i32
      %add3A_188 = arith.addi %mul3A_32, %add3A_187 : i32
      %dma_wait3A_189 = arith.constant 0 : i32
      %dma_wait3A_190 = tpu.memref_slice %arg14[%add3A_188, %dma_wait3A_189] : memref<10240x128xf32, #tpu.memory_space<vmem_shared>> -> memref<64x128xf32, #tpu.memory_space<vmem_shared>>
      %dma_wait3A_191 = arith.constant 0 : i32
      %dma_wait3A_192 = tpu.memref_slice %arg14[%add3A_188, %dma_wait3A_191] : memref<10240x128xf32, #tpu.memory_space<vmem_shared>> -> memref<64x128xf32, #tpu.memory_space<vmem_shared>>
      tpu.wait_dma2 semaphore(%arg31 : memref<!tpu.dma_semaphore, #tpu.memory_space<semaphore_mem>>) src(%arg20 : memref<64x128xf32, #tpu.memory_space<vmem>>) dst(%dma_wait3A_192 : memref<64x128xf32, #tpu.memory_space<vmem_shared>>)
      %add3A_193 = arith.constant 192 : i32
      %add3A_194 = arith.addi %mul3A_32, %add3A_193 : i32
      %dma_wait3A_195 = arith.constant 0 : i32
      %dma_wait3A_196 = tpu.memref_slice %arg15[%add3A_194, %dma_wait3A_195] : memref<10240x16xf32, #tpu.memory_space<vmem_shared>> -> memref<64x16xf32, #tpu.memory_space<vmem_shared>>
      %dma_wait3A_197 = arith.constant 0 : i32
      %dma_wait3A_198 = tpu.memref_slice %arg15[%add3A_194, %dma_wait3A_197] : memref<10240x16xf32, #tpu.memory_space<vmem_shared>> -> memref<64x16xf32, #tpu.memory_space<vmem_shared>>
      tpu.wait_dma2 semaphore(%arg31 : memref<!tpu.dma_semaphore, #tpu.memory_space<semaphore_mem>>) src(%arg19 : memref<64x16xf32, #tpu.memory_space<vmem>>) dst(%dma_wait3A_198 : memref<64x16xf32, #tpu.memory_space<vmem_shared>>)
      %add3A_199 = arith.constant 256 : i32
      %add3A_200 = arith.addi %mul3A_32, %add3A_199 : i32
      %dma_wait3A_201 = arith.constant 0 : i32
      %dma_wait3A_202 = tpu.memref_slice %arg14[%add3A_200, %dma_wait3A_201] : memref<10240x128xf32, #tpu.memory_space<vmem_shared>> -> memref<64x128xf32, #tpu.memory_space<vmem_shared>>
      %dma_wait3A_203 = arith.constant 0 : i32
      %dma_wait3A_204 = tpu.memref_slice %arg14[%add3A_200, %dma_wait3A_203] : memref<10240x128xf32, #tpu.memory_space<vmem_shared>> -> memref<64x128xf32, #tpu.memory_space<vmem_shared>>
      tpu.wait_dma2 semaphore(%arg31 : memref<!tpu.dma_semaphore, #tpu.memory_space<semaphore_mem>>) src(%arg20 : memref<64x128xf32, #tpu.memory_space<vmem>>) dst(%dma_wait3A_204 : memref<64x128xf32, #tpu.memory_space<vmem_shared>>)
      %add3A_205 = arith.constant 256 : i32
      %add3A_206 = arith.addi %mul3A_32, %add3A_205 : i32
      %dma_wait3A_207 = arith.constant 0 : i32
      %dma_wait3A_208 = tpu.memref_slice %arg15[%add3A_206, %dma_wait3A_207] : memref<10240x16xf32, #tpu.memory_space<vmem_shared>> -> memref<64x16xf32, #tpu.memory_space<vmem_shared>>
      %dma_wait3A_209 = arith.constant 0 : i32
      %dma_wait3A_210 = tpu.memref_slice %arg15[%add3A_206, %dma_wait3A_209] : memref<10240x16xf32, #tpu.memory_space<vmem_shared>> -> memref<64x16xf32, #tpu.memory_space<vmem_shared>>
      tpu.wait_dma2 semaphore(%arg31 : memref<!tpu.dma_semaphore, #tpu.memory_space<semaphore_mem>>) src(%arg19 : memref<64x16xf32, #tpu.memory_space<vmem>>) dst(%dma_wait3A_210 : memref<64x16xf32, #tpu.memory_space<vmem_shared>>)
      %add3A_211 = arith.constant 320 : i32
      %add3A_212 = arith.addi %mul3A_32, %add3A_211 : i32
      %dma_wait3A_213 = arith.constant 0 : i32
      %dma_wait3A_214 = tpu.memref_slice %arg14[%add3A_212, %dma_wait3A_213] : memref<10240x128xf32, #tpu.memory_space<vmem_shared>> -> memref<64x128xf32, #tpu.memory_space<vmem_shared>>
      %dma_wait3A_215 = arith.constant 0 : i32
      %dma_wait3A_216 = tpu.memref_slice %arg14[%add3A_212, %dma_wait3A_215] : memref<10240x128xf32, #tpu.memory_space<vmem_shared>> -> memref<64x128xf32, #tpu.memory_space<vmem_shared>>
      tpu.wait_dma2 semaphore(%arg31 : memref<!tpu.dma_semaphore, #tpu.memory_space<semaphore_mem>>) src(%arg20 : memref<64x128xf32, #tpu.memory_space<vmem>>) dst(%dma_wait3A_216 : memref<64x128xf32, #tpu.memory_space<vmem_shared>>)
      %add3A_217 = arith.constant 320 : i32
      %add3A_218 = arith.addi %mul3A_32, %add3A_217 : i32
      %dma_wait3A_219 = arith.constant 0 : i32
      %dma_wait3A_220 = tpu.memref_slice %arg15[%add3A_218, %dma_wait3A_219] : memref<10240x16xf32, #tpu.memory_space<vmem_shared>> -> memref<64x16xf32, #tpu.memory_space<vmem_shared>>
      %dma_wait3A_221 = arith.constant 0 : i32
      %dma_wait3A_222 = tpu.memref_slice %arg15[%add3A_218, %dma_wait3A_221] : memref<10240x16xf32, #tpu.memory_space<vmem_shared>> -> memref<64x16xf32, #tpu.memory_space<vmem_shared>>
      tpu.wait_dma2 semaphore(%arg31 : memref<!tpu.dma_semaphore, #tpu.memory_space<semaphore_mem>>) src(%arg19 : memref<64x16xf32, #tpu.memory_space<vmem>>) dst(%dma_wait3A_222 : memref<64x16xf32, #tpu.memory_space<vmem_shared>>)
      %add3A_223 = arith.constant 384 : i32
      %add3A_224 = arith.addi %mul3A_32, %add3A_223 : i32
      %dma_wait3A_225 = arith.constant 0 : i32
      %dma_wait3A_226 = tpu.memref_slice %arg14[%add3A_224, %dma_wait3A_225] : memref<10240x128xf32, #tpu.memory_space<vmem_shared>> -> memref<64x128xf32, #tpu.memory_space<vmem_shared>>
      %dma_wait3A_227 = arith.constant 0 : i32
      %dma_wait3A_228 = tpu.memref_slice %arg14[%add3A_224, %dma_wait3A_227] : memref<10240x128xf32, #tpu.memory_space<vmem_shared>> -> memref<64x128xf32, #tpu.memory_space<vmem_shared>>
      tpu.wait_dma2 semaphore(%arg31 : memref<!tpu.dma_semaphore, #tpu.memory_space<semaphore_mem>>) src(%arg20 : memref<64x128xf32, #tpu.memory_space<vmem>>) dst(%dma_wait3A_228 : memref<64x128xf32, #tpu.memory_space<vmem_shared>>)
      %add3A_229 = arith.constant 384 : i32
      %add3A_230 = arith.addi %mul3A_32, %add3A_229 : i32
      %dma_wait3A_231 = arith.constant 0 : i32
      %dma_wait3A_232 = tpu.memref_slice %arg15[%add3A_230, %dma_wait3A_231] : memref<10240x16xf32, #tpu.memory_space<vmem_shared>> -> memref<64x16xf32, #tpu.memory_space<vmem_shared>>
      %dma_wait3A_233 = arith.constant 0 : i32
      %dma_wait3A_234 = tpu.memref_slice %arg15[%add3A_230, %dma_wait3A_233] : memref<10240x16xf32, #tpu.memory_space<vmem_shared>> -> memref<64x16xf32, #tpu.memory_space<vmem_shared>>
      tpu.wait_dma2 semaphore(%arg31 : memref<!tpu.dma_semaphore, #tpu.memory_space<semaphore_mem>>) src(%arg19 : memref<64x16xf32, #tpu.memory_space<vmem>>) dst(%dma_wait3A_234 : memref<64x16xf32, #tpu.memory_space<vmem_shared>>)
      %add3A_235 = arith.constant 448 : i32
      %add3A_236 = arith.addi %mul3A_32, %add3A_235 : i32
      %dma_wait3A_237 = arith.constant 0 : i32
      %dma_wait3A_238 = tpu.memref_slice %arg14[%add3A_236, %dma_wait3A_237] : memref<10240x128xf32, #tpu.memory_space<vmem_shared>> -> memref<64x128xf32, #tpu.memory_space<vmem_shared>>
      %dma_wait3A_239 = arith.constant 0 : i32
      %dma_wait3A_240 = tpu.memref_slice %arg14[%add3A_236, %dma_wait3A_239] : memref<10240x128xf32, #tpu.memory_space<vmem_shared>> -> memref<64x128xf32, #tpu.memory_space<vmem_shared>>
      tpu.wait_dma2 semaphore(%arg31 : memref<!tpu.dma_semaphore, #tpu.memory_space<semaphore_mem>>) src(%arg20 : memref<64x128xf32, #tpu.memory_space<vmem>>) dst(%dma_wait3A_240 : memref<64x128xf32, #tpu.memory_space<vmem_shared>>)
      %add3A_241 = arith.constant 448 : i32
      %add3A_242 = arith.addi %mul3A_32, %add3A_241 : i32
      %dma_wait3A_243 = arith.constant 0 : i32
      %dma_wait3A_244 = tpu.memref_slice %arg15[%add3A_242, %dma_wait3A_243] : memref<10240x16xf32, #tpu.memory_space<vmem_shared>> -> memref<64x16xf32, #tpu.memory_space<vmem_shared>>
      %dma_wait3A_245 = arith.constant 0 : i32
      %dma_wait3A_246 = tpu.memref_slice %arg15[%add3A_242, %dma_wait3A_245] : memref<10240x16xf32, #tpu.memory_space<vmem_shared>> -> memref<64x16xf32, #tpu.memory_space<vmem_shared>>
      tpu.wait_dma2 semaphore(%arg31 : memref<!tpu.dma_semaphore, #tpu.memory_space<semaphore_mem>>) src(%arg19 : memref<64x16xf32, #tpu.memory_space<vmem>>) dst(%dma_wait3A_246 : memref<64x16xf32, #tpu.memory_space<vmem_shared>>)
      %add3A_247 = arith.constant 512 : i32
      %add3A_248 = arith.addi %mul3A_32, %add3A_247 : i32
      %dma_wait3A_249 = arith.constant 0 : i32
      %dma_wait3A_250 = tpu.memref_slice %arg14[%add3A_248, %dma_wait3A_249] : memref<10240x128xf32, #tpu.memory_space<vmem_shared>> -> memref<64x128xf32, #tpu.memory_space<vmem_shared>>
      %dma_wait3A_251 = arith.constant 0 : i32
      %dma_wait3A_252 = tpu.memref_slice %arg14[%add3A_248, %dma_wait3A_251] : memref<10240x128xf32, #tpu.memory_space<vmem_shared>> -> memref<64x128xf32, #tpu.memory_space<vmem_shared>>
      tpu.wait_dma2 semaphore(%arg31 : memref<!tpu.dma_semaphore, #tpu.memory_space<semaphore_mem>>) src(%arg20 : memref<64x128xf32, #tpu.memory_space<vmem>>) dst(%dma_wait3A_252 : memref<64x128xf32, #tpu.memory_space<vmem_shared>>)
      %add3A_253 = arith.constant 512 : i32
      %add3A_254 = arith.addi %mul3A_32, %add3A_253 : i32
      %dma_wait3A_255 = arith.constant 0 : i32
      %dma_wait3A_256 = tpu.memref_slice %arg15[%add3A_254, %dma_wait3A_255] : memref<10240x16xf32, #tpu.memory_space<vmem_shared>> -> memref<64x16xf32, #tpu.memory_space<vmem_shared>>
      %dma_wait3A_257 = arith.constant 0 : i32
      %dma_wait3A_258 = tpu.memref_slice %arg15[%add3A_254, %dma_wait3A_257] : memref<10240x16xf32, #tpu.memory_space<vmem_shared>> -> memref<64x16xf32, #tpu.memory_space<vmem_shared>>
      tpu.wait_dma2 semaphore(%arg31 : memref<!tpu.dma_semaphore, #tpu.memory_space<semaphore_mem>>) src(%arg19 : memref<64x16xf32, #tpu.memory_space<vmem>>) dst(%dma_wait3A_258 : memref<64x16xf32, #tpu.memory_space<vmem_shared>>)
      %add3A_259 = arith.constant 576 : i32
      %add3A_260 = arith.addi %mul3A_32, %add3A_259 : i32
      %dma_wait3A_261 = arith.constant 0 : i32
      %dma_wait3A_262 = tpu.memref_slice %arg14[%add3A_260, %dma_wait3A_261] : memref<10240x128xf32, #tpu.memory_space<vmem_shared>> -> memref<64x128xf32, #tpu.memory_space<vmem_shared>>
      %dma_wait3A_263 = arith.constant 0 : i32
      %dma_wait3A_264 = tpu.memref_slice %arg14[%add3A_260, %dma_wait3A_263] : memref<10240x128xf32, #tpu.memory_space<vmem_shared>> -> memref<64x128xf32, #tpu.memory_space<vmem_shared>>
      tpu.wait_dma2 semaphore(%arg31 : memref<!tpu.dma_semaphore, #tpu.memory_space<semaphore_mem>>) src(%arg20 : memref<64x128xf32, #tpu.memory_space<vmem>>) dst(%dma_wait3A_264 : memref<64x128xf32, #tpu.memory_space<vmem_shared>>)
      %add3A_265 = arith.constant 576 : i32
      %add3A_266 = arith.addi %mul3A_32, %add3A_265 : i32
      %dma_wait3A_267 = arith.constant 0 : i32
      %dma_wait3A_268 = tpu.memref_slice %arg15[%add3A_266, %dma_wait3A_267] : memref<10240x16xf32, #tpu.memory_space<vmem_shared>> -> memref<64x16xf32, #tpu.memory_space<vmem_shared>>
      %dma_wait3A_269 = arith.constant 0 : i32
      %dma_wait3A_270 = tpu.memref_slice %arg15[%add3A_266, %dma_wait3A_269] : memref<10240x16xf32, #tpu.memory_space<vmem_shared>> -> memref<64x16xf32, #tpu.memory_space<vmem_shared>>
      tpu.wait_dma2 semaphore(%arg31 : memref<!tpu.dma_semaphore, #tpu.memory_space<semaphore_mem>>) src(%arg19 : memref<64x16xf32, #tpu.memory_space<vmem>>) dst(%dma_wait3A_270 : memref<64x16xf32, #tpu.memory_space<vmem_shared>>)
      %barrier3A = arith.constant 0 : index
      tpu.barrier barrier_id(%barrier3A)
      %gt3A = arith.constant 0 : i32
      %gt3A_271 = arith.cmpi sgt, %select_n3A, %gt3A : i32
      %add3A_272 = arith.constant 0 : i32
      %add3A_273 = arith.addi %arg1, %add3A_272 : i32
      %select_n3A_274 = arith.select %gt3A_271, %add3A_273, %arg1 : i32
      %mul3A_275 = arith.constant 64 : i32
      %mul3A_276 = arith.muli %select_n3A_274, %mul3A_275 : i32
      %dma_start3A_277 = arith.constant 0 : i32
      %dma_start3A_278 = tpu.memref_slice %arg9[%dma_start3A_277, %mul3A_276] : memref<2x160000xi32, #tpu.memory_space<hbm>> -> memref<2x64xi32, #tpu.memory_space<hbm>>
      %dma_start3A_279 = arith.constant 0 : i32
      %dma_start3A_280 = tpu.memref_slice %arg9[%dma_start3A_279, %mul3A_276] : memref<2x160000xi32, #tpu.memory_space<hbm>> -> memref<2x64xi32, #tpu.memory_space<hbm>>
      tpu.enqueue_dma source(%dma_start3A_280 : memref<2x64xi32, #tpu.memory_space<hbm>>) target(%arg16 : memref<2x64xi32, #tpu.memory_space<vmem>>) target_semaphore(%arg37 : memref<!tpu.dma_semaphore, #tpu.memory_space<semaphore_mem>>)
      %mul3A_281 = arith.constant 64 : i32
      %mul3A_282 = arith.muli %select_n3A_274, %mul3A_281 : i32
      %dma_wait3A_283 = arith.constant 0 : i32
      %dma_wait3A_284 = tpu.memref_slice %arg9[%dma_wait3A_283, %mul3A_282] : memref<2x160000xi32, #tpu.memory_space<hbm>> -> memref<2x64xi32, #tpu.memory_space<hbm>>
      %dma_wait3A_285 = arith.constant 0 : i32
      %dma_wait3A_286 = tpu.memref_slice %arg9[%dma_wait3A_285, %mul3A_282] : memref<2x160000xi32, #tpu.memory_space<hbm>> -> memref<2x64xi32, #tpu.memory_space<hbm>>
      tpu.wait_dma2 semaphore(%arg37 : memref<!tpu.dma_semaphore, #tpu.memory_space<semaphore_mem>>) src(%dma_wait3A_286 : memref<2x64xi32, #tpu.memory_space<hbm>>) dst(%arg16 : memref<2x64xi32, #tpu.memory_space<vmem>>)
      %dma_start3A_287 = arith.constant 0 : i32
      %dma_start3A_288 = arith.constant 0 : i32
      %dma_start3A_289 = tpu.memref_slice %arg16[%dma_start3A_287, %dma_start3A_288] : memref<2x64xi32, #tpu.memory_space<vmem>> -> memref<1x64xi32, #tpu.memory_space<vmem>>
      %dma_start3A_290 = tpu.memref_squeeze %dma_start3A_289 : memref<1x64xi32, #tpu.memory_space<vmem>> -> memref<64xi32, #tpu.memory_space<vmem>>
      %dma_start3A_291 = arith.constant 0 : i32
      %dma_start3A_292 = arith.constant 0 : i32
      %dma_start3A_293 = tpu.memref_slice %arg6[%dma_start3A_291, %dma_start3A_292] : memref<10000x16xf32, #tpu.memory_space<hbm>> -> memref<10000x16xf32, #tpu.memory_space<hbm>>
      tpu.enqueue_indirect_dma source(%dma_start3A_293 : memref<10000x16xf32, #tpu.memory_space<hbm>>) target(%arg17 : memref<64x16xf32, #tpu.memory_space<vmem>>) offsets(%dma_start3A_290 : memref<64xi32, #tpu.memory_space<vmem>>) semaphore(%arg31 : memref<!tpu.dma_semaphore, #tpu.memory_space<semaphore_mem>>)
      %dma_start3A_294 = arith.constant 1 : i32
      %dma_start3A_295 = arith.constant 0 : i32
      %dma_start3A_296 = tpu.memref_slice %arg16[%dma_start3A_294, %dma_start3A_295] : memref<2x64xi32, #tpu.memory_space<vmem>> -> memref<1x64xi32, #tpu.memory_space<vmem>>
      %dma_start3A_297 = tpu.memref_squeeze %dma_start3A_296 : memref<1x64xi32, #tpu.memory_space<vmem>> -> memref<64xi32, #tpu.memory_space<vmem>>
      %dma_start3A_298 = arith.constant 0 : i32
      %dma_start3A_299 = arith.constant 0 : i32
      %dma_start3A_300 = tpu.memref_slice %arg7[%dma_start3A_298, %dma_start3A_299] : memref<10000x16xf32, #tpu.memory_space<hbm>> -> memref<10000x16xf32, #tpu.memory_space<hbm>>
      tpu.enqueue_indirect_dma source(%dma_start3A_300 : memref<10000x16xf32, #tpu.memory_space<hbm>>) target(%arg18 : memref<64x16xf32, #tpu.memory_space<vmem>>) offsets(%dma_start3A_297 : memref<64xi32, #tpu.memory_space<vmem>>) semaphore(%arg31 : memref<!tpu.dma_semaphore, #tpu.memory_space<semaphore_mem>>)
      %dma_start3A_301 = arith.constant 0 : i32
      %dma_start3A_302 = arith.constant 0 : i32
      %dma_start3A_303 = tpu.memref_slice %arg16[%dma_start3A_301, %dma_start3A_302] : memref<2x64xi32, #tpu.memory_space<vmem>> -> memref<1x64xi32, #tpu.memory_space<vmem>>
      %dma_start3A_304 = tpu.memref_squeeze %dma_start3A_303 : memref<1x64xi32, #tpu.memory_space<vmem>> -> memref<64xi32, #tpu.memory_space<vmem>>
      %dma_start3A_305 = arith.constant 0 : i32
      %dma_start3A_306 = arith.constant 0 : i32
      %dma_start3A_307 = tpu.memref_slice %arg8[%dma_start3A_305, %dma_start3A_306] : memref<10000x128xf32, #tpu.memory_space<hbm>> -> memref<10000x128xf32, #tpu.memory_space<hbm>>
      tpu.enqueue_indirect_dma source(%dma_start3A_307 : memref<10000x128xf32, #tpu.memory_space<hbm>>) target(%arg20 : memref<64x128xf32, #tpu.memory_space<vmem>>) offsets(%dma_start3A_304 : memref<64xi32, #tpu.memory_space<vmem>>) semaphore(%arg31 : memref<!tpu.dma_semaphore, #tpu.memory_space<semaphore_mem>>)
      %gt3A_308 = arith.constant 1 : i32
      %gt3A_309 = arith.cmpi sgt, %select_n3A, %gt3A_308 : i32
      %add3A_310 = arith.constant 16 : i32
      %add3A_311 = arith.addi %arg1, %add3A_310 : i32
      %select_n3A_312 = arith.select %gt3A_309, %add3A_311, %arg1 : i32
      %mul3A_313 = arith.constant 64 : i32
      %mul3A_314 = arith.muli %select_n3A_312, %mul3A_313 : i32
      %dma_start3A_315 = arith.constant 0 : i32
      %dma_start3A_316 = tpu.memref_slice %arg9[%dma_start3A_315, %mul3A_314] : memref<2x160000xi32, #tpu.memory_space<hbm>> -> memref<2x64xi32, #tpu.memory_space<hbm>>
      %dma_start3A_317 = arith.constant 0 : i32
      %dma_start3A_318 = tpu.memref_slice %arg9[%dma_start3A_317, %mul3A_314] : memref<2x160000xi32, #tpu.memory_space<hbm>> -> memref<2x64xi32, #tpu.memory_space<hbm>>
      tpu.enqueue_dma source(%dma_start3A_318 : memref<2x64xi32, #tpu.memory_space<hbm>>) target(%arg21 : memref<2x64xi32, #tpu.memory_space<vmem>>) target_semaphore(%arg38 : memref<!tpu.dma_semaphore, #tpu.memory_space<semaphore_mem>>)
      %mul3A_319 = arith.constant 64 : i32
      %mul3A_320 = arith.muli %select_n3A_312, %mul3A_319 : i32
      %dma_wait3A_321 = arith.constant 0 : i32
      %dma_wait3A_322 = tpu.memref_slice %arg9[%dma_wait3A_321, %mul3A_320] : memref<2x160000xi32, #tpu.memory_space<hbm>> -> memref<2x64xi32, #tpu.memory_space<hbm>>
      %dma_wait3A_323 = arith.constant 0 : i32
      %dma_wait3A_324 = tpu.memref_slice %arg9[%dma_wait3A_323, %mul3A_320] : memref<2x160000xi32, #tpu.memory_space<hbm>> -> memref<2x64xi32, #tpu.memory_space<hbm>>
      tpu.wait_dma2 semaphore(%arg38 : memref<!tpu.dma_semaphore, #tpu.memory_space<semaphore_mem>>) src(%dma_wait3A_324 : memref<2x64xi32, #tpu.memory_space<hbm>>) dst(%arg21 : memref<2x64xi32, #tpu.memory_space<vmem>>)
      %dma_start3A_325 = arith.constant 0 : i32
      %dma_start3A_326 = arith.constant 0 : i32
      %dma_start3A_327 = tpu.memref_slice %arg21[%dma_start3A_325, %dma_start3A_326] : memref<2x64xi32, #tpu.memory_space<vmem>> -> memref<1x64xi32, #tpu.memory_space<vmem>>
      %dma_start3A_328 = tpu.memref_squeeze %dma_start3A_327 : memref<1x64xi32, #tpu.memory_space<vmem>> -> memref<64xi32, #tpu.memory_space<vmem>>
      %dma_start3A_329 = arith.constant 0 : i32
      %dma_start3A_330 = arith.constant 0 : i32
      %dma_start3A_331 = tpu.memref_slice %arg6[%dma_start3A_329, %dma_start3A_330] : memref<10000x16xf32, #tpu.memory_space<hbm>> -> memref<10000x16xf32, #tpu.memory_space<hbm>>
      tpu.enqueue_indirect_dma source(%dma_start3A_331 : memref<10000x16xf32, #tpu.memory_space<hbm>>) target(%arg22 : memref<64x16xf32, #tpu.memory_space<vmem>>) offsets(%dma_start3A_328 : memref<64xi32, #tpu.memory_space<vmem>>) semaphore(%arg32 : memref<!tpu.dma_semaphore, #tpu.memory_space<semaphore_mem>>)
      %dma_start3A_332 = arith.constant 1 : i32
      %dma_start3A_333 = arith.constant 0 : i32
      %dma_start3A_334 = tpu.memref_slice %arg21[%dma_start3A_332, %dma_start3A_333] : memref<2x64xi32, #tpu.memory_space<vmem>> -> memref<1x64xi32, #tpu.memory_space<vmem>>
      %dma_start3A_335 = tpu.memref_squeeze %dma_start3A_334 : memref<1x64xi32, #tpu.memory_space<vmem>> -> memref<64xi32, #tpu.memory_space<vmem>>
      %dma_start3A_336 = arith.constant 0 : i32
      %dma_start3A_337 = arith.constant 0 : i32
      %dma_start3A_338 = tpu.memref_slice %arg7[%dma_start3A_336, %dma_start3A_337] : memref<10000x16xf32, #tpu.memory_space<hbm>> -> memref<10000x16xf32, #tpu.memory_space<hbm>>
      tpu.enqueue_indirect_dma source(%dma_start3A_338 : memref<10000x16xf32, #tpu.memory_space<hbm>>) target(%arg23 : memref<64x16xf32, #tpu.memory_space<vmem>>) offsets(%dma_start3A_335 : memref<64xi32, #tpu.memory_space<vmem>>) semaphore(%arg32 : memref<!tpu.dma_semaphore, #tpu.memory_space<semaphore_mem>>)
      %dma_start3A_339 = arith.constant 0 : i32
      %dma_start3A_340 = arith.constant 0 : i32
      %dma_start3A_341 = tpu.memref_slice %arg21[%dma_start3A_339, %dma_start3A_340] : memref<2x64xi32, #tpu.memory_space<vmem>> -> memref<1x64xi32, #tpu.memory_space<vmem>>
      %dma_start3A_342 = tpu.memref_squeeze %dma_start3A_341 : memref<1x64xi32, #tpu.memory_space<vmem>> -> memref<64xi32, #tpu.memory_space<vmem>>
      %dma_start3A_343 = arith.constant 0 : i32
      %dma_start3A_344 = arith.constant 0 : i32
      %dma_start3A_345 = tpu.memref_slice %arg8[%dma_start3A_343, %dma_start3A_344] : memref<10000x128xf32, #tpu.memory_space<hbm>> -> memref<10000x128xf32, #tpu.memory_space<hbm>>
      tpu.enqueue_indirect_dma source(%dma_start3A_345 : memref<10000x128xf32, #tpu.memory_space<hbm>>) target(%arg25 : memref<64x128xf32, #tpu.memory_space<vmem>>) offsets(%dma_start3A_342 : memref<64xi32, #tpu.memory_space<vmem>>) semaphore(%arg32 : memref<!tpu.dma_semaphore, #tpu.memory_space<semaphore_mem>>)
      %gt3A_346 = arith.constant 2 : i32
      %gt3A_347 = arith.cmpi sgt, %select_n3A, %gt3A_346 : i32
      %add3A_348 = arith.constant 32 : i32
      %add3A_349 = arith.addi %arg1, %add3A_348 : i32
      %select_n3A_350 = arith.select %gt3A_347, %add3A_349, %arg1 : i32
      %mul3A_351 = arith.constant 64 : i32
      %mul3A_352 = arith.muli %select_n3A_350, %mul3A_351 : i32
      %dma_start3A_353 = arith.constant 0 : i32
      %dma_start3A_354 = tpu.memref_slice %arg9[%dma_start3A_353, %mul3A_352] : memref<2x160000xi32, #tpu.memory_space<hbm>> -> memref<2x64xi32, #tpu.memory_space<hbm>>
      %dma_start3A_355 = arith.constant 0 : i32
      %dma_start3A_356 = tpu.memref_slice %arg9[%dma_start3A_355, %mul3A_352] : memref<2x160000xi32, #tpu.memory_space<hbm>> -> memref<2x64xi32, #tpu.memory_space<hbm>>
      tpu.enqueue_dma source(%dma_start3A_356 : memref<2x64xi32, #tpu.memory_space<hbm>>) target(%arg26 : memref<2x64xi32, #tpu.memory_space<vmem>>) target_semaphore(%arg39 : memref<!tpu.dma_semaphore, #tpu.memory_space<semaphore_mem>>)
      %mul3A_357 = arith.constant 64 : i32
      %mul3A_358 = arith.muli %select_n3A_350, %mul3A_357 : i32
      %dma_wait3A_359 = arith.constant 0 : i32
      %dma_wait3A_360 = tpu.memref_slice %arg9[%dma_wait3A_359, %mul3A_358] : memref<2x160000xi32, #tpu.memory_space<hbm>> -> memref<2x64xi32, #tpu.memory_space<hbm>>
      %dma_wait3A_361 = arith.constant 0 : i32
      %dma_wait3A_362 = tpu.memref_slice %arg9[%dma_wait3A_361, %mul3A_358] : memref<2x160000xi32, #tpu.memory_space<hbm>> -> memref<2x64xi32, #tpu.memory_space<hbm>>
      tpu.wait_dma2 semaphore(%arg39 : memref<!tpu.dma_semaphore, #tpu.memory_space<semaphore_mem>>) src(%dma_wait3A_362 : memref<2x64xi32, #tpu.memory_space<hbm>>) dst(%arg26 : memref<2x64xi32, #tpu.memory_space<vmem>>)
      %dma_start3A_363 = arith.constant 0 : i32
      %dma_start3A_364 = arith.constant 0 : i32
      %dma_start3A_365 = tpu.memref_slice %arg26[%dma_start3A_363, %dma_start3A_364] : memref<2x64xi32, #tpu.memory_space<vmem>> -> memref<1x64xi32, #tpu.memory_space<vmem>>
      %dma_start3A_366 = tpu.memref_squeeze %dma_start3A_365 : memref<1x64xi32, #tpu.memory_space<vmem>> -> memref<64xi32, #tpu.memory_space<vmem>>
      %dma_start3A_367 = arith.constant 0 : i32
      %dma_start3A_368 = arith.constant 0 : i32
      %dma_start3A_369 = tpu.memref_slice %arg6[%dma_start3A_367, %dma_start3A_368] : memref<10000x16xf32, #tpu.memory_space<hbm>> -> memref<10000x16xf32, #tpu.memory_space<hbm>>
      tpu.enqueue_indirect_dma source(%dma_start3A_369 : memref<10000x16xf32, #tpu.memory_space<hbm>>) target(%arg27 : memref<64x16xf32, #tpu.memory_space<vmem>>) offsets(%dma_start3A_366 : memref<64xi32, #tpu.memory_space<vmem>>) semaphore(%arg33 : memref<!tpu.dma_semaphore, #tpu.memory_space<semaphore_mem>>)
      %dma_start3A_370 = arith.constant 1 : i32
      %dma_start3A_371 = arith.constant 0 : i32
      %dma_start3A_372 = tpu.memref_slice %arg26[%dma_start3A_370, %dma_start3A_371] : memref<2x64xi32, #tpu.memory_space<vmem>> -> memref<1x64xi32, #tpu.memory_space<vmem>>
      %dma_start3A_373 = tpu.memref_squeeze %dma_start3A_372 : memref<1x64xi32, #tpu.memory_space<vmem>> -> memref<64xi32, #tpu.memory_space<vmem>>
      %dma_start3A_374 = arith.constant 0 : i32
      %dma_start3A_375 = arith.constant 0 : i32
      %dma_start3A_376 = tpu.memref_slice %arg7[%dma_start3A_374, %dma_start3A_375] : memref<10000x16xf32, #tpu.memory_space<hbm>> -> memref<10000x16xf32, #tpu.memory_space<hbm>>
      tpu.enqueue_indirect_dma source(%dma_start3A_376 : memref<10000x16xf32, #tpu.memory_space<hbm>>) target(%arg28 : memref<64x16xf32, #tpu.memory_space<vmem>>) offsets(%dma_start3A_373 : memref<64xi32, #tpu.memory_space<vmem>>) semaphore(%arg33 : memref<!tpu.dma_semaphore, #tpu.memory_space<semaphore_mem>>)
      %dma_start3A_377 = arith.constant 0 : i32
      %dma_start3A_378 = arith.constant 0 : i32
      %dma_start3A_379 = tpu.memref_slice %arg26[%dma_start3A_377, %dma_start3A_378] : memref<2x64xi32, #tpu.memory_space<vmem>> -> memref<1x64xi32, #tpu.memory_space<vmem>>
      %dma_start3A_380 = tpu.memref_squeeze %dma_start3A_379 : memref<1x64xi32, #tpu.memory_space<vmem>> -> memref<64xi32, #tpu.memory_space<vmem>>
      %dma_start3A_381 = arith.constant 0 : i32
      %dma_start3A_382 = arith.constant 0 : i32
      %dma_start3A_383 = tpu.memref_slice %arg8[%dma_start3A_381, %dma_start3A_382] : memref<10000x128xf32, #tpu.memory_space<hbm>> -> memref<10000x128xf32, #tpu.memory_space<hbm>>
      tpu.enqueue_indirect_dma source(%dma_start3A_383 : memref<10000x128xf32, #tpu.memory_space<hbm>>) target(%arg30 : memref<64x128xf32, #tpu.memory_space<vmem>>) offsets(%dma_start3A_380 : memref<64xi32, #tpu.memory_space<vmem>>) semaphore(%arg33 : memref<!tpu.dma_semaphore, #tpu.memory_space<semaphore_mem>>)
      %scan3A_384 = arith.constant 0 : i32
      %scan3A_385 = arith.constant 53 : i32
      %scan3A_386 = arith.addi %scan3A_384, %scan3A_385 : i32
      %scan3A_387 = arith.constant 1 : i32
      scf.for %scan3A_462 = %scan3A_384 to %scan3A_386 step %scan3A_387  : i32 {
        %mul3A_463 = arith.constant 1 : i32
        %mul3A_464 = arith.muli %scan3A_462, %mul3A_463 : i32
        %add3A_465 = arith.constant 0 : i32
        %add3A_466 = arith.addi %add3A_465, %mul3A_464 : i32
        %gt3A_467 = arith.constant 0 : i32
        %gt3A_468 = arith.cmpi sgt, %add3A_466, %gt3A_467 : i32
        %convert_element_type3A_469 = arith.extui %gt3A_468 : i1 to i32
        %cond3A_470 = arith.constant 0 : i32
        %cond3A_471 = arith.cmpi ne, %convert_element_type3A_469, %cond3A_470 : i32
        scf.if %cond3A_471 {
          %dma_wait3A_717 = arith.constant 1 : i32
          %dma_wait3A_718 = arith.constant 0 : i32
          %dma_wait3A_719 = tpu.memref_slice %arg26[%dma_wait3A_717, %dma_wait3A_718] : memref<2x64xi32, #tpu.memory_space<vmem>> -> memref<1x64xi32, #tpu.memory_space<vmem>>
          %dma_wait3A_720 = tpu.memref_squeeze %dma_wait3A_719 : memref<1x64xi32, #tpu.memory_space<vmem>> -> memref<64xi32, #tpu.memory_space<vmem>>
          %dma_wait3A_721 = arith.constant 0 : i32
          %dma_wait3A_722 = arith.constant 0 : i32
          %dma_wait3A_723 = tpu.memref_slice %arg15[%dma_wait3A_721, %dma_wait3A_722] : memref<10240x16xf32, #tpu.memory_space<vmem_shared>> -> memref<10240x16xf32, #tpu.memory_space<vmem_shared>>
          tpu.wait_indirect_dma semaphore(%arg36 : memref<!tpu.dma_semaphore, #tpu.memory_space<semaphore_mem>>) src(%arg29 : memref<64x16xf32, #tpu.memory_space<vmem>>) dst(%dma_wait3A_723 : memref<10240x16xf32, #tpu.memory_space<vmem_shared>>)
          %dma_wait3A_724 = arith.constant 1 : i32
          %dma_wait3A_725 = arith.constant 0 : i32
          %dma_wait3A_726 = tpu.memref_slice %arg26[%dma_wait3A_724, %dma_wait3A_725] : memref<2x64xi32, #tpu.memory_space<vmem>> -> memref<1x64xi32, #tpu.memory_space<vmem>>
          %dma_wait3A_727 = tpu.memref_squeeze %dma_wait3A_726 : memref<1x64xi32, #tpu.memory_space<vmem>> -> memref<64xi32, #tpu.memory_space<vmem>>
          %dma_wait3A_728 = arith.constant 0 : i32
          %dma_wait3A_729 = arith.constant 0 : i32
          %dma_wait3A_730 = tpu.memref_slice %arg14[%dma_wait3A_728, %dma_wait3A_729] : memref<10240x128xf32, #tpu.memory_space<vmem_shared>> -> memref<10240x128xf32, #tpu.memory_space<vmem_shared>>
          tpu.wait_indirect_dma semaphore(%arg36 : memref<!tpu.dma_semaphore, #tpu.memory_space<semaphore_mem>>) src(%arg30 : memref<64x128xf32, #tpu.memory_space<vmem>>) dst(%dma_wait3A_730 : memref<10240x128xf32, #tpu.memory_space<vmem_shared>>)
          %mul3A_731 = arith.constant 3 : i32
          %mul3A_732 = arith.muli %mul3A_731, %add3A_466 : i32
          %add3A_733 = arith.constant 2 : i32
          %add3A_734 = arith.addi %mul3A_732, %add3A_733 : i32
          %lt3A_735 = arith.cmpi slt, %add3A_734, %select_n3A : i32
          %mul3A_736 = arith.constant 16 : i32
          %mul3A_737 = arith.muli %add3A_734, %mul3A_736 : i32
          %add3A_738 = arith.addi %arg1, %mul3A_737 : i32
          %select_n3A_739 = arith.select %lt3A_735, %add3A_738, %arg1 : i32
          %mul3A_740 = arith.constant 64 : i32
          %mul3A_741 = arith.muli %select_n3A_739, %mul3A_740 : i32
          %dma_start3A_742 = arith.constant 0 : i32
          %dma_start3A_743 = tpu.memref_slice %arg9[%dma_start3A_742, %mul3A_741] : memref<2x160000xi32, #tpu.memory_space<hbm>> -> memref<2x64xi32, #tpu.memory_space<hbm>>
          %dma_start3A_744 = arith.constant 0 : i32
          %dma_start3A_745 = tpu.memref_slice %arg9[%dma_start3A_744, %mul3A_741] : memref<2x160000xi32, #tpu.memory_space<hbm>> -> memref<2x64xi32, #tpu.memory_space<hbm>>
          tpu.enqueue_dma source(%dma_start3A_745 : memref<2x64xi32, #tpu.memory_space<hbm>>) target(%arg26 : memref<2x64xi32, #tpu.memory_space<vmem>>) target_semaphore(%arg39 : memref<!tpu.dma_semaphore, #tpu.memory_space<semaphore_mem>>)
          %mul3A_746 = arith.constant 64 : i32
          %mul3A_747 = arith.muli %select_n3A_739, %mul3A_746 : i32
          %dma_wait3A_748 = arith.constant 0 : i32
          %dma_wait3A_749 = tpu.memref_slice %arg9[%dma_wait3A_748, %mul3A_747] : memref<2x160000xi32, #tpu.memory_space<hbm>> -> memref<2x64xi32, #tpu.memory_space<hbm>>
          %dma_wait3A_750 = arith.constant 0 : i32
          %dma_wait3A_751 = tpu.memref_slice %arg9[%dma_wait3A_750, %mul3A_747] : memref<2x160000xi32, #tpu.memory_space<hbm>> -> memref<2x64xi32, #tpu.memory_space<hbm>>
          tpu.wait_dma2 semaphore(%arg39 : memref<!tpu.dma_semaphore, #tpu.memory_space<semaphore_mem>>) src(%dma_wait3A_751 : memref<2x64xi32, #tpu.memory_space<hbm>>) dst(%arg26 : memref<2x64xi32, #tpu.memory_space<vmem>>)
          %dma_start3A_752 = arith.constant 0 : i32
          %dma_start3A_753 = arith.constant 0 : i32
          %dma_start3A_754 = tpu.memref_slice %arg26[%dma_start3A_752, %dma_start3A_753] : memref<2x64xi32, #tpu.memory_space<vmem>> -> memref<1x64xi32, #tpu.memory_space<vmem>>
          %dma_start3A_755 = tpu.memref_squeeze %dma_start3A_754 : memref<1x64xi32, #tpu.memory_space<vmem>> -> memref<64xi32, #tpu.memory_space<vmem>>
          %dma_start3A_756 = arith.constant 0 : i32
          %dma_start3A_757 = arith.constant 0 : i32
          %dma_start3A_758 = tpu.memref_slice %arg6[%dma_start3A_756, %dma_start3A_757] : memref<10000x16xf32, #tpu.memory_space<hbm>> -> memref<10000x16xf32, #tpu.memory_space<hbm>>
          tpu.enqueue_indirect_dma source(%dma_start3A_758 : memref<10000x16xf32, #tpu.memory_space<hbm>>) target(%arg27 : memref<64x16xf32, #tpu.memory_space<vmem>>) offsets(%dma_start3A_755 : memref<64xi32, #tpu.memory_space<vmem>>) semaphore(%arg33 : memref<!tpu.dma_semaphore, #tpu.memory_space<semaphore_mem>>)
          %dma_start3A_759 = arith.constant 1 : i32
          %dma_start3A_760 = arith.constant 0 : i32
          %dma_start3A_761 = tpu.memref_slice %arg26[%dma_start3A_759, %dma_start3A_760] : memref<2x64xi32, #tpu.memory_space<vmem>> -> memref<1x64xi32, #tpu.memory_space<vmem>>
          %dma_start3A_762 = tpu.memref_squeeze %dma_start3A_761 : memref<1x64xi32, #tpu.memory_space<vmem>> -> memref<64xi32, #tpu.memory_space<vmem>>
          %dma_start3A_763 = arith.constant 0 : i32
          %dma_start3A_764 = arith.constant 0 : i32
          %dma_start3A_765 = tpu.memref_slice %arg7[%dma_start3A_763, %dma_start3A_764] : memref<10000x16xf32, #tpu.memory_space<hbm>> -> memref<10000x16xf32, #tpu.memory_space<hbm>>
          tpu.enqueue_indirect_dma source(%dma_start3A_765 : memref<10000x16xf32, #tpu.memory_space<hbm>>) target(%arg28 : memref<64x16xf32, #tpu.memory_space<vmem>>) offsets(%dma_start3A_762 : memref<64xi32, #tpu.memory_space<vmem>>) semaphore(%arg33 : memref<!tpu.dma_semaphore, #tpu.memory_space<semaphore_mem>>)
          %dma_start3A_766 = arith.constant 0 : i32
          %dma_start3A_767 = arith.constant 0 : i32
          %dma_start3A_768 = tpu.memref_slice %arg26[%dma_start3A_766, %dma_start3A_767] : memref<2x64xi32, #tpu.memory_space<vmem>> -> memref<1x64xi32, #tpu.memory_space<vmem>>
          %dma_start3A_769 = tpu.memref_squeeze %dma_start3A_768 : memref<1x64xi32, #tpu.memory_space<vmem>> -> memref<64xi32, #tpu.memory_space<vmem>>
          %dma_start3A_770 = arith.constant 0 : i32
          %dma_start3A_771 = arith.constant 0 : i32
          %dma_start3A_772 = tpu.memref_slice %arg8[%dma_start3A_770, %dma_start3A_771] : memref<10000x128xf32, #tpu.memory_space<hbm>> -> memref<10000x128xf32, #tpu.memory_space<hbm>>
          tpu.enqueue_indirect_dma source(%dma_start3A_772 : memref<10000x128xf32, #tpu.memory_space<hbm>>) target(%arg30 : memref<64x128xf32, #tpu.memory_space<vmem>>) offsets(%dma_start3A_769 : memref<64xi32, #tpu.memory_space<vmem>>) semaphore(%arg33 : memref<!tpu.dma_semaphore, #tpu.memory_space<semaphore_mem>>)
        } else {
        }
        %dma_wait3A_472 = arith.constant 0 : i32
        %dma_wait3A_473 = arith.constant 0 : i32
        %dma_wait3A_474 = tpu.memref_slice %arg16[%dma_wait3A_472, %dma_wait3A_473] : memref<2x64xi32, #tpu.memory_space<vmem>> -> memref<1x64xi32, #tpu.memory_space<vmem>>
        %dma_wait3A_475 = tpu.memref_squeeze %dma_wait3A_474 : memref<1x64xi32, #tpu.memory_space<vmem>> -> memref<64xi32, #tpu.memory_space<vmem>>
        %dma_wait3A_476 = arith.constant 0 : i32
        %dma_wait3A_477 = arith.constant 0 : i32
        %dma_wait3A_478 = tpu.memref_slice %arg6[%dma_wait3A_476, %dma_wait3A_477] : memref<10000x16xf32, #tpu.memory_space<hbm>> -> memref<10000x16xf32, #tpu.memory_space<hbm>>
        tpu.wait_indirect_dma semaphore(%arg31 : memref<!tpu.dma_semaphore, #tpu.memory_space<semaphore_mem>>) src(%dma_wait3A_478 : memref<10000x16xf32, #tpu.memory_space<hbm>>) dst(%arg17 : memref<64x16xf32, #tpu.memory_space<vmem>>)
        %dma_wait3A_479 = arith.constant 1 : i32
        %dma_wait3A_480 = arith.constant 0 : i32
        %dma_wait3A_481 = tpu.memref_slice %arg16[%dma_wait3A_479, %dma_wait3A_480] : memref<2x64xi32, #tpu.memory_space<vmem>> -> memref<1x64xi32, #tpu.memory_space<vmem>>
        %dma_wait3A_482 = tpu.memref_squeeze %dma_wait3A_481 : memref<1x64xi32, #tpu.memory_space<vmem>> -> memref<64xi32, #tpu.memory_space<vmem>>
        %dma_wait3A_483 = arith.constant 0 : i32
        %dma_wait3A_484 = arith.constant 0 : i32
        %dma_wait3A_485 = tpu.memref_slice %arg7[%dma_wait3A_483, %dma_wait3A_484] : memref<10000x16xf32, #tpu.memory_space<hbm>> -> memref<10000x16xf32, #tpu.memory_space<hbm>>
        tpu.wait_indirect_dma semaphore(%arg31 : memref<!tpu.dma_semaphore, #tpu.memory_space<semaphore_mem>>) src(%dma_wait3A_485 : memref<10000x16xf32, #tpu.memory_space<hbm>>) dst(%arg18 : memref<64x16xf32, #tpu.memory_space<vmem>>)
        %dma_wait3A_486 = arith.constant 0 : i32
        %dma_wait3A_487 = arith.constant 0 : i32
        %dma_wait3A_488 = tpu.memref_slice %arg16[%dma_wait3A_486, %dma_wait3A_487] : memref<2x64xi32, #tpu.memory_space<vmem>> -> memref<1x64xi32, #tpu.memory_space<vmem>>
        %dma_wait3A_489 = tpu.memref_squeeze %dma_wait3A_488 : memref<1x64xi32, #tpu.memory_space<vmem>> -> memref<64xi32, #tpu.memory_space<vmem>>
        %dma_wait3A_490 = arith.constant 0 : i32
        %dma_wait3A_491 = arith.constant 0 : i32
        %dma_wait3A_492 = tpu.memref_slice %arg8[%dma_wait3A_490, %dma_wait3A_491] : memref<10000x128xf32, #tpu.memory_space<hbm>> -> memref<10000x128xf32, #tpu.memory_space<hbm>>
        tpu.wait_indirect_dma semaphore(%arg31 : memref<!tpu.dma_semaphore, #tpu.memory_space<semaphore_mem>>) src(%dma_wait3A_492 : memref<10000x128xf32, #tpu.memory_space<hbm>>) dst(%arg20 : memref<64x128xf32, #tpu.memory_space<vmem>>)
        %mul3A_493 = arith.constant 3 : i32
        %mul3A_494 = arith.muli %mul3A_493, %add3A_466 : i32
        %parallel_loop3A = arith.constant 0 : i32
        %parallel_loop3A_495 = arith.constant 64 : i32
        %parallel_loop3A_496 = arith.constant 1 : i32
        scf.for %parallel_loop3A_717 = %parallel_loop3A to %parallel_loop3A_495 step %parallel_loop3A_496  : i32 {
          %parallel_loop3A_718 = arith.index_cast %parallel_loop3A_717 : i32 to index
          %parallel_loop3A_719 = arith.constant 0 : index
          %parallel_loop3A_720 = tpu.vector_load %arg17[%parallel_loop3A_718, %parallel_loop3A_719] {strides = array<i32>} : memref<64x16xf32, #tpu.memory_space<vmem>>, vector<1x16xf32>,
          %parallel_loop3A_721 = vector.shape_cast %parallel_loop3A_720 : vector<1x16xf32> to vector<16xf32>
          %parallel_loop3A_722 = arith.index_cast %parallel_loop3A_717 : i32 to index
          %parallel_loop3A_723 = arith.constant 0 : index
          %parallel_loop3A_724 = tpu.vector_load %arg18[%parallel_loop3A_722, %parallel_loop3A_723] {strides = array<i32>} : memref<64x16xf32, #tpu.memory_space<vmem>>, vector<1x16xf32>,
          %parallel_loop3A_725 = vector.shape_cast %parallel_loop3A_724 : vector<1x16xf32> to vector<16xf32>
          %parallel_loop3A_726 = arith.addf %parallel_loop3A_721, %parallel_loop3A_725 : vector<16xf32>
          %parallel_loop3A_727 = arith.constant 2.000000e-01 : f32
          %parallel_loop3A_728 = vector.broadcast %parallel_loop3A_727 : f32 to vector<16xf32>
          %parallel_loop3A_729 = arith.mulf %parallel_loop3A_726, %parallel_loop3A_728 : vector<16xf32>
          %parallel_loop3A_730 = arith.maximumf %parallel_loop3A_726, %parallel_loop3A_729 : vector<16xf32>
          %parallel_loop3A_731 = math.exp %parallel_loop3A_730 : vector<16xf32>
          %parallel_loop3A_732 = arith.index_cast %parallel_loop3A_717 : i32 to index
          %parallel_loop3A_733 = arith.constant 0 : index
          %parallel_loop3A_734 = tpu.vector_load %arg19[%parallel_loop3A_732, %parallel_loop3A_733] {strides = array<i32>} : memref<64x16xf32, #tpu.memory_space<vmem>>, vector<1x16xf32>,
          %parallel_loop3A_735 = vector.shape_cast %parallel_loop3A_734 : vector<1x16xf32> to vector<16xf32>
          %parallel_loop3A_736 = vector.shape_cast %parallel_loop3A_731 : vector<16xf32> to vector<1x16xf32>
          tpu.vector_store %arg19[%parallel_loop3A_732, %parallel_loop3A_733], %parallel_loop3A_736 {strides = array<i32>} : memref<64x16xf32, #tpu.memory_space<vmem>>, vector<1x16xf32>,
          %parallel_loop3A_737 = arith.constant 0 : i32
          %parallel_loop3A_738 = vector.broadcast %parallel_loop3A_737 : i32 to vector<16x1xi32>
          %parallel_loop3A_739 = vector.shape_cast %parallel_loop3A_738 : vector<16x1xi32> to vector<16xi32>
          %parallel_loop3A_740 = tpu.dynamic_gather %parallel_loop3A_731[%parallel_loop3A_739] in [0] : vector<16xf32>, vector<16xi32> -> vector<16xf32>
          %parallel_loop3A_741 = arith.index_cast %parallel_loop3A_717 : i32 to index
          %parallel_loop3A_742 = arith.constant 0 : index
          %parallel_loop3A_743 = tpu.vector_load %arg20[%parallel_loop3A_741, %parallel_loop3A_742] {strides = array<i32>} : memref<64x128xf32, #tpu.memory_space<vmem>>, vector<1x16xf32>,
          %parallel_loop3A_744 = vector.shape_cast %parallel_loop3A_743 : vector<1x16xf32> to vector<16xf32>
          %parallel_loop3A_745 = arith.mulf %parallel_loop3A_744, %parallel_loop3A_740 : vector<16xf32>
          %parallel_loop3A_746 = arith.index_cast %parallel_loop3A_717 : i32 to index
          %parallel_loop3A_747 = arith.constant 0 : index
          %parallel_loop3A_748 = tpu.vector_load %arg20[%parallel_loop3A_746, %parallel_loop3A_747] {strides = array<i32>} : memref<64x128xf32, #tpu.memory_space<vmem>>, vector<1x16xf32>,
          %parallel_loop3A_749 = vector.shape_cast %parallel_loop3A_748 : vector<1x16xf32> to vector<16xf32>
          %parallel_loop3A_750 = vector.shape_cast %parallel_loop3A_745 : vector<16xf32> to vector<1x16xf32>
          tpu.vector_store %arg20[%parallel_loop3A_746, %parallel_loop3A_747], %parallel_loop3A_750 {strides = array<i32>} : memref<64x128xf32, #tpu.memory_space<vmem>>, vector<1x16xf32>,
          %parallel_loop3A_751 = arith.constant 1 : i32
          %parallel_loop3A_752 = vector.broadcast %parallel_loop3A_751 : i32 to vector<16x1xi32>
          %parallel_loop3A_753 = vector.shape_cast %parallel_loop3A_752 : vector<16x1xi32> to vector<16xi32>
          %parallel_loop3A_754 = tpu.dynamic_gather %parallel_loop3A_731[%parallel_loop3A_753] in [0] : vector<16xf32>, vector<16xi32> -> vector<16xf32>
          %parallel_loop3A_755 = arith.index_cast %parallel_loop3A_717 : i32 to index
          %parallel_loop3A_756 = arith.constant 16 : index
          %parallel_loop3A_757 = tpu.vector_load %arg20[%parallel_loop3A_755, %parallel_loop3A_756] {strides = array<i32>} : memref<64x128xf32, #tpu.memory_space<vmem>>, vector<1x16xf32>,
          %parallel_loop3A_758 = vector.shape_cast %parallel_loop3A_757 : vector<1x16xf32> to vector<16xf32>
          %parallel_loop3A_759 = arith.mulf %parallel_loop3A_758, %parallel_loop3A_754 : vector<16xf32>
          %parallel_loop3A_760 = arith.index_cast %parallel_loop3A_717 : i32 to index
          %parallel_loop3A_761 = arith.constant 16 : index
          %parallel_loop3A_762 = tpu.vector_load %arg20[%parallel_loop3A_760, %parallel_loop3A_761] {strides = array<i32>} : memref<64x128xf32, #tpu.memory_space<vmem>>, vector<1x16xf32>,
          %parallel_loop3A_763 = vector.shape_cast %parallel_loop3A_762 : vector<1x16xf32> to vector<16xf32>
          %parallel_loop3A_764 = vector.shape_cast %parallel_loop3A_759 : vector<16xf32> to vector<1x16xf32>
          tpu.vector_store %arg20[%parallel_loop3A_760, %parallel_loop3A_761], %parallel_loop3A_764 {strides = array<i32>} : memref<64x128xf32, #tpu.memory_space<vmem>>, vector<1x16xf32>,
          %parallel_loop3A_765 = arith.constant 2 : i32
          %parallel_loop3A_766 = vector.broadcast %parallel_loop3A_765 : i32 to vector<16x1xi32>
          %parallel_loop3A_767 = vector.shape_cast %parallel_loop3A_766 : vector<16x1xi32> to vector<16xi32>
          %parallel_loop3A_768 = tpu.dynamic_gather %parallel_loop3A_731[%parallel_loop3A_767] in [0] : vector<16xf32>, vector<16xi32> -> vector<16xf32>
          %parallel_loop3A_769 = arith.index_cast %parallel_loop3A_717 : i32 to index
          %parallel_loop3A_770 = arith.constant 32 : index
          %parallel_loop3A_771 = tpu.vector_load %arg20[%parallel_loop3A_769, %parallel_loop3A_770] {strides = array<i32>} : memref<64x128xf32, #tpu.memory_space<vmem>>, vector<1x16xf32>,
          %parallel_loop3A_772 = vector.shape_cast %parallel_loop3A_771 : vector<1x16xf32> to vector<16xf32>
          %parallel_loop3A_773 = arith.mulf %parallel_loop3A_772, %parallel_loop3A_768 : vector<16xf32>
          %parallel_loop3A_774 = arith.index_cast %parallel_loop3A_717 : i32 to index
          %parallel_loop3A_775 = arith.constant 32 : index
          %parallel_loop3A_776 = tpu.vector_load %arg20[%parallel_loop3A_774, %parallel_loop3A_775] {strides = array<i32>} : memref<64x128xf32, #tpu.memory_space<vmem>>, vector<1x16xf32>,
          %parallel_loop3A_777 = vector.shape_cast %parallel_loop3A_776 : vector<1x16xf32> to vector<16xf32>
          %parallel_loop3A_778 = vector.shape_cast %parallel_loop3A_773 : vector<16xf32> to vector<1x16xf32>
          tpu.vector_store %arg20[%parallel_loop3A_774, %parallel_loop3A_775], %parallel_loop3A_778 {strides = array<i32>} : memref<64x128xf32, #tpu.memory_space<vmem>>, vector<1x16xf32>,
          %parallel_loop3A_779 = arith.constant 3 : i32
          %parallel_loop3A_780 = vector.broadcast %parallel_loop3A_779 : i32 to vector<16x1xi32>
          %parallel_loop3A_781 = vector.shape_cast %parallel_loop3A_780 : vector<16x1xi32> to vector<16xi32>
          %parallel_loop3A_782 = tpu.dynamic_gather %parallel_loop3A_731[%parallel_loop3A_781] in [0] : vector<16xf32>, vector<16xi32> -> vector<16xf32>
          %parallel_loop3A_783 = arith.index_cast %parallel_loop3A_717 : i32 to index
          %parallel_loop3A_784 = arith.constant 48 : index
          %parallel_loop3A_785 = tpu.vector_load %arg20[%parallel_loop3A_783, %parallel_loop3A_784] {strides = array<i32>} : memref<64x128xf32, #tpu.memory_space<vmem>>, vector<1x16xf32>,
          %parallel_loop3A_786 = vector.shape_cast %parallel_loop3A_785 : vector<1x16xf32> to vector<16xf32>
          %parallel_loop3A_787 = arith.mulf %parallel_loop3A_786, %parallel_loop3A_782 : vector<16xf32>
          %parallel_loop3A_788 = arith.index_cast %parallel_loop3A_717 : i32 to index
          %parallel_loop3A_789 = arith.constant 48 : index
          %parallel_loop3A_790 = tpu.vector_load %arg20[%parallel_loop3A_788, %parallel_loop3A_789] {strides = array<i32>} : memref<64x128xf32, #tpu.memory_space<vmem>>, vector<1x16xf32>,
          %parallel_loop3A_791 = vector.shape_cast %parallel_loop3A_790 : vector<1x16xf32> to vector<16xf32>
          %parallel_loop3A_792 = vector.shape_cast %parallel_loop3A_787 : vector<16xf32> to vector<1x16xf32>
          tpu.vector_store %arg20[%parallel_loop3A_788, %parallel_loop3A_789], %parallel_loop3A_792 {strides = array<i32>} : memref<64x128xf32, #tpu.memory_space<vmem>>, vector<1x16xf32>,
          %parallel_loop3A_793 = arith.constant 4 : i32
          %parallel_loop3A_794 = vector.broadcast %parallel_loop3A_793 : i32 to vector<16x1xi32>
          %parallel_loop3A_795 = vector.shape_cast %parallel_loop3A_794 : vector<16x1xi32> to vector<16xi32>
          %parallel_loop3A_796 = tpu.dynamic_gather %parallel_loop3A_731[%parallel_loop3A_795] in [0] : vector<16xf32>, vector<16xi32> -> vector<16xf32>
          %parallel_loop3A_797 = arith.index_cast %parallel_loop3A_717 : i32 to index
          %parallel_loop3A_798 = arith.constant 64 : index
          %parallel_loop3A_799 = tpu.vector_load %arg20[%parallel_loop3A_797, %parallel_loop3A_798] {strides = array<i32>} : memref<64x128xf32, #tpu.memory_space<vmem>>, vector<1x16xf32>,
          %parallel_loop3A_800 = vector.shape_cast %parallel_loop3A_799 : vector<1x16xf32> to vector<16xf32>
          %parallel_loop3A_801 = arith.mulf %parallel_loop3A_800, %parallel_loop3A_796 : vector<16xf32>
          %parallel_loop3A_802 = arith.index_cast %parallel_loop3A_717 : i32 to index
          %parallel_loop3A_803 = arith.constant 64 : index
          %parallel_loop3A_804 = tpu.vector_load %arg20[%parallel_loop3A_802, %parallel_loop3A_803] {strides = array<i32>} : memref<64x128xf32, #tpu.memory_space<vmem>>, vector<1x16xf32>,
          %parallel_loop3A_805 = vector.shape_cast %parallel_loop3A_804 : vector<1x16xf32> to vector<16xf32>
          %parallel_loop3A_806 = vector.shape_cast %parallel_loop3A_801 : vector<16xf32> to vector<1x16xf32>
          tpu.vector_store %arg20[%parallel_loop3A_802, %parallel_loop3A_803], %parallel_loop3A_806 {strides = array<i32>} : memref<64x128xf32, #tpu.memory_space<vmem>>, vector<1x16xf32>,
          %parallel_loop3A_807 = arith.constant 5 : i32
          %parallel_loop3A_808 = vector.broadcast %parallel_loop3A_807 : i32 to vector<16x1xi32>
          %parallel_loop3A_809 = vector.shape_cast %parallel_loop3A_808 : vector<16x1xi32> to vector<16xi32>
          %parallel_loop3A_810 = tpu.dynamic_gather %parallel_loop3A_731[%parallel_loop3A_809] in [0] : vector<16xf32>, vector<16xi32> -> vector<16xf32>
          %parallel_loop3A_811 = arith.index_cast %parallel_loop3A_717 : i32 to index
          %parallel_loop3A_812 = arith.constant 80 : index
          %parallel_loop3A_813 = tpu.vector_load %arg20[%parallel_loop3A_811, %parallel_loop3A_812] {strides = array<i32>} : memref<64x128xf32, #tpu.memory_space<vmem>>, vector<1x16xf32>,
          %parallel_loop3A_814 = vector.shape_cast %parallel_loop3A_813 : vector<1x16xf32> to vector<16xf32>
          %parallel_loop3A_815 = arith.mulf %parallel_loop3A_814, %parallel_loop3A_810 : vector<16xf32>
          %parallel_loop3A_816 = arith.index_cast %parallel_loop3A_717 : i32 to index
          %parallel_loop3A_817 = arith.constant 80 : index
          %parallel_loop3A_818 = tpu.vector_load %arg20[%parallel_loop3A_816, %parallel_loop3A_817] {strides = array<i32>} : memref<64x128xf32, #tpu.memory_space<vmem>>, vector<1x16xf32>,
          %parallel_loop3A_819 = vector.shape_cast %parallel_loop3A_818 : vector<1x16xf32> to vector<16xf32>
          %parallel_loop3A_820 = vector.shape_cast %parallel_loop3A_815 : vector<16xf32> to vector<1x16xf32>
          tpu.vector_store %arg20[%parallel_loop3A_816, %parallel_loop3A_817], %parallel_loop3A_820 {strides = array<i32>} : memref<64x128xf32, #tpu.memory_space<vmem>>, vector<1x16xf32>,
          %parallel_loop3A_821 = arith.constant 6 : i32
          %parallel_loop3A_822 = vector.broadcast %parallel_loop3A_821 : i32 to vector<16x1xi32>
          %parallel_loop3A_823 = vector.shape_cast %parallel_loop3A_822 : vector<16x1xi32> to vector<16xi32>
          %parallel_loop3A_824 = tpu.dynamic_gather %parallel_loop3A_731[%parallel_loop3A_823] in [0] : vector<16xf32>, vector<16xi32> -> vector<16xf32>
          %parallel_loop3A_825 = arith.index_cast %parallel_loop3A_717 : i32 to index
          %parallel_loop3A_826 = arith.constant 96 : index
          %parallel_loop3A_827 = tpu.vector_load %arg20[%parallel_loop3A_825, %parallel_loop3A_826] {strides = array<i32>} : memref<64x128xf32, #tpu.memory_space<vmem>>, vector<1x16xf32>,
          %parallel_loop3A_828 = vector.shape_cast %parallel_loop3A_827 : vector<1x16xf32> to vector<16xf32>
          %parallel_loop3A_829 = arith.mulf %parallel_loop3A_828, %parallel_loop3A_824 : vector<16xf32>
          %parallel_loop3A_830 = arith.index_cast %parallel_loop3A_717 : i32 to index
          %parallel_loop3A_831 = arith.constant 96 : index
          %parallel_loop3A_832 = tpu.vector_load %arg20[%parallel_loop3A_830, %parallel_loop3A_831] {strides = array<i32>} : memref<64x128xf32, #tpu.memory_space<vmem>>, vector<1x16xf32>,
          %parallel_loop3A_833 = vector.shape_cast %parallel_loop3A_832 : vector<1x16xf32> to vector<16xf32>
          %parallel_loop3A_834 = vector.shape_cast %parallel_loop3A_829 : vector<16xf32> to vector<1x16xf32>
          tpu.vector_store %arg20[%parallel_loop3A_830, %parallel_loop3A_831], %parallel_loop3A_834 {strides = array<i32>} : memref<64x128xf32, #tpu.memory_space<vmem>>, vector<1x16xf32>,
          %parallel_loop3A_835 = arith.constant 7 : i32
          %parallel_loop3A_836 = vector.broadcast %parallel_loop3A_835 : i32 to vector<16x1xi32>
          %parallel_loop3A_837 = vector.shape_cast %parallel_loop3A_836 : vector<16x1xi32> to vector<16xi32>
          %parallel_loop3A_838 = tpu.dynamic_gather %parallel_loop3A_731[%parallel_loop3A_837] in [0] : vector<16xf32>, vector<16xi32> -> vector<16xf32>
          %parallel_loop3A_839 = arith.index_cast %parallel_loop3A_717 : i32 to index
          %parallel_loop3A_840 = arith.constant 112 : index
          %parallel_loop3A_841 = tpu.vector_load %arg20[%parallel_loop3A_839, %parallel_loop3A_840] {strides = array<i32>} : memref<64x128xf32, #tpu.memory_space<vmem>>, vector<1x16xf32>,
          %parallel_loop3A_842 = vector.shape_cast %parallel_loop3A_841 : vector<1x16xf32> to vector<16xf32>
          %parallel_loop3A_843 = arith.mulf %parallel_loop3A_842, %parallel_loop3A_838 : vector<16xf32>
          %parallel_loop3A_844 = arith.index_cast %parallel_loop3A_717 : i32 to index
          %parallel_loop3A_845 = arith.constant 112 : index
          %parallel_loop3A_846 = tpu.vector_load %arg20[%parallel_loop3A_844, %parallel_loop3A_845] {strides = array<i32>} : memref<64x128xf32, #tpu.memory_space<vmem>>, vector<1x16xf32>,
          %parallel_loop3A_847 = vector.shape_cast %parallel_loop3A_846 : vector<1x16xf32> to vector<16xf32>
          %parallel_loop3A_848 = vector.shape_cast %parallel_loop3A_843 : vector<16xf32> to vector<1x16xf32>
          tpu.vector_store %arg20[%parallel_loop3A_844, %parallel_loop3A_845], %parallel_loop3A_848 {strides = array<i32>} : memref<64x128xf32, #tpu.memory_space<vmem>>, vector<1x16xf32>,
        } {sc.loop_unroll_factor = 1 : i64, sc.parallel_access}
        %ge3A = arith.cmpi sge, %mul3A_494, %select_n3A : i32
        %convert_element_type3A_497 = arith.extui %ge3A : i1 to i32
        %cond3A_498 = arith.constant 0 : i32
        %cond3A_499 = arith.cmpi ne, %convert_element_type3A_497, %cond3A_498 : i32
        scf.if %cond3A_499 {
          %scan3A_717 = arith.constant 0 : i32
          %scan3A_718 = arith.constant 64 : i32
          %scan3A_719 = arith.addi %scan3A_717, %scan3A_718 : i32
          %scan3A_720 = arith.constant 1 : i32
          scf.for %scan3A_722 = %scan3A_717 to %scan3A_719 step %scan3A_720  : i32 {
            %mul3A_723 = arith.constant 1 : i32
            %mul3A_724 = arith.muli %scan3A_722, %mul3A_723 : i32
            %add3A_725 = arith.constant 0 : i32
            %add3A_726 = arith.addi %add3A_725, %mul3A_724 : i32
            %broadcast_in_dim3A = arith.constant 0.000000e+00 : f32
            %broadcast_in_dim3A_727 = vector.broadcast %broadcast_in_dim3A : f32 to vector<16xf32>
            %swap3A = arith.index_cast %add3A_726 : i32 to index
            %swap3A_728 = arith.constant 0 : index
            %swap3A_729 = tpu.vector_load %arg19[%swap3A, %swap3A_728] {strides = array<i32>} : memref<64x16xf32, #tpu.memory_space<vmem>>, vector<1x16xf32>,
            %swap3A_730 = vector.shape_cast %swap3A_729 : vector<1x16xf32> to vector<16xf32>
            %swap3A_731 = vector.shape_cast %broadcast_in_dim3A_727 : vector<16xf32> to vector<1x16xf32>
            tpu.vector_store %arg19[%swap3A, %swap3A_728], %swap3A_731 {strides = array<i32>} : memref<64x16xf32, #tpu.memory_space<vmem>>, vector<1x16xf32>,
            %broadcast_in_dim3A_732 = arith.constant 0.000000e+00 : f32
            %broadcast_in_dim3A_733 = vector.broadcast %broadcast_in_dim3A_732 : f32 to vector<16xf32>
            %swap3A_734 = arith.index_cast %add3A_726 : i32 to index
            %swap3A_735 = arith.constant 0 : index
            %swap3A_736 = tpu.vector_load %arg20[%swap3A_734, %swap3A_735] {strides = array<i32>} : memref<64x128xf32, #tpu.memory_space<vmem>>, vector<1x16xf32>,
            %swap3A_737 = vector.shape_cast %swap3A_736 : vector<1x16xf32> to vector<16xf32>
            %swap3A_738 = vector.shape_cast %broadcast_in_dim3A_733 : vector<16xf32> to vector<1x16xf32>
            tpu.vector_store %arg20[%swap3A_734, %swap3A_735], %swap3A_738 {strides = array<i32>} : memref<64x128xf32, #tpu.memory_space<vmem>>, vector<1x16xf32>,
            %broadcast_in_dim3A_739 = arith.constant 0.000000e+00 : f32
            %broadcast_in_dim3A_740 = vector.broadcast %broadcast_in_dim3A_739 : f32 to vector<16xf32>
            %swap3A_741 = arith.index_cast %add3A_726 : i32 to index
            %swap3A_742 = arith.constant 16 : index
            %swap3A_743 = tpu.vector_load %arg20[%swap3A_741, %swap3A_742] {strides = array<i32>} : memref<64x128xf32, #tpu.memory_space<vmem>>, vector<1x16xf32>,
            %swap3A_744 = vector.shape_cast %swap3A_743 : vector<1x16xf32> to vector<16xf32>
            %swap3A_745 = vector.shape_cast %broadcast_in_dim3A_740 : vector<16xf32> to vector<1x16xf32>
            tpu.vector_store %arg20[%swap3A_741, %swap3A_742], %swap3A_745 {strides = array<i32>} : memref<64x128xf32, #tpu.memory_space<vmem>>, vector<1x16xf32>,
            %broadcast_in_dim3A_746 = arith.constant 0.000000e+00 : f32
            %broadcast_in_dim3A_747 = vector.broadcast %broadcast_in_dim3A_746 : f32 to vector<16xf32>
            %swap3A_748 = arith.index_cast %add3A_726 : i32 to index
            %swap3A_749 = arith.constant 32 : index
            %swap3A_750 = tpu.vector_load %arg20[%swap3A_748, %swap3A_749] {strides = array<i32>} : memref<64x128xf32, #tpu.memory_space<vmem>>, vector<1x16xf32>,
            %swap3A_751 = vector.shape_cast %swap3A_750 : vector<1x16xf32> to vector<16xf32>
            %swap3A_752 = vector.shape_cast %broadcast_in_dim3A_747 : vector<16xf32> to vector<1x16xf32>
            tpu.vector_store %arg20[%swap3A_748, %swap3A_749], %swap3A_752 {strides = array<i32>} : memref<64x128xf32, #tpu.memory_space<vmem>>, vector<1x16xf32>,
            %broadcast_in_dim3A_753 = arith.constant 0.000000e+00 : f32
            %broadcast_in_dim3A_754 = vector.broadcast %broadcast_in_dim3A_753 : f32 to vector<16xf32>
            %swap3A_755 = arith.index_cast %add3A_726 : i32 to index
            %swap3A_756 = arith.constant 48 : index
            %swap3A_757 = tpu.vector_load %arg20[%swap3A_755, %swap3A_756] {strides = array<i32>} : memref<64x128xf32, #tpu.memory_space<vmem>>, vector<1x16xf32>,
            %swap3A_758 = vector.shape_cast %swap3A_757 : vector<1x16xf32> to vector<16xf32>
            %swap3A_759 = vector.shape_cast %broadcast_in_dim3A_754 : vector<16xf32> to vector<1x16xf32>
            tpu.vector_store %arg20[%swap3A_755, %swap3A_756], %swap3A_759 {strides = array<i32>} : memref<64x128xf32, #tpu.memory_space<vmem>>, vector<1x16xf32>,
            %broadcast_in_dim3A_760 = arith.constant 0.000000e+00 : f32
            %broadcast_in_dim3A_761 = vector.broadcast %broadcast_in_dim3A_760 : f32 to vector<16xf32>
            %swap3A_762 = arith.index_cast %add3A_726 : i32 to index
            %swap3A_763 = arith.constant 64 : index
            %swap3A_764 = tpu.vector_load %arg20[%swap3A_762, %swap3A_763] {strides = array<i32>} : memref<64x128xf32, #tpu.memory_space<vmem>>, vector<1x16xf32>,
            %swap3A_765 = vector.shape_cast %swap3A_764 : vector<1x16xf32> to vector<16xf32>
            %swap3A_766 = vector.shape_cast %broadcast_in_dim3A_761 : vector<16xf32> to vector<1x16xf32>
            tpu.vector_store %arg20[%swap3A_762, %swap3A_763], %swap3A_766 {strides = array<i32>} : memref<64x128xf32, #tpu.memory_space<vmem>>, vector<1x16xf32>,
            %broadcast_in_dim3A_767 = arith.constant 0.000000e+00 : f32
            %broadcast_in_dim3A_768 = vector.broadcast %broadcast_in_dim3A_767 : f32 to vector<16xf32>
            %swap3A_769 = arith.index_cast %add3A_726 : i32 to index
            %swap3A_770 = arith.constant 80 : index
            %swap3A_771 = tpu.vector_load %arg20[%swap3A_769, %swap3A_770] {strides = array<i32>} : memref<64x128xf32, #tpu.memory_space<vmem>>, vector<1x16xf32>,
            %swap3A_772 = vector.shape_cast %swap3A_771 : vector<1x16xf32> to vector<16xf32>
            %swap3A_773 = vector.shape_cast %broadcast_in_dim3A_768 : vector<16xf32> to vector<1x16xf32>
            tpu.vector_store %arg20[%swap3A_769, %swap3A_770], %swap3A_773 {strides = array<i32>} : memref<64x128xf32, #tpu.memory_space<vmem>>, vector<1x16xf32>,
            %broadcast_in_dim3A_774 = arith.constant 0.000000e+00 : f32
            %broadcast_in_dim3A_775 = vector.broadcast %broadcast_in_dim3A_774 : f32 to vector<16xf32>
            %swap3A_776 = arith.index_cast %add3A_726 : i32 to index
            %swap3A_777 = arith.constant 96 : index
            %swap3A_778 = tpu.vector_load %arg20[%swap3A_776, %swap3A_777] {strides = array<i32>} : memref<64x128xf32, #tpu.memory_space<vmem>>, vector<1x16xf32>,
            %swap3A_779 = vector.shape_cast %swap3A_778 : vector<1x16xf32> to vector<16xf32>
            %swap3A_780 = vector.shape_cast %broadcast_in_dim3A_775 : vector<16xf32> to vector<1x16xf32>
            tpu.vector_store %arg20[%swap3A_776, %swap3A_777], %swap3A_780 {strides = array<i32>} : memref<64x128xf32, #tpu.memory_space<vmem>>, vector<1x16xf32>,
            %broadcast_in_dim3A_781 = arith.constant 0.000000e+00 : f32
            %broadcast_in_dim3A_782 = vector.broadcast %broadcast_in_dim3A_781 : f32 to vector<16xf32>
            %swap3A_783 = arith.index_cast %add3A_726 : i32 to index
            %swap3A_784 = arith.constant 112 : index
            %swap3A_785 = tpu.vector_load %arg20[%swap3A_783, %swap3A_784] {strides = array<i32>} : memref<64x128xf32, #tpu.memory_space<vmem>>, vector<1x16xf32>,
            %swap3A_786 = vector.shape_cast %swap3A_785 : vector<1x16xf32> to vector<16xf32>
            %swap3A_787 = vector.shape_cast %broadcast_in_dim3A_782 : vector<16xf32> to vector<1x16xf32>
            tpu.vector_store %arg20[%swap3A_783, %swap3A_784], %swap3A_787 {strides = array<i32>} : memref<64x128xf32, #tpu.memory_space<vmem>>, vector<1x16xf32>,
          }
          %scan3A_721 = arith.constant 64 : i32
        } else {
        }
        %dma_start3A_500 = arith.constant 1 : i32
        %dma_start3A_501 = arith.constant 0 : i32
        %dma_start3A_502 = tpu.memref_slice %arg16[%dma_start3A_500, %dma_start3A_501] : memref<2x64xi32, #tpu.memory_space<vmem>> -> memref<1x64xi32, #tpu.memory_space<vmem>>
        %dma_start3A_503 = tpu.memref_squeeze %dma_start3A_502 : memref<1x64xi32, #tpu.memory_space<vmem>> -> memref<64xi32, #tpu.memory_space<vmem>>
        %dma_start3A_504 = arith.constant 0 : i32
        %dma_start3A_505 = arith.constant 0 : i32
        %dma_start3A_506 = tpu.memref_slice %arg15[%dma_start3A_504, %dma_start3A_505] : memref<10240x16xf32, #tpu.memory_space<vmem_shared>> -> memref<10240x16xf32, #tpu.memory_space<vmem_shared>>
        tpu.enqueue_indirect_dma source(%arg19 : memref<64x16xf32, #tpu.memory_space<vmem>>) target(%dma_start3A_506 : memref<10240x16xf32, #tpu.memory_space<vmem_shared>>) offsets(%dma_start3A_503 : memref<64xi32, #tpu.memory_space<vmem>>) semaphore(%arg34 : memref<!tpu.dma_semaphore, #tpu.memory_space<semaphore_mem>>) {add = true}
        %dma_start3A_507 = arith.constant 1 : i32
        %dma_start3A_508 = arith.constant 0 : i32
        %dma_start3A_509 = tpu.memref_slice %arg16[%dma_start3A_507, %dma_start3A_508] : memref<2x64xi32, #tpu.memory_space<vmem>> -> memref<1x64xi32, #tpu.memory_space<vmem>>
        %dma_start3A_510 = tpu.memref_squeeze %dma_start3A_509 : memref<1x64xi32, #tpu.memory_space<vmem>> -> memref<64xi32, #tpu.memory_space<vmem>>
        %dma_start3A_511 = arith.constant 0 : i32
        %dma_start3A_512 = arith.constant 0 : i32
        %dma_start3A_513 = tpu.memref_slice %arg14[%dma_start3A_511, %dma_start3A_512] : memref<10240x128xf32, #tpu.memory_space<vmem_shared>> -> memref<10240x128xf32, #tpu.memory_space<vmem_shared>>
        tpu.enqueue_indirect_dma source(%arg20 : memref<64x128xf32, #tpu.memory_space<vmem>>) target(%dma_start3A_513 : memref<10240x128xf32, #tpu.memory_space<vmem_shared>>) offsets(%dma_start3A_510 : memref<64xi32, #tpu.memory_space<vmem>>) semaphore(%arg34 : memref<!tpu.dma_semaphore, #tpu.memory_space<semaphore_mem>>) {add = true}
        %dma_wait3A_514 = arith.constant 0 : i32
        %dma_wait3A_515 = arith.constant 0 : i32
        %dma_wait3A_516 = tpu.memref_slice %arg21[%dma_wait3A_514, %dma_wait3A_515] : memref<2x64xi32, #tpu.memory_space<vmem>> -> memref<1x64xi32, #tpu.memory_space<vmem>>
        %dma_wait3A_517 = tpu.memref_squeeze %dma_wait3A_516 : memref<1x64xi32, #tpu.memory_space<vmem>> -> memref<64xi32, #tpu.memory_space<vmem>>
        %dma_wait3A_518 = arith.constant 0 : i32
        %dma_wait3A_519 = arith.constant 0 : i32
        %dma_wait3A_520 = tpu.memref_slice %arg6[%dma_wait3A_518, %dma_wait3A_519] : memref<10000x16xf32, #tpu.memory_space<hbm>> -> memref<10000x16xf32, #tpu.memory_space<hbm>>
        tpu.wait_indirect_dma semaphore(%arg32 : memref<!tpu.dma_semaphore, #tpu.memory_space<semaphore_mem>>) src(%dma_wait3A_520 : memref<10000x16xf32, #tpu.memory_space<hbm>>) dst(%arg22 : memref<64x16xf32, #tpu.memory_space<vmem>>)
        %dma_wait3A_521 = arith.constant 1 : i32
        %dma_wait3A_522 = arith.constant 0 : i32
        %dma_wait3A_523 = tpu.memref_slice %arg21[%dma_wait3A_521, %dma_wait3A_522] : memref<2x64xi32, #tpu.memory_space<vmem>> -> memref<1x64xi32, #tpu.memory_space<vmem>>
        %dma_wait3A_524 = tpu.memref_squeeze %dma_wait3A_523 : memref<1x64xi32, #tpu.memory_space<vmem>> -> memref<64xi32, #tpu.memory_space<vmem>>
        %dma_wait3A_525 = arith.constant 0 : i32
        %dma_wait3A_526 = arith.constant 0 : i32
        %dma_wait3A_527 = tpu.memref_slice %arg7[%dma_wait3A_525, %dma_wait3A_526] : memref<10000x16xf32, #tpu.memory_space<hbm>> -> memref<10000x16xf32, #tpu.memory_space<hbm>>
        tpu.wait_indirect_dma semaphore(%arg32 : memref<!tpu.dma_semaphore, #tpu.memory_space<semaphore_mem>>) src(%dma_wait3A_527 : memref<10000x16xf32, #tpu.memory_space<hbm>>) dst(%arg23 : memref<64x16xf32, #tpu.memory_space<vmem>>)
        %dma_wait3A_528 = arith.constant 0 : i32
        %dma_wait3A_529 = arith.constant 0 : i32
        %dma_wait3A_530 = tpu.memref_slice %arg21[%dma_wait3A_528, %dma_wait3A_529] : memref<2x64xi32, #tpu.memory_space<vmem>> -> memref<1x64xi32, #tpu.memory_space<vmem>>
        %dma_wait3A_531 = tpu.memref_squeeze %dma_wait3A_530 : memref<1x64xi32, #tpu.memory_space<vmem>> -> memref<64xi32, #tpu.memory_space<vmem>>
        %dma_wait3A_532 = arith.constant 0 : i32
        %dma_wait3A_533 = arith.constant 0 : i32
        %dma_wait3A_534 = tpu.memref_slice %arg8[%dma_wait3A_532, %dma_wait3A_533] : memref<10000x128xf32, #tpu.memory_space<hbm>> -> memref<10000x128xf32, #tpu.memory_space<hbm>>
        tpu.wait_indirect_dma semaphore(%arg32 : memref<!tpu.dma_semaphore, #tpu.memory_space<semaphore_mem>>) src(%dma_wait3A_534 : memref<10000x128xf32, #tpu.memory_space<hbm>>) dst(%arg25 : memref<64x128xf32, #tpu.memory_space<vmem>>)
        %mul3A_535 = arith.constant 3 : i32
        %mul3A_536 = arith.muli %mul3A_535, %add3A_466 : i32
        %add3A_537 = arith.constant 1 : i32
        %add3A_538 = arith.addi %mul3A_536, %add3A_537 : i32
        %parallel_loop3A_539 = arith.constant 0 : i32
        %parallel_loop3A_540 = arith.constant 64 : i32
        %parallel_loop3A_541 = arith.constant 1 : i32
        scf.for %parallel_loop3A_717 = %parallel_loop3A_539 to %parallel_loop3A_540 step %parallel_loop3A_541  : i32 {
          %parallel_loop3A_718 = arith.index_cast %parallel_loop3A_717 : i32 to index
          %parallel_loop3A_719 = arith.constant 0 : index
          %parallel_loop3A_720 = tpu.vector_load %arg22[%parallel_loop3A_718, %parallel_loop3A_719] {strides = array<i32>} : memref<64x16xf32, #tpu.memory_space<vmem>>, vector<1x16xf32>,
          %parallel_loop3A_721 = vector.shape_cast %parallel_loop3A_720 : vector<1x16xf32> to vector<16xf32>
          %parallel_loop3A_722 = arith.index_cast %parallel_loop3A_717 : i32 to index
          %parallel_loop3A_723 = arith.constant 0 : index
          %parallel_loop3A_724 = tpu.vector_load %arg23[%parallel_loop3A_722, %parallel_loop3A_723] {strides = array<i32>} : memref<64x16xf32, #tpu.memory_space<vmem>>, vector<1x16xf32>,
          %parallel_loop3A_725 = vector.shape_cast %parallel_loop3A_724 : vector<1x16xf32> to vector<16xf32>
          %parallel_loop3A_726 = arith.addf %parallel_loop3A_721, %parallel_loop3A_725 : vector<16xf32>
          %parallel_loop3A_727 = arith.constant 2.000000e-01 : f32
          %parallel_loop3A_728 = vector.broadcast %parallel_loop3A_727 : f32 to vector<16xf32>
          %parallel_loop3A_729 = arith.mulf %parallel_loop3A_726, %parallel_loop3A_728 : vector<16xf32>
          %parallel_loop3A_730 = arith.maximumf %parallel_loop3A_726, %parallel_loop3A_729 : vector<16xf32>
          %parallel_loop3A_731 = math.exp %parallel_loop3A_730 : vector<16xf32>
          %parallel_loop3A_732 = arith.index_cast %parallel_loop3A_717 : i32 to index
          %parallel_loop3A_733 = arith.constant 0 : index
          %parallel_loop3A_734 = tpu.vector_load %arg24[%parallel_loop3A_732, %parallel_loop3A_733] {strides = array<i32>} : memref<64x16xf32, #tpu.memory_space<vmem>>, vector<1x16xf32>,
          %parallel_loop3A_735 = vector.shape_cast %parallel_loop3A_734 : vector<1x16xf32> to vector<16xf32>
          %parallel_loop3A_736 = vector.shape_cast %parallel_loop3A_731 : vector<16xf32> to vector<1x16xf32>
          tpu.vector_store %arg24[%parallel_loop3A_732, %parallel_loop3A_733], %parallel_loop3A_736 {strides = array<i32>} : memref<64x16xf32, #tpu.memory_space<vmem>>, vector<1x16xf32>,
          %parallel_loop3A_737 = arith.constant 0 : i32
          %parallel_loop3A_738 = vector.broadcast %parallel_loop3A_737 : i32 to vector<16x1xi32>
          %parallel_loop3A_739 = vector.shape_cast %parallel_loop3A_738 : vector<16x1xi32> to vector<16xi32>
          %parallel_loop3A_740 = tpu.dynamic_gather %parallel_loop3A_731[%parallel_loop3A_739] in [0] : vector<16xf32>, vector<16xi32> -> vector<16xf32>
          %parallel_loop3A_741 = arith.index_cast %parallel_loop3A_717 : i32 to index
          %parallel_loop3A_742 = arith.constant 0 : index
          %parallel_loop3A_743 = tpu.vector_load %arg25[%parallel_loop3A_741, %parallel_loop3A_742] {strides = array<i32>} : memref<64x128xf32, #tpu.memory_space<vmem>>, vector<1x16xf32>,
          %parallel_loop3A_744 = vector.shape_cast %parallel_loop3A_743 : vector<1x16xf32> to vector<16xf32>
          %parallel_loop3A_745 = arith.mulf %parallel_loop3A_744, %parallel_loop3A_740 : vector<16xf32>
          %parallel_loop3A_746 = arith.index_cast %parallel_loop3A_717 : i32 to index
          %parallel_loop3A_747 = arith.constant 0 : index
          %parallel_loop3A_748 = tpu.vector_load %arg25[%parallel_loop3A_746, %parallel_loop3A_747] {strides = array<i32>} : memref<64x128xf32, #tpu.memory_space<vmem>>, vector<1x16xf32>,
          %parallel_loop3A_749 = vector.shape_cast %parallel_loop3A_748 : vector<1x16xf32> to vector<16xf32>
          %parallel_loop3A_750 = vector.shape_cast %parallel_loop3A_745 : vector<16xf32> to vector<1x16xf32>
          tpu.vector_store %arg25[%parallel_loop3A_746, %parallel_loop3A_747], %parallel_loop3A_750 {strides = array<i32>} : memref<64x128xf32, #tpu.memory_space<vmem>>, vector<1x16xf32>,
          %parallel_loop3A_751 = arith.constant 1 : i32
          %parallel_loop3A_752 = vector.broadcast %parallel_loop3A_751 : i32 to vector<16x1xi32>
          %parallel_loop3A_753 = vector.shape_cast %parallel_loop3A_752 : vector<16x1xi32> to vector<16xi32>
          %parallel_loop3A_754 = tpu.dynamic_gather %parallel_loop3A_731[%parallel_loop3A_753] in [0] : vector<16xf32>, vector<16xi32> -> vector<16xf32>
          %parallel_loop3A_755 = arith.index_cast %parallel_loop3A_717 : i32 to index
          %parallel_loop3A_756 = arith.constant 16 : index
          %parallel_loop3A_757 = tpu.vector_load %arg25[%parallel_loop3A_755, %parallel_loop3A_756] {strides = array<i32>} : memref<64x128xf32, #tpu.memory_space<vmem>>, vector<1x16xf32>,
          %parallel_loop3A_758 = vector.shape_cast %parallel_loop3A_757 : vector<1x16xf32> to vector<16xf32>
          %parallel_loop3A_759 = arith.mulf %parallel_loop3A_758, %parallel_loop3A_754 : vector<16xf32>
          %parallel_loop3A_760 = arith.index_cast %parallel_loop3A_717 : i32 to index
          %parallel_loop3A_761 = arith.constant 16 : index
          %parallel_loop3A_762 = tpu.vector_load %arg25[%parallel_loop3A_760, %parallel_loop3A_761] {strides = array<i32>} : memref<64x128xf32, #tpu.memory_space<vmem>>, vector<1x16xf32>,
          %parallel_loop3A_763 = vector.shape_cast %parallel_loop3A_762 : vector<1x16xf32> to vector<16xf32>
          %parallel_loop3A_764 = vector.shape_cast %parallel_loop3A_759 : vector<16xf32> to vector<1x16xf32>
          tpu.vector_store %arg25[%parallel_loop3A_760, %parallel_loop3A_761], %parallel_loop3A_764 {strides = array<i32>} : memref<64x128xf32, #tpu.memory_space<vmem>>, vector<1x16xf32>,
          %parallel_loop3A_765 = arith.constant 2 : i32
          %parallel_loop3A_766 = vector.broadcast %parallel_loop3A_765 : i32 to vector<16x1xi32>
          %parallel_loop3A_767 = vector.shape_cast %parallel_loop3A_766 : vector<16x1xi32> to vector<16xi32>
          %parallel_loop3A_768 = tpu.dynamic_gather %parallel_loop3A_731[%parallel_loop3A_767] in [0] : vector<16xf32>, vector<16xi32> -> vector<16xf32>
          %parallel_loop3A_769 = arith.index_cast %parallel_loop3A_717 : i32 to index
          %parallel_loop3A_770 = arith.constant 32 : index
          %parallel_loop3A_771 = tpu.vector_load %arg25[%parallel_loop3A_769, %parallel_loop3A_770] {strides = array<i32>} : memref<64x128xf32, #tpu.memory_space<vmem>>, vector<1x16xf32>,
          %parallel_loop3A_772 = vector.shape_cast %parallel_loop3A_771 : vector<1x16xf32> to vector<16xf32>
          %parallel_loop3A_773 = arith.mulf %parallel_loop3A_772, %parallel_loop3A_768 : vector<16xf32>
          %parallel_loop3A_774 = arith.index_cast %parallel_loop3A_717 : i32 to index
          %parallel_loop3A_775 = arith.constant 32 : index
          %parallel_loop3A_776 = tpu.vector_load %arg25[%parallel_loop3A_774, %parallel_loop3A_775] {strides = array<i32>} : memref<64x128xf32, #tpu.memory_space<vmem>>, vector<1x16xf32>,
          %parallel_loop3A_777 = vector.shape_cast %parallel_loop3A_776 : vector<1x16xf32> to vector<16xf32>
          %parallel_loop3A_778 = vector.shape_cast %parallel_loop3A_773 : vector<16xf32> to vector<1x16xf32>
          tpu.vector_store %arg25[%parallel_loop3A_774, %parallel_loop3A_775], %parallel_loop3A_778 {strides = array<i32>} : memref<64x128xf32, #tpu.memory_space<vmem>>, vector<1x16xf32>,
          %parallel_loop3A_779 = arith.constant 3 : i32
          %parallel_loop3A_780 = vector.broadcast %parallel_loop3A_779 : i32 to vector<16x1xi32>
          %parallel_loop3A_781 = vector.shape_cast %parallel_loop3A_780 : vector<16x1xi32> to vector<16xi32>
          %parallel_loop3A_782 = tpu.dynamic_gather %parallel_loop3A_731[%parallel_loop3A_781] in [0] : vector<16xf32>, vector<16xi32> -> vector<16xf32>
          %parallel_loop3A_783 = arith.index_cast %parallel_loop3A_717 : i32 to index
          %parallel_loop3A_784 = arith.constant 48 : index
          %parallel_loop3A_785 = tpu.vector_load %arg25[%parallel_loop3A_783, %parallel_loop3A_784] {strides = array<i32>} : memref<64x128xf32, #tpu.memory_space<vmem>>, vector<1x16xf32>,
          %parallel_loop3A_786 = vector.shape_cast %parallel_loop3A_785 : vector<1x16xf32> to vector<16xf32>
          %parallel_loop3A_787 = arith.mulf %parallel_loop3A_786, %parallel_loop3A_782 : vector<16xf32>
          %parallel_loop3A_788 = arith.index_cast %parallel_loop3A_717 : i32 to index
          %parallel_loop3A_789 = arith.constant 48 : index
          %parallel_loop3A_790 = tpu.vector_load %arg25[%parallel_loop3A_788, %parallel_loop3A_789] {strides = array<i32>} : memref<64x128xf32, #tpu.memory_space<vmem>>, vector<1x16xf32>,
          %parallel_loop3A_791 = vector.shape_cast %parallel_loop3A_790 : vector<1x16xf32> to vector<16xf32>
          %parallel_loop3A_792 = vector.shape_cast %parallel_loop3A_787 : vector<16xf32> to vector<1x16xf32>
          tpu.vector_store %arg25[%parallel_loop3A_788, %parallel_loop3A_789], %parallel_loop3A_792 {strides = array<i32>} : memref<64x128xf32, #tpu.memory_space<vmem>>, vector<1x16xf32>,
          %parallel_loop3A_793 = arith.constant 4 : i32
          %parallel_loop3A_794 = vector.broadcast %parallel_loop3A_793 : i32 to vector<16x1xi32>
          %parallel_loop3A_795 = vector.shape_cast %parallel_loop3A_794 : vector<16x1xi32> to vector<16xi32>
          %parallel_loop3A_796 = tpu.dynamic_gather %parallel_loop3A_731[%parallel_loop3A_795] in [0] : vector<16xf32>, vector<16xi32> -> vector<16xf32>
          %parallel_loop3A_797 = arith.index_cast %parallel_loop3A_717 : i32 to index
          %parallel_loop3A_798 = arith.constant 64 : index
          %parallel_loop3A_799 = tpu.vector_load %arg25[%parallel_loop3A_797, %parallel_loop3A_798] {strides = array<i32>} : memref<64x128xf32, #tpu.memory_space<vmem>>, vector<1x16xf32>,
          %parallel_loop3A_800 = vector.shape_cast %parallel_loop3A_799 : vector<1x16xf32> to vector<16xf32>
          %parallel_loop3A_801 = arith.mulf %parallel_loop3A_800, %parallel_loop3A_796 : vector<16xf32>
          %parallel_loop3A_802 = arith.index_cast %parallel_loop3A_717 : i32 to index
          %parallel_loop3A_803 = arith.constant 64 : index
          %parallel_loop3A_804 = tpu.vector_load %arg25[%parallel_loop3A_802, %parallel_loop3A_803] {strides = array<i32>} : memref<64x128xf32, #tpu.memory_space<vmem>>, vector<1x16xf32>,
          %parallel_loop3A_805 = vector.shape_cast %parallel_loop3A_804 : vector<1x16xf32> to vector<16xf32>
          %parallel_loop3A_806 = vector.shape_cast %parallel_loop3A_801 : vector<16xf32> to vector<1x16xf32>
          tpu.vector_store %arg25[%parallel_loop3A_802, %parallel_loop3A_803], %parallel_loop3A_806 {strides = array<i32>} : memref<64x128xf32, #tpu.memory_space<vmem>>, vector<1x16xf32>,
          %parallel_loop3A_807 = arith.constant 5 : i32
          %parallel_loop3A_808 = vector.broadcast %parallel_loop3A_807 : i32 to vector<16x1xi32>
          %parallel_loop3A_809 = vector.shape_cast %parallel_loop3A_808 : vector<16x1xi32> to vector<16xi32>
          %parallel_loop3A_810 = tpu.dynamic_gather %parallel_loop3A_731[%parallel_loop3A_809] in [0] : vector<16xf32>, vector<16xi32> -> vector<16xf32>
          %parallel_loop3A_811 = arith.index_cast %parallel_loop3A_717 : i32 to index
          %parallel_loop3A_812 = arith.constant 80 : index
          %parallel_loop3A_813 = tpu.vector_load %arg25[%parallel_loop3A_811, %parallel_loop3A_812] {strides = array<i32>} : memref<64x128xf32, #tpu.memory_space<vmem>>, vector<1x16xf32>,
          %parallel_loop3A_814 = vector.shape_cast %parallel_loop3A_813 : vector<1x16xf32> to vector<16xf32>
          %parallel_loop3A_815 = arith.mulf %parallel_loop3A_814, %parallel_loop3A_810 : vector<16xf32>
          %parallel_loop3A_816 = arith.index_cast %parallel_loop3A_717 : i32 to index
          %parallel_loop3A_817 = arith.constant 80 : index
          %parallel_loop3A_818 = tpu.vector_load %arg25[%parallel_loop3A_816, %parallel_loop3A_817] {strides = array<i32>} : memref<64x128xf32, #tpu.memory_space<vmem>>, vector<1x16xf32>,
          %parallel_loop3A_819 = vector.shape_cast %parallel_loop3A_818 : vector<1x16xf32> to vector<16xf32>
          %parallel_loop3A_820 = vector.shape_cast %parallel_loop3A_815 : vector<16xf32> to vector<1x16xf32>
          tpu.vector_store %arg25[%parallel_loop3A_816, %parallel_loop3A_817], %parallel_loop3A_820 {strides = array<i32>} : memref<64x128xf32, #tpu.memory_space<vmem>>, vector<1x16xf32>,
          %parallel_loop3A_821 = arith.constant 6 : i32
          %parallel_loop3A_822 = vector.broadcast %parallel_loop3A_821 : i32 to vector<16x1xi32>
          %parallel_loop3A_823 = vector.shape_cast %parallel_loop3A_822 : vector<16x1xi32> to vector<16xi32>
          %parallel_loop3A_824 = tpu.dynamic_gather %parallel_loop3A_731[%parallel_loop3A_823] in [0] : vector<16xf32>, vector<16xi32> -> vector<16xf32>
          %parallel_loop3A_825 = arith.index_cast %parallel_loop3A_717 : i32 to index
          %parallel_loop3A_826 = arith.constant 96 : index
          %parallel_loop3A_827 = tpu.vector_load %arg25[%parallel_loop3A_825, %parallel_loop3A_826] {strides = array<i32>} : memref<64x128xf32, #tpu.memory_space<vmem>>, vector<1x16xf32>,
          %parallel_loop3A_828 = vector.shape_cast %parallel_loop3A_827 : vector<1x16xf32> to vector<16xf32>
          %parallel_loop3A_829 = arith.mulf %parallel_loop3A_828, %parallel_loop3A_824 : vector<16xf32>
          %parallel_loop3A_830 = arith.index_cast %parallel_loop3A_717 : i32 to index
          %parallel_loop3A_831 = arith.constant 96 : index
          %parallel_loop3A_832 = tpu.vector_load %arg25[%parallel_loop3A_830, %parallel_loop3A_831] {strides = array<i32>} : memref<64x128xf32, #tpu.memory_space<vmem>>, vector<1x16xf32>,
          %parallel_loop3A_833 = vector.shape_cast %parallel_loop3A_832 : vector<1x16xf32> to vector<16xf32>
          %parallel_loop3A_834 = vector.shape_cast %parallel_loop3A_829 : vector<16xf32> to vector<1x16xf32>
          tpu.vector_store %arg25[%parallel_loop3A_830, %parallel_loop3A_831], %parallel_loop3A_834 {strides = array<i32>} : memref<64x128xf32, #tpu.memory_space<vmem>>, vector<1x16xf32>,
          %parallel_loop3A_835 = arith.constant 7 : i32
          %parallel_loop3A_836 = vector.broadcast %parallel_loop3A_835 : i32 to vector<16x1xi32>
          %parallel_loop3A_837 = vector.shape_cast %parallel_loop3A_836 : vector<16x1xi32> to vector<16xi32>
          %parallel_loop3A_838 = tpu.dynamic_gather %parallel_loop3A_731[%parallel_loop3A_837] in [0] : vector<16xf32>, vector<16xi32> -> vector<16xf32>
          %parallel_loop3A_839 = arith.index_cast %parallel_loop3A_717 : i32 to index
          %parallel_loop3A_840 = arith.constant 112 : index
          %parallel_loop3A_841 = tpu.vector_load %arg25[%parallel_loop3A_839, %parallel_loop3A_840] {strides = array<i32>} : memref<64x128xf32, #tpu.memory_space<vmem>>, vector<1x16xf32>,
          %parallel_loop3A_842 = vector.shape_cast %parallel_loop3A_841 : vector<1x16xf32> to vector<16xf32>
          %parallel_loop3A_843 = arith.mulf %parallel_loop3A_842, %parallel_loop3A_838 : vector<16xf32>
          %parallel_loop3A_844 = arith.index_cast %parallel_loop3A_717 : i32 to index
          %parallel_loop3A_845 = arith.constant 112 : index
          %parallel_loop3A_846 = tpu.vector_load %arg25[%parallel_loop3A_844, %parallel_loop3A_845] {strides = array<i32>} : memref<64x128xf32, #tpu.memory_space<vmem>>, vector<1x16xf32>,
          %parallel_loop3A_847 = vector.shape_cast %parallel_loop3A_846 : vector<1x16xf32> to vector<16xf32>
          %parallel_loop3A_848 = vector.shape_cast %parallel_loop3A_843 : vector<16xf32> to vector<1x16xf32>
          tpu.vector_store %arg25[%parallel_loop3A_844, %parallel_loop3A_845], %parallel_loop3A_848 {strides = array<i32>} : memref<64x128xf32, #tpu.memory_space<vmem>>, vector<1x16xf32>,
        } {sc.loop_unroll_factor = 1 : i64, sc.parallel_access}
        %ge3A_542 = arith.cmpi sge, %add3A_538, %select_n3A : i32
        %convert_element_type3A_543 = arith.extui %ge3A_542 : i1 to i32
        %cond3A_544 = arith.constant 0 : i32
        %cond3A_545 = arith.cmpi ne, %convert_element_type3A_543, %cond3A_544 : i32
        scf.if %cond3A_545 {
          %scan3A_717 = arith.constant 0 : i32
          %scan3A_718 = arith.constant 64 : i32
          %scan3A_719 = arith.addi %scan3A_717, %scan3A_718 : i32
          %scan3A_720 = arith.constant 1 : i32
          scf.for %scan3A_722 = %scan3A_717 to %scan3A_719 step %scan3A_720  : i32 {
            %mul3A_723 = arith.constant 1 : i32
            %mul3A_724 = arith.muli %scan3A_722, %mul3A_723 : i32
            %add3A_725 = arith.constant 0 : i32
            %add3A_726 = arith.addi %add3A_725, %mul3A_724 : i32
            %broadcast_in_dim3A = arith.constant 0.000000e+00 : f32
            %broadcast_in_dim3A_727 = vector.broadcast %broadcast_in_dim3A : f32 to vector<16xf32>
            %swap3A = arith.index_cast %add3A_726 : i32 to index
            %swap3A_728 = arith.constant 0 : index
            %swap3A_729 = tpu.vector_load %arg24[%swap3A, %swap3A_728] {strides = array<i32>} : memref<64x16xf32, #tpu.memory_space<vmem>>, vector<1x16xf32>,
            %swap3A_730 = vector.shape_cast %swap3A_729 : vector<1x16xf32> to vector<16xf32>
            %swap3A_731 = vector.shape_cast %broadcast_in_dim3A_727 : vector<16xf32> to vector<1x16xf32>
            tpu.vector_store %arg24[%swap3A, %swap3A_728], %swap3A_731 {strides = array<i32>} : memref<64x16xf32, #tpu.memory_space<vmem>>, vector<1x16xf32>,
            %broadcast_in_dim3A_732 = arith.constant 0.000000e+00 : f32
            %broadcast_in_dim3A_733 = vector.broadcast %broadcast_in_dim3A_732 : f32 to vector<16xf32>
            %swap3A_734 = arith.index_cast %add3A_726 : i32 to index
            %swap3A_735 = arith.constant 0 : index
            %swap3A_736 = tpu.vector_load %arg25[%swap3A_734, %swap3A_735] {strides = array<i32>} : memref<64x128xf32, #tpu.memory_space<vmem>>, vector<1x16xf32>,
            %swap3A_737 = vector.shape_cast %swap3A_736 : vector<1x16xf32> to vector<16xf32>
            %swap3A_738 = vector.shape_cast %broadcast_in_dim3A_733 : vector<16xf32> to vector<1x16xf32>
            tpu.vector_store %arg25[%swap3A_734, %swap3A_735], %swap3A_738 {strides = array<i32>} : memref<64x128xf32, #tpu.memory_space<vmem>>, vector<1x16xf32>,
            %broadcast_in_dim3A_739 = arith.constant 0.000000e+00 : f32
            %broadcast_in_dim3A_740 = vector.broadcast %broadcast_in_dim3A_739 : f32 to vector<16xf32>
            %swap3A_741 = arith.index_cast %add3A_726 : i32 to index
            %swap3A_742 = arith.constant 16 : index
            %swap3A_743 = tpu.vector_load %arg25[%swap3A_741, %swap3A_742] {strides = array<i32>} : memref<64x128xf32, #tpu.memory_space<vmem>>, vector<1x16xf32>,
            %swap3A_744 = vector.shape_cast %swap3A_743 : vector<1x16xf32> to vector<16xf32>
            %swap3A_745 = vector.shape_cast %broadcast_in_dim3A_740 : vector<16xf32> to vector<1x16xf32>
            tpu.vector_store %arg25[%swap3A_741, %swap3A_742], %swap3A_745 {strides = array<i32>} : memref<64x128xf32, #tpu.memory_space<vmem>>, vector<1x16xf32>,
            %broadcast_in_dim3A_746 = arith.constant 0.000000e+00 : f32
            %broadcast_in_dim3A_747 = vector.broadcast %broadcast_in_dim3A_746 : f32 to vector<16xf32>
            %swap3A_748 = arith.index_cast %add3A_726 : i32 to index
            %swap3A_749 = arith.constant 32 : index
            %swap3A_750 = tpu.vector_load %arg25[%swap3A_748, %swap3A_749] {strides = array<i32>} : memref<64x128xf32, #tpu.memory_space<vmem>>, vector<1x16xf32>,
            %swap3A_751 = vector.shape_cast %swap3A_750 : vector<1x16xf32> to vector<16xf32>
            %swap3A_752 = vector.shape_cast %broadcast_in_dim3A_747 : vector<16xf32> to vector<1x16xf32>
            tpu.vector_store %arg25[%swap3A_748, %swap3A_749], %swap3A_752 {strides = array<i32>} : memref<64x128xf32, #tpu.memory_space<vmem>>, vector<1x16xf32>,
            %broadcast_in_dim3A_753 = arith.constant 0.000000e+00 : f32
            %broadcast_in_dim3A_754 = vector.broadcast %broadcast_in_dim3A_753 : f32 to vector<16xf32>
            %swap3A_755 = arith.index_cast %add3A_726 : i32 to index
            %swap3A_756 = arith.constant 48 : index
            %swap3A_757 = tpu.vector_load %arg25[%swap3A_755, %swap3A_756] {strides = array<i32>} : memref<64x128xf32, #tpu.memory_space<vmem>>, vector<1x16xf32>,
            %swap3A_758 = vector.shape_cast %swap3A_757 : vector<1x16xf32> to vector<16xf32>
            %swap3A_759 = vector.shape_cast %broadcast_in_dim3A_754 : vector<16xf32> to vector<1x16xf32>
            tpu.vector_store %arg25[%swap3A_755, %swap3A_756], %swap3A_759 {strides = array<i32>} : memref<64x128xf32, #tpu.memory_space<vmem>>, vector<1x16xf32>,
            %broadcast_in_dim3A_760 = arith.constant 0.000000e+00 : f32
            %broadcast_in_dim3A_761 = vector.broadcast %broadcast_in_dim3A_760 : f32 to vector<16xf32>
            %swap3A_762 = arith.index_cast %add3A_726 : i32 to index
            %swap3A_763 = arith.constant 64 : index
            %swap3A_764 = tpu.vector_load %arg25[%swap3A_762, %swap3A_763] {strides = array<i32>} : memref<64x128xf32, #tpu.memory_space<vmem>>, vector<1x16xf32>,
            %swap3A_765 = vector.shape_cast %swap3A_764 : vector<1x16xf32> to vector<16xf32>
            %swap3A_766 = vector.shape_cast %broadcast_in_dim3A_761 : vector<16xf32> to vector<1x16xf32>
            tpu.vector_store %arg25[%swap3A_762, %swap3A_763], %swap3A_766 {strides = array<i32>} : memref<64x128xf32, #tpu.memory_space<vmem>>, vector<1x16xf32>,
            %broadcast_in_dim3A_767 = arith.constant 0.000000e+00 : f32
            %broadcast_in_dim3A_768 = vector.broadcast %broadcast_in_dim3A_767 : f32 to vector<16xf32>
            %swap3A_769 = arith.index_cast %add3A_726 : i32 to index
            %swap3A_770 = arith.constant 80 : index
            %swap3A_771 = tpu.vector_load %arg25[%swap3A_769, %swap3A_770] {strides = array<i32>} : memref<64x128xf32, #tpu.memory_space<vmem>>, vector<1x16xf32>,
            %swap3A_772 = vector.shape_cast %swap3A_771 : vector<1x16xf32> to vector<16xf32>
            %swap3A_773 = vector.shape_cast %broadcast_in_dim3A_768 : vector<16xf32> to vector<1x16xf32>
            tpu.vector_store %arg25[%swap3A_769, %swap3A_770], %swap3A_773 {strides = array<i32>} : memref<64x128xf32, #tpu.memory_space<vmem>>, vector<1x16xf32>,
            %broadcast_in_dim3A_774 = arith.constant 0.000000e+00 : f32
            %broadcast_in_dim3A_775 = vector.broadcast %broadcast_in_dim3A_774 : f32 to vector<16xf32>
            %swap3A_776 = arith.index_cast %add3A_726 : i32 to index
            %swap3A_777 = arith.constant 96 : index
            %swap3A_778 = tpu.vector_load %arg25[%swap3A_776, %swap3A_777] {strides = array<i32>} : memref<64x128xf32, #tpu.memory_space<vmem>>, vector<1x16xf32>,
            %swap3A_779 = vector.shape_cast %swap3A_778 : vector<1x16xf32> to vector<16xf32>
            %swap3A_780 = vector.shape_cast %broadcast_in_dim3A_775 : vector<16xf32> to vector<1x16xf32>
            tpu.vector_store %arg25[%swap3A_776, %swap3A_777], %swap3A_780 {strides = array<i32>} : memref<64x128xf32, #tpu.memory_space<vmem>>, vector<1x16xf32>,
            %broadcast_in_dim3A_781 = arith.constant 0.000000e+00 : f32
            %broadcast_in_dim3A_782 = vector.broadcast %broadcast_in_dim3A_781 : f32 to vector<16xf32>
            %swap3A_783 = arith.index_cast %add3A_726 : i32 to index
            %swap3A_784 = arith.constant 112 : index
            %swap3A_785 = tpu.vector_load %arg25[%swap3A_783, %swap3A_784] {strides = array<i32>} : memref<64x128xf32, #tpu.memory_space<vmem>>, vector<1x16xf32>,
            %swap3A_786 = vector.shape_cast %swap3A_785 : vector<1x16xf32> to vector<16xf32>
            %swap3A_787 = vector.shape_cast %broadcast_in_dim3A_782 : vector<16xf32> to vector<1x16xf32>
            tpu.vector_store %arg25[%swap3A_783, %swap3A_784], %swap3A_787 {strides = array<i32>} : memref<64x128xf32, #tpu.memory_space<vmem>>, vector<1x16xf32>,
          }
          %scan3A_721 = arith.constant 64 : i32
        } else {
        }
        %dma_start3A_546 = arith.constant 1 : i32
        %dma_start3A_547 = arith.constant 0 : i32
        %dma_start3A_548 = tpu.memref_slice %arg21[%dma_start3A_546, %dma_start3A_547] : memref<2x64xi32, #tpu.memory_space<vmem>> -> memref<1x64xi32, #tpu.memory_space<vmem>>
        %dma_start3A_549 = tpu.memref_squeeze %dma_start3A_548 : memref<1x64xi32, #tpu.memory_space<vmem>> -> memref<64xi32, #tpu.memory_space<vmem>>
        %dma_start3A_550 = arith.constant 0 : i32
        %dma_start3A_551 = arith.constant 0 : i32
        %dma_start3A_552 = tpu.memref_slice %arg15[%dma_start3A_550, %dma_start3A_551] : memref<10240x16xf32, #tpu.memory_space<vmem_shared>> -> memref<10240x16xf32, #tpu.memory_space<vmem_shared>>
        tpu.enqueue_indirect_dma source(%arg24 : memref<64x16xf32, #tpu.memory_space<vmem>>) target(%dma_start3A_552 : memref<10240x16xf32, #tpu.memory_space<vmem_shared>>) offsets(%dma_start3A_549 : memref<64xi32, #tpu.memory_space<vmem>>) semaphore(%arg35 : memref<!tpu.dma_semaphore, #tpu.memory_space<semaphore_mem>>) {add = true}
        %dma_start3A_553 = arith.constant 1 : i32
        %dma_start3A_554 = arith.constant 0 : i32
        %dma_start3A_555 = tpu.memref_slice %arg21[%dma_start3A_553, %dma_start3A_554] : memref<2x64xi32, #tpu.memory_space<vmem>> -> memref<1x64xi32, #tpu.memory_space<vmem>>
        %dma_start3A_556 = tpu.memref_squeeze %dma_start3A_555 : memref<1x64xi32, #tpu.memory_space<vmem>> -> memref<64xi32, #tpu.memory_space<vmem>>
        %dma_start3A_557 = arith.constant 0 : i32
        %dma_start3A_558 = arith.constant 0 : i32
        %dma_start3A_559 = tpu.memref_slice %arg14[%dma_start3A_557, %dma_start3A_558] : memref<10240x128xf32, #tpu.memory_space<vmem_shared>> -> memref<10240x128xf32, #tpu.memory_space<vmem_shared>>
        tpu.enqueue_indirect_dma source(%arg25 : memref<64x128xf32, #tpu.memory_space<vmem>>) target(%dma_start3A_559 : memref<10240x128xf32, #tpu.memory_space<vmem_shared>>) offsets(%dma_start3A_556 : memref<64xi32, #tpu.memory_space<vmem>>) semaphore(%arg35 : memref<!tpu.dma_semaphore, #tpu.memory_space<semaphore_mem>>) {add = true}
        %dma_wait3A_560 = arith.constant 1 : i32
        %dma_wait3A_561 = arith.constant 0 : i32
        %dma_wait3A_562 = tpu.memref_slice %arg16[%dma_wait3A_560, %dma_wait3A_561] : memref<2x64xi32, #tpu.memory_space<vmem>> -> memref<1x64xi32, #tpu.memory_space<vmem>>
        %dma_wait3A_563 = tpu.memref_squeeze %dma_wait3A_562 : memref<1x64xi32, #tpu.memory_space<vmem>> -> memref<64xi32, #tpu.memory_space<vmem>>
        %dma_wait3A_564 = arith.constant 0 : i32
        %dma_wait3A_565 = arith.constant 0 : i32
        %dma_wait3A_566 = tpu.memref_slice %arg15[%dma_wait3A_564, %dma_wait3A_565] : memref<10240x16xf32, #tpu.memory_space<vmem_shared>> -> memref<10240x16xf32, #tpu.memory_space<vmem_shared>>
        tpu.wait_indirect_dma semaphore(%arg34 : memref<!tpu.dma_semaphore, #tpu.memory_space<semaphore_mem>>) src(%arg19 : memref<64x16xf32, #tpu.memory_space<vmem>>) dst(%dma_wait3A_566 : memref<10240x16xf32, #tpu.memory_space<vmem_shared>>)
        %dma_wait3A_567 = arith.constant 1 : i32
        %dma_wait3A_568 = arith.constant 0 : i32
        %dma_wait3A_569 = tpu.memref_slice %arg16[%dma_wait3A_567, %dma_wait3A_568] : memref<2x64xi32, #tpu.memory_space<vmem>> -> memref<1x64xi32, #tpu.memory_space<vmem>>
        %dma_wait3A_570 = tpu.memref_squeeze %dma_wait3A_569 : memref<1x64xi32, #tpu.memory_space<vmem>> -> memref<64xi32, #tpu.memory_space<vmem>>
        %dma_wait3A_571 = arith.constant 0 : i32
        %dma_wait3A_572 = arith.constant 0 : i32
        %dma_wait3A_573 = tpu.memref_slice %arg14[%dma_wait3A_571, %dma_wait3A_572] : memref<10240x128xf32, #tpu.memory_space<vmem_shared>> -> memref<10240x128xf32, #tpu.memory_space<vmem_shared>>
        tpu.wait_indirect_dma semaphore(%arg34 : memref<!tpu.dma_semaphore, #tpu.memory_space<semaphore_mem>>) src(%arg20 : memref<64x128xf32, #tpu.memory_space<vmem>>) dst(%dma_wait3A_573 : memref<10240x128xf32, #tpu.memory_space<vmem_shared>>)
        %mul3A_574 = arith.constant 3 : i32
        %mul3A_575 = arith.muli %mul3A_574, %add3A_466 : i32
        %add3A_576 = arith.constant 3 : i32
        %add3A_577 = arith.addi %mul3A_575, %add3A_576 : i32
        %lt3A = arith.cmpi slt, %add3A_577, %select_n3A : i32
        %mul3A_578 = arith.constant 16 : i32
        %mul3A_579 = arith.muli %add3A_577, %mul3A_578 : i32
        %add3A_580 = arith.addi %arg1, %mul3A_579 : i32
        %select_n3A_581 = arith.select %lt3A, %add3A_580, %arg1 : i32
        %mul3A_582 = arith.constant 64 : i32
        %mul3A_583 = arith.muli %select_n3A_581, %mul3A_582 : i32
        %dma_start3A_584 = arith.constant 0 : i32
        %dma_start3A_585 = tpu.memref_slice %arg9[%dma_start3A_584, %mul3A_583] : memref<2x160000xi32, #tpu.memory_space<hbm>> -> memref<2x64xi32, #tpu.memory_space<hbm>>
        %dma_start3A_586 = arith.constant 0 : i32
        %dma_start3A_587 = tpu.memref_slice %arg9[%dma_start3A_586, %mul3A_583] : memref<2x160000xi32, #tpu.memory_space<hbm>> -> memref<2x64xi32, #tpu.memory_space<hbm>>
        tpu.enqueue_dma source(%dma_start3A_587 : memref<2x64xi32, #tpu.memory_space<hbm>>) target(%arg16 : memref<2x64xi32, #tpu.memory_space<vmem>>) target_semaphore(%arg37 : memref<!tpu.dma_semaphore, #tpu.memory_space<semaphore_mem>>)
        %mul3A_588 = arith.constant 64 : i32
        %mul3A_589 = arith.muli %select_n3A_581, %mul3A_588 : i32
        %dma_wait3A_590 = arith.constant 0 : i32
        %dma_wait3A_591 = tpu.memref_slice %arg9[%dma_wait3A_590, %mul3A_589] : memref<2x160000xi32, #tpu.memory_space<hbm>> -> memref<2x64xi32, #tpu.memory_space<hbm>>
        %dma_wait3A_592 = arith.constant 0 : i32
        %dma_wait3A_593 = tpu.memref_slice %arg9[%dma_wait3A_592, %mul3A_589] : memref<2x160000xi32, #tpu.memory_space<hbm>> -> memref<2x64xi32, #tpu.memory_space<hbm>>
        tpu.wait_dma2 semaphore(%arg37 : memref<!tpu.dma_semaphore, #tpu.memory_space<semaphore_mem>>) src(%dma_wait3A_593 : memref<2x64xi32, #tpu.memory_space<hbm>>) dst(%arg16 : memref<2x64xi32, #tpu.memory_space<vmem>>)
        %dma_start3A_594 = arith.constant 0 : i32
        %dma_start3A_595 = arith.constant 0 : i32
        %dma_start3A_596 = tpu.memref_slice %arg16[%dma_start3A_594, %dma_start3A_595] : memref<2x64xi32, #tpu.memory_space<vmem>> -> memref<1x64xi32, #tpu.memory_space<vmem>>
        %dma_start3A_597 = tpu.memref_squeeze %dma_start3A_596 : memref<1x64xi32, #tpu.memory_space<vmem>> -> memref<64xi32, #tpu.memory_space<vmem>>
        %dma_start3A_598 = arith.constant 0 : i32
        %dma_start3A_599 = arith.constant 0 : i32
        %dma_start3A_600 = tpu.memref_slice %arg6[%dma_start3A_598, %dma_start3A_599] : memref<10000x16xf32, #tpu.memory_space<hbm>> -> memref<10000x16xf32, #tpu.memory_space<hbm>>
        tpu.enqueue_indirect_dma source(%dma_start3A_600 : memref<10000x16xf32, #tpu.memory_space<hbm>>) target(%arg17 : memref<64x16xf32, #tpu.memory_space<vmem>>) offsets(%dma_start3A_597 : memref<64xi32, #tpu.memory_space<vmem>>) semaphore(%arg31 : memref<!tpu.dma_semaphore, #tpu.memory_space<semaphore_mem>>)
        %dma_start3A_601 = arith.constant 1 : i32
        %dma_start3A_602 = arith.constant 0 : i32
        %dma_start3A_603 = tpu.memref_slice %arg16[%dma_start3A_601, %dma_start3A_602] : memref<2x64xi32, #tpu.memory_space<vmem>> -> memref<1x64xi32, #tpu.memory_space<vmem>>
        %dma_start3A_604 = tpu.memref_squeeze %dma_start3A_603 : memref<1x64xi32, #tpu.memory_space<vmem>> -> memref<64xi32, #tpu.memory_space<vmem>>
        %dma_start3A_605 = arith.constant 0 : i32
        %dma_start3A_606 = arith.constant 0 : i32
        %dma_start3A_607 = tpu.memref_slice %arg7[%dma_start3A_605, %dma_start3A_606] : memref<10000x16xf32, #tpu.memory_space<hbm>> -> memref<10000x16xf32, #tpu.memory_space<hbm>>
        tpu.enqueue_indirect_dma source(%dma_start3A_607 : memref<10000x16xf32, #tpu.memory_space<hbm>>) target(%arg18 : memref<64x16xf32, #tpu.memory_space<vmem>>) offsets(%dma_start3A_604 : memref<64xi32, #tpu.memory_space<vmem>>) semaphore(%arg31 : memref<!tpu.dma_semaphore, #tpu.memory_space<semaphore_mem>>)
        %dma_start3A_608 = arith.constant 0 : i32
        %dma_start3A_609 = arith.constant 0 : i32
        %dma_start3A_610 = tpu.memref_slice %arg16[%dma_start3A_608, %dma_start3A_609] : memref<2x64xi32, #tpu.memory_space<vmem>> -> memref<1x64xi32, #tpu.memory_space<vmem>>
        %dma_start3A_611 = tpu.memref_squeeze %dma_start3A_610 : memref<1x64xi32, #tpu.memory_space<vmem>> -> memref<64xi32, #tpu.memory_space<vmem>>
        %dma_start3A_612 = arith.constant 0 : i32
        %dma_start3A_613 = arith.constant 0 : i32
        %dma_start3A_614 = tpu.memref_slice %arg8[%dma_start3A_612, %dma_start3A_613] : memref<10000x128xf32, #tpu.memory_space<hbm>> -> memref<10000x128xf32, #tpu.memory_space<hbm>>
        tpu.enqueue_indirect_dma source(%dma_start3A_614 : memref<10000x128xf32, #tpu.memory_space<hbm>>) target(%arg20 : memref<64x128xf32, #tpu.memory_space<vmem>>) offsets(%dma_start3A_611 : memref<64xi32, #tpu.memory_space<vmem>>) semaphore(%arg31 : memref<!tpu.dma_semaphore, #tpu.memory_space<semaphore_mem>>)
        %dma_wait3A_615 = arith.constant 0 : i32
        %dma_wait3A_616 = arith.constant 0 : i32
        %dma_wait3A_617 = tpu.memref_slice %arg26[%dma_wait3A_615, %dma_wait3A_616] : memref<2x64xi32, #tpu.memory_space<vmem>> -> memref<1x64xi32, #tpu.memory_space<vmem>>
        %dma_wait3A_618 = tpu.memref_squeeze %dma_wait3A_617 : memref<1x64xi32, #tpu.memory_space<vmem>> -> memref<64xi32, #tpu.memory_space<vmem>>
        %dma_wait3A_619 = arith.constant 0 : i32
        %dma_wait3A_620 = arith.constant 0 : i32
        %dma_wait3A_621 = tpu.memref_slice %arg6[%dma_wait3A_619, %dma_wait3A_620] : memref<10000x16xf32, #tpu.memory_space<hbm>> -> memref<10000x16xf32, #tpu.memory_space<hbm>>
        tpu.wait_indirect_dma semaphore(%arg33 : memref<!tpu.dma_semaphore, #tpu.memory_space<semaphore_mem>>) src(%dma_wait3A_621 : memref<10000x16xf32, #tpu.memory_space<hbm>>) dst(%arg27 : memref<64x16xf32, #tpu.memory_space<vmem>>)
        %dma_wait3A_622 = arith.constant 1 : i32
        %dma_wait3A_623 = arith.constant 0 : i32
        %dma_wait3A_624 = tpu.memref_slice %arg26[%dma_wait3A_622, %dma_wait3A_623] : memref<2x64xi32, #tpu.memory_space<vmem>> -> memref<1x64xi32, #tpu.memory_space<vmem>>
        %dma_wait3A_625 = tpu.memref_squeeze %dma_wait3A_624 : memref<1x64xi32, #tpu.memory_space<vmem>> -> memref<64xi32, #tpu.memory_space<vmem>>
        %dma_wait3A_626 = arith.constant 0 : i32
        %dma_wait3A_627 = arith.constant 0 : i32
        %dma_wait3A_628 = tpu.memref_slice %arg7[%dma_wait3A_626, %dma_wait3A_627] : memref<10000x16xf32, #tpu.memory_space<hbm>> -> memref<10000x16xf32, #tpu.memory_space<hbm>>
        tpu.wait_indirect_dma semaphore(%arg33 : memref<!tpu.dma_semaphore, #tpu.memory_space<semaphore_mem>>) src(%dma_wait3A_628 : memref<10000x16xf32, #tpu.memory_space<hbm>>) dst(%arg28 : memref<64x16xf32, #tpu.memory_space<vmem>>)
        %dma_wait3A_629 = arith.constant 0 : i32
        %dma_wait3A_630 = arith.constant 0 : i32
        %dma_wait3A_631 = tpu.memref_slice %arg26[%dma_wait3A_629, %dma_wait3A_630] : memref<2x64xi32, #tpu.memory_space<vmem>> -> memref<1x64xi32, #tpu.memory_space<vmem>>
        %dma_wait3A_632 = tpu.memref_squeeze %dma_wait3A_631 : memref<1x64xi32, #tpu.memory_space<vmem>> -> memref<64xi32, #tpu.memory_space<vmem>>
        %dma_wait3A_633 = arith.constant 0 : i32
        %dma_wait3A_634 = arith.constant 0 : i32
        %dma_wait3A_635 = tpu.memref_slice %arg8[%dma_wait3A_633, %dma_wait3A_634] : memref<10000x128xf32, #tpu.memory_space<hbm>> -> memref<10000x128xf32, #tpu.memory_space<hbm>>
        tpu.wait_indirect_dma semaphore(%arg33 : memref<!tpu.dma_semaphore, #tpu.memory_space<semaphore_mem>>) src(%dma_wait3A_635 : memref<10000x128xf32, #tpu.memory_space<hbm>>) dst(%arg30 : memref<64x128xf32, #tpu.memory_space<vmem>>)
        %mul3A_636 = arith.constant 3 : i32
        %mul3A_637 = arith.muli %mul3A_636, %add3A_466 : i32
        %add3A_638 = arith.constant 2 : i32
        %add3A_639 = arith.addi %mul3A_637, %add3A_638 : i32
        %parallel_loop3A_640 = arith.constant 0 : i32
        %parallel_loop3A_641 = arith.constant 64 : i32
        %parallel_loop3A_642 = arith.constant 1 : i32
        scf.for %parallel_loop3A_717 = %parallel_loop3A_640 to %parallel_loop3A_641 step %parallel_loop3A_642  : i32 {
          %parallel_loop3A_718 = arith.index_cast %parallel_loop3A_717 : i32 to index
          %parallel_loop3A_719 = arith.constant 0 : index
          %parallel_loop3A_720 = tpu.vector_load %arg27[%parallel_loop3A_718, %parallel_loop3A_719] {strides = array<i32>} : memref<64x16xf32, #tpu.memory_space<vmem>>, vector<1x16xf32>,
          %parallel_loop3A_721 = vector.shape_cast %parallel_loop3A_720 : vector<1x16xf32> to vector<16xf32>
          %parallel_loop3A_722 = arith.index_cast %parallel_loop3A_717 : i32 to index
          %parallel_loop3A_723 = arith.constant 0 : index
          %parallel_loop3A_724 = tpu.vector_load %arg28[%parallel_loop3A_722, %parallel_loop3A_723] {strides = array<i32>} : memref<64x16xf32, #tpu.memory_space<vmem>>, vector<1x16xf32>,
          %parallel_loop3A_725 = vector.shape_cast %parallel_loop3A_724 : vector<1x16xf32> to vector<16xf32>
          %parallel_loop3A_726 = arith.addf %parallel_loop3A_721, %parallel_loop3A_725 : vector<16xf32>
          %parallel_loop3A_727 = arith.constant 2.000000e-01 : f32
          %parallel_loop3A_728 = vector.broadcast %parallel_loop3A_727 : f32 to vector<16xf32>
          %parallel_loop3A_729 = arith.mulf %parallel_loop3A_726, %parallel_loop3A_728 : vector<16xf32>
          %parallel_loop3A_730 = arith.maximumf %parallel_loop3A_726, %parallel_loop3A_729 : vector<16xf32>
          %parallel_loop3A_731 = math.exp %parallel_loop3A_730 : vector<16xf32>
          %parallel_loop3A_732 = arith.index_cast %parallel_loop3A_717 : i32 to index
          %parallel_loop3A_733 = arith.constant 0 : index
          %parallel_loop3A_734 = tpu.vector_load %arg29[%parallel_loop3A_732, %parallel_loop3A_733] {strides = array<i32>} : memref<64x16xf32, #tpu.memory_space<vmem>>, vector<1x16xf32>,
          %parallel_loop3A_735 = vector.shape_cast %parallel_loop3A_734 : vector<1x16xf32> to vector<16xf32>
          %parallel_loop3A_736 = vector.shape_cast %parallel_loop3A_731 : vector<16xf32> to vector<1x16xf32>
          tpu.vector_store %arg29[%parallel_loop3A_732, %parallel_loop3A_733], %parallel_loop3A_736 {strides = array<i32>} : memref<64x16xf32, #tpu.memory_space<vmem>>, vector<1x16xf32>,
          %parallel_loop3A_737 = arith.constant 0 : i32
          %parallel_loop3A_738 = vector.broadcast %parallel_loop3A_737 : i32 to vector<16x1xi32>
          %parallel_loop3A_739 = vector.shape_cast %parallel_loop3A_738 : vector<16x1xi32> to vector<16xi32>
          %parallel_loop3A_740 = tpu.dynamic_gather %parallel_loop3A_731[%parallel_loop3A_739] in [0] : vector<16xf32>, vector<16xi32> -> vector<16xf32>
          %parallel_loop3A_741 = arith.index_cast %parallel_loop3A_717 : i32 to index
          %parallel_loop3A_742 = arith.constant 0 : index
          %parallel_loop3A_743 = tpu.vector_load %arg30[%parallel_loop3A_741, %parallel_loop3A_742] {strides = array<i32>} : memref<64x128xf32, #tpu.memory_space<vmem>>, vector<1x16xf32>,
          %parallel_loop3A_744 = vector.shape_cast %parallel_loop3A_743 : vector<1x16xf32> to vector<16xf32>
          %parallel_loop3A_745 = arith.mulf %parallel_loop3A_744, %parallel_loop3A_740 : vector<16xf32>
          %parallel_loop3A_746 = arith.index_cast %parallel_loop3A_717 : i32 to index
          %parallel_loop3A_747 = arith.constant 0 : index
          %parallel_loop3A_748 = tpu.vector_load %arg30[%parallel_loop3A_746, %parallel_loop3A_747] {strides = array<i32>} : memref<64x128xf32, #tpu.memory_space<vmem>>, vector<1x16xf32>,
          %parallel_loop3A_749 = vector.shape_cast %parallel_loop3A_748 : vector<1x16xf32> to vector<16xf32>
          %parallel_loop3A_750 = vector.shape_cast %parallel_loop3A_745 : vector<16xf32> to vector<1x16xf32>
          tpu.vector_store %arg30[%parallel_loop3A_746, %parallel_loop3A_747], %parallel_loop3A_750 {strides = array<i32>} : memref<64x128xf32, #tpu.memory_space<vmem>>, vector<1x16xf32>,
          %parallel_loop3A_751 = arith.constant 1 : i32
          %parallel_loop3A_752 = vector.broadcast %parallel_loop3A_751 : i32 to vector<16x1xi32>
          %parallel_loop3A_753 = vector.shape_cast %parallel_loop3A_752 : vector<16x1xi32> to vector<16xi32>
          %parallel_loop3A_754 = tpu.dynamic_gather %parallel_loop3A_731[%parallel_loop3A_753] in [0] : vector<16xf32>, vector<16xi32> -> vector<16xf32>
          %parallel_loop3A_755 = arith.index_cast %parallel_loop3A_717 : i32 to index
          %parallel_loop3A_756 = arith.constant 16 : index
          %parallel_loop3A_757 = tpu.vector_load %arg30[%parallel_loop3A_755, %parallel_loop3A_756] {strides = array<i32>} : memref<64x128xf32, #tpu.memory_space<vmem>>, vector<1x16xf32>,
          %parallel_loop3A_758 = vector.shape_cast %parallel_loop3A_757 : vector<1x16xf32> to vector<16xf32>
          %parallel_loop3A_759 = arith.mulf %parallel_loop3A_758, %parallel_loop3A_754 : vector<16xf32>
          %parallel_loop3A_760 = arith.index_cast %parallel_loop3A_717 : i32 to index
          %parallel_loop3A_761 = arith.constant 16 : index
          %parallel_loop3A_762 = tpu.vector_load %arg30[%parallel_loop3A_760, %parallel_loop3A_761] {strides = array<i32>} : memref<64x128xf32, #tpu.memory_space<vmem>>, vector<1x16xf32>,
          %parallel_loop3A_763 = vector.shape_cast %parallel_loop3A_762 : vector<1x16xf32> to vector<16xf32>
          %parallel_loop3A_764 = vector.shape_cast %parallel_loop3A_759 : vector<16xf32> to vector<1x16xf32>
          tpu.vector_store %arg30[%parallel_loop3A_760, %parallel_loop3A_761], %parallel_loop3A_764 {strides = array<i32>} : memref<64x128xf32, #tpu.memory_space<vmem>>, vector<1x16xf32>,
          %parallel_loop3A_765 = arith.constant 2 : i32
          %parallel_loop3A_766 = vector.broadcast %parallel_loop3A_765 : i32 to vector<16x1xi32>
          %parallel_loop3A_767 = vector.shape_cast %parallel_loop3A_766 : vector<16x1xi32> to vector<16xi32>
          %parallel_loop3A_768 = tpu.dynamic_gather %parallel_loop3A_731[%parallel_loop3A_767] in [0] : vector<16xf32>, vector<16xi32> -> vector<16xf32>
          %parallel_loop3A_769 = arith.index_cast %parallel_loop3A_717 : i32 to index
          %parallel_loop3A_770 = arith.constant 32 : index
          %parallel_loop3A_771 = tpu.vector_load %arg30[%parallel_loop3A_769, %parallel_loop3A_770] {strides = array<i32>} : memref<64x128xf32, #tpu.memory_space<vmem>>, vector<1x16xf32>,
          %parallel_loop3A_772 = vector.shape_cast %parallel_loop3A_771 : vector<1x16xf32> to vector<16xf32>
          %parallel_loop3A_773 = arith.mulf %parallel_loop3A_772, %parallel_loop3A_768 : vector<16xf32>
          %parallel_loop3A_774 = arith.index_cast %parallel_loop3A_717 : i32 to index
          %parallel_loop3A_775 = arith.constant 32 : index
          %parallel_loop3A_776 = tpu.vector_load %arg30[%parallel_loop3A_774, %parallel_loop3A_775] {strides = array<i32>} : memref<64x128xf32, #tpu.memory_space<vmem>>, vector<1x16xf32>,
          %parallel_loop3A_777 = vector.shape_cast %parallel_loop3A_776 : vector<1x16xf32> to vector<16xf32>
          %parallel_loop3A_778 = vector.shape_cast %parallel_loop3A_773 : vector<16xf32> to vector<1x16xf32>
          tpu.vector_store %arg30[%parallel_loop3A_774, %parallel_loop3A_775], %parallel_loop3A_778 {strides = array<i32>} : memref<64x128xf32, #tpu.memory_space<vmem>>, vector<1x16xf32>,
          %parallel_loop3A_779 = arith.constant 3 : i32
          %parallel_loop3A_780 = vector.broadcast %parallel_loop3A_779 : i32 to vector<16x1xi32>
          %parallel_loop3A_781 = vector.shape_cast %parallel_loop3A_780 : vector<16x1xi32> to vector<16xi32>
          %parallel_loop3A_782 = tpu.dynamic_gather %parallel_loop3A_731[%parallel_loop3A_781] in [0] : vector<16xf32>, vector<16xi32> -> vector<16xf32>
          %parallel_loop3A_783 = arith.index_cast %parallel_loop3A_717 : i32 to index
          %parallel_loop3A_784 = arith.constant 48 : index
          %parallel_loop3A_785 = tpu.vector_load %arg30[%parallel_loop3A_783, %parallel_loop3A_784] {strides = array<i32>} : memref<64x128xf32, #tpu.memory_space<vmem>>, vector<1x16xf32>,
          %parallel_loop3A_786 = vector.shape_cast %parallel_loop3A_785 : vector<1x16xf32> to vector<16xf32>
          %parallel_loop3A_787 = arith.mulf %parallel_loop3A_786, %parallel_loop3A_782 : vector<16xf32>
          %parallel_loop3A_788 = arith.index_cast %parallel_loop3A_717 : i32 to index
          %parallel_loop3A_789 = arith.constant 48 : index
          %parallel_loop3A_790 = tpu.vector_load %arg30[%parallel_loop3A_788, %parallel_loop3A_789] {strides = array<i32>} : memref<64x128xf32, #tpu.memory_space<vmem>>, vector<1x16xf32>,
          %parallel_loop3A_791 = vector.shape_cast %parallel_loop3A_790 : vector<1x16xf32> to vector<16xf32>
          %parallel_loop3A_792 = vector.shape_cast %parallel_loop3A_787 : vector<16xf32> to vector<1x16xf32>
          tpu.vector_store %arg30[%parallel_loop3A_788, %parallel_loop3A_789], %parallel_loop3A_792 {strides = array<i32>} : memref<64x128xf32, #tpu.memory_space<vmem>>, vector<1x16xf32>,
          %parallel_loop3A_793 = arith.constant 4 : i32
          %parallel_loop3A_794 = vector.broadcast %parallel_loop3A_793 : i32 to vector<16x1xi32>
          %parallel_loop3A_795 = vector.shape_cast %parallel_loop3A_794 : vector<16x1xi32> to vector<16xi32>
          %parallel_loop3A_796 = tpu.dynamic_gather %parallel_loop3A_731[%parallel_loop3A_795] in [0] : vector<16xf32>, vector<16xi32> -> vector<16xf32>
          %parallel_loop3A_797 = arith.index_cast %parallel_loop3A_717 : i32 to index
          %parallel_loop3A_798 = arith.constant 64 : index
          %parallel_loop3A_799 = tpu.vector_load %arg30[%parallel_loop3A_797, %parallel_loop3A_798] {strides = array<i32>} : memref<64x128xf32, #tpu.memory_space<vmem>>, vector<1x16xf32>,
          %parallel_loop3A_800 = vector.shape_cast %parallel_loop3A_799 : vector<1x16xf32> to vector<16xf32>
          %parallel_loop3A_801 = arith.mulf %parallel_loop3A_800, %parallel_loop3A_796 : vector<16xf32>
          %parallel_loop3A_802 = arith.index_cast %parallel_loop3A_717 : i32 to index
          %parallel_loop3A_803 = arith.constant 64 : index
          %parallel_loop3A_804 = tpu.vector_load %arg30[%parallel_loop3A_802, %parallel_loop3A_803] {strides = array<i32>} : memref<64x128xf32, #tpu.memory_space<vmem>>, vector<1x16xf32>,
          %parallel_loop3A_805 = vector.shape_cast %parallel_loop3A_804 : vector<1x16xf32> to vector<16xf32>
          %parallel_loop3A_806 = vector.shape_cast %parallel_loop3A_801 : vector<16xf32> to vector<1x16xf32>
          tpu.vector_store %arg30[%parallel_loop3A_802, %parallel_loop3A_803], %parallel_loop3A_806 {strides = array<i32>} : memref<64x128xf32, #tpu.memory_space<vmem>>, vector<1x16xf32>,
          %parallel_loop3A_807 = arith.constant 5 : i32
          %parallel_loop3A_808 = vector.broadcast %parallel_loop3A_807 : i32 to vector<16x1xi32>
          %parallel_loop3A_809 = vector.shape_cast %parallel_loop3A_808 : vector<16x1xi32> to vector<16xi32>
          %parallel_loop3A_810 = tpu.dynamic_gather %parallel_loop3A_731[%parallel_loop3A_809] in [0] : vector<16xf32>, vector<16xi32> -> vector<16xf32>
          %parallel_loop3A_811 = arith.index_cast %parallel_loop3A_717 : i32 to index
          %parallel_loop3A_812 = arith.constant 80 : index
          %parallel_loop3A_813 = tpu.vector_load %arg30[%parallel_loop3A_811, %parallel_loop3A_812] {strides = array<i32>} : memref<64x128xf32, #tpu.memory_space<vmem>>, vector<1x16xf32>,
          %parallel_loop3A_814 = vector.shape_cast %parallel_loop3A_813 : vector<1x16xf32> to vector<16xf32>
          %parallel_loop3A_815 = arith.mulf %parallel_loop3A_814, %parallel_loop3A_810 : vector<16xf32>
          %parallel_loop3A_816 = arith.index_cast %parallel_loop3A_717 : i32 to index
          %parallel_loop3A_817 = arith.constant 80 : index
          %parallel_loop3A_818 = tpu.vector_load %arg30[%parallel_loop3A_816, %parallel_loop3A_817] {strides = array<i32>} : memref<64x128xf32, #tpu.memory_space<vmem>>, vector<1x16xf32>,
          %parallel_loop3A_819 = vector.shape_cast %parallel_loop3A_818 : vector<1x16xf32> to vector<16xf32>
          %parallel_loop3A_820 = vector.shape_cast %parallel_loop3A_815 : vector<16xf32> to vector<1x16xf32>
          tpu.vector_store %arg30[%parallel_loop3A_816, %parallel_loop3A_817], %parallel_loop3A_820 {strides = array<i32>} : memref<64x128xf32, #tpu.memory_space<vmem>>, vector<1x16xf32>,
          %parallel_loop3A_821 = arith.constant 6 : i32
          %parallel_loop3A_822 = vector.broadcast %parallel_loop3A_821 : i32 to vector<16x1xi32>
          %parallel_loop3A_823 = vector.shape_cast %parallel_loop3A_822 : vector<16x1xi32> to vector<16xi32>
          %parallel_loop3A_824 = tpu.dynamic_gather %parallel_loop3A_731[%parallel_loop3A_823] in [0] : vector<16xf32>, vector<16xi32> -> vector<16xf32>
          %parallel_loop3A_825 = arith.index_cast %parallel_loop3A_717 : i32 to index
          %parallel_loop3A_826 = arith.constant 96 : index
          %parallel_loop3A_827 = tpu.vector_load %arg30[%parallel_loop3A_825, %parallel_loop3A_826] {strides = array<i32>} : memref<64x128xf32, #tpu.memory_space<vmem>>, vector<1x16xf32>,
          %parallel_loop3A_828 = vector.shape_cast %parallel_loop3A_827 : vector<1x16xf32> to vector<16xf32>
          %parallel_loop3A_829 = arith.mulf %parallel_loop3A_828, %parallel_loop3A_824 : vector<16xf32>
          %parallel_loop3A_830 = arith.index_cast %parallel_loop3A_717 : i32 to index
          %parallel_loop3A_831 = arith.constant 96 : index
          %parallel_loop3A_832 = tpu.vector_load %arg30[%parallel_loop3A_830, %parallel_loop3A_831] {strides = array<i32>} : memref<64x128xf32, #tpu.memory_space<vmem>>, vector<1x16xf32>,
          %parallel_loop3A_833 = vector.shape_cast %parallel_loop3A_832 : vector<1x16xf32> to vector<16xf32>
          %parallel_loop3A_834 = vector.shape_cast %parallel_loop3A_829 : vector<16xf32> to vector<1x16xf32>
          tpu.vector_store %arg30[%parallel_loop3A_830, %parallel_loop3A_831], %parallel_loop3A_834 {strides = array<i32>} : memref<64x128xf32, #tpu.memory_space<vmem>>, vector<1x16xf32>,
          %parallel_loop3A_835 = arith.constant 7 : i32
          %parallel_loop3A_836 = vector.broadcast %parallel_loop3A_835 : i32 to vector<16x1xi32>
          %parallel_loop3A_837 = vector.shape_cast %parallel_loop3A_836 : vector<16x1xi32> to vector<16xi32>
          %parallel_loop3A_838 = tpu.dynamic_gather %parallel_loop3A_731[%parallel_loop3A_837] in [0] : vector<16xf32>, vector<16xi32> -> vector<16xf32>
          %parallel_loop3A_839 = arith.index_cast %parallel_loop3A_717 : i32 to index
          %parallel_loop3A_840 = arith.constant 112 : index
          %parallel_loop3A_841 = tpu.vector_load %arg30[%parallel_loop3A_839, %parallel_loop3A_840] {strides = array<i32>} : memref<64x128xf32, #tpu.memory_space<vmem>>, vector<1x16xf32>,
          %parallel_loop3A_842 = vector.shape_cast %parallel_loop3A_841 : vector<1x16xf32> to vector<16xf32>
          %parallel_loop3A_843 = arith.mulf %parallel_loop3A_842, %parallel_loop3A_838 : vector<16xf32>
          %parallel_loop3A_844 = arith.index_cast %parallel_loop3A_717 : i32 to index
          %parallel_loop3A_845 = arith.constant 112 : index
          %parallel_loop3A_846 = tpu.vector_load %arg30[%parallel_loop3A_844, %parallel_loop3A_845] {strides = array<i32>} : memref<64x128xf32, #tpu.memory_space<vmem>>, vector<1x16xf32>,
          %parallel_loop3A_847 = vector.shape_cast %parallel_loop3A_846 : vector<1x16xf32> to vector<16xf32>
          %parallel_loop3A_848 = vector.shape_cast %parallel_loop3A_843 : vector<16xf32> to vector<1x16xf32>
          tpu.vector_store %arg30[%parallel_loop3A_844, %parallel_loop3A_845], %parallel_loop3A_848 {strides = array<i32>} : memref<64x128xf32, #tpu.memory_space<vmem>>, vector<1x16xf32>,
        } {sc.loop_unroll_factor = 1 : i64, sc.parallel_access}
        %ge3A_643 = arith.cmpi sge, %add3A_639, %select_n3A : i32
        %convert_element_type3A_644 = arith.extui %ge3A_643 : i1 to i32
        %cond3A_645 = arith.constant 0 : i32
        %cond3A_646 = arith.cmpi ne, %convert_element_type3A_644, %cond3A_645 : i32
        scf.if %cond3A_646 {
          %scan3A_717 = arith.constant 0 : i32
          %scan3A_718 = arith.constant 64 : i32
          %scan3A_719 = arith.addi %scan3A_717, %scan3A_718 : i32
          %scan3A_720 = arith.constant 1 : i32
          scf.for %scan3A_722 = %scan3A_717 to %scan3A_719 step %scan3A_720  : i32 {
            %mul3A_723 = arith.constant 1 : i32
            %mul3A_724 = arith.muli %scan3A_722, %mul3A_723 : i32
            %add3A_725 = arith.constant 0 : i32
            %add3A_726 = arith.addi %add3A_725, %mul3A_724 : i32
            %broadcast_in_dim3A = arith.constant 0.000000e+00 : f32
            %broadcast_in_dim3A_727 = vector.broadcast %broadcast_in_dim3A : f32 to vector<16xf32>
            %swap3A = arith.index_cast %add3A_726 : i32 to index
            %swap3A_728 = arith.constant 0 : index
            %swap3A_729 = tpu.vector_load %arg29[%swap3A, %swap3A_728] {strides = array<i32>} : memref<64x16xf32, #tpu.memory_space<vmem>>, vector<1x16xf32>,
            %swap3A_730 = vector.shape_cast %swap3A_729 : vector<1x16xf32> to vector<16xf32>
            %swap3A_731 = vector.shape_cast %broadcast_in_dim3A_727 : vector<16xf32> to vector<1x16xf32>
            tpu.vector_store %arg29[%swap3A, %swap3A_728], %swap3A_731 {strides = array<i32>} : memref<64x16xf32, #tpu.memory_space<vmem>>, vector<1x16xf32>,
            %broadcast_in_dim3A_732 = arith.constant 0.000000e+00 : f32
            %broadcast_in_dim3A_733 = vector.broadcast %broadcast_in_dim3A_732 : f32 to vector<16xf32>
            %swap3A_734 = arith.index_cast %add3A_726 : i32 to index
            %swap3A_735 = arith.constant 0 : index
            %swap3A_736 = tpu.vector_load %arg30[%swap3A_734, %swap3A_735] {strides = array<i32>} : memref<64x128xf32, #tpu.memory_space<vmem>>, vector<1x16xf32>,
            %swap3A_737 = vector.shape_cast %swap3A_736 : vector<1x16xf32> to vector<16xf32>
            %swap3A_738 = vector.shape_cast %broadcast_in_dim3A_733 : vector<16xf32> to vector<1x16xf32>
            tpu.vector_store %arg30[%swap3A_734, %swap3A_735], %swap3A_738 {strides = array<i32>} : memref<64x128xf32, #tpu.memory_space<vmem>>, vector<1x16xf32>,
            %broadcast_in_dim3A_739 = arith.constant 0.000000e+00 : f32
            %broadcast_in_dim3A_740 = vector.broadcast %broadcast_in_dim3A_739 : f32 to vector<16xf32>
            %swap3A_741 = arith.index_cast %add3A_726 : i32 to index
            %swap3A_742 = arith.constant 16 : index
            %swap3A_743 = tpu.vector_load %arg30[%swap3A_741, %swap3A_742] {strides = array<i32>} : memref<64x128xf32, #tpu.memory_space<vmem>>, vector<1x16xf32>,
            %swap3A_744 = vector.shape_cast %swap3A_743 : vector<1x16xf32> to vector<16xf32>
            %swap3A_745 = vector.shape_cast %broadcast_in_dim3A_740 : vector<16xf32> to vector<1x16xf32>
            tpu.vector_store %arg30[%swap3A_741, %swap3A_742], %swap3A_745 {strides = array<i32>} : memref<64x128xf32, #tpu.memory_space<vmem>>, vector<1x16xf32>,
            %broadcast_in_dim3A_746 = arith.constant 0.000000e+00 : f32
            %broadcast_in_dim3A_747 = vector.broadcast %broadcast_in_dim3A_746 : f32 to vector<16xf32>
            %swap3A_748 = arith.index_cast %add3A_726 : i32 to index
            %swap3A_749 = arith.constant 32 : index
            %swap3A_750 = tpu.vector_load %arg30[%swap3A_748, %swap3A_749] {strides = array<i32>} : memref<64x128xf32, #tpu.memory_space<vmem>>, vector<1x16xf32>,
            %swap3A_751 = vector.shape_cast %swap3A_750 : vector<1x16xf32> to vector<16xf32>
            %swap3A_752 = vector.shape_cast %broadcast_in_dim3A_747 : vector<16xf32> to vector<1x16xf32>
            tpu.vector_store %arg30[%swap3A_748, %swap3A_749], %swap3A_752 {strides = array<i32>} : memref<64x128xf32, #tpu.memory_space<vmem>>, vector<1x16xf32>,
            %broadcast_in_dim3A_753 = arith.constant 0.000000e+00 : f32
            %broadcast_in_dim3A_754 = vector.broadcast %broadcast_in_dim3A_753 : f32 to vector<16xf32>
            %swap3A_755 = arith.index_cast %add3A_726 : i32 to index
            %swap3A_756 = arith.constant 48 : index
            %swap3A_757 = tpu.vector_load %arg30[%swap3A_755, %swap3A_756] {strides = array<i32>} : memref<64x128xf32, #tpu.memory_space<vmem>>, vector<1x16xf32>,
            %swap3A_758 = vector.shape_cast %swap3A_757 : vector<1x16xf32> to vector<16xf32>
            %swap3A_759 = vector.shape_cast %broadcast_in_dim3A_754 : vector<16xf32> to vector<1x16xf32>
            tpu.vector_store %arg30[%swap3A_755, %swap3A_756], %swap3A_759 {strides = array<i32>} : memref<64x128xf32, #tpu.memory_space<vmem>>, vector<1x16xf32>,
            %broadcast_in_dim3A_760 = arith.constant 0.000000e+00 : f32
            %broadcast_in_dim3A_761 = vector.broadcast %broadcast_in_dim3A_760 : f32 to vector<16xf32>
            %swap3A_762 = arith.index_cast %add3A_726 : i32 to index
            %swap3A_763 = arith.constant 64 : index
            %swap3A_764 = tpu.vector_load %arg30[%swap3A_762, %swap3A_763] {strides = array<i32>} : memref<64x128xf32, #tpu.memory_space<vmem>>, vector<1x16xf32>,
            %swap3A_765 = vector.shape_cast %swap3A_764 : vector<1x16xf32> to vector<16xf32>
            %swap3A_766 = vector.shape_cast %broadcast_in_dim3A_761 : vector<16xf32> to vector<1x16xf32>
            tpu.vector_store %arg30[%swap3A_762, %swap3A_763], %swap3A_766 {strides = array<i32>} : memref<64x128xf32, #tpu.memory_space<vmem>>, vector<1x16xf32>,
            %broadcast_in_dim3A_767 = arith.constant 0.000000e+00 : f32
            %broadcast_in_dim3A_768 = vector.broadcast %broadcast_in_dim3A_767 : f32 to vector<16xf32>
            %swap3A_769 = arith.index_cast %add3A_726 : i32 to index
            %swap3A_770 = arith.constant 80 : index
            %swap3A_771 = tpu.vector_load %arg30[%swap3A_769, %swap3A_770] {strides = array<i32>} : memref<64x128xf32, #tpu.memory_space<vmem>>, vector<1x16xf32>,
            %swap3A_772 = vector.shape_cast %swap3A_771 : vector<1x16xf32> to vector<16xf32>
            %swap3A_773 = vector.shape_cast %broadcast_in_dim3A_768 : vector<16xf32> to vector<1x16xf32>
            tpu.vector_store %arg30[%swap3A_769, %swap3A_770], %swap3A_773 {strides = array<i32>} : memref<64x128xf32, #tpu.memory_space<vmem>>, vector<1x16xf32>,
            %broadcast_in_dim3A_774 = arith.constant 0.000000e+00 : f32
            %broadcast_in_dim3A_775 = vector.broadcast %broadcast_in_dim3A_774 : f32 to vector<16xf32>
            %swap3A_776 = arith.index_cast %add3A_726 : i32 to index
            %swap3A_777 = arith.constant 96 : index
            %swap3A_778 = tpu.vector_load %arg30[%swap3A_776, %swap3A_777] {strides = array<i32>} : memref<64x128xf32, #tpu.memory_space<vmem>>, vector<1x16xf32>,
            %swap3A_779 = vector.shape_cast %swap3A_778 : vector<1x16xf32> to vector<16xf32>
            %swap3A_780 = vector.shape_cast %broadcast_in_dim3A_775 : vector<16xf32> to vector<1x16xf32>
            tpu.vector_store %arg30[%swap3A_776, %swap3A_777], %swap3A_780 {strides = array<i32>} : memref<64x128xf32, #tpu.memory_space<vmem>>, vector<1x16xf32>,
            %broadcast_in_dim3A_781 = arith.constant 0.000000e+00 : f32
            %broadcast_in_dim3A_782 = vector.broadcast %broadcast_in_dim3A_781 : f32 to vector<16xf32>
            %swap3A_783 = arith.index_cast %add3A_726 : i32 to index
            %swap3A_784 = arith.constant 112 : index
            %swap3A_785 = tpu.vector_load %arg30[%swap3A_783, %swap3A_784] {strides = array<i32>} : memref<64x128xf32, #tpu.memory_space<vmem>>, vector<1x16xf32>,
            %swap3A_786 = vector.shape_cast %swap3A_785 : vector<1x16xf32> to vector<16xf32>
            %swap3A_787 = vector.shape_cast %broadcast_in_dim3A_782 : vector<16xf32> to vector<1x16xf32>
            tpu.vector_store %arg30[%swap3A_783, %swap3A_784], %swap3A_787 {strides = array<i32>} : memref<64x128xf32, #tpu.memory_space<vmem>>, vector<1x16xf32>,
          }
          %scan3A_721 = arith.constant 64 : i32
        } else {
        }
        %dma_start3A_647 = arith.constant 1 : i32
        %dma_start3A_648 = arith.constant 0 : i32
        %dma_start3A_649 = tpu.memref_slice %arg26[%dma_start3A_647, %dma_start3A_648] : memref<2x64xi32, #tpu.memory_space<vmem>> -> memref<1x64xi32, #tpu.memory_space<vmem>>
        %dma_start3A_650 = tpu.memref_squeeze %dma_start3A_649 : memref<1x64xi32, #tpu.memory_space<vmem>> -> memref<64xi32, #tpu.memory_space<vmem>>
        %dma_start3A_651 = arith.constant 0 : i32
        %dma_start3A_652 = arith.constant 0 : i32
        %dma_start3A_653 = tpu.memref_slice %arg15[%dma_start3A_651, %dma_start3A_652] : memref<10240x16xf32, #tpu.memory_space<vmem_shared>> -> memref<10240x16xf32, #tpu.memory_space<vmem_shared>>
        tpu.enqueue_indirect_dma source(%arg29 : memref<64x16xf32, #tpu.memory_space<vmem>>) target(%dma_start3A_653 : memref<10240x16xf32, #tpu.memory_space<vmem_shared>>) offsets(%dma_start3A_650 : memref<64xi32, #tpu.memory_space<vmem>>) semaphore(%arg36 : memref<!tpu.dma_semaphore, #tpu.memory_space<semaphore_mem>>) {add = true}
        %dma_start3A_654 = arith.constant 1 : i32
        %dma_start3A_655 = arith.constant 0 : i32
        %dma_start3A_656 = tpu.memref_slice %arg26[%dma_start3A_654, %dma_start3A_655] : memref<2x64xi32, #tpu.memory_space<vmem>> -> memref<1x64xi32, #tpu.memory_space<vmem>>
        %dma_start3A_657 = tpu.memref_squeeze %dma_start3A_656 : memref<1x64xi32, #tpu.memory_space<vmem>> -> memref<64xi32, #tpu.memory_space<vmem>>
        %dma_start3A_658 = arith.constant 0 : i32
        %dma_start3A_659 = arith.constant 0 : i32
        %dma_start3A_660 = tpu.memref_slice %arg14[%dma_start3A_658, %dma_start3A_659] : memref<10240x128xf32, #tpu.memory_space<vmem_shared>> -> memref<10240x128xf32, #tpu.memory_space<vmem_shared>>
        tpu.enqueue_indirect_dma source(%arg30 : memref<64x128xf32, #tpu.memory_space<vmem>>) target(%dma_start3A_660 : memref<10240x128xf32, #tpu.memory_space<vmem_shared>>) offsets(%dma_start3A_657 : memref<64xi32, #tpu.memory_space<vmem>>) semaphore(%arg36 : memref<!tpu.dma_semaphore, #tpu.memory_space<semaphore_mem>>) {add = true}
        %dma_wait3A_661 = arith.constant 1 : i32
        %dma_wait3A_662 = arith.constant 0 : i32
        %dma_wait3A_663 = tpu.memref_slice %arg21[%dma_wait3A_661, %dma_wait3A_662] : memref<2x64xi32, #tpu.memory_space<vmem>> -> memref<1x64xi32, #tpu.memory_space<vmem>>
        %dma_wait3A_664 = tpu.memref_squeeze %dma_wait3A_663 : memref<1x64xi32, #tpu.memory_space<vmem>> -> memref<64xi32, #tpu.memory_space<vmem>>
        %dma_wait3A_665 = arith.constant 0 : i32
        %dma_wait3A_666 = arith.constant 0 : i32
        %dma_wait3A_667 = tpu.memref_slice %arg15[%dma_wait3A_665, %dma_wait3A_666] : memref<10240x16xf32, #tpu.memory_space<vmem_shared>> -> memref<10240x16xf32, #tpu.memory_space<vmem_shared>>
        tpu.wait_indirect_dma semaphore(%arg35 : memref<!tpu.dma_semaphore, #tpu.memory_space<semaphore_mem>>) src(%arg24 : memref<64x16xf32, #tpu.memory_space<vmem>>) dst(%dma_wait3A_667 : memref<10240x16xf32, #tpu.memory_space<vmem_shared>>)
        %dma_wait3A_668 = arith.constant 1 : i32
        %dma_wait3A_669 = arith.constant 0 : i32
        %dma_wait3A_670 = tpu.memref_slice %arg21[%dma_wait3A_668, %dma_wait3A_669] : memref<2x64xi32, #tpu.memory_space<vmem>> -> memref<1x64xi32, #tpu.memory_space<vmem>>
        %dma_wait3A_671 = tpu.memref_squeeze %dma_wait3A_670 : memref<1x64xi32, #tpu.memory_space<vmem>> -> memref<64xi32, #tpu.memory_space<vmem>>
        %dma_wait3A_672 = arith.constant 0 : i32
        %dma_wait3A_673 = arith.constant 0 : i32
        %dma_wait3A_674 = tpu.memref_slice %arg14[%dma_wait3A_672, %dma_wait3A_673] : memref<10240x128xf32, #tpu.memory_space<vmem_shared>> -> memref<10240x128xf32, #tpu.memory_space<vmem_shared>>
        tpu.wait_indirect_dma semaphore(%arg35 : memref<!tpu.dma_semaphore, #tpu.memory_space<semaphore_mem>>) src(%arg25 : memref<64x128xf32, #tpu.memory_space<vmem>>) dst(%dma_wait3A_674 : memref<10240x128xf32, #tpu.memory_space<vmem_shared>>)
        %mul3A_675 = arith.constant 3 : i32
        %mul3A_676 = arith.muli %mul3A_675, %add3A_466 : i32
        %add3A_677 = arith.constant 4 : i32
        %add3A_678 = arith.addi %mul3A_676, %add3A_677 : i32
        %lt3A_679 = arith.cmpi slt, %add3A_678, %select_n3A : i32
        %mul3A_680 = arith.constant 16 : i32
        %mul3A_681 = arith.muli %add3A_678, %mul3A_680 : i32
        %add3A_682 = arith.addi %arg1, %mul3A_681 : i32
        %select_n3A_683 = arith.select %lt3A_679, %add3A_682, %arg1 : i32
        %mul3A_684 = arith.constant 64 : i32
        %mul3A_685 = arith.muli %select_n3A_683, %mul3A_684 : i32
        %dma_start3A_686 = arith.constant 0 : i32
        %dma_start3A_687 = tpu.memref_slice %arg9[%dma_start3A_686, %mul3A_685] : memref<2x160000xi32, #tpu.memory_space<hbm>> -> memref<2x64xi32, #tpu.memory_space<hbm>>
        %dma_start3A_688 = arith.constant 0 : i32
        %dma_start3A_689 = tpu.memref_slice %arg9[%dma_start3A_688, %mul3A_685] : memref<2x160000xi32, #tpu.memory_space<hbm>> -> memref<2x64xi32, #tpu.memory_space<hbm>>
        tpu.enqueue_dma source(%dma_start3A_689 : memref<2x64xi32, #tpu.memory_space<hbm>>) target(%arg21 : memref<2x64xi32, #tpu.memory_space<vmem>>) target_semaphore(%arg38 : memref<!tpu.dma_semaphore, #tpu.memory_space<semaphore_mem>>)
        %mul3A_690 = arith.constant 64 : i32
        %mul3A_691 = arith.muli %select_n3A_683, %mul3A_690 : i32
        %dma_wait3A_692 = arith.constant 0 : i32
        %dma_wait3A_693 = tpu.memref_slice %arg9[%dma_wait3A_692, %mul3A_691] : memref<2x160000xi32, #tpu.memory_space<hbm>> -> memref<2x64xi32, #tpu.memory_space<hbm>>
        %dma_wait3A_694 = arith.constant 0 : i32
        %dma_wait3A_695 = tpu.memref_slice %arg9[%dma_wait3A_694, %mul3A_691] : memref<2x160000xi32, #tpu.memory_space<hbm>> -> memref<2x64xi32, #tpu.memory_space<hbm>>
        tpu.wait_dma2 semaphore(%arg38 : memref<!tpu.dma_semaphore, #tpu.memory_space<semaphore_mem>>) src(%dma_wait3A_695 : memref<2x64xi32, #tpu.memory_space<hbm>>) dst(%arg21 : memref<2x64xi32, #tpu.memory_space<vmem>>)
        %dma_start3A_696 = arith.constant 0 : i32
        %dma_start3A_697 = arith.constant 0 : i32
        %dma_start3A_698 = tpu.memref_slice %arg21[%dma_start3A_696, %dma_start3A_697] : memref<2x64xi32, #tpu.memory_space<vmem>> -> memref<1x64xi32, #tpu.memory_space<vmem>>
        %dma_start3A_699 = tpu.memref_squeeze %dma_start3A_698 : memref<1x64xi32, #tpu.memory_space<vmem>> -> memref<64xi32, #tpu.memory_space<vmem>>
        %dma_start3A_700 = arith.constant 0 : i32
        %dma_start3A_701 = arith.constant 0 : i32
        %dma_start3A_702 = tpu.memref_slice %arg6[%dma_start3A_700, %dma_start3A_701] : memref<10000x16xf32, #tpu.memory_space<hbm>> -> memref<10000x16xf32, #tpu.memory_space<hbm>>
        tpu.enqueue_indirect_dma source(%dma_start3A_702 : memref<10000x16xf32, #tpu.memory_space<hbm>>) target(%arg22 : memref<64x16xf32, #tpu.memory_space<vmem>>) offsets(%dma_start3A_699 : memref<64xi32, #tpu.memory_space<vmem>>) semaphore(%arg32 : memref<!tpu.dma_semaphore, #tpu.memory_space<semaphore_mem>>)
        %dma_start3A_703 = arith.constant 1 : i32
        %dma_start3A_704 = arith.constant 0 : i32
        %dma_start3A_705 = tpu.memref_slice %arg21[%dma_start3A_703, %dma_start3A_704] : memref<2x64xi32, #tpu.memory_space<vmem>> -> memref<1x64xi32, #tpu.memory_space<vmem>>
        %dma_start3A_706 = tpu.memref_squeeze %dma_start3A_705 : memref<1x64xi32, #tpu.memory_space<vmem>> -> memref<64xi32, #tpu.memory_space<vmem>>
        %dma_start3A_707 = arith.constant 0 : i32
        %dma_start3A_708 = arith.constant 0 : i32
        %dma_start3A_709 = tpu.memref_slice %arg7[%dma_start3A_707, %dma_start3A_708] : memref<10000x16xf32, #tpu.memory_space<hbm>> -> memref<10000x16xf32, #tpu.memory_space<hbm>>
        tpu.enqueue_indirect_dma source(%dma_start3A_709 : memref<10000x16xf32, #tpu.memory_space<hbm>>) target(%arg23 : memref<64x16xf32, #tpu.memory_space<vmem>>) offsets(%dma_start3A_706 : memref<64xi32, #tpu.memory_space<vmem>>) semaphore(%arg32 : memref<!tpu.dma_semaphore, #tpu.memory_space<semaphore_mem>>)
        %dma_start3A_710 = arith.constant 0 : i32
        %dma_start3A_711 = arith.constant 0 : i32
        %dma_start3A_712 = tpu.memref_slice %arg21[%dma_start3A_710, %dma_start3A_711] : memref<2x64xi32, #tpu.memory_space<vmem>> -> memref<1x64xi32, #tpu.memory_space<vmem>>
        %dma_start3A_713 = tpu.memref_squeeze %dma_start3A_712 : memref<1x64xi32, #tpu.memory_space<vmem>> -> memref<64xi32, #tpu.memory_space<vmem>>
        %dma_start3A_714 = arith.constant 0 : i32
        %dma_start3A_715 = arith.constant 0 : i32
        %dma_start3A_716 = tpu.memref_slice %arg8[%dma_start3A_714, %dma_start3A_715] : memref<10000x128xf32, #tpu.memory_space<hbm>> -> memref<10000x128xf32, #tpu.memory_space<hbm>>
        tpu.enqueue_indirect_dma source(%dma_start3A_716 : memref<10000x128xf32, #tpu.memory_space<hbm>>) target(%arg25 : memref<64x128xf32, #tpu.memory_space<vmem>>) offsets(%dma_start3A_713 : memref<64xi32, #tpu.memory_space<vmem>>) semaphore(%arg32 : memref<!tpu.dma_semaphore, #tpu.memory_space<semaphore_mem>>)
      }
      %scan3A_388 = arith.constant 53 : i32
      %dma_wait3A_389 = arith.constant 0 : i32
      %dma_wait3A_390 = arith.constant 0 : i32
      %dma_wait3A_391 = tpu.memref_slice %arg16[%dma_wait3A_389, %dma_wait3A_390] : memref<2x64xi32, #tpu.memory_space<vmem>> -> memref<1x64xi32, #tpu.memory_space<vmem>>
      %dma_wait3A_392 = tpu.memref_squeeze %dma_wait3A_391 : memref<1x64xi32, #tpu.memory_space<vmem>> -> memref<64xi32, #tpu.memory_space<vmem>>
      %dma_wait3A_393 = arith.constant 0 : i32
      %dma_wait3A_394 = arith.constant 0 : i32
      %dma_wait3A_395 = tpu.memref_slice %arg6[%dma_wait3A_393, %dma_wait3A_394] : memref<10000x16xf32, #tpu.memory_space<hbm>> -> memref<10000x16xf32, #tpu.memory_space<hbm>>
      tpu.wait_indirect_dma semaphore(%arg31 : memref<!tpu.dma_semaphore, #tpu.memory_space<semaphore_mem>>) src(%dma_wait3A_395 : memref<10000x16xf32, #tpu.memory_space<hbm>>) dst(%arg17 : memref<64x16xf32, #tpu.memory_space<vmem>>)
      %dma_wait3A_396 = arith.constant 1 : i32
      %dma_wait3A_397 = arith.constant 0 : i32
      %dma_wait3A_398 = tpu.memref_slice %arg16[%dma_wait3A_396, %dma_wait3A_397] : memref<2x64xi32, #tpu.memory_space<vmem>> -> memref<1x64xi32, #tpu.memory_space<vmem>>
      %dma_wait3A_399 = tpu.memref_squeeze %dma_wait3A_398 : memref<1x64xi32, #tpu.memory_space<vmem>> -> memref<64xi32, #tpu.memory_space<vmem>>
      %dma_wait3A_400 = arith.constant 0 : i32
      %dma_wait3A_401 = arith.constant 0 : i32
      %dma_wait3A_402 = tpu.memref_slice %arg7[%dma_wait3A_400, %dma_wait3A_401] : memref<10000x16xf32, #tpu.memory_space<hbm>> -> memref<10000x16xf32, #tpu.memory_space<hbm>>
      tpu.wait_indirect_dma semaphore(%arg31 : memref<!tpu.dma_semaphore, #tpu.memory_space<semaphore_mem>>) src(%dma_wait3A_402 : memref<10000x16xf32, #tpu.memory_space<hbm>>) dst(%arg18 : memref<64x16xf32, #tpu.memory_space<vmem>>)
      %dma_wait3A_403 = arith.constant 0 : i32
      %dma_wait3A_404 = arith.constant 0 : i32
      %dma_wait3A_405 = tpu.memref_slice %arg16[%dma_wait3A_403, %dma_wait3A_404] : memref<2x64xi32, #tpu.memory_space<vmem>> -> memref<1x64xi32, #tpu.memory_space<vmem>>
      %dma_wait3A_406 = tpu.memref_squeeze %dma_wait3A_405 : memref<1x64xi32, #tpu.memory_space<vmem>> -> memref<64xi32, #tpu.memory_space<vmem>>
      %dma_wait3A_407 = arith.constant 0 : i32
      %dma_wait3A_408 = arith.constant 0 : i32
      %dma_wait3A_409 = tpu.memref_slice %arg8[%dma_wait3A_407, %dma_wait3A_408] : memref<10000x128xf32, #tpu.memory_space<hbm>> -> memref<10000x128xf32, #tpu.memory_space<hbm>>
      tpu.wait_indirect_dma semaphore(%arg31 : memref<!tpu.dma_semaphore, #tpu.memory_space<semaphore_mem>>) src(%dma_wait3A_409 : memref<10000x128xf32, #tpu.memory_space<hbm>>) dst(%arg20 : memref<64x128xf32, #tpu.memory_space<vmem>>)
      %dma_wait3A_410 = arith.constant 0 : i32
      %dma_wait3A_411 = arith.constant 0 : i32
      %dma_wait3A_412 = tpu.memref_slice %arg21[%dma_wait3A_410, %dma_wait3A_411] : memref<2x64xi32, #tpu.memory_space<vmem>> -> memref<1x64xi32, #tpu.memory_space<vmem>>
      %dma_wait3A_413 = tpu.memref_squeeze %dma_wait3A_412 : memref<1x64xi32, #tpu.memory_space<vmem>> -> memref<64xi32, #tpu.memory_space<vmem>>
      %dma_wait3A_414 = arith.constant 0 : i32
      %dma_wait3A_415 = arith.constant 0 : i32
      %dma_wait3A_416 = tpu.memref_slice %arg6[%dma_wait3A_414, %dma_wait3A_415] : memref<10000x16xf32, #tpu.memory_space<hbm>> -> memref<10000x16xf32, #tpu.memory_space<hbm>>
      tpu.wait_indirect_dma semaphore(%arg32 : memref<!tpu.dma_semaphore, #tpu.memory_space<semaphore_mem>>) src(%dma_wait3A_416 : memref<10000x16xf32, #tpu.memory_space<hbm>>) dst(%arg22 : memref<64x16xf32, #tpu.memory_space<vmem>>)
      %dma_wait3A_417 = arith.constant 1 : i32
      %dma_wait3A_418 = arith.constant 0 : i32
      %dma_wait3A_419 = tpu.memref_slice %arg21[%dma_wait3A_417, %dma_wait3A_418] : memref<2x64xi32, #tpu.memory_space<vmem>> -> memref<1x64xi32, #tpu.memory_space<vmem>>
      %dma_wait3A_420 = tpu.memref_squeeze %dma_wait3A_419 : memref<1x64xi32, #tpu.memory_space<vmem>> -> memref<64xi32, #tpu.memory_space<vmem>>
      %dma_wait3A_421 = arith.constant 0 : i32
      %dma_wait3A_422 = arith.constant 0 : i32
      %dma_wait3A_423 = tpu.memref_slice %arg7[%dma_wait3A_421, %dma_wait3A_422] : memref<10000x16xf32, #tpu.memory_space<hbm>> -> memref<10000x16xf32, #tpu.memory_space<hbm>>
      tpu.wait_indirect_dma semaphore(%arg32 : memref<!tpu.dma_semaphore, #tpu.memory_space<semaphore_mem>>) src(%dma_wait3A_423 : memref<10000x16xf32, #tpu.memory_space<hbm>>) dst(%arg23 : memref<64x16xf32, #tpu.memory_space<vmem>>)
      %dma_wait3A_424 = arith.constant 0 : i32
      %dma_wait3A_425 = arith.constant 0 : i32
      %dma_wait3A_426 = tpu.memref_slice %arg21[%dma_wait3A_424, %dma_wait3A_425] : memref<2x64xi32, #tpu.memory_space<vmem>> -> memref<1x64xi32, #tpu.memory_space<vmem>>
      %dma_wait3A_427 = tpu.memref_squeeze %dma_wait3A_426 : memref<1x64xi32, #tpu.memory_space<vmem>> -> memref<64xi32, #tpu.memory_space<vmem>>
      %dma_wait3A_428 = arith.constant 0 : i32
      %dma_wait3A_429 = arith.constant 0 : i32
      %dma_wait3A_430 = tpu.memref_slice %arg8[%dma_wait3A_428, %dma_wait3A_429] : memref<10000x128xf32, #tpu.memory_space<hbm>> -> memref<10000x128xf32, #tpu.memory_space<hbm>>
      tpu.wait_indirect_dma semaphore(%arg32 : memref<!tpu.dma_semaphore, #tpu.memory_space<semaphore_mem>>) src(%dma_wait3A_430 : memref<10000x128xf32, #tpu.memory_space<hbm>>) dst(%arg25 : memref<64x128xf32, #tpu.memory_space<vmem>>)
      %dma_wait3A_431 = arith.constant 1 : i32
      %dma_wait3A_432 = arith.constant 0 : i32
      %dma_wait3A_433 = tpu.memref_slice %arg26[%dma_wait3A_431, %dma_wait3A_432] : memref<2x64xi32, #tpu.memory_space<vmem>> -> memref<1x64xi32, #tpu.memory_space<vmem>>
      %dma_wait3A_434 = tpu.memref_squeeze %dma_wait3A_433 : memref<1x64xi32, #tpu.memory_space<vmem>> -> memref<64xi32, #tpu.memory_space<vmem>>
      %dma_wait3A_435 = arith.constant 0 : i32
      %dma_wait3A_436 = arith.constant 0 : i32
      %dma_wait3A_437 = tpu.memref_slice %arg15[%dma_wait3A_435, %dma_wait3A_436] : memref<10240x16xf32, #tpu.memory_space<vmem_shared>> -> memref<10240x16xf32, #tpu.memory_space<vmem_shared>>
      tpu.wait_indirect_dma semaphore(%arg36 : memref<!tpu.dma_semaphore, #tpu.memory_space<semaphore_mem>>) src(%arg29 : memref<64x16xf32, #tpu.memory_space<vmem>>) dst(%dma_wait3A_437 : memref<10240x16xf32, #tpu.memory_space<vmem_shared>>)
      %dma_wait3A_438 = arith.constant 1 : i32
      %dma_wait3A_439 = arith.constant 0 : i32
      %dma_wait3A_440 = tpu.memref_slice %arg26[%dma_wait3A_438, %dma_wait3A_439] : memref<2x64xi32, #tpu.memory_space<vmem>> -> memref<1x64xi32, #tpu.memory_space<vmem>>
      %dma_wait3A_441 = tpu.memref_squeeze %dma_wait3A_440 : memref<1x64xi32, #tpu.memory_space<vmem>> -> memref<64xi32, #tpu.memory_space<vmem>>
      %dma_wait3A_442 = arith.constant 0 : i32
      %dma_wait3A_443 = arith.constant 0 : i32
      %dma_wait3A_444 = tpu.memref_slice %arg14[%dma_wait3A_442, %dma_wait3A_443] : memref<10240x128xf32, #tpu.memory_space<vmem_shared>> -> memref<10240x128xf32, #tpu.memory_space<vmem_shared>>
      tpu.wait_indirect_dma semaphore(%arg36 : memref<!tpu.dma_semaphore, #tpu.memory_space<semaphore_mem>>) src(%arg30 : memref<64x128xf32, #tpu.memory_space<vmem>>) dst(%dma_wait3A_444 : memref<10240x128xf32, #tpu.memory_space<vmem_shared>>)
      %barrier3A_445 = arith.constant 0 : index
      tpu.barrier barrier_id(%barrier3A_445)
      %dma_start3A_446 = arith.constant 0 : i32
      %dma_start3A_447 = tpu.memref_slice %arg12[%mul3A_32, %dma_start3A_446] : memref<10240x128xf32, #tpu.memory_space<hbm>> -> memref<640x128xf32, #tpu.memory_space<hbm>>
      %dma_start3A_448 = arith.constant 0 : i32
      %dma_start3A_449 = tpu.memref_slice %arg14[%mul3A_32, %dma_start3A_448] : memref<10240x128xf32, #tpu.memory_space<vmem_shared>> -> memref<640x128xf32, #tpu.memory_space<vmem_shared>>
      tpu.enqueue_dma source(%dma_start3A_449 : memref<640x128xf32, #tpu.memory_space<vmem_shared>>) target(%dma_start3A_447 : memref<640x128xf32, #tpu.memory_space<hbm>>) target_semaphore(%arg31 : memref<!tpu.dma_semaphore, #tpu.memory_space<semaphore_mem>>)
      %dma_start3A_450 = arith.constant 0 : i32
      %dma_start3A_451 = tpu.memref_slice %arg13[%mul3A_32, %dma_start3A_450] : memref<10240x16xf32, #tpu.memory_space<hbm>> -> memref<640x16xf32, #tpu.memory_space<hbm>>
      %dma_start3A_452 = arith.constant 0 : i32
      %dma_start3A_453 = tpu.memref_slice %arg15[%mul3A_32, %dma_start3A_452] : memref<10240x16xf32, #tpu.memory_space<vmem_shared>> -> memref<640x16xf32, #tpu.memory_space<vmem_shared>>
      tpu.enqueue_dma source(%dma_start3A_453 : memref<640x16xf32, #tpu.memory_space<vmem_shared>>) target(%dma_start3A_451 : memref<640x16xf32, #tpu.memory_space<hbm>>) target_semaphore(%arg32 : memref<!tpu.dma_semaphore, #tpu.memory_space<semaphore_mem>>)
      %dma_wait3A_454 = arith.constant 0 : i32
      %dma_wait3A_455 = tpu.memref_slice %arg12[%mul3A_32, %dma_wait3A_454] : memref<10240x128xf32, #tpu.memory_space<hbm>> -> memref<640x128xf32, #tpu.memory_space<hbm>>
      %dma_wait3A_456 = arith.constant 0 : i32
      %dma_wait3A_457 = tpu.memref_slice %arg14[%mul3A_32, %dma_wait3A_456] : memref<10240x128xf32, #tpu.memory_space<vmem_shared>> -> memref<640x128xf32, #tpu.memory_space<vmem_shared>>
      tpu.wait_dma2 semaphore(%arg31 : memref<!tpu.dma_semaphore, #tpu.memory_space<semaphore_mem>>) src(%dma_wait3A_457 : memref<640x128xf32, #tpu.memory_space<vmem_shared>>) dst(%dma_wait3A_455 : memref<640x128xf32, #tpu.memory_space<hbm>>)
      %dma_wait3A_458 = arith.constant 0 : i32
      %dma_wait3A_459 = tpu.memref_slice %arg13[%mul3A_32, %dma_wait3A_458] : memref<10240x16xf32, #tpu.memory_space<hbm>> -> memref<640x16xf32, #tpu.memory_space<hbm>>
      %dma_wait3A_460 = arith.constant 0 : i32
      %dma_wait3A_461 = tpu.memref_slice %arg15[%mul3A_32, %dma_wait3A_460] : memref<10240x16xf32, #tpu.memory_space<vmem_shared>> -> memref<640x16xf32, #tpu.memory_space<vmem_shared>>
      tpu.wait_dma2 semaphore(%arg32 : memref<!tpu.dma_semaphore, #tpu.memory_space<semaphore_mem>>) src(%dma_wait3A_461 : memref<640x16xf32, #tpu.memory_space<vmem_shared>>) dst(%dma_wait3A_459 : memref<640x16xf32, #tpu.memory_space<hbm>>)
    } else {
    }
    return
  }
}

module attributes {stable_mosaic.version = 14 : i64} {
  func.func @_proj_body(%arg0: memref<10000x128xf32, #tpu.memory_space<vmem>>, %arg1: memref<10000x128xf32, #tpu.memory_space<vmem>>, %arg2: memref<128x128xf32, #tpu.memory_space<vmem>>, %arg3: memref<1x128xf32, #tpu.memory_space<vmem>>, %arg4: memref<128x128xf32, #tpu.memory_space<vmem>>, %arg5: memref<1x128xf32, #tpu.memory_space<vmem>>, %arg6: memref<128x16xf32, #tpu.memory_space<vmem>>, %arg7: memref<128x16xf32, #tpu.memory_space<vmem>>, %arg8: memref<128x16xf32, #tpu.memory_space<vmem>>, %arg9: memref<128x16xf32, #tpu.memory_space<vmem>>, %arg10: memref<10000x128xf32, #tpu.memory_space<vmem>>, %arg11: memref<10000x128xf32, #tpu.memory_space<vmem>>, %arg12: memref<10000x16xf32, #tpu.memory_space<vmem>>, %arg13: memref<10000x16xf32, #tpu.memory_space<vmem>>, %arg14: memref<10000x16xf32, #tpu.memory_space<vmem>>, %arg15: memref<10000x16xf32, #tpu.memory_space<vmem>>) attributes {dimension_semantics = [], scalar_prefetch = 0 : i64, scratch_operands = 0 : i64, tpu.core_type = #tpu.core_type<tc>} {
    %get3A = arith.constant 0 : index
    %get3A_0 = arith.constant 0 : index
    %get3A_1 = vector.load %arg0[%get3A, %get3A_0] : memref<10000x128xf32, #tpu.memory_space<vmem>>, vector<10000x128xf32>
    %get3A_2 = arith.constant 0 : index
    %get3A_3 = arith.constant 0 : index
    %get3A_4 = vector.load %arg2[%get3A_2, %get3A_3] : memref<128x128xf32, #tpu.memory_space<vmem>>, vector<128x128xf32>
    %dot_general3A = arith.constant dense<0.000000e+00> : vector<10000x128xf32>
    %dot_general3A_5 = tpu.matmul %get3A_1, %get3A_4, %dot_general3A {dimension_numbers = #tpu.dot_dimension_numbers<[1], [0], [0], [1], [0, 0, 1, 1], [], []>, transpose_lhs_hint = false} : vector<10000x128xf32>, vector<128x128xf32>, vector<10000x128xf32> -> vector<10000x128xf32>
    %get3A_6 = arith.constant 0 : index
    %get3A_7 = arith.constant 0 : index
    %get3A_8 = vector.load %arg3[%get3A_6, %get3A_7] : memref<1x128xf32, #tpu.memory_space<vmem>>, vector<1x128xf32>
    %add3A = vector.broadcast %get3A_8 : vector<1x128xf32> to vector<10000x128xf32>
    %add3A_9 = arith.addf %dot_general3A_5, %add3A : vector<10000x128xf32>
    %get3A_10 = arith.constant 0 : index
    %get3A_11 = arith.constant 0 : index
    %get3A_12 = vector.load %arg1[%get3A_10, %get3A_11] : memref<10000x128xf32, #tpu.memory_space<vmem>>, vector<10000x128xf32>
    %get3A_13 = arith.constant 0 : index
    %get3A_14 = arith.constant 0 : index
    %get3A_15 = vector.load %arg4[%get3A_13, %get3A_14] : memref<128x128xf32, #tpu.memory_space<vmem>>, vector<128x128xf32>
    %dot_general3A_16 = arith.constant dense<0.000000e+00> : vector<10000x128xf32>
    %dot_general3A_17 = tpu.matmul %get3A_12, %get3A_15, %dot_general3A_16 {dimension_numbers = #tpu.dot_dimension_numbers<[1], [0], [0], [1], [0, 0, 1, 1], [], []>, transpose_lhs_hint = false} : vector<10000x128xf32>, vector<128x128xf32>, vector<10000x128xf32> -> vector<10000x128xf32>
    %get3A_18 = arith.constant 0 : index
    %get3A_19 = arith.constant 0 : index
    %get3A_20 = vector.load %arg5[%get3A_18, %get3A_19] : memref<1x128xf32, #tpu.memory_space<vmem>>, vector<1x128xf32>
    %add3A_21 = vector.broadcast %get3A_20 : vector<1x128xf32> to vector<10000x128xf32>
    %add3A_22 = arith.addf %dot_general3A_17, %add3A_21 : vector<10000x128xf32>
    %swap3A = arith.constant 0 : index
    %swap3A_23 = arith.constant 0 : index
    %swap3A_24 = vector.load %arg10[%swap3A, %swap3A_23] : memref<10000x128xf32, #tpu.memory_space<vmem>>, vector<10000x128xf32>
    tpu.vector_store %arg10[%swap3A, %swap3A_23], %add3A_9 {strides = array<i32>} : memref<10000x128xf32, #tpu.memory_space<vmem>>, vector<10000x128xf32>,
    %swap3A_25 = arith.constant 0 : index
    %swap3A_26 = arith.constant 0 : index
    %swap3A_27 = vector.load %arg11[%swap3A_25, %swap3A_26] : memref<10000x128xf32, #tpu.memory_space<vmem>>, vector<10000x128xf32>
    tpu.vector_store %arg11[%swap3A_25, %swap3A_26], %add3A_22 {strides = array<i32>} : memref<10000x128xf32, #tpu.memory_space<vmem>>, vector<10000x128xf32>,
    %get3A_28 = arith.constant 0 : index
    %get3A_29 = arith.constant 0 : index
    %get3A_30 = vector.load %arg6[%get3A_28, %get3A_29] : memref<128x16xf32, #tpu.memory_space<vmem>>, vector<128x16xf32>
    %dot_general3A_31 = arith.constant dense<0.000000e+00> : vector<10000x16xf32>
    %dot_general3A_32 = tpu.matmul %add3A_22, %get3A_30, %dot_general3A_31 {dimension_numbers = #tpu.dot_dimension_numbers<[1], [0], [0], [1], [0, 0, 1, 1], [], []>, transpose_lhs_hint = false} : vector<10000x128xf32>, vector<128x16xf32>, vector<10000x16xf32> -> vector<10000x16xf32>
    %swap3A_33 = arith.constant 0 : index
    %swap3A_34 = arith.constant 0 : index
    %swap3A_35 = vector.load %arg12[%swap3A_33, %swap3A_34] : memref<10000x16xf32, #tpu.memory_space<vmem>>, vector<10000x16xf32>
    tpu.vector_store %arg12[%swap3A_33, %swap3A_34], %dot_general3A_32 {strides = array<i32>} : memref<10000x16xf32, #tpu.memory_space<vmem>>, vector<10000x16xf32>,
    %get3A_36 = arith.constant 0 : index
    %get3A_37 = arith.constant 0 : index
    %get3A_38 = vector.load %arg7[%get3A_36, %get3A_37] : memref<128x16xf32, #tpu.memory_space<vmem>>, vector<128x16xf32>
    %dot_general3A_39 = arith.constant dense<0.000000e+00> : vector<10000x16xf32>
    %dot_general3A_40 = tpu.matmul %add3A_9, %get3A_38, %dot_general3A_39 {dimension_numbers = #tpu.dot_dimension_numbers<[1], [0], [0], [1], [0, 0, 1, 1], [], []>, transpose_lhs_hint = false} : vector<10000x128xf32>, vector<128x16xf32>, vector<10000x16xf32> -> vector<10000x16xf32>
    %swap3A_41 = arith.constant 0 : index
    %swap3A_42 = arith.constant 0 : index
    %swap3A_43 = vector.load %arg13[%swap3A_41, %swap3A_42] : memref<10000x16xf32, #tpu.memory_space<vmem>>, vector<10000x16xf32>
    tpu.vector_store %arg13[%swap3A_41, %swap3A_42], %dot_general3A_40 {strides = array<i32>} : memref<10000x16xf32, #tpu.memory_space<vmem>>, vector<10000x16xf32>,
    %get3A_44 = arith.constant 0 : index
    %get3A_45 = arith.constant 0 : index
    %get3A_46 = vector.load %arg8[%get3A_44, %get3A_45] : memref<128x16xf32, #tpu.memory_space<vmem>>, vector<128x16xf32>
    %dot_general3A_47 = arith.constant dense<0.000000e+00> : vector<10000x16xf32>
    %dot_general3A_48 = tpu.matmul %add3A_9, %get3A_46, %dot_general3A_47 {dimension_numbers = #tpu.dot_dimension_numbers<[1], [0], [0], [1], [0, 0, 1, 1], [], []>, transpose_lhs_hint = false} : vector<10000x128xf32>, vector<128x16xf32>, vector<10000x16xf32> -> vector<10000x16xf32>
    %swap3A_49 = arith.constant 0 : index
    %swap3A_50 = arith.constant 0 : index
    %swap3A_51 = vector.load %arg14[%swap3A_49, %swap3A_50] : memref<10000x16xf32, #tpu.memory_space<vmem>>, vector<10000x16xf32>
    tpu.vector_store %arg14[%swap3A_49, %swap3A_50], %dot_general3A_48 {strides = array<i32>} : memref<10000x16xf32, #tpu.memory_space<vmem>>, vector<10000x16xf32>,
    %get3A_52 = arith.constant 0 : index
    %get3A_53 = arith.constant 0 : index
    %get3A_54 = vector.load %arg9[%get3A_52, %get3A_53] : memref<128x16xf32, #tpu.memory_space<vmem>>, vector<128x16xf32>
    %dot_general3A_55 = arith.constant dense<0.000000e+00> : vector<10000x16xf32>
    %dot_general3A_56 = tpu.matmul %add3A_9, %get3A_54, %dot_general3A_55 {dimension_numbers = #tpu.dot_dimension_numbers<[1], [0], [0], [1], [0, 0, 1, 1], [], []>, transpose_lhs_hint = false} : vector<10000x128xf32>, vector<128x16xf32>, vector<10000x16xf32> -> vector<10000x16xf32>
    %swap3A_57 = arith.constant 0 : index
    %swap3A_58 = arith.constant 0 : index
    %swap3A_59 = vector.load %arg15[%swap3A_57, %swap3A_58] : memref<10000x16xf32, #tpu.memory_space<vmem>>, vector<10000x16xf32>
    tpu.vector_store %arg15[%swap3A_57, %swap3A_58], %dot_general3A_56 {strides = array<i32>} : memref<10000x16xf32, #tpu.memory_space<vmem>>, vector<10000x16xf32>,
    return
  }
}

module attributes {stable_mosaic.version = 14 : i64} {
  func.func @_fin_body(%arg0: memref<10240x128xf32, #tpu.memory_space<vmem>>, %arg1: memref<10240x16xf32, #tpu.memory_space<vmem>>, %arg2: memref<10240x128xf32, #tpu.memory_space<vmem>>, %arg3: memref<10240x16xf32, #tpu.memory_space<vmem>>, %arg4: memref<16x128xf32, #tpu.memory_space<vmem>>, %arg5: memref<128x128xf32, #tpu.memory_space<vmem>>, %arg6: memref<1x128xf32, #tpu.memory_space<vmem>>, %arg7: memref<1x128xf32, #tpu.memory_space<vmem>>, %arg8: memref<1x128xf32, #tpu.memory_space<vmem>>, %arg9: memref<1x128xf32, #tpu.memory_space<vmem>>, %arg10: memref<1x128xf32, #tpu.memory_space<vmem>>, %arg11: memref<128x64xf32, #tpu.memory_space<vmem>>, %arg12: memref<1x64xf32, #tpu.memory_space<vmem>>, %arg13: memref<10000x64xf32, #tpu.memory_space<vmem>>) attributes {dimension_semantics = [], scalar_prefetch = 0 : i64, scratch_operands = 0 : i64, tpu.core_type = #tpu.core_type<tc>} {
    %get3A = arith.constant 0 : index
    %get3A_0 = arith.constant 0 : index
    %get3A_1 = vector.load %arg0[%get3A, %get3A_0] : memref<10240x128xf32, #tpu.memory_space<vmem>>, vector<10000x128xf32>
    %get3A_2 = arith.constant 0 : index
    %get3A_3 = arith.constant 0 : index
    %get3A_4 = vector.load %arg2[%get3A_2, %get3A_3] : memref<10240x128xf32, #tpu.memory_space<vmem>>, vector<10000x128xf32>
    %get3A_5 = arith.constant 0 : index
    %get3A_6 = arith.constant 0 : index
    %get3A_7 = vector.load %arg1[%get3A_5, %get3A_6] : memref<10240x16xf32, #tpu.memory_space<vmem>>, vector<10000x16xf32>
    %get3A_8 = arith.constant 0 : index
    %get3A_9 = arith.constant 0 : index
    %get3A_10 = vector.load %arg4[%get3A_8, %get3A_9] : memref<16x128xf32, #tpu.memory_space<vmem>>, vector<16x128xf32>
    %dot_general3A = arith.constant dense<0.000000e+00> : vector<10000x128xf32>
    %dot_general3A_11 = tpu.matmul %get3A_7, %get3A_10, %dot_general3A {dimension_numbers = #tpu.dot_dimension_numbers<[1], [0], [0], [1], [0, 0, 1, 1], [], []>, transpose_lhs_hint = false} : vector<10000x16xf32>, vector<16x128xf32>, vector<10000x128xf32> -> vector<10000x128xf32>
    %get3A_12 = arith.constant 0 : index
    %get3A_13 = arith.constant 0 : index
    %get3A_14 = vector.load %arg3[%get3A_12, %get3A_13] : memref<10240x16xf32, #tpu.memory_space<vmem>>, vector<10000x16xf32>
    %get3A_15 = arith.constant 0 : index
    %get3A_16 = arith.constant 0 : index
    %get3A_17 = vector.load %arg4[%get3A_15, %get3A_16] : memref<16x128xf32, #tpu.memory_space<vmem>>, vector<16x128xf32>
    %dot_general3A_18 = arith.constant dense<0.000000e+00> : vector<10000x128xf32>
    %dot_general3A_19 = tpu.matmul %get3A_14, %get3A_17, %dot_general3A_18 {dimension_numbers = #tpu.dot_dimension_numbers<[1], [0], [0], [1], [0, 0, 1, 1], [], []>, transpose_lhs_hint = false} : vector<10000x16xf32>, vector<16x128xf32>, vector<10000x128xf32> -> vector<10000x128xf32>
    %add3A = arith.constant 1.000000e-16 : f32
    %add3A_20 = vector.broadcast %add3A : f32 to vector<10000x128xf32>
    %add3A_21 = arith.addf %dot_general3A_11, %add3A_20 : vector<10000x128xf32>
    %div3A = arith.divf %get3A_1, %add3A_21 : vector<10000x128xf32>
    %max3A = arith.constant 0.000000e+00 : f32
    %max3A_22 = vector.broadcast %max3A : f32 to vector<10000x128xf32>
    %max3A_23 = arith.maximumf %div3A, %max3A_22 : vector<10000x128xf32>
    %add3A_24 = arith.constant 1.000000e-16 : f32
    %add3A_25 = vector.broadcast %add3A_24 : f32 to vector<10000x128xf32>
    %add3A_26 = arith.addf %dot_general3A_19, %add3A_25 : vector<10000x128xf32>
    %div3A_27 = arith.divf %get3A_4, %add3A_26 : vector<10000x128xf32>
    %max3A_28 = arith.constant 0.000000e+00 : f32
    %max3A_29 = vector.broadcast %max3A_28 : f32 to vector<10000x128xf32>
    %max3A_30 = arith.maximumf %div3A_27, %max3A_29 : vector<10000x128xf32>
    %get3A_31 = arith.constant 0 : index
    %get3A_32 = arith.constant 0 : index
    %get3A_33 = vector.load %arg5[%get3A_31, %get3A_32] : memref<128x128xf32, #tpu.memory_space<vmem>>, vector<128x128xf32>
    %dot_general3A_34 = arith.constant dense<0.000000e+00> : vector<10000x128xf32>
    %dot_general3A_35 = tpu.matmul %max3A_23, %get3A_33, %dot_general3A_34 {dimension_numbers = #tpu.dot_dimension_numbers<[1], [0], [0], [1], [0, 0, 1, 1], [], []>, transpose_lhs_hint = false} : vector<10000x128xf32>, vector<128x128xf32>, vector<10000x128xf32> -> vector<10000x128xf32>
    %get3A_36 = arith.constant 0 : index
    %get3A_37 = arith.constant 0 : index
    %get3A_38 = vector.load %arg6[%get3A_36, %get3A_37] : memref<1x128xf32, #tpu.memory_space<vmem>>, vector<1x128xf32>
    %add3A_39 = vector.broadcast %get3A_38 : vector<1x128xf32> to vector<10000x128xf32>
    %add3A_40 = arith.addf %dot_general3A_35, %add3A_39 : vector<10000x128xf32>
    %tanh3A = math.tanh %add3A_40 : vector<10000x128xf32>
    %get3A_41 = arith.constant 0 : index
    %get3A_42 = arith.constant 0 : index
    %get3A_43 = vector.load %arg5[%get3A_41, %get3A_42] : memref<128x128xf32, #tpu.memory_space<vmem>>, vector<128x128xf32>
    %dot_general3A_44 = arith.constant dense<0.000000e+00> : vector<10000x128xf32>
    %dot_general3A_45 = tpu.matmul %max3A_30, %get3A_43, %dot_general3A_44 {dimension_numbers = #tpu.dot_dimension_numbers<[1], [0], [0], [1], [0, 0, 1, 1], [], []>, transpose_lhs_hint = false} : vector<10000x128xf32>, vector<128x128xf32>, vector<10000x128xf32> -> vector<10000x128xf32>
    %get3A_46 = arith.constant 0 : index
    %get3A_47 = arith.constant 0 : index
    %get3A_48 = vector.load %arg6[%get3A_46, %get3A_47] : memref<1x128xf32, #tpu.memory_space<vmem>>, vector<1x128xf32>
    %add3A_49 = vector.broadcast %get3A_48 : vector<1x128xf32> to vector<10000x128xf32>
    %add3A_50 = arith.addf %dot_general3A_45, %add3A_49 : vector<10000x128xf32>
    %tanh3A_51 = math.tanh %add3A_50 : vector<10000x128xf32>
    %get3A_52 = arith.constant 0 : index
    %get3A_53 = arith.constant 0 : index
    %get3A_54 = vector.load %arg7[%get3A_52, %get3A_53] : memref<1x128xf32, #tpu.memory_space<vmem>>, vector<1x128xf32>
    %reduce_sum3A = arith.constant dense<0.000000e+00> : vector<128xf32>
    %reduce_sum3A_55 = vector.multi_reduction <add>, %tanh3A, %reduce_sum3A [0] : vector<10000x128xf32> to vector<128xf32>
    %broadcast_in_dim3A = vector.shape_cast %reduce_sum3A_55 : vector<128xf32> to vector<1x128xf32>
    %div3A_56 = arith.constant 1.000000e+04 : f32
    %div3A_57 = vector.broadcast %div3A_56 : f32 to vector<1x128xf32>
    %div3A_58 = arith.divf %broadcast_in_dim3A, %div3A_57 : vector<1x128xf32>
    %mul3A = arith.mulf %get3A_54, %div3A_58 : vector<1x128xf32>
    %reduce_sum3A_59 = vector.shape_cast %mul3A : vector<1x128xf32> to vector<1x1x128xf32>
    %reduce_sum3A_60 = arith.constant dense<0.000000e+00> : vector<1xf32>
    %reduce_sum3A_61 = vector.multi_reduction <add>, %reduce_sum3A_59, %reduce_sum3A_60 [1, 2] : vector<1x1x128xf32> to vector<1xf32>
    %reduce_sum3A_62 = vector.shape_cast %reduce_sum3A_61 : vector<1xf32> to vector<1x1x1xf32>
    %reduce_sum3A_63 = vector.extract %reduce_sum3A_62[0, 0, 0] : f32 from vector<1x1x1xf32>
    %get3A_64 = arith.constant 0 : index
    %get3A_65 = arith.constant 0 : index
    %get3A_66 = vector.load %arg7[%get3A_64, %get3A_65] : memref<1x128xf32, #tpu.memory_space<vmem>>, vector<1x128xf32>
    %reduce_sum3A_67 = arith.constant dense<0.000000e+00> : vector<128xf32>
    %reduce_sum3A_68 = vector.multi_reduction <add>, %tanh3A_51, %reduce_sum3A_67 [0] : vector<10000x128xf32> to vector<128xf32>
    %broadcast_in_dim3A_69 = vector.shape_cast %reduce_sum3A_68 : vector<128xf32> to vector<1x128xf32>
    %div3A_70 = arith.constant 1.000000e+04 : f32
    %div3A_71 = vector.broadcast %div3A_70 : f32 to vector<1x128xf32>
    %div3A_72 = arith.divf %broadcast_in_dim3A_69, %div3A_71 : vector<1x128xf32>
    %mul3A_73 = arith.mulf %get3A_66, %div3A_72 : vector<1x128xf32>
    %reduce_sum3A_74 = vector.shape_cast %mul3A_73 : vector<1x128xf32> to vector<1x1x128xf32>
    %reduce_sum3A_75 = arith.constant dense<0.000000e+00> : vector<1xf32>
    %reduce_sum3A_76 = vector.multi_reduction <add>, %reduce_sum3A_74, %reduce_sum3A_75 [1, 2] : vector<1x1x128xf32> to vector<1xf32>
    %reduce_sum3A_77 = vector.shape_cast %reduce_sum3A_76 : vector<1xf32> to vector<1x1x1xf32>
    %reduce_sum3A_78 = vector.extract %reduce_sum3A_77[0, 0, 0] : f32 from vector<1x1x1xf32>
    %max3A_79 = arith.maximumf %reduce_sum3A_63, %reduce_sum3A_78 : f32
    %sub3A = arith.subf %reduce_sum3A_63, %max3A_79 : f32
    %exp3A = math.exp %sub3A : f32
    %sub3A_80 = arith.subf %reduce_sum3A_78, %max3A_79 : f32
    %exp3A_81 = math.exp %sub3A_80 : f32
    %add3A_82 = arith.addf %exp3A, %exp3A_81 : f32
    %div3A_83 = arith.divf %exp3A, %add3A_82 : f32
    %mul3A_84 = vector.broadcast %div3A_83 : f32 to vector<10000x128xf32>
    %mul3A_85 = arith.mulf %mul3A_84, %max3A_23 : vector<10000x128xf32>
    %div3A_86 = arith.divf %exp3A_81, %add3A_82 : f32
    %mul3A_87 = vector.broadcast %div3A_86 : f32 to vector<10000x128xf32>
    %mul3A_88 = arith.mulf %mul3A_87, %max3A_30 : vector<10000x128xf32>
    %add3A_89 = arith.addf %mul3A_85, %mul3A_88 : vector<10000x128xf32>
    %reduce_sum3A_90 = arith.constant dense<0.000000e+00> : vector<128xf32>
    %reduce_sum3A_91 = vector.multi_reduction <add>, %add3A_89, %reduce_sum3A_90 [0] : vector<10000x128xf32> to vector<128xf32>
    %broadcast_in_dim3A_92 = vector.shape_cast %reduce_sum3A_91 : vector<128xf32> to vector<1x128xf32>
    %div3A_93 = arith.constant 1.000000e+04 : f32
    %div3A_94 = vector.broadcast %div3A_93 : f32 to vector<1x128xf32>
    %div3A_95 = arith.divf %broadcast_in_dim3A_92, %div3A_94 : vector<1x128xf32>
    %get3A_96 = arith.constant 0 : index
    %get3A_97 = arith.constant 0 : index
    %get3A_98 = vector.load %arg10[%get3A_96, %get3A_97] : memref<1x128xf32, #tpu.memory_space<vmem>>, vector<1x128xf32>
    %mul3A_99 = arith.mulf %div3A_95, %get3A_98 : vector<1x128xf32>
    %sub3A_100 = vector.broadcast %mul3A_99 : vector<1x128xf32> to vector<10000x128xf32>
    %sub3A_101 = arith.subf %add3A_89, %sub3A_100 : vector<10000x128xf32>
    %mul3A_102 = arith.mulf %sub3A_101, %sub3A_101 : vector<10000x128xf32>
    %reduce_sum3A_103 = arith.constant dense<0.000000e+00> : vector<128xf32>
    %reduce_sum3A_104 = vector.multi_reduction <add>, %mul3A_102, %reduce_sum3A_103 [0] : vector<10000x128xf32> to vector<128xf32>
    %broadcast_in_dim3A_105 = vector.shape_cast %reduce_sum3A_104 : vector<128xf32> to vector<1x128xf32>
    %div3A_106 = arith.constant 1.000000e+04 : f32
    %div3A_107 = vector.broadcast %div3A_106 : f32 to vector<1x128xf32>
    %div3A_108 = arith.divf %broadcast_in_dim3A_105, %div3A_107 : vector<1x128xf32>
    %get3A_109 = arith.constant 0 : index
    %get3A_110 = arith.constant 0 : index
    %get3A_111 = vector.load %arg8[%get3A_109, %get3A_110] : memref<1x128xf32, #tpu.memory_space<vmem>>, vector<1x128xf32>
    %mul3A_112 = vector.broadcast %get3A_111 : vector<1x128xf32> to vector<10000x128xf32>
    %mul3A_113 = arith.mulf %mul3A_112, %sub3A_101 : vector<10000x128xf32>
    %add3A_114 = arith.constant 9.99999974E-6 : f32
    %add3A_115 = vector.broadcast %add3A_114 : f32 to vector<1x128xf32>
    %add3A_116 = arith.addf %div3A_108, %add3A_115 : vector<1x128xf32>
    %rsqrt3A = math.rsqrt %add3A_116 : vector<1x128xf32>
    %mul3A_117 = vector.broadcast %rsqrt3A : vector<1x128xf32> to vector<10000x128xf32>
    %mul3A_118 = arith.mulf %mul3A_113, %mul3A_117 : vector<10000x128xf32>
    %get3A_119 = arith.constant 0 : index
    %get3A_120 = arith.constant 0 : index
    %get3A_121 = vector.load %arg9[%get3A_119, %get3A_120] : memref<1x128xf32, #tpu.memory_space<vmem>>, vector<1x128xf32>
    %add3A_122 = vector.broadcast %get3A_121 : vector<1x128xf32> to vector<10000x128xf32>
    %add3A_123 = arith.addf %mul3A_118, %add3A_122 : vector<10000x128xf32>
    %get3A_124 = arith.constant 0 : index
    %get3A_125 = arith.constant 0 : index
    %get3A_126 = vector.load %arg11[%get3A_124, %get3A_125] : memref<128x64xf32, #tpu.memory_space<vmem>>, vector<128x64xf32>
    %dot_general3A_127 = arith.constant dense<0.000000e+00> : vector<10000x64xf32>
    %dot_general3A_128 = tpu.matmul %add3A_123, %get3A_126, %dot_general3A_127 {dimension_numbers = #tpu.dot_dimension_numbers<[1], [0], [0], [1], [0, 0, 1, 1], [], []>, transpose_lhs_hint = false} : vector<10000x128xf32>, vector<128x64xf32>, vector<10000x64xf32> -> vector<10000x64xf32>
    %get3A_129 = arith.constant 0 : index
    %get3A_130 = arith.constant 0 : index
    %get3A_131 = vector.load %arg12[%get3A_129, %get3A_130] : memref<1x64xf32, #tpu.memory_space<vmem>>, vector<1x64xf32>
    %add3A_132 = vector.broadcast %get3A_131 : vector<1x64xf32> to vector<10000x64xf32>
    %add3A_133 = arith.addf %dot_general3A_128, %add3A_132 : vector<10000x64xf32>
    %swap3A = arith.constant 0 : index
    %swap3A_134 = arith.constant 0 : index
    %swap3A_135 = vector.load %arg13[%swap3A, %swap3A_134] : memref<10000x64xf32, #tpu.memory_space<vmem>>, vector<10000x64xf32>
    tpu.vector_store %arg13[%swap3A, %swap3A_134], %add3A_133 {strides = array<i32>} : memref<10000x64xf32, #tpu.memory_space<vmem>>, vector<10000x64xf32>,
    return
  }
}

</mosaic_0001>

<sc_bundles>
// kernel: kernel.5.cloned.1.call-start
scs
__scs_entry_jumppad:
0x0: {  	(pc) =	sbr.rel $0x88, $3  }
0x1: {  	(tag) =	ssettag $0x0;
	lr =	simm.s32 $0x1  }
0x2: {  	[smem:$0x3F8D] =	sst lr;
	_ =	strace $0xD0000000  }
0x3: {  	_ = 	snop  }
0x4: {  	_ = 	snop  }
0x5: {  	_ = 	snop  }
0x6: {  	_ = 	snop  }
0x7: {  	_ = 	snop  }
__scs_overlays_trampoline_lowered:
0x8: {  	[smem:$0x3F9C] =	sst s0  }
0x9: {  	[smem:$0x3F9D] =	sst s1  }
0xa: {  	[smem:$0x3F9E] =	sst s2  }
0xb: {  	[smem:$0x3F9F] =	sst s3  }
0xc: {  	[smem:$0x3FA0] =	sst s4  }
0xd: {  	[smem:$0x3FA1] =	sst s5  }
0xe: {  	[smem:$0x3FA2] =	sst s6  }
0xf: {  	[smem:$0x3FA3] =	sst s7  }
0x10: {  	[smem:$0x3FA4] =	sst s8  }
0x11: {  	[smem:$0x3FA5] =	sst s9;
	s0 =	simm.s32 @!p0 $0x0  }
0x12: {  	s1 =	sld [smem:$0x3F8B];
	s0 =	simm.s32 @p0 $0x1  }
0x13: {  	[smem:$0x3FA6] =	sst s0;
	s0 =	simm.s32 @!p1 $0x0  }
0x14: {  	s2 =	sld [smem:$0x3F8A];
	s0 =	simm.s32 @p1 $0x1  }
0x15: {  	[smem:$0x3FA7] =	sst s0;
	s0 =	simm.s32 @!p2 $0x0  }
0x16: {  	s3 =	sld [smem:$0x3FDB];
	s0 =	simm.s32 @p2 $0x1  }
0x17: {  	s4 =	simm.s32 $0x1BF5;
	[smem:$0x3FA9] =	sst s0  }
0x18: {  	s0 =	sld [smem:$0x3F8C];
	_ =	swait.ge [sflag:s4], $0x0  }
0x19: {  	s7 =	sld [smem:$0x3F8D]  }
0x1a: {  	s8 =	sadd.s32 $0xFFFFE003, lr  }
0x1b: {  	s9 =	sadd.s32 $0xFFFFFEF7, lr;
	s5 =	simm.s32 $0xFFFFFFFF;
	p2 =	slt.u32 s8, $0xFFFFF086  }
0x1c: {  	p1 =	slt.u32 s9, $0xF7A;
	s5 =	simm.s32 @!p2 $0x0  }
0x1d: {  	s5 =	simm.s32 @p1 $0x1;
	p0 =	seq.s32 s7, s2  }
0x1e: {  	s7 =	smul.u32 @!p0 $0xF7A, s2;
	p2 =	seq.s32 @!p0 s5, $0x0  }
0x1f: {  	s9 =	smul.u32 $0xF7A, s1;
	s8 =	simm.s32 @!p0 $0x1BF5;
	p2 =	por !p2, p0  }
0x20: {  	[sflag:s8] =	ssyncset.s32 @!p0 $0xFFFFF086;
	s6 =	sadd.s32 @!p0 s3, s7;
	s7 =	simm.s32 @!p0 $0x108  }
0x21: {  	s3 =	sadd.s32 s3, s9;
	s6 =	sadd.s32 @!p0 $0x88, s6;
	s7 =	simm.s32 @p2 $0x1082  }
0x22: {  	[simem:s7], [sflag:s8] =	dma.local @!p0 [hbm:s6], $0xF7A  }
0x23: {  	s9 =	sor.u32 $0xD0000000, s2;
	s6 =	simm.s32 $0x108;
	_ =	swait.ge @!p0 [sflag:s8], $0x0  }
0x24: {  	s3 =	sadd.s32 $0x88, s3;
	s6 =	simm.s32 @!p1 $0x1082;
	[sflag:s4] =	ssyncset.s32 $0xFFFFF086  }
0x25: {  	[simem:s6], [sflag:s4] =	dma.local [hbm:s3], $0xF7A  }
0x26: {  	[smem:$0x3F8D] =	sst s1;
	(tag) =	ssettag s2;
	_ =	strace s9  }
0x27: {  	s1 =	sld [smem:$0x3F9D]  }
0x28: {  	s2 =	sld [smem:$0x3F9E]  }
0x29: {  	s4 =	sld [smem:$0x3FA0]  }
0x2a: {  	p0 =	seq.s32 s5, $0x0;
	s5 =	sld [smem:$0x3FA1]  }
0x2b: {  	s6 =	sld [smem:$0x3FA2]  }
0x2c: {  	s7 =	sld [smem:$0x3FA3]  }
0x2d: {  	s3 =	simm.s32 $0x108;
	s8 =	sld [smem:$0x3FA4]  }
0x2e: {  	s3 =	simm.s32 @!p0 $0x1082;
	s9 =	sld [smem:$0x3FA5]  }
0x2f: {  	lr =	sadd.s32 s0, s3;
	s0 =	sld [smem:$0x3F9C]  }
0x30: {  	s3 =	sld [smem:$0x3F9F]  }
0x31: {  	[smem:$0x3FA8] =	sst s10  }
0x32: {  	s10 =	sld [smem:$0x3FA6];
	_ =	sdelay $0x3  }
0x33: {  	p0 =	seq.s32 s10, $0x1;
	s10 =	sld [smem:$0x3FA8];
	_ =	sdelay $0x3  }
0x34: {  	[smem:$0x3FA8] =	sst s10  }
0x35: {  	s10 =	sld [smem:$0x3FA7];
	_ =	sdelay $0x3  }
0x36: {  	p1 =	seq.s32 s10, $0x1;
	s10 =	sld [smem:$0x3FA8];
	_ =	sdelay $0x3  }
0x37: {  	[smem:$0x3FA8] =	sst s10  }
0x38: {  	s10 =	sld [smem:$0x3FA9]  }
0x39: {  	_ = 	snop;
	(pc) =	sbr.ind lr, $3  }
0x3a: {  	_ = 	snop  }
0x3b: {  	_ = 	snop  }
0x3c: {  	p2 =	seq.s32 s10, $0x1;
	s10 =	sld [smem:$0x3FA8]  }
0x3d: {  	_ =	shalt  }
0x3e: {  	_ =	shalt  }
0x3f: {  	_ =	shalt  }
0x40: {  	_ =	shalt  }
0x41: {  	_ =	shalt  }
0x42: {  	_ =	shalt  }
0x43: {  	_ =	shalt  }
0x44: {  	_ =	shalt  }
0x45: {  	_ =	shalt  }
0x46: {  	_ =	shalt  }
0x47: {  	_ =	shalt  }
0x48: {  	_ =	shalt  }
0x49: {  	_ =	shalt  }
0x4a: {  	_ =	shalt  }
0x4b: {  	_ =	shalt  }
0x4c: {  	_ =	shalt  }
0x4d: {  	_ =	shalt  }
0x4e: {  	_ =	shalt  }
0x4f: {  	_ =	shalt  }
0x50: {  	_ =	shalt  }
0x51: {  	_ =	shalt  }
0x52: {  	_ =	shalt  }
0x53: {  	_ =	shalt  }
0x54: {  	_ =	shalt  }
0x55: {  	_ =	shalt  }
0x56: {  	_ =	shalt  }
0x57: {  	_ =	shalt  }
0x58: {  	_ =	shalt  }
0x59: {  	_ =	shalt  }
0x5a: {  	_ =	shalt  }
0x5b: {  	_ =	shalt  }
0x5c: {  	_ =	shalt  }
0x5d: {  	_ =	shalt  }
0x5e: {  	_ =	shalt  }
0x5f: {  	_ =	shalt  }
0x60: {  	_ =	shalt  }
0x61: {  	_ =	shalt  }
0x62: {  	_ =	shalt  }
0x63: {  	_ =	shalt  }
0x64: {  	_ =	shalt  }
0x65: {  	_ =	shalt  }
0x66: {  	_ =	shalt  }
0x67: {  	_ =	shalt  }
0x68: {  	_ =	shalt  }
0x69: {  	_ =	shalt  }
0x6a: {  	_ =	shalt  }
0x6b: {  	_ =	shalt  }
0x6c: {  	_ =	shalt  }
0x6d: {  	_ =	shalt  }
0x6e: {  	_ =	shalt  }
0x6f: {  	_ =	shalt  }
0x70: {  	_ =	shalt  }
0x71: {  	_ =	shalt  }
0x72: {  	_ =	shalt  }
0x73: {  	_ =	shalt  }
0x74: {  	_ =	shalt  }
0x75: {  	_ =	shalt  }
0x76: {  	_ =	shalt  }
0x77: {  	_ =	shalt  }
0x78: {  	_ =	shalt  }
0x79: {  	_ =	shalt  }
0x7a: {  	_ =	shalt  }
0x7b: {  	_ =	shalt  }
0x7c: {  	_ =	shalt  }
0x7d: {  	_ =	shalt  }
0x7e: {  	_ =	shalt  }
0x7f: {  	_ =	shalt  }
0x80: {  	_ =	shalt  }
0x81: {  	_ =	shalt  }
0x82: {  	_ =	shalt  }
0x83: {  	_ =	shalt  }
0x84: {  	_ =	shalt  }
0x85: {  	_ =	shalt  }
0x86: {  	_ =	shalt  }
0x87: {  	_ =	shalt  }
.Lfunc_end0:
.L_simem_size_0:
called_computation_lowered:
.L_overlay_start_0:
0x88: {  	s2 =	sld [smem:$0x3FD9]  }
0x89: {  	s3 =	sld [smem:$0x3FFE];
	_ =	sdelay $0x1  }
0x8a: {  	s1 =	srdreg.scid  }
0x8b: {  	s0 =	sand.u32 $0x1, s1  }
0x8c: {  	s17 =	sshll.u32 s0, $0xA;
	s2 =	sadd.s32 s3, s2  }
0x8d: {  	s2 =	sadd.s32 s2, s17  }
0x8e: {  	[smem:$0x3FB4] =	sst s2  }
0x8f: {  	_ = 	snop  }
0x90: {  	s2 =	sld [smem:$0x3FD0];
	(tm) =	ssettm $0x1  }
0x91: {  	s18 =	sld [smem:$0x3FFB];
	_ =	sdelay $0x3  }
0x92: {  	_ =	strace s18  }
0x93: {  	s3 =	sld [smem:$0x3FFC];
	_ =	sdelay $0x3  }
0x94: {  	_ =	strace s3  }
0x95: {  	s3 =	sld [smem:$0x3FFD];
	_ =	sdelay $0x3  }
0x96: {  	_ =	strace s3  }
0x97: {  	_ =	strace $0x8FFFFFFF  }
0x98: {  	s19 =	sld [smem:$0x3FDB];
	_ =	sdelay $0x1  }
0x99: {  	s4 =	simm.s32 $_scs_section_size  }
0x9a: {  	s5 =	simm.s32 $_size__tile_overlayer_lowered;
	s6 =	simm.s32 $_tile_overlayer_lowered  }
0x9b: {  	s22 =	simm.s32 $0x1BFF;
	s21 =	sshll.u32 s6, $0x1;
	s3 =	sadd.s32 s4, s19  }
0x9c: {  	s7 =	simm.s32 $0x0;
	s20 =	sshll.u32 s5, $0x1;
	s5 =	sadd.s32 s21, s3  }
0x9d: {  	[timem:s7], [sflag:s22] =	dma.local [hbm:s5], s20  }
0x9e: {  	_ =	swait.ge [sflag:s22], s20  }
0x9f: {  	s4 =	ssub.s32 $0x0, s20;
	[sflag:s22] =	ssyncset.done $0x0  }
0xa0: {  	[sflag:s22] =	ssyncadd.s32 s4;
	_ =	sdelay $0x1  }
0xa1: {  	s23 =	simm.s32 $0x1B8B  }
0xa2: {  	_ =	swait.ge [sflag:s23], $0x1  }
0xa3: {  	[sflag:s23] =	ssyncset.done $0x0  }
0xa4: {  	s25 =	simm.s32 $0x1B8E;
	s24 =	sld [smem:$0x3FFE];
	[sflag:s23] =	ssyncadd.s32 $0xFFFFFFFF  }
0xa5: {  	s26 =	simm.s32 $execute0_lowered;
	[smem:$0x3FD2] =	sst s25  }
0xa6: {  	s5 =	sshll.u32 s26, $0x1;
	_ =	strace $0x80000046;
	[dreg:$0x1] =	wrdreg $0xFFFFFFFF  }
0xa7: {  	s28 =	simm.s32 $_size_execute0_lowered;
	s3 =	sadd.s32 s3, s5;
	[dreg:$0x0] =	wrdreg $0x0  }
0xa8: {  	s5 =	sshll.u32 s28, $0x1;
	[dreg:$0x2] =	wrdreg s3  }
0xa9: {  	[dreg:$0x3] =	wrdreg s5  }
0xaa: {  	[dreg:$0x4] =	wrdreg $0xC0  }
0xab: {  	_ =	task [dreg:s7], $0x5FFFF  }
0xac: {  	[dreg:$0x1] =	wrdreg $0xFFFFFFFF  }
0xad: {  	[dreg:$0x0] =	wrdreg $0x60  }
0xae: {  	[dreg:$0x2] =	wrdreg s24  }
0xaf: {  	[dreg:$0x3] =	wrdreg s2  }
0xb0: {  	[dreg:$0x4] =	wrdreg $0x0  }
0xb1: {  	[dreg:$0x5] =	wrdreg $0x140000  }
0xb2: {  	[dreg:$0x6] =	wrdreg $0x9  }
0xb3: {  	_ =	task.clear_ibuf [dreg:s7], $0x7FFFF;
	_ =	strace $0x90000046  }
0xb4: {  	s29 =	simm.s32 $0x9;
	_ =	strace $0x80000048  }
0xb5: {  	_ =	swait.ge [sflag:s29], $0x1  }
0xb6: {  	[sflag:s29] =	ssyncadd.s32 $0xFFFFFFFF  }
0xb7: {  	_ =	strace $0x90000048  }
0xb8: {  	_ =	sfence  }
0xb9: {  	s30 =	sld [smem:$0x0];
	_ =	sdelay $0x2  }
0xba: {  	s31 =	sshll.u32 s1, $0xD;
	s1 =	sshrl.u32 s1, $0x2  }
0xbb: {  	s3 =	sand.u32 $0x4000, s31;
	s1 =	sadd.s32 s1, s30  }
0xbc: {  	s0 =	sor.u32 s3, s0;
	s1 =	sshll.u32 s1, $0x11  }
0xbd: {  	s0 =	sor.u32 s1, s0  }
0xbe: {  	s0 =	sadd.s32 $0x8F2B, s0  }
0xbf: {  	[sflag:s0] =	ssyncadd.remote.s32 $0x1  }
0xc0: {  	_ =	sfence.sel $0xFFFF  }
0xc1: {  	[dreg:$0x0] =	wrdreg $0xFFFFFFFF;
	(pc) =	sbr.abs _section_cstart, $3  }
0xc2: {  	[dreg:$0x1] =	wrdreg $0xFFFFFFFF  }
0xc3: {  	_ =	task.clear_ibuf [dreg:s7], $0x2FFFF;
	_ =	strace $0x9FFFFFFF  }
0xc4: {  	(tm) =	ssettm $0x7FFFFFFF  }
0xc5: {  	_ =	shalt  }
tec
execute0_lowered:
.L_overlay_start_1:
0x0: {  	(tag) =	ssettag $0x1  }
0x1: {  	s0 =	rddreg [dreg:$0x0]  }
0x2: {  	s14 =	rddreg [dreg:$0x1]  }
0x3: {  	s15 =	rddreg [dreg:$0x2]  }
0x4: {  	s16 =	rddreg [dreg:$0x3]  }
0x5: {  	s1 =	simm.s32 $0x0;
	s25 =	srdreg.scid;
	s11 =	stileid.u32  }
0x6: {  	s28 =	simm.s32 $0x40;
	s30 =	simm.s32 $0x16800;
	[smem:$0x7FF] =	sst s1  }
0x7: {  	s5 =	sadd.s32 $0xA5400, s0;
	s6 =	sadd.s32 $0xA0400, s0;
	s7 =	sadd.s32 $0x79200, s0  }
0x8: {  	s8 =	sadd.s32 $0x8C00, s0;
	s9 =	sadd.s32 $0x3C00, s0;
	s10 =	sadd.s32 $0x52000, s0  }
0x9: {  	s18 =	sadd.s32 $0xDC00, s0;
	s2 =	sadd.s32 $0x21A00, s0;
	s1 =	sand.u32 $0x1, s25  }
0xa: {  	s26 =	sadd.s32 $0x1CA00, s0;
	_ =	strace $0x80000047;
	[dreg:$0x6] =	wrdreg s2  }
0xb: {  	s3 =	sadd.s32 $0xAA400, s0;
	s13 =	smul.u32 $0x280, s11;
	[dreg:$0x7] =	wrdreg s26  }
0xc: {  	s0 =	sadd.s32 $0x17A00, s0;
	s29 =	ssub.s32 $0x2, s1;
	[dreg:$0x8] =	wrdreg s3  }
0xd: {  	[dreg:$0x9] =	wrdreg s0;
	s3 =	ssub.s32 $0x9D3, s11;
	p0 =	seq.s32 s1, $0x1  }
0xe: {  	[dreg:$0x5] =	wrdreg s18;
	s4 =	sshrl.u32 s29, $0x1;
	s17 =	sshrl.u32 s3, $0x4  }
0xf: {  	s19 =	sadd.s32 $0x80, s13;
	s22 =	sadd.s32 $0xC0, s13;
	s25 =	sadd.s32 $0x100, s13  }
0x10: {  	s0 =	ssub.s32 s29, s4;
	s4 =	sor.u32 $0x40, s13;
	s20 =	sshll.u32 s19, $0x7  }
0x11: {  	s21 =	sshll.u32 s19, $0x4;
	s23 =	sshll.u32 s22, $0x7;
	s26 =	sshll.u32 s25, $0x7  }
0x12: {  	s29 =	sadd.s32 $0x140, s13;
	s12 =	sshll.u32 s4, $0x7;
	s0 =	smax.u32 s0, $0x1  }
0x13: {  	s1 =	sshll.u32 s4, $0x4;
	s2 =	sadd.s32 s12, s15;
	[smem:$0x7F5] =	sst s0  }
0x14: {  	s3 =	sshll.u32 s29, $0x7;
	s1 =	sadd.s32 s1, s16;
	[dreg:$0xa] =	wrdreg s2  }
0x15: {  	s4 =	sshll.u32 s29, $0x4;
	[dreg:$0xb] =	wrdreg s1;
	s1 =	sadd.s32 s20, s15  }
0x16: {  	s2 =	sshll.u32 s22, $0x4;
	[dreg:$0xc] =	wrdreg s1;
	s1 =	sadd.s32 s21, s16  }
0x17: {  	s29 =	smul.u32 $0x14000, s11;
	s24 =	sadd.s32 s2, s16;
	[dreg:$0xd] =	wrdreg s1  }
0x18: {  	s12 =	sadd.s32 $0x180, s13;
	s2 =	sadd.s32 s26, s15;
	[dreg:$0xf] =	wrdreg s24  }
0x19: {  	s21 =	sadd.s32 $0x1C0, s13;
	s1 =	sadd.s32 s23, s15;
	[dreg:$0x10] =	wrdreg s2  }
0x1a: {  	s2 =	sshll.u32 s12, $0x4;
	s22 =	sshll.u32 s21, $0x7;
	s23 =	sadd.s32 $0x200, s13  }
0x1b: {  	[dreg:$0xe] =	wrdreg s1;
	s1 =	sshll.u32 s25, $0x4;
	s20 =	sadd.s32 s2, s16  }
0x1c: {  	s2 =	sadd.s32 s22, s15;
	s24 =	sshll.u32 s23, $0x7;
	[dreg:$0x15] =	wrdreg s20  }
0x1d: {  	s25 =	sshll.u32 s23, $0x4;
	s23 =	sadd.s32 s29, s15;
	[dreg:$0x16] =	wrdreg s2  }
0x1e: {  	s26 =	sadd.s32 $0x240, s13;
	s1 =	sadd.s32 s1, s16;
	[dreg:$0x1c] =	wrdreg s23  }
0x1f: {  	s2 =	sshll.u32 s26, $0x4;
	[dreg:$0x11] =	wrdreg s1;
	s1 =	sadd.s32 s3, s15  }
0x20: {  	s19 =	sshll.u32 s12, $0x7;
	s2 =	sadd.s32 s2, s16;
	[dreg:$0x12] =	wrdreg s1  }
0x21: {  	s3 =	sshll.u32 s26, $0x7;
	s1 =	sadd.s32 s4, s16;
	[dreg:$0x1b] =	wrdreg s2  }
0x22: {  	s13 =	smul.u32 $0x2800, s11;
	s12 =	sadd.s32 s3, s15;
	[dreg:$0x13] =	wrdreg s1  }
0x23: {  	s31 =	simm.s32 $0x7;
	s1 =	sadd.s32 s19, s15;
	[dreg:$0x1a] =	wrdreg s12  }
0x24: {  	s19 =	sadd.s32 s13, s16;
	[dreg:$0x14] =	wrdreg s1;
	s1 =	sshll.u32 s21, $0x4  }
0x25: {  	s0 =	simm.s32 $0x5;
	[dreg:$0x1e] =	wrdreg s19;
	s1 =	sadd.s32 s1, s16  }
0x26: {  	s3 =	smov.u32 s15;
	[dreg:$0x17] =	wrdreg s1;
	s1 =	sadd.s32 s24, s15  }
0x27: {  	s12 =	smov.u32 s16;
	s15 =	sshrl.u32 s13, $0x3;
	[dreg:$0x18] =	wrdreg s1  }
0x28: {  	s24 =	sadd.s32 $0xFFFFFFFF, s17;
	s13 =	simm.s32 $0x16840;
	[dreg:$0x1f] =	wrdreg s15  }
0x29: {  	s1 =	sadd.s32 s25, s16;
	s16 =	sshll.u32 s11, $0x3;
	[smem:$0x7F9] =	sst s24  }
0x2a: {  	s25 =	sadd.s32 $0xFFFFFFFE, s17;
	s15 =	simm.s32 $0x19480;
	[dreg:$0x19] =	wrdreg s1  }
0x2b: {  	s24 =	simm.s32 $0x1C140;
	s1 =	sshrl.u32 s29, $0x3;
	[smem:$0x7FA] =	sst s25  }
0x2c: {  	s20 =	sadd.s32 s14, s16;
	s14 =	simm.s32 $0x2;
	[dreg:$0x1d] =	wrdreg s1  }
0x2d: {  	s25 =	simm.s32 $0x0;
	s21 =	sadd.s32 $0x80, s20;
	[smem:$0x7F7] =	sst s20  }
.Ltmp0:
0x2e: {  	s22 =	sadd.s32 $0x100, s20;
	[smem:$0x7F6] =	sst s21;
	(pc) =	sbr.rel .LBB2_1-.Ltmp0, $4  }
0x2f: {  	s1 =	sadd.s32 s18, s16;
	s16 =	simm.s32 $0x8;
	[smem:$0x7F8] =	sst s22  }
0x30: {  	v0 =	vimm.f32 $0.0e+00;
	v1 =	vimm.s32 $0x0;
	v2 =	vimm.s32 $0x1;
	s20 =	simm.s32 $0x194C0;
	s26 =	sadd.s32 $0x80, s1;
	[smem:$0x7FC] =	sst s1  }
0x31: {  	v3 =	vimm.s32 $0x2;
	v4 =	vimm.s32 $0x3;
	v5 =	vimm.s32 $0x4;
	s18 =	simm.s32 $0x4;
	s29 =	sadd.s32 $0x100, s1;
	[smem:$0x7FB] =	sst s26  }
0x32: {  	v6 =	vimm.s32 $0x5;
	v7 =	vimm.s32 $0x6;
	v8 =	vimm.s32 $0x7;
	s21 =	simm.s32 $0x3;
	[smem:$0x7FD] =	sst s29;
	s26 =	simm.s32 $0x1  }
.LBB2_47:
0x33: {  	s2 =	rddreg [dreg:$0x8]  }
0x34: {  	s1 =	rddreg [dreg:$0x9]  }
0x35: {  	s25 =	sld [smem:$0x7F4]  }
.LBB2_48:
0x36: {  	_ =	swait.ge [sflag:s26], $0x400  }
0x37: {  	[sflag:s26] =	ssyncset.done $0x0  }
0x38: {  	[sflag:s26] =	ssyncadd.s32 $0xFFFFFC00  }
0x39: {  	_ =	swait.ge [sflag:s26], $0x400  }
0x3a: {  	[sflag:s26] =	ssyncset.done $0x0  }
0x3b: {  	[sflag:s26] =	ssyncadd.s32 $0xFFFFFC00  }
0x3c: {  	_ =	swait.ge [sflag:s26], $0x2000  }
0x3d: {  	[sflag:s26] =	ssyncset.done $0x0  }
0x3e: {  	[sflag:s26] =	ssyncadd.s32 $0xFFFFE000  }
0x3f: {  	_ =	swait.ge [sflag:s14], $0x400  }
0x40: {  	[sflag:s14] =	ssyncset.done $0x0  }
0x41: {  	[sflag:s14] =	ssyncadd.s32 $0xFFFFFC00  }
0x42: {  	_ =	swait.ge [sflag:s14], $0x400  }
0x43: {  	[sflag:s14] =	ssyncset.done $0x0  }
0x44: {  	[sflag:s14] =	ssyncadd.s32 $0xFFFFFC00  }
0x45: {  	_ =	swait.ge [sflag:s14], $0x2000  }
0x46: {  	[sflag:s14] =	ssyncset.done $0x0  }
0x47: {  	s19 =	simm.s32 $0x6;
	[sflag:s14] =	ssyncadd.s32 $0xFFFFE000  }
0x48: {  	_ =	swait.ge [sflag:s19], $0x400  }
0x49: {  	[sflag:s19] =	ssyncset.done $0x0  }
0x4a: {  	[sflag:s19] =	ssyncadd.s32 $0xFFFFFC00  }
0x4b: {  	_ =	swait.ge [sflag:s19], $0x2000  }
0x4c: {  	[sflag:s19] =	ssyncset.done $0x0  }
0x4d: {  	[sflag:s19] =	ssyncadd.s32 $0xFFFFE000  }
0x4e: {  	s4 =	rddreg [dreg:$0x1d];
	[bflag:$0x0] =	sbarrier.arrive $0xFFFF  }
0x4f: {  	s2 =	sadd.s32 s2, s4;
	s4 =	sshll.u32 s11, $0x6;
	s23 =	rddreg [dreg:$0x1c]  }
0x50: {  	s29 =	sor.u32 $0x1C01, s4;
	s22 =	sshrl.u32 s23, $0x3  }
0x51: {  	[hbm:s2], [sflag:s29] =	dma.local [spmem:s22], $0x2800  }
0x52: {  	s2 =	rddreg [dreg:$0x1f]  }
0x53: {  	s19 =	rddreg [dreg:$0x1e]  }
0x54: {  	s4 =	sor.u32 $0x1C02, s4;
	s1 =	sadd.s32 s1, s2;
	s22 =	sshrl.u32 s19, $0x3  }
0x55: {  	[hbm:s1], [sflag:s4] =	dma.local [spmem:s22], $0x500  }
0x56: {  	_ =	swait.ge [sflag:s26], $0x2800  }
0x57: {  	[sflag:s26] =	ssyncset.done $0x0  }
0x58: {  	[sflag:s26] =	ssyncadd.s32 $0xFFFFD800  }
0x59: {  	_ =	swait.ge [sflag:s14], $0x500  }
0x5a: {  	s29 =	sld [smem:$0x7F5];
	_ =	sdelay $0x1  }
0x5b: {  	s25 =	sadd.s32 $0x1, s25  }
0x5c: {  	p1 =	sne.s32 s25, s29  }
.Ltmp1:
0x5d: {  	_ = 	snop;
	(pc) =	sbr.rel @!p1 .LBB2_49-.Ltmp1, $3  }
0x5e: {  	_ =	sdelay $0x1  }
0x5f: {  	[sflag:s14] =	ssyncset.done $0x0  }
0x60: {  	[sflag:s14] =	ssyncadd.s32 $0xFFFFFB00  }
.LBB2_1:
.Ltmp2:
0x61: {  	(pc) =	sbr.rel @!p0 .LBB2_2-.Ltmp2, $3  }
0x62: {  	_ =	sdelay $0x1  }
0x63: {  	s4 =	simm.s32 $0x0  }
0x64: {  	[smem:$0x7F4] =	sst s25;
	s1 =	simm.s32 $0x174C0;
	s2 =	sshra.s32 s4, $0x2  }
0x65: {  	[tilespmem:s2+$0x17080] =	vst v0;
	s2 =	sadd.s32 $0x40, s4  }
.LBB2_26:
0x66: {  	p1 =	sne.s32 s2, $0xFC0;
	[tilespmem:s1+$0xFFFFFFC0] =	vst v0  }
0x67: {  	[tilespmem:s1+$0xFFFFFFD0] =	vst v0  }
0x68: {  	[tilespmem:s1+$0xFFFFFFE0] =	vst v0  }
0x69: {  	[tilespmem:s1+$0xFFFFFFF0] =	vst v0  }
.Ltmp3:
0x6a: {  	[tilespmem:s1+$0x0] =	vst v0;
	(pc) =	sbr.rel @p1 .LBB2_26-.Ltmp3, $4  }
0x6b: {  	[tilespmem:s1+$0x10] =	vst v0  }
0x6c: {  	[tilespmem:s1+$0x20] =	vst v0  }
0x6d: {  	s4 =	sshra.s32 s2, $0x2;
	[tilespmem:s1+$0x30] =	vst v0  }
0x6e: {  	s2 =	sadd.s32 $0x40, s2;
	s1 =	sadd.s32 $0x80, s1;
	[tilespmem:s4+$0x17080] =	vst v0  }
0x6f: {  	[tilespmem:s1+$0xFFFFFFC0] =	vst v0  }
0x70: {  	[tilespmem:s1+$0xFFFFFFD0] =	vst v0  }
0x71: {  	[tilespmem:s1+$0xFFFFFFE0] =	vst v0  }
0x72: {  	[tilespmem:s1+$0xFFFFFFF0] =	vst v0  }
0x73: {  	[tilespmem:s1+$0x0] =	vst v0  }
0x74: {  	[tilespmem:s1+$0x10] =	vst v0  }
0x75: {  	[tilespmem:s1+$0x20] =	vst v0  }
0x76: {  	[tilespmem:s1+$0x30] =	vst v0;
	s2 =	simm.s32 $0x17480  }
0x77: {  	[spmem:s23] =	stream.linear.scatter [tilespmem:s2], [sflag:$0x1], $0x2000, $0x38;
	[tilespmem:$0x1ED80] =	vst v63  }
0x78: {  	s4 =	simm.s32 $0x17080  }
0x79: {  	[spmem:s19] =	stream.linear.scatter [tilespmem:s4], [sflag:$0x1], $0x400, $0x38;
	[tilespmem:$0x1ED80] =	vst v63  }
0x7a: {  	s19 =	rddreg [dreg:$0xa]  }
0x7b: {  	[spmem:s19] =	stream.linear.scatter [tilespmem:s2], [sflag:$0x1], $0x2000, $0x38;
	[tilespmem:$0x1ED80] =	vst v63  }
0x7c: {  	s22 =	rddreg [dreg:$0xb]  }
0x7d: {  	[spmem:s22] =	stream.linear.scatter [tilespmem:s4], [sflag:$0x1], $0x400, $0x38;
	[tilespmem:$0x1ED80] =	vst v63  }
0x7e: {  	s23 =	rddreg [dreg:$0xc]  }
0x7f: {  	[spmem:s23] =	stream.linear.scatter [tilespmem:s2], [sflag:$0x1], $0x2000, $0x38;
	[tilespmem:$0x1ED80] =	vst v63  }
0x80: {  	s25 =	rddreg [dreg:$0xd]  }
0x81: {  	[spmem:s25] =	stream.linear.scatter [tilespmem:s4], [sflag:$0x1], $0x400, $0x38;
	[tilespmem:$0x1ED80] =	vst v63  }
0x82: {  	s29 =	rddreg [dreg:$0xe]  }
0x83: {  	[spmem:s29] =	stream.linear.scatter [tilespmem:s2], [sflag:$0x1], $0x2000, $0x38;
	[tilespmem:$0x1ED80] =	vst v63  }
0x84: {  	s19 =	rddreg [dreg:$0xf]  }
0x85: {  	[spmem:s19] =	stream.linear.scatter [tilespmem:s4], [sflag:$0x1], $0x400, $0x38;
	[tilespmem:$0x1ED80] =	vst v63  }
0x86: {  	s22 =	rddreg [dreg:$0x10]  }
0x87: {  	[spmem:s22] =	stream.linear.scatter [tilespmem:s2], [sflag:$0x1], $0x2000, $0x38;
	[tilespmem:$0x1ED80] =	vst v63  }
0x88: {  	s23 =	rddreg [dreg:$0x11]  }
0x89: {  	[spmem:s23] =	stream.linear.scatter [tilespmem:s4], [sflag:$0x1], $0x400, $0x38;
	[tilespmem:$0x1ED80] =	vst v63  }
0x8a: {  	s25 =	rddreg [dreg:$0x12]  }
0x8b: {  	[spmem:s25] =	stream.linear.scatter [tilespmem:s2], [sflag:$0x1], $0x2000, $0x38;
	[tilespmem:$0x1ED80] =	vst v63  }
0x8c: {  	s29 =	rddreg [dreg:$0x13]  }
0x8d: {  	[spmem:s29] =	stream.linear.scatter [tilespmem:s4], [sflag:$0x1], $0x400, $0x38;
	[tilespmem:$0x1ED80] =	vst v63  }
0x8e: {  	s19 =	rddreg [dreg:$0x14]  }
0x8f: {  	[spmem:s19] =	stream.linear.scatter [tilespmem:s2], [sflag:$0x1], $0x2000, $0x38;
	[tilespmem:$0x1ED80] =	vst v63  }
0x90: {  	s22 =	rddreg [dreg:$0x15]  }
0x91: {  	[spmem:s22] =	stream.linear.scatter [tilespmem:s4], [sflag:$0x1], $0x400, $0x38;
	[tilespmem:$0x1ED80] =	vst v63  }
0x92: {  	s23 =	rddreg [dreg:$0x16]  }
0x93: {  	[spmem:s23] =	stream.linear.scatter [tilespmem:s2], [sflag:$0x1], $0x2000, $0x38;
	[tilespmem:$0x1ED80] =	vst v63  }
0x94: {  	s25 =	rddreg [dreg:$0x17]  }
0x95: {  	[spmem:s25] =	stream.linear.scatter [tilespmem:s4], [sflag:$0x1], $0x400, $0x38;
	[tilespmem:$0x1ED80] =	vst v63  }
0x96: {  	s29 =	rddreg [dreg:$0x18]  }
0x97: {  	[spmem:s29] =	stream.linear.scatter [tilespmem:s2], [sflag:$0x1], $0x2000, $0x38;
	[tilespmem:$0x1ED80] =	vst v63  }
0x98: {  	s19 =	rddreg [dreg:$0x19]  }
0x99: {  	[spmem:s19] =	stream.linear.scatter [tilespmem:s4], [sflag:$0x1], $0x400, $0x38;
	[tilespmem:$0x1ED80] =	vst v63  }
0x9a: {  	s22 =	rddreg [dreg:$0x1a]  }
0x9b: {  	[spmem:s22] =	stream.linear.scatter [tilespmem:s2], [sflag:$0x1], $0x2000, $0x38;
	[tilespmem:$0x1ED80] =	vst v63  }
0x9c: {  	s23 =	rddreg [dreg:$0x1b]  }
0x9d: {  	[spmem:s23] =	stream.linear.scatter [tilespmem:s4], [sflag:$0x1], $0x400, $0x38;
	[tilespmem:$0x1ED80] =	vst v63  }
0x9e: {  	_ =	swait.ge [sflag:s26], $0x2000  }
0x9f: {  	[sflag:s26] =	ssyncset.done $0x0  }
0xa0: {  	[sflag:s26] =	ssyncadd.s32 $0xFFFFE000  }
0xa1: {  	_ =	swait.ge [sflag:s26], $0x400  }
0xa2: {  	[sflag:s26] =	ssyncset.done $0x0  }
0xa3: {  	[sflag:s26] =	ssyncadd.s32 $0xFFFFFC00  }
0xa4: {  	_ =	swait.ge [sflag:s26], $0x2000  }
0xa5: {  	[sflag:s26] =	ssyncset.done $0x0  }
0xa6: {  	[sflag:s26] =	ssyncadd.s32 $0xFFFFE000  }
0xa7: {  	_ =	swait.ge [sflag:s26], $0x400  }
0xa8: {  	[sflag:s26] =	ssyncset.done $0x0  }
0xa9: {  	[sflag:s26] =	ssyncadd.s32 $0xFFFFFC00  }
0xaa: {  	_ =	swait.ge [sflag:s26], $0x2000  }
0xab: {  	[sflag:s26] =	ssyncset.done $0x0  }
0xac: {  	[sflag:s26] =	ssyncadd.s32 $0xFFFFE000  }
0xad: {  	_ =	swait.ge [sflag:s26], $0x400  }
0xae: {  	[sflag:s26] =	ssyncset.done $0x0  }
0xaf: {  	[sflag:s26] =	ssyncadd.s32 $0xFFFFFC00  }
0xb0: {  	_ =	swait.ge [sflag:s26], $0x2000  }
0xb1: {  	[sflag:s26] =	ssyncset.done $0x0  }
0xb2: {  	[sflag:s26] =	ssyncadd.s32 $0xFFFFE000  }
0xb3: {  	_ =	swait.ge [sflag:s26], $0x400  }
0xb4: {  	[sflag:s26] =	ssyncset.done $0x0  }
0xb5: {  	[sflag:s26] =	ssyncadd.s32 $0xFFFFFC00  }
0xb6: {  	_ =	swait.ge [sflag:s26], $0x2000  }
0xb7: {  	[sflag:s26] =	ssyncset.done $0x0  }
0xb8: {  	[sflag:s26] =	ssyncadd.s32 $0xFFFFE000  }
0xb9: {  	_ =	swait.ge [sflag:s26], $0x400  }
0xba: {  	[sflag:s26] =	ssyncset.done $0x0  }
0xbb: {  	[sflag:s26] =	ssyncadd.s32 $0xFFFFFC00  }
0xbc: {  	_ =	swait.ge [sflag:s26], $0x2000  }
0xbd: {  	[sflag:s26] =	ssyncset.done $0x0  }
0xbe: {  	[sflag:s26] =	ssyncadd.s32 $0xFFFFE000  }
0xbf: {  	_ =	swait.ge [sflag:s26], $0x400  }
0xc0: {  	[sflag:s26] =	ssyncset.done $0x0  }
0xc1: {  	[sflag:s26] =	ssyncadd.s32 $0xFFFFFC00  }
0xc2: {  	_ =	swait.ge [sflag:s26], $0x2000  }
0xc3: {  	[sflag:s26] =	ssyncset.done $0x0  }
0xc4: {  	[sflag:s26] =	ssyncadd.s32 $0xFFFFE000  }
0xc5: {  	_ =	swait.ge [sflag:s26], $0x400  }
0xc6: {  	[sflag:s26] =	ssyncset.done $0x0  }
0xc7: {  	[sflag:s26] =	ssyncadd.s32 $0xFFFFFC00  }
0xc8: {  	_ =	swait.ge [sflag:s26], $0x2000  }
0xc9: {  	[sflag:s26] =	ssyncset.done $0x0  }
0xca: {  	[sflag:s26] =	ssyncadd.s32 $0xFFFFE000  }
0xcb: {  	_ =	swait.ge [sflag:s26], $0x400  }
0xcc: {  	[sflag:s26] =	ssyncset.done $0x0  }
0xcd: {  	[sflag:s26] =	ssyncadd.s32 $0xFFFFFC00  }
0xce: {  	_ =	swait.ge [sflag:s26], $0x2000  }
0xcf: {  	[sflag:s26] =	ssyncset.done $0x0  }
0xd0: {  	[sflag:s26] =	ssyncadd.s32 $0xFFFFE000  }
0xd1: {  	_ =	swait.ge [sflag:s26], $0x400  }
0xd2: {  	[sflag:s26] =	ssyncset.done $0x0  }
0xd3: {  	[sflag:s26] =	ssyncadd.s32 $0xFFFFFC00  }
0xd4: {  	_ =	swait.ge [sflag:s26], $0x2000  }
0xd5: {  	[sflag:s26] =	ssyncset.done $0x0  }
0xd6: {  	[sflag:s26] =	ssyncadd.s32 $0xFFFFE000  }
0xd7: {  	_ =	swait.ge [sflag:s26], $0x400  }
0xd8: {  	[sflag:s26] =	ssyncset.done $0x0  }
0xd9: {  	[sflag:s26] =	ssyncadd.s32 $0xFFFFFC00  }
0xda: {  	[bflag:$0x0] =	sbarrier.arrive $0xFFFF  }
0xdb: {  	s25 =	sld [smem:$0x7FC];
	_ =	sdelay $0x1  }
0xdc: {  	s4 =	simm.s32 $0x27100  }
0xdd: {  	[tilespmem:s30], [sflag:$0x7] =	stream.strided.gather [hbm4b:s25+s28], $0x80, s4, s28, $0x38;
	[tilespmem:$0x1ED80] =	vst v63  }
0xde: {  	_ =	swait.ge [sflag:s31], $0x80  }
0xdf: {  	[sflag:s31] =	ssyncset.done $0x0  }
0xe0: {  	s29 =	simm.s32 $0x16880;
	[sflag:s31] =	ssyncadd.s32 $0xFFFFFF80  }
0xe1: {  	[tilespmem:s29], [sflag:$0x1] =	stream.indirect.gather [hbm4b:s8+s28], $0x10, s30, s28, $0xb8;
	[tilespmem:$0x1ED80] =	vst v63  }
0xe2: {  	s19 =	simm.s32 $0x16C80  }
0xe3: {  	[tilespmem:s19], [sflag:$0x1] =	stream.indirect.gather [hbm4b:s9+s28], $0x10, s13, s28, $0xb8;
	[tilespmem:$0x1ED80] =	vst v63  }
0xe4: {  	s22 =	sld [smem:$0x7FB]  }
0xe5: {  	[tilespmem:s2], [sflag:$0x1] =	stream.indirect.gather [hbm4b:s10+s28], $0x80, s30, s28, $0xb8;
	[tilespmem:$0x1ED80] =	vst v63  }
0xe6: {  	_ = 	snop  }
0xe7: {  	[tilespmem:s15], [sflag:$0x8] =	stream.strided.gather [hbm4b:s22+s28], $0x80, s4, s28, $0x38;
	[tilespmem:$0x1ED80] =	vst v63  }
0xe8: {  	_ =	swait.ge [sflag:s16], $0x80  }
0xe9: {  	[sflag:s16] =	ssyncset.done $0x0  }
0xea: {  	s23 =	simm.s32 $0x19500;
	[sflag:s16] =	ssyncadd.s32 $0xFFFFFF80  }
0xeb: {  	[tilespmem:s23], [sflag:$0x2] =	stream.indirect.gather [hbm4b:s8+s28], $0x10, s15, s28, $0xb8;
	[tilespmem:$0x1ED80] =	vst v63  }
0xec: {  	s25 =	simm.s32 $0x19900  }
0xed: {  	[tilespmem:s25], [sflag:$0x2] =	stream.indirect.gather [hbm4b:s9+s28], $0x10, s20, s28, $0xb8;
	[tilespmem:$0x1ED80] =	vst v63  }
0xee: {  	s29 =	simm.s32 $0x1A100;
	s2 =	sld [smem:$0x7FD]  }
0xef: {  	[tilespmem:s29], [sflag:$0x2] =	stream.indirect.gather [hbm4b:s10+s28], $0x80, s15, s28, $0xb8;
	[tilespmem:$0x1ED80] =	vst v63  }
0xf0: {  	s19 =	simm.s32 $0x1C100;
	s22 =	simm.s32 $0x9  }
0xf1: {  	[tilespmem:s19], [sflag:$0x9] =	stream.strided.gather [hbm4b:s2+s28], $0x80, s4, s28, $0x38;
	[tilespmem:$0x1ED80] =	vst v63  }
0xf2: {  	_ =	swait.ge [sflag:s22], $0x80  }
0xf3: {  	[sflag:s22] =	ssyncset.done $0x0  }
0xf4: {  	s23 =	simm.s32 $0x1C180;
	[sflag:s22] =	ssyncadd.s32 $0xFFFFFF80  }
0xf5: {  	[tilespmem:s23], [sflag:$0x3] =	stream.indirect.gather [hbm4b:s8+s28], $0x10, s19, s28, $0xb8;
	[tilespmem:$0x1ED80] =	vst v63  }
.Ltmp4:
0xf6: {  	_ = 	snop;
	(pc) =	sbr.rel .LBB2_28-.Ltmp4, $4  }
0xf7: {  	s25 =	simm.s32 $0x1C580  }
0xf8: {  	[tilespmem:s25], [sflag:$0x3] =	stream.indirect.gather [hbm4b:s9+s28], $0x10, s24, s28, $0xb8;
	[tilespmem:$0x1ED80] =	vst v63  }
0xf9: {  	s29 =	simm.s32 $0x1CD80;
	s4 =	rddreg [dreg:$0x5];
	s25 =	simm.s32 $0x0  }
0xfa: {  	[tilespmem:s29], [sflag:$0x3] =	stream.indirect.gather [hbm4b:s10+s28], $0x80, s19, s28, $0xb8;
	[tilespmem:$0x1ED80] =	vst v63  }
.LBB2_46:
0xfb: {  	s2 =	simm.s32 $0x1C140;
	s4 =	simm.s32 $0x1C980  }
0xfc: {  	[spmem:s12] =	stream.indirect.scatter.add.f32 [tilespmem:s4], [sflag:$0x6], $0x10, s2, s28, $0xb8;
	[tilespmem:$0x1ED80] =	vst v63  }
0xfd: {  	s29 =	simm.s32 $0x1CD80;
	s1 =	sadd.s32 $0x4, s1  }
0xfe: {  	[spmem:s3] =	stream.indirect.scatter.add.f32 [tilespmem:s29], [sflag:$0x6], $0x80, s2, s28, $0xb8;
	[tilespmem:$0x1ED80] =	vst v63  }
0xff: {  	p1 =	slt.u32 s1, s17;
	s1 =	sshll.u32 s1, $0x4;
	_ =	swait.ge [sflag:s0], $0x400  }
0x100: {  	s1 =	simm.s32 @!p1 $0x0;
	[sflag:s0] =	ssyncset.done $0x0  }
0x101: {  	s1 =	sor.u32 s11, s1;
	[sflag:s0] =	ssyncadd.s32 $0xFFFFFC00  }
0x102: {  	s1 =	sshll.u32 s1, $0x3;
	_ =	swait.ge [sflag:s0], $0x2000  }
0x103: {  	s1 =	sand.u32 $0x1FFFFFF8, s1;
	[sflag:s0] =	ssyncset.done $0x0;
	s4 =	rddreg [dreg:$0x5]  }
0x104: {  	s19 =	simm.s32 $0x27100;
	[sflag:s0] =	ssyncadd.s32 $0xFFFFE000;
	s1 =	sadd.s32 s4, s1  }
0x105: {  	[tilespmem:s15], [sflag:$0x8] =	stream.strided.gather [hbm4b:s1+s28], $0x80, s19, s28, $0x38;
	[tilespmem:$0x1ED80] =	vst v63  }
0x106: {  	_ =	swait.ge [sflag:s16], $0x80  }
0x107: {  	s25 =	sadd.s32 $0x1, s25;
	[sflag:s16] =	ssyncset.done $0x0  }
0x108: {  	s22 =	simm.s32 $0x19500;
	p1 =	sne.s32 s25, $0x35;
	[sflag:s16] =	ssyncadd.s32 $0xFFFFFF80  }
0x109: {  	[tilespmem:s22], [sflag:$0x2] =	stream.indirect.gather [hbm4b:s8+s28], $0x10, s15, s28, $0xb8;
	[tilespmem:$0x1ED80] =	vst v63  }
.Ltmp5:
0x10a: {  	_ = 	snop;
	(pc) =	sbr.rel @!p1 .LBB2_47-.Ltmp5, $4  }
0x10b: {  	s23 =	simm.s32 $0x19900  }
0x10c: {  	[tilespmem:s23], [sflag:$0x2] =	stream.indirect.gather [hbm4b:s9+s28], $0x10, s20, s28, $0xb8;
	[tilespmem:$0x1ED80] =	vst v63  }
0x10d: {  	s24 =	simm.s32 $0x1C140;
	s29 =	simm.s32 $0x1A100  }
0x10e: {  	[tilespmem:s29], [sflag:$0x2] =	stream.indirect.gather [hbm4b:s10+s28], $0x80, s15, s28, $0xb8;
	[tilespmem:$0x1ED80] =	vst v63  }
.LBB2_28:
0x10f: {  	p1 =	seq.s32 s25, $0x0  }
0x110: {  	s1 =	smul.u32 @!p1 $0x3, s25;
	_ =	sdelay $0x1  }
0x111: {  	s2 =	simm.s32 @!p1 $0x6;
	s1 =	sadd.s32 @!p1 $0x2, s1  }
0x112: {  	_ =	swait.ge @!p1 [sflag:s2], $0x400;
	p2 =	slt.u32 @!p1 s1, s17  }
0x113: {  	[sflag:s2] =	ssyncset.done @!p1 $0x0;
	s1 =	sshll.u32 @!p1 s1, $0x4;
	p2 =	por !p2, p1  }
0x114: {  	[sflag:s2] =	ssyncadd.s32 @!p1 $0xFFFFFC00;
	s1 =	simm.s32 @p2 $0x0  }
0x115: {  	_ =	swait.ge @!p1 [sflag:s2], $0x2000;
	s1 =	sor.u32 @!p1 s11, s1  }
0x116: {  	[sflag:s2] =	ssyncset.done @!p1 $0x0;
	s1 =	sshll.u32 @!p1 s1, $0x3  }
0x117: {  	s19 =	simm.s32 @!p1 $0x1C100;
	[sflag:s2] =	ssyncadd.s32 @!p1 $0xFFFFE000;
	s1 =	sand.u32 @!p1 $0x1FFFFFF8, s1  }
0x118: {  	s2 =	simm.s32 @!p1 $0x40;
	s1 =	sadd.s32 @!p1 s4, s1;
	s4 =	simm.s32 @!p1 $0x27100  }
0x119: {  	[tilespmem:s19], [sflag:$0x9] =	stream.strided.gather @!p1 [hbm4b:s1+s2], $0x80, s4, s2, $0x38;
	[tilespmem:$0x1ED80] =	vst v63  }
0x11a: {  	s1 =	simm.s32 @!p1 $0x9  }
0x11b: {  	_ =	swait.ge @!p1 [sflag:s1], $0x80  }
0x11c: {  	[sflag:s1] =	ssyncset.done @!p1 $0x0  }
0x11d: {  	[sflag:s1] =	ssyncadd.s32 @!p1 $0xFFFFFF80;
	s1 =	simm.s32 @!p1 $0x1C180  }
0x11e: {  	[tilespmem:s1], [sflag:$0x3] =	stream.indirect.gather @!p1 [hbm4b:s8+s2], $0x10, s19, s2, $0xb8;
	[tilespmem:$0x1ED80] =	vst v63  }
0x11f: {  	s4 =	simm.s32 @!p1 $0x1C580;
	s1 =	simm.s32 @!p1 $0x1C140  }
0x120: {  	[tilespmem:s4], [sflag:$0x3] =	stream.indirect.gather @!p1 [hbm4b:s9+s2], $0x10, s1, s2, $0xb8;
	[tilespmem:$0x1ED80] =	vst v63  }
0x121: {  	s1 =	simm.s32 @!p1 $0x1CD80  }
0x122: {  	[tilespmem:s1], [sflag:$0x3] =	stream.indirect.gather @!p1 [hbm4b:s10+s2], $0x80, s19, s2, $0xb8;
	[tilespmem:$0x1ED80] =	vst v63  }
0x123: {  	_ =	swait.ge [sflag:s26], $0x400  }
0x124: {  	[sflag:s26] =	ssyncset.done $0x0  }
0x125: {  	[sflag:s26] =	ssyncadd.s32 $0xFFFFFC00  }
0x126: {  	_ =	swait.ge [sflag:s26], $0x400  }
0x127: {  	[sflag:s26] =	ssyncset.done $0x0  }
0x128: {  	[sflag:s26] =	ssyncadd.s32 $0xFFFFFC00  }
0x129: {  	_ =	swait.ge [sflag:s26], $0x2000  }
0x12a: {  	[sflag:s26] =	ssyncset.done $0x0  }
0x12b: {  	s24 =	simm.s32 $0x0;
	[sflag:s26] =	ssyncadd.s32 $0xFFFFE000  }
0x12c: {  	v9 =	vld [tilespmem:s24+$0x16880]  }
0x12d: {  	v10 =	vld [tilespmem:s24+$0x16C80];
	_ =	sdelay $0x4  }
0x12e: {  	v9 =	vadd.f32 v10, v9;
	_ =	sdelay $0x1  }
0x12f: {  	v10 =	vmul.f32 $2.000000030e-01, v9  }
0x130: {  	s29 =	simm.s32 $0x10  }
0x131: {  	v11 =	vld [tilespmem:s29+$0x16C80];
	v9 =	vmax.f32 v9, v10  }
0x132: {  	v10 =	vld [tilespmem:s29+$0x16880];
	v9 =	vmul.f32 $1.442695020e+00, v9;
	_ =	sdelay $0x1  }
0x133: {  	(erf) = vpow2.f32 v9;
	_ =	sdelay $0x2  }
0x134: {  	v9 =	vadd.f32 v11, v10;
	_ =	sdelay $0x1  }
0x135: {  	v10 =	vmul.f32 $2.000000030e-01, v9  }
0x136: {  	s4 =	simm.s32 $0x20  }
0x137: {  	v11 =	vld [tilespmem:s4+$0x16880];
	v9 =	vmax.f32 v9, v10  }
0x138: {  	v10 =	vld [tilespmem:s4+$0x16C80];
	v9 =	vmul.f32 $1.442695020e+00, v9  }
0x139: {  	v12 =	vpop (erf)  }
0x13a: {  	s22 =	simm.s32 $0x174C0;
	(erf) = vpow2.f32 v9;
	[tilespmem:s24+$0x17080] =	vst v12  }
0x13b: {  	v9 =	vld [tilespmem:s22+$0x30]  }
0x13c: {  	v13 =	vld [tilespmem:s22+$0xFFFFFFC0]  }
0x13d: {  	v14 =	vperm.xlane v12, v1;
	v15 =	vperm.xlane v12, v8;
	v10 =	vadd.f32 v10, v11;
	v18 =	vld [tilespmem:s22+$0xFFFFFFE0]  }
0x13e: {  	v16 =	vperm.xlane v12, v2;
	v17 =	vperm.xlane v12, v3;
	v22 =	vld [tilespmem:s22+$0x0]  }
0x13f: {  	s1 =	simm.s32 $0x30;
	v23 =	vperm.xlane v12, v5;
	v11 =	vld [tilespmem:s22+$0xFFFFFFD0];
	v19 =	vmul.f32 $2.000000030e-01, v10  }
0x140: {  	v20 =	vld [tilespmem:s1+$0x16880];
	v24 =	vperm.xlane v12, v6;
	v9 =	vmul.f32 v9, v15  }
0x141: {  	v25 =	vperm.xlane v12, v7;
	v21 =	vld [tilespmem:s22+$0xFFFFFFF0];
	v10 =	vmax.f32 v10, v19;
	v13 =	vmul.f32 v13, v14  }
0x142: {  	v15 =	vperm.xlane v12, v4;
	v10 =	vmul.f32 $1.442695020e+00, v10;
	[tilespmem:s22+$0x30] =	vst v9;
	v9 =	vld [tilespmem:s1+$0x16C80]  }
0x143: {  	v28 =	vld [tilespmem:s22+$0x20];
	v17 =	vmul.f32 v18, v17;
	v33 =	vmul.f32 v22, v23;
	[tilespmem:s22+$0xFFFFFFC0] =	vst v13;
	v26 =	vpop (erf)  }
0x144: {  	s24 =	simm.s32 $0x17540;
	v18 =	vld [tilespmem:s22+$0x10];
	v13 =	vmul.f32 v11, v16;
	(erf) = vpow2.f32 v10;
	[tilespmem:s29+$0x17080] =	vst v26  }
0x145: {  	v27 =	vperm.xlane v26, v1;
	v16 =	vperm.xlane v26, v2;
	v29 =	vld [tilespmem:s24+$0x30]  }
0x146: {  	v14 =	vperm.xlane v26, v3;
	v11 =	vperm.xlane v26, v4;
	v30 =	vld [tilespmem:s24+$0xFFFFFFC0]  }
0x147: {  	v10 =	vperm.xlane v26, v5;
	v12 =	vperm.xlane v26, v7;
	v31 =	vadd.f32 v9, v20;
	v20 =	vld [tilespmem:s24+$0xFFFFFFD0]  }
0x148: {  	[tilespmem:s22+$0xFFFFFFE0] =	vst v17;
	v19 =	vld [tilespmem:s24+$0xFFFFFFE0];
	v9 =	vperm.xlane v26, v6;
	v26 =	vperm.xlane v26, v8  }
0x149: {  	v21 =	vmul.f32 v21, v15;
	[tilespmem:s22+$0x0] =	vst v33;
	v15 =	vld [tilespmem:s24+$0xFFFFFFF0];
	v32 =	vmul.f32 $2.000000030e-01, v31  }
0x14a: {  	s23 =	simm.s32 $0x40;
	[tilespmem:s22+$0xFFFFFFD0] =	vst v13;
	v13 =	vld [tilespmem:s24+$0x0];
	v17 =	vmul.f32 v18, v24;
	v22 =	vmul.f32 v29, v26  }
0x14b: {  	s2 =	simm.s32 $0x140;
	s19 =	simm.s32 $0x17540;
	[tilespmem:s22+$0xFFFFFFF0] =	vst v21;
	v21 =	vld [tilespmem:s23+$0x16880];
	v18 =	vmul.f32 v28, v25;
	v23 =	vmul.f32 v30, v27;
	v24 =	vmax.f32 v31, v32  }
.LBB2_29:
0x14c: {  	p1 =	sne.s32 s2, $0xFC0;
	v25 =	vld [tilespmem:s23+$0x16C80];
	v24 =	vmul.f32 $1.442695020e+00, v24;
	v20 =	vmul.f32 v20, v16;
	[tilespmem:s24+$0x30] =	vst v22;
	v26 =	vmov v12  }
0x14d: {  	v22 =	vpop (erf);
	[tilespmem:s24+$0xFFFFFFC0] =	vst v23;
	v12 =	vmul.f32 v19, v14;
	v23 =	vld [tilespmem:s24+$0x10]  }
0x14e: {  	s24 =	sadd.s32 $0x80, s24;
	(erf) = vpow2.f32 v24;
	[tilespmem:s4+$0x17080] =	vst v22;
	v27 =	vperm.xlane v22, v1;
	v28 =	vld [tilespmem:s19+$0x20];
	s4 =	smov.u32 s1;
	s1 =	smov.u32 s23  }
0x14f: {  	v16 =	vperm.xlane v22, v2;
	v14 =	vperm.xlane v22, v3;
	v24 =	vld [tilespmem:s24+$0x30];
	[tilespmem:s19+$0xFFFFFFD0] =	vst v20  }
0x150: {  	v30 =	vperm.xlane v22, v4;
	v31 =	vperm.xlane v22, v5;
	v29 =	vld [tilespmem:s24+$0xFFFFFFC0];
	[tilespmem:s19+$0xFFFFFFE0] =	vst v12  }
.Ltmp6:
0x151: {  	v12 =	vperm.xlane v22, v7;
	v25 =	vadd.f32 v25, v21;
	v20 =	vld [tilespmem:s24+$0xFFFFFFD0];
	v21 =	vperm.xlane v22, v6;
	[tilespmem:s22+$0x10] =	vst v17;
	(pc) =	sbr.rel @p1 .LBB2_29-.Ltmp6, $4  }
0x152: {  	v32 =	vmul.f32 v15, v11;
	v11 =	vmov v30;
	v17 =	vperm.xlane v22, v8;
	v19 =	vld [tilespmem:s24+$0xFFFFFFE0];
	[tilespmem:s22+$0x20] =	vst v18;
	s22 =	smov.u32 s19;
	s19 =	smov.u32 s24  }
0x153: {  	v30 =	vmul.f32 v13, v10;
	v10 =	vmov v31;
	v18 =	vmul.f32 $2.000000030e-01, v25;
	v15 =	vld [tilespmem:s24+$0xFFFFFFF0]  }
0x154: {  	s23 =	sshra.s32 s2, $0x2;
	v13 =	vld [tilespmem:s24+$0x0];
	v22 =	vmul.f32 v24, v17;
	[tilespmem:s22+$0xFFFFFFF0] =	vst v32;
	v17 =	vmul.f32 v23, v9;
	v9 =	vmov v21  }
0x155: {  	s2 =	sadd.s32 $0x40, s2;
	v21 =	vld [tilespmem:s23+$0x16880];
	v24 =	vmax.f32 v25, v18;
	v23 =	vmul.f32 v29, v27;
	[tilespmem:s22+$0x0] =	vst v30;
	v18 =	vmul.f32 v28, v26  }
0x156: {  	v25 =	vld [tilespmem:s23+$0x16C80];
	v24 =	vmul.f32 $1.442695020e+00, v24;
	_ =	sdelay $0x1  }
0x157: {  	v54 =	vpop (erf);
	(erf) = vpow2.f32 v24  }
0x158: {  	[tilespmem:s24+$0x30] =	vst v22  }
0x159: {  	[tilespmem:s22+$0x10] =	vst v17  }
0x15a: {  	v55 =	vld [tilespmem:s24+$0x10];
	[tilespmem:s24+$0xFFFFFFC0] =	vst v23;
	v10 =	vmul.f32 v13, v10;
	v21 =	vadd.f32 v25, v21  }
0x15b: {  	s24 =	sadd.s32 $0x80, s24;
	[tilespmem:s4+$0x17080] =	vst v54;
	v56 =	vld [tilespmem:s19+$0x20]  }
0x15c: {  	v16 =	vmul.f32 v20, v16;
	[tilespmem:s19+$0x0] =	vst v10;
	v10 =	vld [tilespmem:s24+$0xFFFFFFF0];
	v59 =	vmul.f32 $2.000000030e-01, v21  }
0x15d: {  	[tilespmem:s22+$0x20] =	vst v18;
	v11 =	vmul.f32 v15, v11;
	v57 =	vld [tilespmem:s24+$0x30]  }
0x15e: {  	v14 =	vmul.f32 v19, v14;
	[tilespmem:s19+$0xFFFFFFD0] =	vst v16;
	v61 =	vperm.xlane v54, v8;
	v58 =	vld [tilespmem:s24+$0xFFFFFFC0];
	v27 =	vmax.f32 v21, v59  }
0x15f: {  	v34 =	vperm.xlane v54, v4;
	v60 =	vld [tilespmem:s24+$0xFFFFFFD0];
	[tilespmem:s19+$0xFFFFFFF0] =	vst v11;
	v11 =	vmul.f32 $1.442695020e+00, v27  }
0x160: {  	v62 =	vperm.xlane v54, v1;
	[tilespmem:s19+$0xFFFFFFE0] =	vst v14;
	v63 =	vld [tilespmem:s24+$0xFFFFFFE0];
	v9 =	vmul.f32 v55, v9;
	v31 =	vpop (erf)  }
0x161: {  	s29 =	sadd.s32 $0x80, s24;
	v10 =	vmul.f32 v10, v34;
	(erf) = vpow2.f32 v11;
	v11 =	vld [tilespmem:s24+$0x0];
	[tilespmem:s1+$0x17080] =	vst v31  }
0x162: {  	v29 =	vperm.xlane v54, v2;
	v12 =	vmul.f32 v56, v12;
	[tilespmem:s19+$0x10] =	vst v9;
	v33 =	vld [tilespmem:s29+$0x30]  }
0x163: {  	v30 =	vperm.xlane v54, v3;
	v28 =	vmul.f32 v57, v61;
	[tilespmem:s24+$0xFFFFFFF0] =	vst v10;
	v10 =	vld [tilespmem:s24+$0x20]  }
0x164: {  	v35 =	vperm.xlane v54, v5;
	v15 =	vmul.f32 v58, v62;
	[tilespmem:s19+$0x20] =	vst v12  }
0x165: {  	v13 =	vmul.f32 v60, v29;
	[tilespmem:s24+$0x30] =	vst v28;
	v9 =	vperm.xlane v31, v8  }
0x166: {  	v45 =	vperm.xlane v54, v7;
	v39 =	vld [tilespmem:s24+$0x10];
	v32 =	vmul.f32 v63, v30;
	[tilespmem:s24+$0xFFFFFFC0] =	vst v15  }
0x167: {  	[tilespmem:s24+$0xFFFFFFD0] =	vst v13;
	v44 =	vld [tilespmem:s29+$0x0];
	v11 =	vmul.f32 v11, v35;
	v9 =	vmul.f32 v33, v9  }
0x168: {  	[tilespmem:s24+$0xFFFFFFE0] =	vst v32;
	v38 =	vld [tilespmem:s29+$0xFFFFFFE0];
	v10 =	vmul.f32 v10, v45  }
0x169: {  	v43 =	vperm.xlane v54, v6;
	v36 =	vld [tilespmem:s29+$0xFFFFFFC0];
	[tilespmem:s24+$0x0] =	vst v11  }
0x16a: {  	v49 =	vperm.xlane v31, v5;
	v37 =	vld [tilespmem:s29+$0xFFFFFFD0];
	[tilespmem:s24+$0x20] =	vst v10  }
0x16b: {  	v12 =	vmul.f32 v39, v43;
	v42 =	vld [tilespmem:s29+$0xFFFFFFF0];
	v11 =	vperm.xlane v31, v3;
	[tilespmem:s29+$0x30] =	vst v9;
	v9 =	vpop (erf)  }
0x16c: {  	s2 =	sadd.s32 $0x80, s29;
	v40 =	vperm.xlane v31, v1;
	v52 =	vld [tilespmem:s29+$0x10];
	v10 =	vmul.f32 v44, v49;
	[tilespmem:s23+$0x17080] =	vst v9  }
0x16d: {  	[tilespmem:s24+$0x10] =	vst v12;
	v41 =	vperm.xlane v31, v2;
	v11 =	vmul.f32 v38, v11;
	v46 =	vld [tilespmem:s2+$0x30]  }
0x16e: {  	v47 =	vperm.xlane v31, v4;
	v13 =	vmul.f32 v36, v40;
	[tilespmem:s29+$0x0] =	vst v10;
	v48 =	vld [tilespmem:s2+$0xFFFFFFC0]  }
0x16f: {  	v15 =	vmul.f32 v37, v41;
	v10 =	vperm.xlane v31, v6;
	[tilespmem:s29+$0xFFFFFFE0] =	vst v11;
	v11 =	vld [tilespmem:s2+$0xFFFFFFD0]  }
0x170: {  	v17 =	vmul.f32 v42, v47;
	[tilespmem:s29+$0xFFFFFFC0] =	vst v13;
	v51 =	vperm.xlane v9, v8;
	v50 =	vld [tilespmem:s2+$0xFFFFFFE0]  }
0x171: {  	[tilespmem:s29+$0xFFFFFFD0] =	vst v15;
	v53 =	vperm.xlane v9, v1;
	v10 =	vmul.f32 v52, v10;
	v57 =	vld [tilespmem:s2+$0xFFFFFFF0]  }
0x172: {  	v54 =	vld [tilespmem:s29+$0x20];
	[tilespmem:s29+$0xFFFFFFF0] =	vst v17;
	v55 =	vperm.xlane v9, v2;
	v13 =	vmul.f32 v46, v51  }
0x173: {  	v56 =	vperm.xlane v9, v3;
	v60 =	vld [tilespmem:s2+$0x10];
	[tilespmem:s29+$0x10] =	vst v10;
	v15 =	vmul.f32 v48, v53  }
0x174: {  	v61 =	vperm.xlane v9, v4;
	v58 =	vld [tilespmem:s2+$0x0];
	v11 =	vmul.f32 v11, v55;
	[tilespmem:s2+$0x30] =	vst v13  }
0x175: {  	v59 =	vperm.xlane v31, v7;
	s1 =	smul.u32 $0x3, s25;
	v62 =	vld [tilespmem:s2+$0x20];
	v12 =	vmul.f32 v50, v56;
	[tilespmem:s2+$0xFFFFFFC0] =	vst v15  }
0x176: {  	v63 =	vperm.xlane v9, v6;
	v10 =	vmul.f32 v57, v61;
	[tilespmem:s2+$0xFFFFFFD0] =	vst v11  }
0x177: {  	p1 =	slt.u32 s1, s17;
	v11 =	vperm.xlane v9, v5;
	v13 =	vmul.f32 v54, v59;
	[tilespmem:s2+$0xFFFFFFE0] =	vst v12  }
.Ltmp7:
0x178: {  	v9 =	vperm.xlane v9, v7;
	[tilespmem:s2+$0xFFFFFFF0] =	vst v10;
	v10 =	vmul.f32 v60, v63;
	(pc) =	sbr.rel @p1 .LBB2_34-.Ltmp7, $4  }
0x179: {  	[tilespmem:s29+$0x20] =	vst v13;
	v11 =	vmul.f32 v58, v11  }
0x17a: {  	v9 =	vmul.f32 v62, v9;
	[tilespmem:s2+$0x10] =	vst v10  }
0x17b: {  	[tilespmem:s2+$0x0] =	vst v11  }
0x17c: {  	[tilespmem:s2+$0x20] =	vst v9  }
0x17d: {  	s4 =	simm.s32 $0x0  }
0x17e: {  	s2 =	simm.s32 $0x174C0;
	[tilespmem:s4+$0x17080] =	vst v0;
	s4 =	simm.s32 $0x40  }
.LBB2_32:
0x17f: {  	p1 =	sne.s32 s4, $0xFC0;
	[tilespmem:s2+$0xFFFFFFC0] =	vst v0  }
0x180: {  	[tilespmem:s2+$0xFFFFFFD0] =	vst v0  }
0x181: {  	[tilespmem:s2+$0xFFFFFFE0] =	vst v0  }
0x182: {  	[tilespmem:s2+$0xFFFFFFF0] =	vst v0  }
.Ltmp8:
0x183: {  	[tilespmem:s2+$0x0] =	vst v0;
	(pc) =	sbr.rel @p1 .LBB2_32-.Ltmp8, $4  }
0x184: {  	[tilespmem:s2+$0x10] =	vst v0  }
0x185: {  	[tilespmem:s2+$0x20] =	vst v0  }
0x186: {  	s19 =	sshra.s32 s4, $0x2;
	[tilespmem:s2+$0x30] =	vst v0  }
0x187: {  	s4 =	sadd.s32 $0x40, s4;
	s2 =	sadd.s32 $0x80, s2;
	[tilespmem:s19+$0x17080] =	vst v0  }
0x188: {  	[tilespmem:s2+$0xFFFFFFC0] =	vst v0  }
0x189: {  	[tilespmem:s2+$0xFFFFFFD0] =	vst v0  }
0x18a: {  	[tilespmem:s2+$0xFFFFFFE0] =	vst v0  }
0x18b: {  	[tilespmem:s2+$0xFFFFFFF0] =	vst v0  }
0x18c: {  	[tilespmem:s2+$0x0] =	vst v0  }
0x18d: {  	[tilespmem:s2+$0x10] =	vst v0  }
0x18e: {  	[tilespmem:s2+$0x20] =	vst v0  }
0x18f: {  	[tilespmem:s2+$0x30] =	vst v0  }
.LBB2_34:
0x190: {  	s2 =	simm.s32 $0x17080  }
0x191: {  	[spmem:s12] =	stream.indirect.scatter.add.f32 [tilespmem:s2], [sflag:$0x4], $0x10, s13, s28, $0xb8;
	[tilespmem:$0x1ED80] =	vst v63  }
0x192: {  	s23 =	simm.s32 $0x17480  }
0x193: {  	[spmem:s3] =	stream.indirect.scatter.add.f32 [tilespmem:s23], [sflag:$0x4], $0x80, s13, s28, $0xb8;
	[tilespmem:$0x1ED80] =	vst v63  }
0x194: {  	_ =	swait.ge [sflag:s14], $0x400  }
0x195: {  	[sflag:s14] =	ssyncset.done $0x0  }
0x196: {  	[sflag:s14] =	ssyncadd.s32 $0xFFFFFC00  }
0x197: {  	_ =	swait.ge [sflag:s14], $0x400  }
0x198: {  	[sflag:s14] =	ssyncset.done $0x0  }
0x199: {  	[sflag:s14] =	ssyncadd.s32 $0xFFFFFC00  }
0x19a: {  	_ =	swait.ge [sflag:s14], $0x2000  }
0x19b: {  	[sflag:s14] =	ssyncset.done $0x0  }
0x19c: {  	s24 =	simm.s32 $0x0;
	[sflag:s14] =	ssyncadd.s32 $0xFFFFE000  }
0x19d: {  	v9 =	vld [tilespmem:s24+$0x19500]  }
0x19e: {  	v10 =	vld [tilespmem:s24+$0x19900];
	_ =	sdelay $0x4  }
0x19f: {  	v9 =	vadd.f32 v10, v9;
	_ =	sdelay $0x1  }
0x1a0: {  	v10 =	vmul.f32 $2.000000030e-01, v9  }
0x1a1: {  	s19 =	simm.s32 $0x10  }
0x1a2: {  	v11 =	vld [tilespmem:s19+$0x19900];
	v9 =	vmax.f32 v9, v10  }
0x1a3: {  	v10 =	vld [tilespmem:s19+$0x19500];
	v9 =	vmul.f32 $1.442695020e+00, v9;
	_ =	sdelay $0x1  }
0x1a4: {  	(erf) = vpow2.f32 v9;
	_ =	sdelay $0x2  }
0x1a5: {  	v9 =	vadd.f32 v11, v10;
	_ =	sdelay $0x1  }
0x1a6: {  	v10 =	vmul.f32 $2.000000030e-01, v9  }
0x1a7: {  	s4 =	simm.s32 $0x20  }
0x1a8: {  	v11 =	vld [tilespmem:s4+$0x19500];
	v9 =	vmax.f32 v9, v10  }
0x1a9: {  	v10 =	vld [tilespmem:s4+$0x19900];
	v9 =	vmul.f32 $1.442695020e+00, v9  }
0x1aa: {  	v12 =	vpop (erf)  }
0x1ab: {  	s23 =	simm.s32 $0x1A140;
	(erf) = vpow2.f32 v9;
	[tilespmem:s24+$0x19D00] =	vst v12  }
0x1ac: {  	v9 =	vld [tilespmem:s23+$0x30]  }
0x1ad: {  	v13 =	vld [tilespmem:s23+$0xFFFFFFC0]  }
0x1ae: {  	v14 =	vperm.xlane v12, v1;
	v15 =	vperm.xlane v12, v8;
	v10 =	vadd.f32 v10, v11;
	v18 =	vld [tilespmem:s23+$0xFFFFFFE0]  }
0x1af: {  	v16 =	vperm.xlane v12, v2;
	v17 =	vperm.xlane v12, v3;
	v22 =	vld [tilespmem:s23+$0x0]  }
0x1b0: {  	s22 =	simm.s32 $0x30;
	v23 =	vperm.xlane v12, v5;
	v11 =	vld [tilespmem:s23+$0xFFFFFFD0];
	v19 =	vmul.f32 $2.000000030e-01, v10  }
0x1b1: {  	v20 =	vld [tilespmem:s22+$0x19500];
	v24 =	vperm.xlane v12, v6;
	v9 =	vmul.f32 v9, v15  }
0x1b2: {  	v25 =	vperm.xlane v12, v7;
	v21 =	vld [tilespmem:s23+$0xFFFFFFF0];
	v10 =	vmax.f32 v10, v19;
	v13 =	vmul.f32 v13, v14  }
0x1b3: {  	v15 =	vperm.xlane v12, v4;
	v10 =	vmul.f32 $1.442695020e+00, v10;
	[tilespmem:s23+$0x30] =	vst v9;
	v9 =	vld [tilespmem:s22+$0x19900]  }
0x1b4: {  	v28 =	vld [tilespmem:s23+$0x20];
	v17 =	vmul.f32 v18, v17;
	v33 =	vmul.f32 v22, v23;
	[tilespmem:s23+$0xFFFFFFC0] =	vst v13;
	v26 =	vpop (erf)  }
0x1b5: {  	s24 =	simm.s32 $0x1A1C0;
	v18 =	vld [tilespmem:s23+$0x10];
	v13 =	vmul.f32 v11, v16;
	(erf) = vpow2.f32 v10;
	[tilespmem:s19+$0x19D00] =	vst v26  }
0x1b6: {  	v27 =	vperm.xlane v26, v1;
	v16 =	vperm.xlane v26, v2;
	v29 =	vld [tilespmem:s24+$0x30]  }
0x1b7: {  	v14 =	vperm.xlane v26, v3;
	v11 =	vperm.xlane v26, v4;
	v30 =	vld [tilespmem:s24+$0xFFFFFFC0]  }
0x1b8: {  	v10 =	vperm.xlane v26, v5;
	v12 =	vperm.xlane v26, v7;
	v31 =	vadd.f32 v9, v20;
	v20 =	vld [tilespmem:s24+$0xFFFFFFD0]  }
0x1b9: {  	[tilespmem:s23+$0xFFFFFFE0] =	vst v17;
	v19 =	vld [tilespmem:s24+$0xFFFFFFE0];
	v9 =	vperm.xlane v26, v6;
	v26 =	vperm.xlane v26, v8  }
0x1ba: {  	v21 =	vmul.f32 v21, v15;
	[tilespmem:s23+$0x0] =	vst v33;
	v15 =	vld [tilespmem:s24+$0xFFFFFFF0];
	v32 =	vmul.f32 $2.000000030e-01, v31  }
0x1bb: {  	s29 =	simm.s32 $0x40;
	[tilespmem:s23+$0xFFFFFFD0] =	vst v13;
	v13 =	vld [tilespmem:s24+$0x0];
	v17 =	vmul.f32 v18, v24;
	v22 =	vmul.f32 v29, v26  }
0x1bc: {  	s2 =	simm.s32 $0x140;
	s19 =	simm.s32 $0x1A1C0;
	[tilespmem:s23+$0xFFFFFFF0] =	vst v21;
	v21 =	vld [tilespmem:s29+$0x19500];
	v18 =	vmul.f32 v28, v25;
	v23 =	vmul.f32 v30, v27;
	v24 =	vmax.f32 v31, v32  }
.LBB2_35:
0x1bd: {  	p1 =	sne.s32 s2, $0xFC0;
	v25 =	vld [tilespmem:s29+$0x19900];
	v24 =	vmul.f32 $1.442695020e+00, v24;
	v20 =	vmul.f32 v20, v16;
	[tilespmem:s24+$0x30] =	vst v22;
	v26 =	vmov v12  }
0x1be: {  	v22 =	vpop (erf);
	[tilespmem:s24+$0xFFFFFFC0] =	vst v23;
	v12 =	vmul.f32 v19, v14;
	v23 =	vld [tilespmem:s24+$0x10]  }
0x1bf: {  	s24 =	sadd.s32 $0x80, s24;
	(erf) = vpow2.f32 v24;
	[tilespmem:s4+$0x19D00] =	vst v22;
	v27 =	vperm.xlane v22, v1;
	v28 =	vld [tilespmem:s19+$0x20];
	s4 =	smov.u32 s22;
	s22 =	smov.u32 s29  }
0x1c0: {  	v16 =	vperm.xlane v22, v2;
	v14 =	vperm.xlane v22, v3;
	v24 =	vld [tilespmem:s24+$0x30];
	[tilespmem:s19+$0xFFFFFFD0] =	vst v20  }
0x1c1: {  	v30 =	vperm.xlane v22, v4;
	v31 =	vperm.xlane v22, v5;
	v29 =	vld [tilespmem:s24+$0xFFFFFFC0];
	[tilespmem:s19+$0xFFFFFFE0] =	vst v12  }
.Ltmp9:
0x1c2: {  	v12 =	vperm.xlane v22, v7;
	v25 =	vadd.f32 v25, v21;
	v20 =	vld [tilespmem:s24+$0xFFFFFFD0];
	v21 =	vperm.xlane v22, v6;
	[tilespmem:s23+$0x10] =	vst v17;
	(pc) =	sbr.rel @p1 .LBB2_35-.Ltmp9, $4  }
0x1c3: {  	v32 =	vmul.f32 v15, v11;
	v11 =	vmov v30;
	v17 =	vperm.xlane v22, v8;
	v19 =	vld [tilespmem:s24+$0xFFFFFFE0];
	[tilespmem:s23+$0x20] =	vst v18;
	s23 =	smov.u32 s19;
	s19 =	smov.u32 s24  }
0x1c4: {  	v30 =	vmul.f32 v13, v10;
	v10 =	vmov v31;
	v18 =	vmul.f32 $2.000000030e-01, v25;
	v15 =	vld [tilespmem:s24+$0xFFFFFFF0]  }
0x1c5: {  	s29 =	sshra.s32 s2, $0x2;
	v13 =	vld [tilespmem:s24+$0x0];
	v22 =	vmul.f32 v24, v17;
	[tilespmem:s23+$0xFFFFFFF0] =	vst v32;
	v17 =	vmul.f32 v23, v9;
	v9 =	vmov v21  }
0x1c6: {  	s2 =	sadd.s32 $0x40, s2;
	v21 =	vld [tilespmem:s29+$0x19500];
	v24 =	vmax.f32 v25, v18;
	v23 =	vmul.f32 v29, v27;
	[tilespmem:s23+$0x0] =	vst v30;
	v18 =	vmul.f32 v28, v26  }
0x1c7: {  	v25 =	vld [tilespmem:s29+$0x19900];
	v24 =	vmul.f32 $1.442695020e+00, v24;
	_ =	sdelay $0x1  }
0x1c8: {  	v54 =	vpop (erf);
	(erf) = vpow2.f32 v24  }
0x1c9: {  	[tilespmem:s24+$0x30] =	vst v22  }
0x1ca: {  	[tilespmem:s23+$0x10] =	vst v17  }
0x1cb: {  	v55 =	vld [tilespmem:s24+$0x10];
	[tilespmem:s24+$0xFFFFFFC0] =	vst v23;
	v10 =	vmul.f32 v13, v10;
	v21 =	vadd.f32 v25, v21  }
0x1cc: {  	[tilespmem:s4+$0x19D00] =	vst v54;
	v56 =	vld [tilespmem:s19+$0x20];
	s4 =	sadd.s32 $0x80, s24  }
0x1cd: {  	v16 =	vmul.f32 v20, v16;
	[tilespmem:s19+$0x0] =	vst v10;
	v10 =	vld [tilespmem:s4+$0xFFFFFFF0];
	v59 =	vmul.f32 $2.000000030e-01, v21  }
0x1ce: {  	[tilespmem:s23+$0x20] =	vst v18;
	v11 =	vmul.f32 v15, v11;
	v57 =	vld [tilespmem:s4+$0x30]  }
0x1cf: {  	v14 =	vmul.f32 v19, v14;
	[tilespmem:s19+$0xFFFFFFD0] =	vst v16;
	v61 =	vperm.xlane v54, v8;
	v58 =	vld [tilespmem:s4+$0xFFFFFFC0];
	v27 =	vmax.f32 v21, v59  }
0x1d0: {  	v34 =	vperm.xlane v54, v4;
	v60 =	vld [tilespmem:s4+$0xFFFFFFD0];
	[tilespmem:s19+$0xFFFFFFF0] =	vst v11;
	v11 =	vmul.f32 $1.442695020e+00, v27  }
0x1d1: {  	v62 =	vperm.xlane v54, v1;
	[tilespmem:s19+$0xFFFFFFE0] =	vst v14;
	v63 =	vld [tilespmem:s4+$0xFFFFFFE0];
	v9 =	vmul.f32 v55, v9;
	v31 =	vpop (erf)  }
0x1d2: {  	s24 =	sadd.s32 $0x80, s4;
	v10 =	vmul.f32 v10, v34;
	(erf) = vpow2.f32 v11;
	v11 =	vld [tilespmem:s4+$0x0];
	[tilespmem:s22+$0x19D00] =	vst v31  }
0x1d3: {  	v29 =	vperm.xlane v54, v2;
	v12 =	vmul.f32 v56, v12;
	[tilespmem:s19+$0x10] =	vst v9;
	v33 =	vld [tilespmem:s24+$0x30]  }
0x1d4: {  	v30 =	vperm.xlane v54, v3;
	v28 =	vmul.f32 v57, v61;
	[tilespmem:s4+$0xFFFFFFF0] =	vst v10;
	v10 =	vld [tilespmem:s4+$0x20]  }
0x1d5: {  	v35 =	vperm.xlane v54, v5;
	v15 =	vmul.f32 v58, v62;
	[tilespmem:s19+$0x20] =	vst v12  }
0x1d6: {  	v13 =	vmul.f32 v60, v29;
	[tilespmem:s4+$0x30] =	vst v28;
	v9 =	vperm.xlane v31, v8  }
0x1d7: {  	v45 =	vperm.xlane v54, v7;
	v39 =	vld [tilespmem:s4+$0x10];
	v32 =	vmul.f32 v63, v30;
	[tilespmem:s4+$0xFFFFFFC0] =	vst v15  }
0x1d8: {  	[tilespmem:s4+$0xFFFFFFD0] =	vst v13;
	v44 =	vld [tilespmem:s24+$0x0];
	v11 =	vmul.f32 v11, v35;
	v9 =	vmul.f32 v33, v9  }
0x1d9: {  	[tilespmem:s4+$0xFFFFFFE0] =	vst v32;
	v38 =	vld [tilespmem:s24+$0xFFFFFFE0];
	v10 =	vmul.f32 v10, v45  }
0x1da: {  	v43 =	vperm.xlane v54, v6;
	v36 =	vld [tilespmem:s24+$0xFFFFFFC0];
	[tilespmem:s4+$0x0] =	vst v11  }
0x1db: {  	v49 =	vperm.xlane v31, v5;
	v37 =	vld [tilespmem:s24+$0xFFFFFFD0];
	[tilespmem:s4+$0x20] =	vst v10  }
0x1dc: {  	v12 =	vmul.f32 v39, v43;
	v42 =	vld [tilespmem:s24+$0xFFFFFFF0];
	v11 =	vperm.xlane v31, v3;
	[tilespmem:s24+$0x30] =	vst v9;
	v9 =	vpop (erf)  }
0x1dd: {  	s2 =	sadd.s32 $0x80, s24;
	v40 =	vperm.xlane v31, v1;
	v52 =	vld [tilespmem:s24+$0x10];
	v10 =	vmul.f32 v44, v49;
	[tilespmem:s29+$0x19D00] =	vst v9  }
0x1de: {  	[tilespmem:s4+$0x10] =	vst v12;
	v41 =	vperm.xlane v31, v2;
	v11 =	vmul.f32 v38, v11;
	v46 =	vld [tilespmem:s2+$0x30]  }
0x1df: {  	v47 =	vperm.xlane v31, v4;
	v13 =	vmul.f32 v36, v40;
	[tilespmem:s24+$0x0] =	vst v10;
	v48 =	vld [tilespmem:s2+$0xFFFFFFC0]  }
0x1e0: {  	v15 =	vmul.f32 v37, v41;
	v10 =	vperm.xlane v31, v6;
	[tilespmem:s24+$0xFFFFFFE0] =	vst v11;
	v11 =	vld [tilespmem:s2+$0xFFFFFFD0]  }
0x1e1: {  	v17 =	vmul.f32 v42, v47;
	[tilespmem:s24+$0xFFFFFFC0] =	vst v13;
	v51 =	vperm.xlane v9, v8;
	v50 =	vld [tilespmem:s2+$0xFFFFFFE0]  }
0x1e2: {  	[tilespmem:s24+$0xFFFFFFD0] =	vst v15;
	v53 =	vperm.xlane v9, v1;
	v10 =	vmul.f32 v52, v10;
	v57 =	vld [tilespmem:s2+$0xFFFFFFF0]  }
0x1e3: {  	v54 =	vld [tilespmem:s24+$0x20];
	[tilespmem:s24+$0xFFFFFFF0] =	vst v17;
	v55 =	vperm.xlane v9, v2;
	v13 =	vmul.f32 v46, v51  }
0x1e4: {  	v56 =	vperm.xlane v9, v3;
	v60 =	vld [tilespmem:s2+$0x10];
	[tilespmem:s24+$0x10] =	vst v10;
	v15 =	vmul.f32 v48, v53  }
0x1e5: {  	v61 =	vperm.xlane v9, v4;
	v58 =	vld [tilespmem:s2+$0x0];
	v11 =	vmul.f32 v11, v55;
	[tilespmem:s2+$0x30] =	vst v13  }
0x1e6: {  	v59 =	vperm.xlane v31, v7;
	v12 =	vmul.f32 v50, v56;
	[tilespmem:s2+$0xFFFFFFC0] =	vst v15  }
0x1e7: {  	v63 =	vperm.xlane v9, v6;
	v10 =	vmul.f32 v57, v61;
	[tilespmem:s2+$0xFFFFFFD0] =	vst v11  }
0x1e8: {  	v11 =	vperm.xlane v9, v5;
	v13 =	vmul.f32 v54, v59;
	[tilespmem:s2+$0xFFFFFFE0] =	vst v12  }
0x1e9: {  	[tilespmem:s2+$0xFFFFFFF0] =	vst v10;
	v10 =	vmul.f32 v60, v63  }
0x1ea: {  	[tilespmem:s24+$0x20] =	vst v13;
	v11 =	vmul.f32 v58, v11  }
0x1eb: {  	[tilespmem:s2+$0x10] =	vst v10  }
0x1ec: {  	[tilespmem:s2+$0x0] =	vst v11  }
0x1ed: {  	s4 =	sld [smem:$0x7F9]  }
0x1ee: {  	v62 =	vld [tilespmem:s2+$0x20];
	_ =	sdelay $0x1  }
0x1ef: {  	p1 =	slt.u32 s1, s4  }
.Ltmp10:
0x1f0: {  	v9 =	vperm.xlane v9, v7;
	(pc) =	sbr.rel @p1 .LBB2_40-.Ltmp10, $3  }
0x1f1: {  	_ = 	snop  }
0x1f2: {  	v9 =	vmul.f32 v62, v9;
	_ =	sdelay $0x1  }
0x1f3: {  	[tilespmem:s2+$0x20] =	vst v9  }
0x1f4: {  	s4 =	simm.s32 $0x0  }
0x1f5: {  	s2 =	simm.s32 $0x1A140;
	[tilespmem:s4+$0x19D00] =	vst v0;
	s4 =	simm.s32 $0x40  }
.LBB2_38:
0x1f6: {  	p1 =	sne.s32 s4, $0xFC0;
	[tilespmem:s2+$0xFFFFFFC0] =	vst v0  }
0x1f7: {  	[tilespmem:s2+$0xFFFFFFD0] =	vst v0  }
0x1f8: {  	[tilespmem:s2+$0xFFFFFFE0] =	vst v0  }
0x1f9: {  	[tilespmem:s2+$0xFFFFFFF0] =	vst v0  }
.Ltmp11:
0x1fa: {  	[tilespmem:s2+$0x0] =	vst v0;
	(pc) =	sbr.rel @p1 .LBB2_38-.Ltmp11, $4  }
0x1fb: {  	[tilespmem:s2+$0x10] =	vst v0  }
0x1fc: {  	[tilespmem:s2+$0x20] =	vst v0  }
0x1fd: {  	s19 =	sshra.s32 s4, $0x2;
	[tilespmem:s2+$0x30] =	vst v0  }
0x1fe: {  	s4 =	sadd.s32 $0x40, s4;
	s2 =	sadd.s32 $0x80, s2;
	[tilespmem:s19+$0x19D00] =	vst v0  }
0x1ff: {  	[tilespmem:s2+$0xFFFFFFC0] =	vst v0  }
0x200: {  	[tilespmem:s2+$0xFFFFFFD0] =	vst v0  }
0x201: {  	[tilespmem:s2+$0xFFFFFFE0] =	vst v0  }
0x202: {  	[tilespmem:s2+$0xFFFFFFF0] =	vst v0  }
0x203: {  	[tilespmem:s2+$0x0] =	vst v0  }
0x204: {  	[tilespmem:s2+$0x10] =	vst v0  }
0x205: {  	[tilespmem:s2+$0x20] =	vst v0  }
0x206: {  	[tilespmem:s2+$0x30] =	vst v0  }
.LBB2_40:
0x207: {  	s2 =	simm.s32 $0x19D00  }
0x208: {  	[spmem:s12] =	stream.indirect.scatter.add.f32 [tilespmem:s2], [sflag:$0x5], $0x10, s20, s28, $0xb8;
	[tilespmem:$0x1ED80] =	vst v63  }
0x209: {  	s22 =	simm.s32 $0x1A100;
	s23 =	sadd.s32 $0x3, s1  }
0x20a: {  	[spmem:s3] =	stream.indirect.scatter.add.f32 [tilespmem:s22], [sflag:$0x5], $0x80, s20, s28, $0xb8;
	[tilespmem:$0x1ED80] =	vst v63  }
0x20b: {  	p1 =	slt.u32 s23, s17;
	s2 =	sshll.u32 s23, $0x4;
	_ =	swait.ge [sflag:s18], $0x400  }
0x20c: {  	s2 =	simm.s32 @!p1 $0x0;
	[sflag:s18] =	ssyncset.done $0x0  }
0x20d: {  	s2 =	sor.u32 s11, s2;
	[sflag:s18] =	ssyncadd.s32 $0xFFFFFC00  }
0x20e: {  	s2 =	sshll.u32 s2, $0x3;
	_ =	swait.ge [sflag:s18], $0x2000  }
0x20f: {  	s2 =	sand.u32 $0x1FFFFFF8, s2;
	[sflag:s18] =	ssyncset.done $0x0;
	s4 =	rddreg [dreg:$0x5]  }
0x210: {  	s24 =	simm.s32 $0x27100;
	[sflag:s18] =	ssyncadd.s32 $0xFFFFE000;
	s2 =	sadd.s32 s4, s2  }
0x211: {  	[tilespmem:s30], [sflag:$0x7] =	stream.strided.gather [hbm4b:s2+s28], $0x80, s24, s28, $0x38;
	[tilespmem:$0x1ED80] =	vst v63  }
0x212: {  	_ =	swait.ge [sflag:s31], $0x80  }
0x213: {  	[sflag:s31] =	ssyncset.done $0x0  }
0x214: {  	s19 =	simm.s32 $0x16880;
	[sflag:s31] =	ssyncadd.s32 $0xFFFFFF80  }
0x215: {  	[tilespmem:s19], [sflag:$0x1] =	stream.indirect.gather [hbm4b:s8+s28], $0x10, s30, s28, $0xb8;
	[tilespmem:$0x1ED80] =	vst v63  }
0x216: {  	s22 =	simm.s32 $0x16C80  }
0x217: {  	[tilespmem:s22], [sflag:$0x1] =	stream.indirect.gather [hbm4b:s9+s28], $0x10, s13, s28, $0xb8;
	[tilespmem:$0x1ED80] =	vst v63  }
0x218: {  	s23 =	simm.s32 $0x17480  }
0x219: {  	[tilespmem:s23], [sflag:$0x1] =	stream.indirect.gather [hbm4b:s10+s28], $0x80, s30, s28, $0xb8;
	[tilespmem:$0x1ED80] =	vst v63  }
0x21a: {  	_ =	swait.ge [sflag:s21], $0x400  }
0x21b: {  	[sflag:s21] =	ssyncset.done $0x0  }
0x21c: {  	[sflag:s21] =	ssyncadd.s32 $0xFFFFFC00  }
0x21d: {  	_ =	swait.ge [sflag:s21], $0x400  }
0x21e: {  	[sflag:s21] =	ssyncset.done $0x0  }
0x21f: {  	[sflag:s21] =	ssyncadd.s32 $0xFFFFFC00  }
0x220: {  	_ =	swait.ge [sflag:s21], $0x2000  }
0x221: {  	[sflag:s21] =	ssyncset.done $0x0  }
0x222: {  	s24 =	simm.s32 $0x0;
	[sflag:s21] =	ssyncadd.s32 $0xFFFFE000  }
0x223: {  	v9 =	vld [tilespmem:s24+$0x1C180]  }
0x224: {  	v10 =	vld [tilespmem:s24+$0x1C580];
	_ =	sdelay $0x4  }
0x225: {  	v9 =	vadd.f32 v10, v9;
	_ =	sdelay $0x1  }
0x226: {  	v10 =	vmul.f32 $2.000000030e-01, v9  }
0x227: {  	s19 =	simm.s32 $0x10  }
0x228: {  	v11 =	vld [tilespmem:s19+$0x1C580];
	v9 =	vmax.f32 v9, v10  }
0x229: {  	v10 =	vld [tilespmem:s19+$0x1C180];
	v9 =	vmul.f32 $1.442695020e+00, v9;
	_ =	sdelay $0x1  }
0x22a: {  	(erf) = vpow2.f32 v9;
	_ =	sdelay $0x2  }
0x22b: {  	v9 =	vadd.f32 v11, v10;
	_ =	sdelay $0x1  }
0x22c: {  	v10 =	vmul.f32 $2.000000030e-01, v9  }
0x22d: {  	s4 =	simm.s32 $0x20  }
0x22e: {  	v11 =	vld [tilespmem:s4+$0x1C180];
	v9 =	vmax.f32 v9, v10  }
0x22f: {  	v10 =	vld [tilespmem:s4+$0x1C580];
	v9 =	vmul.f32 $1.442695020e+00, v9  }
0x230: {  	v12 =	vpop (erf)  }
0x231: {  	s23 =	simm.s32 $0x1CDC0;
	(erf) = vpow2.f32 v9;
	[tilespmem:s24+$0x1C980] =	vst v12  }
0x232: {  	v9 =	vld [tilespmem:s23+$0x30]  }
0x233: {  	v13 =	vld [tilespmem:s23+$0xFFFFFFC0]  }
0x234: {  	v14 =	vperm.xlane v12, v1;
	v15 =	vperm.xlane v12, v8;
	v10 =	vadd.f32 v10, v11;
	v18 =	vld [tilespmem:s23+$0xFFFFFFE0]  }
0x235: {  	v16 =	vperm.xlane v12, v2;
	v17 =	vperm.xlane v12, v3;
	v22 =	vld [tilespmem:s23+$0x0]  }
0x236: {  	s22 =	simm.s32 $0x30;
	v23 =	vperm.xlane v12, v5;
	v11 =	vld [tilespmem:s23+$0xFFFFFFD0];
	v19 =	vmul.f32 $2.000000030e-01, v10  }
0x237: {  	v20 =	vld [tilespmem:s22+$0x1C180];
	v24 =	vperm.xlane v12, v6;
	v9 =	vmul.f32 v9, v15  }
0x238: {  	v25 =	vperm.xlane v12, v7;
	v21 =	vld [tilespmem:s23+$0xFFFFFFF0];
	v10 =	vmax.f32 v10, v19;
	v13 =	vmul.f32 v13, v14  }
0x239: {  	v15 =	vperm.xlane v12, v4;
	v10 =	vmul.f32 $1.442695020e+00, v10;
	[tilespmem:s23+$0x30] =	vst v9;
	v9 =	vld [tilespmem:s22+$0x1C580]  }
0x23a: {  	v28 =	vld [tilespmem:s23+$0x20];
	v17 =	vmul.f32 v18, v17;
	v33 =	vmul.f32 v22, v23;
	[tilespmem:s23+$0xFFFFFFC0] =	vst v13;
	v26 =	vpop (erf)  }
0x23b: {  	s24 =	simm.s32 $0x1CE40;
	v18 =	vld [tilespmem:s23+$0x10];
	v13 =	vmul.f32 v11, v16;
	(erf) = vpow2.f32 v10;
	[tilespmem:s19+$0x1C980] =	vst v26  }
0x23c: {  	v27 =	vperm.xlane v26, v1;
	v16 =	vperm.xlane v26, v2;
	v29 =	vld [tilespmem:s24+$0x30]  }
0x23d: {  	v14 =	vperm.xlane v26, v3;
	v11 =	vperm.xlane v26, v4;
	v30 =	vld [tilespmem:s24+$0xFFFFFFC0]  }
0x23e: {  	v10 =	vperm.xlane v26, v5;
	v12 =	vperm.xlane v26, v7;
	v31 =	vadd.f32 v9, v20;
	v20 =	vld [tilespmem:s24+$0xFFFFFFD0]  }
0x23f: {  	[tilespmem:s23+$0xFFFFFFE0] =	vst v17;
	v19 =	vld [tilespmem:s24+$0xFFFFFFE0];
	v9 =	vperm.xlane v26, v6;
	v26 =	vperm.xlane v26, v8  }
0x240: {  	v21 =	vmul.f32 v21, v15;
	[tilespmem:s23+$0x0] =	vst v33;
	v15 =	vld [tilespmem:s24+$0xFFFFFFF0];
	v32 =	vmul.f32 $2.000000030e-01, v31  }
0x241: {  	s29 =	simm.s32 $0x40;
	[tilespmem:s23+$0xFFFFFFD0] =	vst v13;
	v13 =	vld [tilespmem:s24+$0x0];
	v17 =	vmul.f32 v18, v24;
	v22 =	vmul.f32 v29, v26  }
0x242: {  	s2 =	simm.s32 $0x140;
	s19 =	simm.s32 $0x1CE40;
	[tilespmem:s23+$0xFFFFFFF0] =	vst v21;
	v21 =	vld [tilespmem:s29+$0x1C180];
	v18 =	vmul.f32 v28, v25;
	v23 =	vmul.f32 v30, v27;
	v24 =	vmax.f32 v31, v32  }
.LBB2_41:
0x243: {  	p1 =	sne.s32 s2, $0xFC0;
	v25 =	vld [tilespmem:s29+$0x1C580];
	v24 =	vmul.f32 $1.442695020e+00, v24;
	v20 =	vmul.f32 v20, v16;
	[tilespmem:s24+$0x30] =	vst v22;
	v26 =	vmov v12  }
0x244: {  	v22 =	vpop (erf);
	[tilespmem:s24+$0xFFFFFFC0] =	vst v23;
	v12 =	vmul.f32 v19, v14;
	v23 =	vld [tilespmem:s24+$0x10]  }
0x245: {  	s24 =	sadd.s32 $0x80, s24;
	(erf) = vpow2.f32 v24;
	[tilespmem:s4+$0x1C980] =	vst v22;
	v27 =	vperm.xlane v22, v1;
	v28 =	vld [tilespmem:s19+$0x20];
	s4 =	smov.u32 s22;
	s22 =	smov.u32 s29  }
0x246: {  	v16 =	vperm.xlane v22, v2;
	v14 =	vperm.xlane v22, v3;
	v24 =	vld [tilespmem:s24+$0x30];
	[tilespmem:s19+$0xFFFFFFD0] =	vst v20  }
0x247: {  	v30 =	vperm.xlane v22, v4;
	v31 =	vperm.xlane v22, v5;
	v29 =	vld [tilespmem:s24+$0xFFFFFFC0];
	[tilespmem:s19+$0xFFFFFFE0] =	vst v12  }
.Ltmp12:
0x248: {  	v12 =	vperm.xlane v22, v7;
	v25 =	vadd.f32 v25, v21;
	v20 =	vld [tilespmem:s24+$0xFFFFFFD0];
	v21 =	vperm.xlane v22, v6;
	[tilespmem:s23+$0x10] =	vst v17;
	(pc) =	sbr.rel @p1 .LBB2_41-.Ltmp12, $4  }
0x249: {  	v32 =	vmul.f32 v15, v11;
	v11 =	vmov v30;
	v17 =	vperm.xlane v22, v8;
	v19 =	vld [tilespmem:s24+$0xFFFFFFE0];
	[tilespmem:s23+$0x20] =	vst v18;
	s23 =	smov.u32 s19;
	s19 =	smov.u32 s24  }
0x24a: {  	v30 =	vmul.f32 v13, v10;
	v10 =	vmov v31;
	v18 =	vmul.f32 $2.000000030e-01, v25;
	v15 =	vld [tilespmem:s24+$0xFFFFFFF0]  }
0x24b: {  	s29 =	sshra.s32 s2, $0x2;
	v13 =	vld [tilespmem:s24+$0x0];
	v22 =	vmul.f32 v24, v17;
	[tilespmem:s23+$0xFFFFFFF0] =	vst v32;
	v17 =	vmul.f32 v23, v9;
	v9 =	vmov v21  }
0x24c: {  	s2 =	sadd.s32 $0x40, s2;
	v21 =	vld [tilespmem:s29+$0x1C180];
	v24 =	vmax.f32 v25, v18;
	v23 =	vmul.f32 v29, v27;
	[tilespmem:s23+$0x0] =	vst v30;
	v18 =	vmul.f32 v28, v26  }
0x24d: {  	v25 =	vld [tilespmem:s29+$0x1C580];
	v24 =	vmul.f32 $1.442695020e+00, v24;
	_ =	sdelay $0x1  }
0x24e: {  	v54 =	vpop (erf);
	(erf) = vpow2.f32 v24  }
0x24f: {  	[tilespmem:s24+$0x30] =	vst v22  }
0x250: {  	[tilespmem:s23+$0x10] =	vst v17  }
0x251: {  	v55 =	vld [tilespmem:s24+$0x10];
	[tilespmem:s24+$0xFFFFFFC0] =	vst v23;
	v10 =	vmul.f32 v13, v10;
	v21 =	vadd.f32 v25, v21  }
0x252: {  	[tilespmem:s4+$0x1C980] =	vst v54;
	v56 =	vld [tilespmem:s19+$0x20];
	s4 =	sadd.s32 $0x80, s24  }
0x253: {  	v16 =	vmul.f32 v20, v16;
	[tilespmem:s19+$0x0] =	vst v10;
	v10 =	vld [tilespmem:s4+$0xFFFFFFF0];
	v59 =	vmul.f32 $2.000000030e-01, v21  }
0x254: {  	[tilespmem:s23+$0x20] =	vst v18;
	v11 =	vmul.f32 v15, v11;
	v57 =	vld [tilespmem:s4+$0x30]  }
0x255: {  	v14 =	vmul.f32 v19, v14;
	[tilespmem:s19+$0xFFFFFFD0] =	vst v16;
	v61 =	vperm.xlane v54, v8;
	v58 =	vld [tilespmem:s4+$0xFFFFFFC0];
	v27 =	vmax.f32 v21, v59  }
0x256: {  	v34 =	vperm.xlane v54, v4;
	v60 =	vld [tilespmem:s4+$0xFFFFFFD0];
	[tilespmem:s19+$0xFFFFFFF0] =	vst v11;
	v11 =	vmul.f32 $1.442695020e+00, v27  }
0x257: {  	v62 =	vperm.xlane v54, v1;
	[tilespmem:s19+$0xFFFFFFE0] =	vst v14;
	v63 =	vld [tilespmem:s4+$0xFFFFFFE0];
	v9 =	vmul.f32 v55, v9;
	v31 =	vpop (erf)  }
0x258: {  	s24 =	sadd.s32 $0x80, s4;
	v10 =	vmul.f32 v10, v34;
	(erf) = vpow2.f32 v11;
	v11 =	vld [tilespmem:s4+$0x0];
	[tilespmem:s22+$0x1C980] =	vst v31  }
0x259: {  	v29 =	vperm.xlane v54, v2;
	v12 =	vmul.f32 v56, v12;
	[tilespmem:s19+$0x10] =	vst v9;
	v33 =	vld [tilespmem:s24+$0x30]  }
0x25a: {  	v30 =	vperm.xlane v54, v3;
	v28 =	vmul.f32 v57, v61;
	[tilespmem:s4+$0xFFFFFFF0] =	vst v10;
	v10 =	vld [tilespmem:s4+$0x20]  }
0x25b: {  	v35 =	vperm.xlane v54, v5;
	v15 =	vmul.f32 v58, v62;
	[tilespmem:s19+$0x20] =	vst v12  }
0x25c: {  	v13 =	vmul.f32 v60, v29;
	[tilespmem:s4+$0x30] =	vst v28;
	v9 =	vperm.xlane v31, v8  }
0x25d: {  	v45 =	vperm.xlane v54, v7;
	v39 =	vld [tilespmem:s4+$0x10];
	v32 =	vmul.f32 v63, v30;
	[tilespmem:s4+$0xFFFFFFC0] =	vst v15  }
0x25e: {  	[tilespmem:s4+$0xFFFFFFD0] =	vst v13;
	v44 =	vld [tilespmem:s24+$0x0];
	v11 =	vmul.f32 v11, v35;
	v9 =	vmul.f32 v33, v9  }
0x25f: {  	[tilespmem:s4+$0xFFFFFFE0] =	vst v32;
	v38 =	vld [tilespmem:s24+$0xFFFFFFE0];
	v10 =	vmul.f32 v10, v45  }
0x260: {  	v43 =	vperm.xlane v54, v6;
	v36 =	vld [tilespmem:s24+$0xFFFFFFC0];
	[tilespmem:s4+$0x0] =	vst v11  }
0x261: {  	v49 =	vperm.xlane v31, v5;
	v37 =	vld [tilespmem:s24+$0xFFFFFFD0];
	[tilespmem:s4+$0x20] =	vst v10  }
0x262: {  	v12 =	vmul.f32 v39, v43;
	v42 =	vld [tilespmem:s24+$0xFFFFFFF0];
	v11 =	vperm.xlane v31, v3;
	[tilespmem:s24+$0x30] =	vst v9;
	v9 =	vpop (erf)  }
0x263: {  	s2 =	sadd.s32 $0x80, s24;
	v40 =	vperm.xlane v31, v1;
	v52 =	vld [tilespmem:s24+$0x10];
	v10 =	vmul.f32 v44, v49;
	[tilespmem:s29+$0x1C980] =	vst v9  }
0x264: {  	[tilespmem:s4+$0x10] =	vst v12;
	v41 =	vperm.xlane v31, v2;
	v11 =	vmul.f32 v38, v11;
	v46 =	vld [tilespmem:s2+$0x30]  }
0x265: {  	v47 =	vperm.xlane v31, v4;
	v13 =	vmul.f32 v36, v40;
	[tilespmem:s24+$0x0] =	vst v10;
	v48 =	vld [tilespmem:s2+$0xFFFFFFC0]  }
0x266: {  	v15 =	vmul.f32 v37, v41;
	v10 =	vperm.xlane v31, v6;
	[tilespmem:s24+$0xFFFFFFE0] =	vst v11;
	v11 =	vld [tilespmem:s2+$0xFFFFFFD0]  }
0x267: {  	v17 =	vmul.f32 v42, v47;
	[tilespmem:s24+$0xFFFFFFC0] =	vst v13;
	v51 =	vperm.xlane v9, v8;
	v50 =	vld [tilespmem:s2+$0xFFFFFFE0]  }
0x268: {  	[tilespmem:s24+$0xFFFFFFD0] =	vst v15;
	v53 =	vperm.xlane v9, v1;
	v10 =	vmul.f32 v52, v10;
	v57 =	vld [tilespmem:s2+$0xFFFFFFF0]  }
0x269: {  	v54 =	vld [tilespmem:s24+$0x20];
	[tilespmem:s24+$0xFFFFFFF0] =	vst v17;
	v55 =	vperm.xlane v9, v2;
	v13 =	vmul.f32 v46, v51  }
0x26a: {  	v56 =	vperm.xlane v9, v3;
	v60 =	vld [tilespmem:s2+$0x10];
	[tilespmem:s24+$0x10] =	vst v10;
	v15 =	vmul.f32 v48, v53  }
0x26b: {  	v61 =	vperm.xlane v9, v4;
	v58 =	vld [tilespmem:s2+$0x0];
	v11 =	vmul.f32 v11, v55;
	[tilespmem:s2+$0x30] =	vst v13  }
0x26c: {  	v59 =	vperm.xlane v31, v7;
	v12 =	vmul.f32 v50, v56;
	[tilespmem:s2+$0xFFFFFFC0] =	vst v15  }
0x26d: {  	v63 =	vperm.xlane v9, v6;
	v10 =	vmul.f32 v57, v61;
	[tilespmem:s2+$0xFFFFFFD0] =	vst v11  }
0x26e: {  	v11 =	vperm.xlane v9, v5;
	v13 =	vmul.f32 v54, v59;
	[tilespmem:s2+$0xFFFFFFE0] =	vst v12  }
0x26f: {  	[tilespmem:s2+$0xFFFFFFF0] =	vst v10;
	v10 =	vmul.f32 v60, v63  }
0x270: {  	[tilespmem:s24+$0x20] =	vst v13;
	v11 =	vmul.f32 v58, v11  }
0x271: {  	[tilespmem:s2+$0x10] =	vst v10  }
0x272: {  	[tilespmem:s2+$0x0] =	vst v11  }
0x273: {  	s4 =	sld [smem:$0x7FA]  }
0x274: {  	v62 =	vld [tilespmem:s2+$0x20];
	_ =	sdelay $0x1  }
0x275: {  	p1 =	slt.u32 s1, s4  }
.Ltmp13:
0x276: {  	v9 =	vperm.xlane v9, v7;
	(pc) =	sbr.rel @p1 .LBB2_46-.Ltmp13, $3  }
0x277: {  	_ = 	snop  }
0x278: {  	v9 =	vmul.f32 v62, v9;
	_ =	sdelay $0x1  }
0x279: {  	[tilespmem:s2+$0x20] =	vst v9  }
0x27a: {  	s4 =	simm.s32 $0x0  }
0x27b: {  	s2 =	simm.s32 $0x1CDC0;
	[tilespmem:s4+$0x1C980] =	vst v0;
	s4 =	simm.s32 $0x40  }
.LBB2_44:
0x27c: {  	p1 =	sne.s32 s4, $0xFC0;
	[tilespmem:s2+$0xFFFFFFC0] =	vst v0  }
0x27d: {  	[tilespmem:s2+$0xFFFFFFD0] =	vst v0  }
0x27e: {  	[tilespmem:s2+$0xFFFFFFE0] =	vst v0  }
0x27f: {  	[tilespmem:s2+$0xFFFFFFF0] =	vst v0  }
.Ltmp14:
0x280: {  	[tilespmem:s2+$0x0] =	vst v0;
	(pc) =	sbr.rel @p1 .LBB2_44-.Ltmp14, $4  }
0x281: {  	[tilespmem:s2+$0x10] =	vst v0  }
0x282: {  	[tilespmem:s2+$0x20] =	vst v0  }
0x283: {  	s19 =	sshra.s32 s4, $0x2;
	[tilespmem:s2+$0x30] =	vst v0  }
0x284: {  	s4 =	sadd.s32 $0x40, s4;
	s2 =	sadd.s32 $0x80, s2;
	[tilespmem:s19+$0x1C980] =	vst v0  }
0x285: {  	[tilespmem:s2+$0xFFFFFFC0] =	vst v0  }
0x286: {  	[tilespmem:s2+$0xFFFFFFD0] =	vst v0  }
0x287: {  	[tilespmem:s2+$0xFFFFFFE0] =	vst v0  }
.Ltmp15:
0x288: {  	[tilespmem:s2+$0xFFFFFFF0] =	vst v0;
	(pc) =	sbr.rel .LBB2_46-.Ltmp15, $4  }
0x289: {  	[tilespmem:s2+$0x0] =	vst v0  }
0x28a: {  	[tilespmem:s2+$0x10] =	vst v0  }
0x28b: {  	[tilespmem:s2+$0x20] =	vst v0  }
0x28c: {  	[tilespmem:s2+$0x30] =	vst v0  }
.LBB2_2:
0x28d: {  	[tilespmem:s2+$0x17080] =	vst v0;
	s2 =	sadd.s32 $0x40, s4  }
.LBB2_3:
0x28e: {  	p1 =	sne.s32 s2, $0xFC0;
	[tilespmem:s1+$0xFFFFFFC0] =	vst v0  }
0x28f: {  	[tilespmem:s1+$0xFFFFFFD0] =	vst v0  }
0x290: {  	[tilespmem:s1+$0xFFFFFFE0] =	vst v0  }
0x291: {  	[tilespmem:s1+$0xFFFFFFF0] =	vst v0  }
.Ltmp16:
0x292: {  	[tilespmem:s1+$0x0] =	vst v0;
	(pc) =	sbr.rel @p1 .LBB2_3-.Ltmp16, $4  }
0x293: {  	[tilespmem:s1+$0x10] =	vst v0  }
0x294: {  	[tilespmem:s1+$0x20] =	vst v0  }
0x295: {  	s4 =	sshra.s32 s2, $0x2;
	[tilespmem:s1+$0x30] =	vst v0  }
0x296: {  	s2 =	sadd.s32 $0x40, s2;
	s1 =	sadd.s32 $0x80, s1;
	[tilespmem:s4+$0x17080] =	vst v0  }
0x297: {  	[tilespmem:s1+$0xFFFFFFC0] =	vst v0  }
0x298: {  	[tilespmem:s1+$0xFFFFFFD0] =	vst v0  }
0x299: {  	[tilespmem:s1+$0xFFFFFFE0] =	vst v0  }
0x29a: {  	[tilespmem:s1+$0xFFFFFFF0] =	vst v0  }
0x29b: {  	[tilespmem:s1+$0x0] =	vst v0  }
0x29c: {  	[tilespmem:s1+$0x10] =	vst v0  }
0x29d: {  	[tilespmem:s1+$0x20] =	vst v0  }
0x29e: {  	[tilespmem:s1+$0x30] =	vst v0;
	s2 =	simm.s32 $0x17480  }
0x29f: {  	[spmem:s23] =	stream.linear.scatter [tilespmem:s2], [sflag:$0x1], $0x2000, $0x38;
	[tilespmem:$0x1ED80] =	vst v63  }
0x2a0: {  	s4 =	simm.s32 $0x17080  }
0x2a1: {  	[spmem:s19] =	stream.linear.scatter [tilespmem:s4], [sflag:$0x1], $0x400, $0x38;
	[tilespmem:$0x1ED80] =	vst v63  }
0x2a2: {  	s19 =	rddreg [dreg:$0xa]  }
0x2a3: {  	[spmem:s19] =	stream.linear.scatter [tilespmem:s2], [sflag:$0x1], $0x2000, $0x38;
	[tilespmem:$0x1ED80] =	vst v63  }
0x2a4: {  	s22 =	rddreg [dreg:$0xb]  }
0x2a5: {  	[spmem:s22] =	stream.linear.scatter [tilespmem:s4], [sflag:$0x1], $0x400, $0x38;
	[tilespmem:$0x1ED80] =	vst v63  }
0x2a6: {  	s23 =	rddreg [dreg:$0xc]  }
0x2a7: {  	[spmem:s23] =	stream.linear.scatter [tilespmem:s2], [sflag:$0x1], $0x2000, $0x38;
	[tilespmem:$0x1ED80] =	vst v63  }
0x2a8: {  	s25 =	rddreg [dreg:$0xd]  }
0x2a9: {  	[spmem:s25] =	stream.linear.scatter [tilespmem:s4], [sflag:$0x1], $0x400, $0x38;
	[tilespmem:$0x1ED80] =	vst v63  }
0x2aa: {  	s29 =	rddreg [dreg:$0xe]  }
0x2ab: {  	[spmem:s29] =	stream.linear.scatter [tilespmem:s2], [sflag:$0x1], $0x2000, $0x38;
	[tilespmem:$0x1ED80] =	vst v63  }
0x2ac: {  	s19 =	rddreg [dreg:$0xf]  }
0x2ad: {  	[spmem:s19] =	stream.linear.scatter [tilespmem:s4], [sflag:$0x1], $0x400, $0x38;
	[tilespmem:$0x1ED80] =	vst v63  }
0x2ae: {  	s22 =	rddreg [dreg:$0x10]  }
0x2af: {  	[spmem:s22] =	stream.linear.scatter [tilespmem:s2], [sflag:$0x1], $0x2000, $0x38;
	[tilespmem:$0x1ED80] =	vst v63  }
0x2b0: {  	s23 =	rddreg [dreg:$0x11]  }
0x2b1: {  	[spmem:s23] =	stream.linear.scatter [tilespmem:s4], [sflag:$0x1], $0x400, $0x38;
	[tilespmem:$0x1ED80] =	vst v63  }
0x2b2: {  	s25 =	rddreg [dreg:$0x12]  }
0x2b3: {  	[spmem:s25] =	stream.linear.scatter [tilespmem:s2], [sflag:$0x1], $0x2000, $0x38;
	[tilespmem:$0x1ED80] =	vst v63  }
0x2b4: {  	s29 =	rddreg [dreg:$0x13]  }
0x2b5: {  	[spmem:s29] =	stream.linear.scatter [tilespmem:s4], [sflag:$0x1], $0x400, $0x38;
	[tilespmem:$0x1ED80] =	vst v63  }
0x2b6: {  	s19 =	rddreg [dreg:$0x14]  }
0x2b7: {  	[spmem:s19] =	stream.linear.scatter [tilespmem:s2], [sflag:$0x1], $0x2000, $0x38;
	[tilespmem:$0x1ED80] =	vst v63  }
0x2b8: {  	s22 =	rddreg [dreg:$0x15]  }
0x2b9: {  	[spmem:s22] =	stream.linear.scatter [tilespmem:s4], [sflag:$0x1], $0x400, $0x38;
	[tilespmem:$0x1ED80] =	vst v63  }
0x2ba: {  	s23 =	rddreg [dreg:$0x16]  }
0x2bb: {  	[spmem:s23] =	stream.linear.scatter [tilespmem:s2], [sflag:$0x1], $0x2000, $0x38;
	[tilespmem:$0x1ED80] =	vst v63  }
0x2bc: {  	s25 =	rddreg [dreg:$0x17]  }
0x2bd: {  	[spmem:s25] =	stream.linear.scatter [tilespmem:s4], [sflag:$0x1], $0x400, $0x38;
	[tilespmem:$0x1ED80] =	vst v63  }
0x2be: {  	s29 =	rddreg [dreg:$0x18]  }
0x2bf: {  	[spmem:s29] =	stream.linear.scatter [tilespmem:s2], [sflag:$0x1], $0x2000, $0x38;
	[tilespmem:$0x1ED80] =	vst v63  }
0x2c0: {  	s19 =	rddreg [dreg:$0x19]  }
0x2c1: {  	[spmem:s19] =	stream.linear.scatter [tilespmem:s4], [sflag:$0x1], $0x400, $0x38;
	[tilespmem:$0x1ED80] =	vst v63  }
0x2c2: {  	s22 =	rddreg [dreg:$0x1a]  }
0x2c3: {  	[spmem:s22] =	stream.linear.scatter [tilespmem:s2], [sflag:$0x1], $0x2000, $0x38;
	[tilespmem:$0x1ED80] =	vst v63  }
0x2c4: {  	s23 =	rddreg [dreg:$0x1b]  }
0x2c5: {  	[spmem:s23] =	stream.linear.scatter [tilespmem:s4], [sflag:$0x1], $0x400, $0x38;
	[tilespmem:$0x1ED80] =	vst v63  }
0x2c6: {  	_ =	swait.ge [sflag:s26], $0x2000  }
0x2c7: {  	[sflag:s26] =	ssyncset.done $0x0  }
0x2c8: {  	[sflag:s26] =	ssyncadd.s32 $0xFFFFE000  }
0x2c9: {  	_ =	swait.ge [sflag:s26], $0x400  }
0x2ca: {  	[sflag:s26] =	ssyncset.done $0x0  }
0x2cb: {  	[sflag:s26] =	ssyncadd.s32 $0xFFFFFC00  }
0x2cc: {  	_ =	swait.ge [sflag:s26], $0x2000  }
0x2cd: {  	[sflag:s26] =	ssyncset.done $0x0  }
0x2ce: {  	[sflag:s26] =	ssyncadd.s32 $0xFFFFE000  }
0x2cf: {  	_ =	swait.ge [sflag:s26], $0x400  }
0x2d0: {  	[sflag:s26] =	ssyncset.done $0x0  }
0x2d1: {  	[sflag:s26] =	ssyncadd.s32 $0xFFFFFC00  }
0x2d2: {  	_ =	swait.ge [sflag:s26], $0x2000  }
0x2d3: {  	[sflag:s26] =	ssyncset.done $0x0  }
0x2d4: {  	[sflag:s26] =	ssyncadd.s32 $0xFFFFE000  }
0x2d5: {  	_ =	swait.ge [sflag:s26], $0x400  }
0x2d6: {  	[sflag:s26] =	ssyncset.done $0x0  }
0x2d7: {  	[sflag:s26] =	ssyncadd.s32 $0xFFFFFC00  }
0x2d8: {  	_ =	swait.ge [sflag:s26], $0x2000  }
0x2d9: {  	[sflag:s26] =	ssyncset.done $0x0  }
0x2da: {  	[sflag:s26] =	ssyncadd.s32 $0xFFFFE000  }
0x2db: {  	_ =	swait.ge [sflag:s26], $0x400  }
0x2dc: {  	[sflag:s26] =	ssyncset.done $0x0  }
0x2dd: {  	[sflag:s26] =	ssyncadd.s32 $0xFFFFFC00  }
0x2de: {  	_ =	swait.ge [sflag:s26], $0x2000  }
0x2df: {  	[sflag:s26] =	ssyncset.done $0x0  }
0x2e0: {  	[sflag:s26] =	ssyncadd.s32 $0xFFFFE000  }
0x2e1: {  	_ =	swait.ge [sflag:s26], $0x400  }
0x2e2: {  	[sflag:s26] =	ssyncset.done $0x0  }
0x2e3: {  	[sflag:s26] =	ssyncadd.s32 $0xFFFFFC00  }
0x2e4: {  	_ =	swait.ge [sflag:s26], $0x2000  }
0x2e5: {  	[sflag:s26] =	ssyncset.done $0x0  }
0x2e6: {  	[sflag:s26] =	ssyncadd.s32 $0xFFFFE000  }
0x2e7: {  	_ =	swait.ge [sflag:s26], $0x400  }
0x2e8: {  	[sflag:s26] =	ssyncset.done $0x0  }
0x2e9: {  	[sflag:s26] =	ssyncadd.s32 $0xFFFFFC00  }
0x2ea: {  	_ =	swait.ge [sflag:s26], $0x2000  }
0x2eb: {  	[sflag:s26] =	ssyncset.done $0x0  }
0x2ec: {  	[sflag:s26] =	ssyncadd.s32 $0xFFFFE000  }
0x2ed: {  	_ =	swait.ge [sflag:s26], $0x400  }
0x2ee: {  	[sflag:s26] =	ssyncset.done $0x0  }
0x2ef: {  	[sflag:s26] =	ssyncadd.s32 $0xFFFFFC00  }
0x2f0: {  	_ =	swait.ge [sflag:s26], $0x2000  }
0x2f1: {  	[sflag:s26] =	ssyncset.done $0x0  }
0x2f2: {  	[sflag:s26] =	ssyncadd.s32 $0xFFFFE000  }
0x2f3: {  	_ =	swait.ge [sflag:s26], $0x400  }
0x2f4: {  	[sflag:s26] =	ssyncset.done $0x0  }
0x2f5: {  	[sflag:s26] =	ssyncadd.s32 $0xFFFFFC00  }
0x2f6: {  	_ =	swait.ge [sflag:s26], $0x2000  }
0x2f7: {  	[sflag:s26] =	ssyncset.done $0x0  }
0x2f8: {  	[sflag:s26] =	ssyncadd.s32 $0xFFFFE000  }
0x2f9: {  	_ =	swait.ge [sflag:s26], $0x400  }
0x2fa: {  	[sflag:s26] =	ssyncset.done $0x0  }
0x2fb: {  	[sflag:s26] =	ssyncadd.s32 $0xFFFFFC00  }
0x2fc: {  	_ =	swait.ge [sflag:s26], $0x2000  }
0x2fd: {  	[sflag:s26] =	ssyncset.done $0x0  }
0x2fe: {  	[sflag:s26] =	ssyncadd.s32 $0xFFFFE000  }
0x2ff: {  	_ =	swait.ge [sflag:s26], $0x400  }
0x300: {  	[sflag:s26] =	ssyncset.done $0x0  }
0x301: {  	[sflag:s26] =	ssyncadd.s32 $0xFFFFFC00  }
0x302: {  	[bflag:$0x0] =	sbarrier.arrive $0xFFFF  }
0x303: {  	s25 =	sld [smem:$0x7F7];
	_ =	sdelay $0x1  }
0x304: {  	s4 =	simm.s32 $0x27100  }
0x305: {  	[tilespmem:s30], [sflag:$0x7] =	stream.strided.gather [hbm4b:s25+s28], $0x80, s4, s28, $0x38;
	[tilespmem:$0x1ED80] =	vst v63  }
0x306: {  	_ =	swait.ge [sflag:s31], $0x80  }
0x307: {  	[sflag:s31] =	ssyncset.done $0x0  }
0x308: {  	s29 =	simm.s32 $0x16880;
	[sflag:s31] =	ssyncadd.s32 $0xFFFFFF80  }
0x309: {  	[tilespmem:s29], [sflag:$0x1] =	stream.indirect.gather [hbm4b:s5+s28], $0x10, s30, s28, $0xb8;
	[tilespmem:$0x1ED80] =	vst v63  }
0x30a: {  	s19 =	simm.s32 $0x16C80  }
0x30b: {  	[tilespmem:s19], [sflag:$0x1] =	stream.indirect.gather [hbm4b:s6+s28], $0x10, s13, s28, $0xb8;
	[tilespmem:$0x1ED80] =	vst v63  }
0x30c: {  	s22 =	sld [smem:$0x7F6]  }
0x30d: {  	[tilespmem:s2], [sflag:$0x1] =	stream.indirect.gather [hbm4b:s7+s28], $0x80, s30, s28, $0xb8;
	[tilespmem:$0x1ED80] =	vst v63  }
0x30e: {  	_ = 	snop  }
0x30f: {  	[tilespmem:s15], [sflag:$0x8] =	stream.strided.gather [hbm4b:s22+s28], $0x80, s4, s28, $0x38;
	[tilespmem:$0x1ED80] =	vst v63  }
0x310: {  	_ =	swait.ge [sflag:s16], $0x80  }
0x311: {  	[sflag:s16] =	ssyncset.done $0x0  }
0x312: {  	s23 =	simm.s32 $0x19500;
	[sflag:s16] =	ssyncadd.s32 $0xFFFFFF80  }
0x313: {  	[tilespmem:s23], [sflag:$0x2] =	stream.indirect.gather [hbm4b:s5+s28], $0x10, s15, s28, $0xb8;
	[tilespmem:$0x1ED80] =	vst v63  }
0x314: {  	s25 =	simm.s32 $0x19900  }
0x315: {  	[tilespmem:s25], [sflag:$0x2] =	stream.indirect.gather [hbm4b:s6+s28], $0x10, s20, s28, $0xb8;
	[tilespmem:$0x1ED80] =	vst v63  }
0x316: {  	s29 =	simm.s32 $0x1A100;
	s2 =	sld [smem:$0x7F8]  }
0x317: {  	[tilespmem:s29], [sflag:$0x2] =	stream.indirect.gather [hbm4b:s7+s28], $0x80, s15, s28, $0xb8;
	[tilespmem:$0x1ED80] =	vst v63  }
0x318: {  	s19 =	simm.s32 $0x1C100;
	s22 =	simm.s32 $0x9  }
0x319: {  	[tilespmem:s19], [sflag:$0x9] =	stream.strided.gather [hbm4b:s2+s28], $0x80, s4, s28, $0x38;
	[tilespmem:$0x1ED80] =	vst v63  }
0x31a: {  	_ =	swait.ge [sflag:s22], $0x80  }
0x31b: {  	[sflag:s22] =	ssyncset.done $0x0  }
0x31c: {  	s23 =	simm.s32 $0x1C180;
	[sflag:s22] =	ssyncadd.s32 $0xFFFFFF80  }
0x31d: {  	[tilespmem:s23], [sflag:$0x3] =	stream.indirect.gather [hbm4b:s5+s28], $0x10, s19, s28, $0xb8;
	[tilespmem:$0x1ED80] =	vst v63  }
.Ltmp17:
0x31e: {  	_ = 	snop;
	(pc) =	sbr.rel .LBB2_5-.Ltmp17, $4  }
0x31f: {  	s25 =	simm.s32 $0x1C580  }
0x320: {  	[tilespmem:s25], [sflag:$0x3] =	stream.indirect.gather [hbm4b:s6+s28], $0x10, s24, s28, $0xb8;
	[tilespmem:$0x1ED80] =	vst v63  }
0x321: {  	s29 =	simm.s32 $0x1CD80;
	s4 =	rddreg [dreg:$0x1];
	s25 =	simm.s32 $0x0  }
0x322: {  	[tilespmem:s29], [sflag:$0x3] =	stream.indirect.gather [hbm4b:s7+s28], $0x80, s19, s28, $0xb8;
	[tilespmem:$0x1ED80] =	vst v63  }
.LBB2_22:
0x323: {  	[tilespmem:s2+$0xFFFFFFC0] =	vst v0  }
0x324: {  	[tilespmem:s2+$0xFFFFFFD0] =	vst v0  }
0x325: {  	[tilespmem:s2+$0xFFFFFFE0] =	vst v0  }
0x326: {  	[tilespmem:s2+$0xFFFFFFF0] =	vst v0  }
0x327: {  	[tilespmem:s2+$0x0] =	vst v0  }
0x328: {  	[tilespmem:s2+$0x10] =	vst v0  }
0x329: {  	[tilespmem:s2+$0x20] =	vst v0  }
0x32a: {  	[tilespmem:s2+$0x30] =	vst v0  }
.LBB2_23:
0x32b: {  	s2 =	simm.s32 $0x1C140;
	s4 =	simm.s32 $0x1C980  }
0x32c: {  	[spmem:s12] =	stream.indirect.scatter.add.f32 [tilespmem:s4], [sflag:$0x6], $0x10, s2, s28, $0xb8;
	[tilespmem:$0x1ED80] =	vst v63  }
0x32d: {  	s29 =	simm.s32 $0x1CD80  }
0x32e: {  	[spmem:s3] =	stream.indirect.scatter.add.f32 [tilespmem:s29], [sflag:$0x6], $0x80, s2, s28, $0xb8;
	[tilespmem:$0x1ED80] =	vst v63  }
0x32f: {  	_ =	swait.ge [sflag:s0], $0x400  }
0x330: {  	s1 =	sadd.s32 $0x4, s1;
	[sflag:s0] =	ssyncset.done $0x0  }
0x331: {  	p1 =	slt.u32 s1, s17;
	s1 =	sshll.u32 s1, $0x4;
	[sflag:s0] =	ssyncadd.s32 $0xFFFFFC00  }
0x332: {  	s1 =	simm.s32 @!p1 $0x0;
	_ =	swait.ge [sflag:s0], $0x2000  }
0x333: {  	s1 =	sor.u32 s11, s1;
	[sflag:s0] =	ssyncset.done $0x0  }
0x334: {  	s1 =	sshll.u32 s1, $0x3;
	[sflag:s0] =	ssyncadd.s32 $0xFFFFE000  }
0x335: {  	s1 =	sand.u32 $0x1FFFFFF8, s1;
	s4 =	rddreg [dreg:$0x1]  }
0x336: {  	s19 =	simm.s32 $0x27100;
	s1 =	sadd.s32 s4, s1  }
0x337: {  	[tilespmem:s15], [sflag:$0x8] =	stream.strided.gather [hbm4b:s1+s28], $0x80, s19, s28, $0x38;
	[tilespmem:$0x1ED80] =	vst v63  }
0x338: {  	_ =	swait.ge [sflag:s16], $0x80  }
0x339: {  	s25 =	sadd.s32 $0x1, s25;
	[sflag:s16] =	ssyncset.done $0x0  }
0x33a: {  	s22 =	simm.s32 $0x19500;
	p1 =	seq.s32 s25, $0x35;
	[sflag:s16] =	ssyncadd.s32 $0xFFFFFF80  }
0x33b: {  	[tilespmem:s22], [sflag:$0x2] =	stream.indirect.gather [hbm4b:s5+s28], $0x10, s15, s28, $0xb8;
	[tilespmem:$0x1ED80] =	vst v63  }
.Ltmp18:
0x33c: {  	_ = 	snop;
	(pc) =	sbr.rel @p1 .LBB2_24-.Ltmp18, $4  }
0x33d: {  	s23 =	simm.s32 $0x19900  }
0x33e: {  	[tilespmem:s23], [sflag:$0x2] =	stream.indirect.gather [hbm4b:s6+s28], $0x10, s20, s28, $0xb8;
	[tilespmem:$0x1ED80] =	vst v63  }
0x33f: {  	s24 =	simm.s32 $0x1C140;
	s29 =	simm.s32 $0x1A100  }
0x340: {  	[tilespmem:s29], [sflag:$0x2] =	stream.indirect.gather [hbm4b:s7+s28], $0x80, s15, s28, $0xb8;
	[tilespmem:$0x1ED80] =	vst v63  }
.LBB2_5:
0x341: {  	p1 =	seq.s32 s25, $0x0  }
0x342: {  	s1 =	smul.u32 @!p1 $0x3, s25;
	_ =	sdelay $0x1  }
0x343: {  	s2 =	simm.s32 @!p1 $0x6;
	s1 =	sadd.s32 @!p1 $0x2, s1  }
0x344: {  	_ =	swait.ge @!p1 [sflag:s2], $0x400;
	p2 =	slt.u32 @!p1 s1, s17  }
0x345: {  	[sflag:s2] =	ssyncset.done @!p1 $0x0;
	s1 =	sshll.u32 @!p1 s1, $0x4;
	p2 =	por !p2, p1  }
0x346: {  	[sflag:s2] =	ssyncadd.s32 @!p1 $0xFFFFFC00;
	s1 =	simm.s32 @p2 $0x0  }
0x347: {  	_ =	swait.ge @!p1 [sflag:s2], $0x2000;
	s1 =	sor.u32 @!p1 s11, s1  }
0x348: {  	[sflag:s2] =	ssyncset.done @!p1 $0x0;
	s1 =	sshll.u32 @!p1 s1, $0x3  }
0x349: {  	s19 =	simm.s32 @!p1 $0x1C100;
	[sflag:s2] =	ssyncadd.s32 @!p1 $0xFFFFE000;
	s1 =	sand.u32 @!p1 $0x1FFFFFF8, s1  }
0x34a: {  	s2 =	simm.s32 @!p1 $0x40;
	s1 =	sadd.s32 @!p1 s4, s1;
	s4 =	simm.s32 @!p1 $0x27100  }
0x34b: {  	[tilespmem:s19], [sflag:$0x9] =	stream.strided.gather @!p1 [hbm4b:s1+s2], $0x80, s4, s2, $0x38;
	[tilespmem:$0x1ED80] =	vst v63  }
0x34c: {  	s1 =	simm.s32 @!p1 $0x9  }
0x34d: {  	_ =	swait.ge @!p1 [sflag:s1], $0x80  }
0x34e: {  	[sflag:s1] =	ssyncset.done @!p1 $0x0  }
0x34f: {  	[sflag:s1] =	ssyncadd.s32 @!p1 $0xFFFFFF80;
	s1 =	simm.s32 @!p1 $0x1C180  }
0x350: {  	[tilespmem:s1], [sflag:$0x3] =	stream.indirect.gather @!p1 [hbm4b:s5+s2], $0x10, s19, s2, $0xb8;
	[tilespmem:$0x1ED80] =	vst v63  }
0x351: {  	s4 =	simm.s32 @!p1 $0x1C580;
	s1 =	simm.s32 @!p1 $0x1C140  }
0x352: {  	[tilespmem:s4], [sflag:$0x3] =	stream.indirect.gather @!p1 [hbm4b:s6+s2], $0x10, s1, s2, $0xb8;
	[tilespmem:$0x1ED80] =	vst v63  }
0x353: {  	s1 =	simm.s32 @!p1 $0x1CD80  }
0x354: {  	[tilespmem:s1], [sflag:$0x3] =	stream.indirect.gather @!p1 [hbm4b:s7+s2], $0x80, s19, s2, $0xb8;
	[tilespmem:$0x1ED80] =	vst v63  }
0x355: {  	_ =	swait.ge [sflag:s26], $0x400  }
0x356: {  	[sflag:s26] =	ssyncset.done $0x0  }
0x357: {  	[sflag:s26] =	ssyncadd.s32 $0xFFFFFC00  }
0x358: {  	_ =	swait.ge [sflag:s26], $0x400  }
0x359: {  	[sflag:s26] =	ssyncset.done $0x0  }
0x35a: {  	[sflag:s26] =	ssyncadd.s32 $0xFFFFFC00  }
0x35b: {  	_ =	swait.ge [sflag:s26], $0x2000  }
0x35c: {  	[sflag:s26] =	ssyncset.done $0x0  }
0x35d: {  	s19 =	simm.s32 $0x0;
	[sflag:s26] =	ssyncadd.s32 $0xFFFFE000  }
0x35e: {  	v9 =	vld [tilespmem:s19+$0x16880]  }
0x35f: {  	v10 =	vld [tilespmem:s19+$0x16C80];
	_ =	sdelay $0x4  }
0x360: {  	v9 =	vadd.f32 v10, v9;
	_ =	sdelay $0x1  }
0x361: {  	v10 =	vmul.f32 $2.000000030e-01, v9  }
0x362: {  	s24 =	simm.s32 $0x10  }
0x363: {  	v11 =	vld [tilespmem:s24+$0x16C80];
	v9 =	vmax.f32 v9, v10  }
0x364: {  	v10 =	vld [tilespmem:s24+$0x16880];
	v9 =	vmul.f32 $1.442695020e+00, v9;
	_ =	sdelay $0x1  }
0x365: {  	(erf) = vpow2.f32 v9;
	_ =	sdelay $0x2  }
0x366: {  	v9 =	vadd.f32 v11, v10;
	_ =	sdelay $0x1  }
0x367: {  	v10 =	vmul.f32 $2.000000030e-01, v9  }
0x368: {  	s23 =	simm.s32 $0x20  }
0x369: {  	v11 =	vld [tilespmem:s23+$0x16880];
	v9 =	vmax.f32 v9, v10  }
0x36a: {  	v10 =	vld [tilespmem:s23+$0x16C80];
	v9 =	vmul.f32 $1.442695020e+00, v9  }
0x36b: {  	v12 =	vpop (erf)  }
0x36c: {  	s22 =	simm.s32 $0x174C0;
	(erf) = vpow2.f32 v9;
	[tilespmem:s19+$0x17080] =	vst v12  }
0x36d: {  	v9 =	vld [tilespmem:s22+$0x30]  }
0x36e: {  	v13 =	vld [tilespmem:s22+$0xFFFFFFC0]  }
0x36f: {  	v14 =	vperm.xlane v12, v1;
	v15 =	vperm.xlane v12, v8;
	v10 =	vadd.f32 v10, v11;
	v18 =	vld [tilespmem:s22+$0xFFFFFFE0]  }
0x370: {  	v16 =	vperm.xlane v12, v2;
	v17 =	vperm.xlane v12, v3;
	v22 =	vld [tilespmem:s22+$0x0]  }
0x371: {  	s1 =	simm.s32 $0x30;
	v23 =	vperm.xlane v12, v5;
	v11 =	vld [tilespmem:s22+$0xFFFFFFD0];
	v19 =	vmul.f32 $2.000000030e-01, v10  }
0x372: {  	v20 =	vld [tilespmem:s1+$0x16880];
	v24 =	vperm.xlane v12, v6;
	v9 =	vmul.f32 v9, v15  }
0x373: {  	v25 =	vperm.xlane v12, v7;
	v21 =	vld [tilespmem:s22+$0xFFFFFFF0];
	v10 =	vmax.f32 v10, v19;
	v13 =	vmul.f32 v13, v14  }
0x374: {  	v15 =	vperm.xlane v12, v4;
	v10 =	vmul.f32 $1.442695020e+00, v10;
	[tilespmem:s22+$0x30] =	vst v9;
	v9 =	vld [tilespmem:s1+$0x16C80]  }
0x375: {  	v28 =	vld [tilespmem:s22+$0x20];
	v17 =	vmul.f32 v18, v17;
	v33 =	vmul.f32 v22, v23;
	[tilespmem:s22+$0xFFFFFFC0] =	vst v13;
	v26 =	vpop (erf)  }
0x376: {  	s29 =	simm.s32 $0x17540;
	v18 =	vld [tilespmem:s22+$0x10];
	v13 =	vmul.f32 v11, v16;
	(erf) = vpow2.f32 v10;
	[tilespmem:s24+$0x17080] =	vst v26  }
0x377: {  	v27 =	vperm.xlane v26, v1;
	v16 =	vperm.xlane v26, v2;
	v29 =	vld [tilespmem:s29+$0x30]  }
0x378: {  	v14 =	vperm.xlane v26, v3;
	v11 =	vperm.xlane v26, v4;
	v30 =	vld [tilespmem:s29+$0xFFFFFFC0]  }
0x379: {  	v10 =	vperm.xlane v26, v5;
	v12 =	vperm.xlane v26, v7;
	v31 =	vadd.f32 v9, v20;
	v20 =	vld [tilespmem:s29+$0xFFFFFFD0]  }
0x37a: {  	[tilespmem:s22+$0xFFFFFFE0] =	vst v17;
	v19 =	vld [tilespmem:s29+$0xFFFFFFE0];
	v9 =	vperm.xlane v26, v6;
	v26 =	vperm.xlane v26, v8  }
0x37b: {  	v21 =	vmul.f32 v21, v15;
	[tilespmem:s22+$0x0] =	vst v33;
	v15 =	vld [tilespmem:s29+$0xFFFFFFF0];
	v32 =	vmul.f32 $2.000000030e-01, v31  }
0x37c: {  	s19 =	simm.s32 $0x40;
	[tilespmem:s22+$0xFFFFFFD0] =	vst v13;
	v13 =	vld [tilespmem:s29+$0x0];
	v17 =	vmul.f32 v18, v24;
	v22 =	vmul.f32 v29, v26  }
0x37d: {  	s4 =	simm.s32 $0x17540;
	s24 =	simm.s32 $0x140;
	[tilespmem:s22+$0xFFFFFFF0] =	vst v21;
	v21 =	vld [tilespmem:s19+$0x16880];
	v18 =	vmul.f32 v28, v25;
	v23 =	vmul.f32 v30, v27;
	v24 =	vmax.f32 v31, v32  }
.LBB2_6:
0x37e: {  	p1 =	sne.s32 s24, $0xFC0;
	v25 =	vld [tilespmem:s19+$0x16C80];
	v24 =	vmul.f32 $1.442695020e+00, v24;
	v20 =	vmul.f32 v20, v16;
	[tilespmem:s29+$0x30] =	vst v22;
	v26 =	vmov v12  }
0x37f: {  	v22 =	vpop (erf);
	[tilespmem:s29+$0xFFFFFFC0] =	vst v23;
	v12 =	vmul.f32 v19, v14;
	v23 =	vld [tilespmem:s29+$0x10]  }
0x380: {  	s29 =	sadd.s32 $0x80, s29;
	(erf) = vpow2.f32 v24;
	[tilespmem:s23+$0x17080] =	vst v22;
	v27 =	vperm.xlane v22, v1;
	v28 =	vld [tilespmem:s4+$0x20];
	s23 =	smov.u32 s1;
	s1 =	smov.u32 s19  }
0x381: {  	v16 =	vperm.xlane v22, v2;
	v14 =	vperm.xlane v22, v3;
	v24 =	vld [tilespmem:s29+$0x30];
	[tilespmem:s4+$0xFFFFFFD0] =	vst v20  }
0x382: {  	v30 =	vperm.xlane v22, v4;
	v31 =	vperm.xlane v22, v5;
	v29 =	vld [tilespmem:s29+$0xFFFFFFC0];
	[tilespmem:s4+$0xFFFFFFE0] =	vst v12  }
.Ltmp19:
0x383: {  	v12 =	vperm.xlane v22, v7;
	v25 =	vadd.f32 v25, v21;
	v20 =	vld [tilespmem:s29+$0xFFFFFFD0];
	v21 =	vperm.xlane v22, v6;
	[tilespmem:s22+$0x10] =	vst v17;
	(pc) =	sbr.rel @p1 .LBB2_6-.Ltmp19, $4  }
0x384: {  	v32 =	vmul.f32 v15, v11;
	v11 =	vmov v30;
	v17 =	vperm.xlane v22, v8;
	v19 =	vld [tilespmem:s29+$0xFFFFFFE0];
	[tilespmem:s22+$0x20] =	vst v18;
	s22 =	smov.u32 s4;
	s4 =	smov.u32 s29  }
0x385: {  	v30 =	vmul.f32 v13, v10;
	v10 =	vmov v31;
	v18 =	vmul.f32 $2.000000030e-01, v25;
	v15 =	vld [tilespmem:s29+$0xFFFFFFF0]  }
0x386: {  	s19 =	sshra.s32 s24, $0x2;
	v13 =	vld [tilespmem:s29+$0x0];
	v22 =	vmul.f32 v24, v17;
	[tilespmem:s22+$0xFFFFFFF0] =	vst v32;
	v17 =	vmul.f32 v23, v9;
	v9 =	vmov v21  }
0x387: {  	s24 =	sadd.s32 $0x40, s24;
	v21 =	vld [tilespmem:s19+$0x16880];
	v24 =	vmax.f32 v25, v18;
	v23 =	vmul.f32 v29, v27;
	[tilespmem:s22+$0x0] =	vst v30;
	v18 =	vmul.f32 v28, v26  }
0x388: {  	v25 =	vld [tilespmem:s19+$0x16C80];
	v24 =	vmul.f32 $1.442695020e+00, v24;
	_ =	sdelay $0x1  }
0x389: {  	v54 =	vpop (erf);
	(erf) = vpow2.f32 v24  }
0x38a: {  	[tilespmem:s29+$0x30] =	vst v22  }
0x38b: {  	[tilespmem:s22+$0x10] =	vst v17  }
0x38c: {  	v55 =	vld [tilespmem:s29+$0x10];
	[tilespmem:s29+$0xFFFFFFC0] =	vst v23;
	v10 =	vmul.f32 v13, v10;
	v21 =	vadd.f32 v25, v21  }
0x38d: {  	s24 =	sadd.s32 $0x80, s29;
	[tilespmem:s23+$0x17080] =	vst v54;
	v56 =	vld [tilespmem:s4+$0x20]  }
0x38e: {  	v16 =	vmul.f32 v20, v16;
	[tilespmem:s4+$0x0] =	vst v10;
	v10 =	vld [tilespmem:s24+$0xFFFFFFF0];
	v59 =	vmul.f32 $2.000000030e-01, v21  }
0x38f: {  	[tilespmem:s22+$0x20] =	vst v18;
	v11 =	vmul.f32 v15, v11;
	v57 =	vld [tilespmem:s24+$0x30]  }
0x390: {  	v14 =	vmul.f32 v19, v14;
	[tilespmem:s4+$0xFFFFFFD0] =	vst v16;
	v61 =	vperm.xlane v54, v8;
	v58 =	vld [tilespmem:s24+$0xFFFFFFC0];
	v27 =	vmax.f32 v21, v59  }
0x391: {  	v34 =	vperm.xlane v54, v4;
	v60 =	vld [tilespmem:s24+$0xFFFFFFD0];
	[tilespmem:s4+$0xFFFFFFF0] =	vst v11;
	v11 =	vmul.f32 $1.442695020e+00, v27  }
0x392: {  	v62 =	vperm.xlane v54, v1;
	[tilespmem:s4+$0xFFFFFFE0] =	vst v14;
	v63 =	vld [tilespmem:s24+$0xFFFFFFE0];
	v9 =	vmul.f32 v55, v9;
	v31 =	vpop (erf)  }
0x393: {  	s29 =	sadd.s32 $0x80, s24;
	v10 =	vmul.f32 v10, v34;
	(erf) = vpow2.f32 v11;
	v11 =	vld [tilespmem:s24+$0x0];
	[tilespmem:s1+$0x17080] =	vst v31  }
0x394: {  	v29 =	vperm.xlane v54, v2;
	v12 =	vmul.f32 v56, v12;
	[tilespmem:s4+$0x10] =	vst v9;
	v33 =	vld [tilespmem:s29+$0x30]  }
0x395: {  	v30 =	vperm.xlane v54, v3;
	v28 =	vmul.f32 v57, v61;
	[tilespmem:s24+$0xFFFFFFF0] =	vst v10;
	v10 =	vld [tilespmem:s24+$0x20]  }
0x396: {  	v35 =	vperm.xlane v54, v5;
	v15 =	vmul.f32 v58, v62;
	[tilespmem:s4+$0x20] =	vst v12  }
0x397: {  	v13 =	vmul.f32 v60, v29;
	[tilespmem:s24+$0x30] =	vst v28;
	v9 =	vperm.xlane v31, v8  }
0x398: {  	v45 =	vperm.xlane v54, v7;
	v39 =	vld [tilespmem:s24+$0x10];
	v32 =	vmul.f32 v63, v30;
	[tilespmem:s24+$0xFFFFFFC0] =	vst v15  }
0x399: {  	[tilespmem:s24+$0xFFFFFFD0] =	vst v13;
	v44 =	vld [tilespmem:s29+$0x0];
	v11 =	vmul.f32 v11, v35;
	v9 =	vmul.f32 v33, v9  }
0x39a: {  	[tilespmem:s24+$0xFFFFFFE0] =	vst v32;
	v38 =	vld [tilespmem:s29+$0xFFFFFFE0];
	v10 =	vmul.f32 v10, v45  }
0x39b: {  	v43 =	vperm.xlane v54, v6;
	v36 =	vld [tilespmem:s29+$0xFFFFFFC0];
	[tilespmem:s24+$0x0] =	vst v11  }
0x39c: {  	v49 =	vperm.xlane v31, v5;
	v37 =	vld [tilespmem:s29+$0xFFFFFFD0];
	[tilespmem:s24+$0x20] =	vst v10  }
0x39d: {  	v12 =	vmul.f32 v39, v43;
	v42 =	vld [tilespmem:s29+$0xFFFFFFF0];
	v11 =	vperm.xlane v31, v3;
	[tilespmem:s29+$0x30] =	vst v9;
	v9 =	vpop (erf)  }
0x39e: {  	s2 =	sadd.s32 $0x80, s29;
	v40 =	vperm.xlane v31, v1;
	v52 =	vld [tilespmem:s29+$0x10];
	v10 =	vmul.f32 v44, v49;
	[tilespmem:s19+$0x17080] =	vst v9  }
0x39f: {  	[tilespmem:s24+$0x10] =	vst v12;
	v41 =	vperm.xlane v31, v2;
	v11 =	vmul.f32 v38, v11;
	v46 =	vld [tilespmem:s2+$0x30]  }
0x3a0: {  	v47 =	vperm.xlane v31, v4;
	v13 =	vmul.f32 v36, v40;
	[tilespmem:s29+$0x0] =	vst v10;
	v48 =	vld [tilespmem:s2+$0xFFFFFFC0]  }
0x3a1: {  	v15 =	vmul.f32 v37, v41;
	v10 =	vperm.xlane v31, v6;
	[tilespmem:s29+$0xFFFFFFE0] =	vst v11;
	v11 =	vld [tilespmem:s2+$0xFFFFFFD0]  }
0x3a2: {  	v17 =	vmul.f32 v42, v47;
	[tilespmem:s29+$0xFFFFFFC0] =	vst v13;
	v51 =	vperm.xlane v9, v8;
	v50 =	vld [tilespmem:s2+$0xFFFFFFE0]  }
0x3a3: {  	[tilespmem:s29+$0xFFFFFFD0] =	vst v15;
	v53 =	vperm.xlane v9, v1;
	v10 =	vmul.f32 v52, v10;
	v57 =	vld [tilespmem:s2+$0xFFFFFFF0]  }
0x3a4: {  	v54 =	vld [tilespmem:s29+$0x20];
	[tilespmem:s29+$0xFFFFFFF0] =	vst v17;
	v55 =	vperm.xlane v9, v2;
	v13 =	vmul.f32 v46, v51  }
0x3a5: {  	v56 =	vperm.xlane v9, v3;
	v60 =	vld [tilespmem:s2+$0x10];
	[tilespmem:s29+$0x10] =	vst v10;
	v15 =	vmul.f32 v48, v53  }
0x3a6: {  	v61 =	vperm.xlane v9, v4;
	v58 =	vld [tilespmem:s2+$0x0];
	v11 =	vmul.f32 v11, v55;
	[tilespmem:s2+$0x30] =	vst v13  }
0x3a7: {  	v59 =	vperm.xlane v31, v7;
	s1 =	smul.u32 $0x3, s25;
	v62 =	vld [tilespmem:s2+$0x20];
	v12 =	vmul.f32 v50, v56;
	[tilespmem:s2+$0xFFFFFFC0] =	vst v15  }
0x3a8: {  	v63 =	vperm.xlane v9, v6;
	v10 =	vmul.f32 v57, v61;
	[tilespmem:s2+$0xFFFFFFD0] =	vst v11  }
0x3a9: {  	p1 =	slt.u32 s1, s17;
	v11 =	vperm.xlane v9, v5;
	v13 =	vmul.f32 v54, v59;
	[tilespmem:s2+$0xFFFFFFE0] =	vst v12  }
.Ltmp20:
0x3aa: {  	v9 =	vperm.xlane v9, v7;
	[tilespmem:s2+$0xFFFFFFF0] =	vst v10;
	v10 =	vmul.f32 v60, v63;
	(pc) =	sbr.rel @p1 .LBB2_11-.Ltmp20, $4  }
0x3ab: {  	[tilespmem:s29+$0x20] =	vst v13;
	v11 =	vmul.f32 v58, v11  }
0x3ac: {  	v9 =	vmul.f32 v62, v9;
	[tilespmem:s2+$0x10] =	vst v10  }
0x3ad: {  	[tilespmem:s2+$0x0] =	vst v11  }
0x3ae: {  	[tilespmem:s2+$0x20] =	vst v9  }
0x3af: {  	s4 =	simm.s32 $0x0  }
0x3b0: {  	s2 =	simm.s32 $0x174C0;
	[tilespmem:s4+$0x17080] =	vst v0;
	s4 =	simm.s32 $0x40  }
.LBB2_9:
0x3b1: {  	p1 =	sne.s32 s4, $0xFC0;
	[tilespmem:s2+$0xFFFFFFC0] =	vst v0  }
0x3b2: {  	[tilespmem:s2+$0xFFFFFFD0] =	vst v0  }
0x3b3: {  	[tilespmem:s2+$0xFFFFFFE0] =	vst v0  }
0x3b4: {  	[tilespmem:s2+$0xFFFFFFF0] =	vst v0  }
.Ltmp21:
0x3b5: {  	[tilespmem:s2+$0x0] =	vst v0;
	(pc) =	sbr.rel @p1 .LBB2_9-.Ltmp21, $4  }
0x3b6: {  	[tilespmem:s2+$0x10] =	vst v0  }
0x3b7: {  	[tilespmem:s2+$0x20] =	vst v0  }
0x3b8: {  	s19 =	sshra.s32 s4, $0x2;
	[tilespmem:s2+$0x30] =	vst v0  }
0x3b9: {  	s4 =	sadd.s32 $0x40, s4;
	s2 =	sadd.s32 $0x80, s2;
	[tilespmem:s19+$0x17080] =	vst v0  }
0x3ba: {  	[tilespmem:s2+$0xFFFFFFC0] =	vst v0  }
0x3bb: {  	[tilespmem:s2+$0xFFFFFFD0] =	vst v0  }
0x3bc: {  	[tilespmem:s2+$0xFFFFFFE0] =	vst v0  }
0x3bd: {  	[tilespmem:s2+$0xFFFFFFF0] =	vst v0  }
0x3be: {  	[tilespmem:s2+$0x0] =	vst v0  }
0x3bf: {  	[tilespmem:s2+$0x10] =	vst v0  }
0x3c0: {  	[tilespmem:s2+$0x20] =	vst v0  }
0x3c1: {  	[tilespmem:s2+$0x30] =	vst v0  }
.LBB2_11:
0x3c2: {  	s2 =	simm.s32 $0x17080  }
0x3c3: {  	[spmem:s12] =	stream.indirect.scatter.add.f32 [tilespmem:s2], [sflag:$0x4], $0x10, s13, s28, $0xb8;
	[tilespmem:$0x1ED80] =	vst v63  }
0x3c4: {  	s23 =	simm.s32 $0x17480  }
0x3c5: {  	[spmem:s3] =	stream.indirect.scatter.add.f32 [tilespmem:s23], [sflag:$0x4], $0x80, s13, s28, $0xb8;
	[tilespmem:$0x1ED80] =	vst v63  }
0x3c6: {  	_ =	swait.ge [sflag:s14], $0x400  }
0x3c7: {  	[sflag:s14] =	ssyncset.done $0x0  }
0x3c8: {  	[sflag:s14] =	ssyncadd.s32 $0xFFFFFC00  }
0x3c9: {  	_ =	swait.ge [sflag:s14], $0x400  }
0x3ca: {  	[sflag:s14] =	ssyncset.done $0x0  }
0x3cb: {  	[sflag:s14] =	ssyncadd.s32 $0xFFFFFC00  }
0x3cc: {  	_ =	swait.ge [sflag:s14], $0x2000  }
0x3cd: {  	[sflag:s14] =	ssyncset.done $0x0  }
0x3ce: {  	s24 =	simm.s32 $0x0;
	[sflag:s14] =	ssyncadd.s32 $0xFFFFE000  }
0x3cf: {  	v9 =	vld [tilespmem:s24+$0x19500]  }
0x3d0: {  	v10 =	vld [tilespmem:s24+$0x19900];
	_ =	sdelay $0x4  }
0x3d1: {  	v9 =	vadd.f32 v10, v9;
	_ =	sdelay $0x1  }
0x3d2: {  	v10 =	vmul.f32 $2.000000030e-01, v9  }
0x3d3: {  	s19 =	simm.s32 $0x10  }
0x3d4: {  	v11 =	vld [tilespmem:s19+$0x19900];
	v9 =	vmax.f32 v9, v10  }
0x3d5: {  	v10 =	vld [tilespmem:s19+$0x19500];
	v9 =	vmul.f32 $1.442695020e+00, v9;
	_ =	sdelay $0x1  }
0x3d6: {  	(erf) = vpow2.f32 v9;
	_ =	sdelay $0x2  }
0x3d7: {  	v9 =	vadd.f32 v11, v10;
	_ =	sdelay $0x1  }
0x3d8: {  	v10 =	vmul.f32 $2.000000030e-01, v9  }
0x3d9: {  	s4 =	simm.s32 $0x20  }
0x3da: {  	v11 =	vld [tilespmem:s4+$0x19500];
	v9 =	vmax.f32 v9, v10  }
0x3db: {  	v10 =	vld [tilespmem:s4+$0x19900];
	v9 =	vmul.f32 $1.442695020e+00, v9  }
0x3dc: {  	v12 =	vpop (erf)  }
0x3dd: {  	s23 =	simm.s32 $0x1A140;
	(erf) = vpow2.f32 v9;
	[tilespmem:s24+$0x19D00] =	vst v12  }
0x3de: {  	v9 =	vld [tilespmem:s23+$0x30]  }
0x3df: {  	v13 =	vld [tilespmem:s23+$0xFFFFFFC0]  }
0x3e0: {  	v14 =	vperm.xlane v12, v1;
	v15 =	vperm.xlane v12, v8;
	v10 =	vadd.f32 v10, v11;
	v18 =	vld [tilespmem:s23+$0xFFFFFFE0]  }
0x3e1: {  	v16 =	vperm.xlane v12, v2;
	v17 =	vperm.xlane v12, v3;
	v22 =	vld [tilespmem:s23+$0x0]  }
0x3e2: {  	s22 =	simm.s32 $0x30;
	v23 =	vperm.xlane v12, v5;
	v11 =	vld [tilespmem:s23+$0xFFFFFFD0];
	v19 =	vmul.f32 $2.000000030e-01, v10  }
0x3e3: {  	v20 =	vld [tilespmem:s22+$0x19500];
	v24 =	vperm.xlane v12, v6;
	v9 =	vmul.f32 v9, v15  }
0x3e4: {  	v25 =	vperm.xlane v12, v7;
	v21 =	vld [tilespmem:s23+$0xFFFFFFF0];
	v10 =	vmax.f32 v10, v19;
	v13 =	vmul.f32 v13, v14  }
0x3e5: {  	v15 =	vperm.xlane v12, v4;
	v10 =	vmul.f32 $1.442695020e+00, v10;
	[tilespmem:s23+$0x30] =	vst v9;
	v9 =	vld [tilespmem:s22+$0x19900]  }
0x3e6: {  	v28 =	vld [tilespmem:s23+$0x20];
	v17 =	vmul.f32 v18, v17;
	v33 =	vmul.f32 v22, v23;
	[tilespmem:s23+$0xFFFFFFC0] =	vst v13;
	v26 =	vpop (erf)  }
0x3e7: {  	s24 =	simm.s32 $0x1A1C0;
	v18 =	vld [tilespmem:s23+$0x10];
	v13 =	vmul.f32 v11, v16;
	(erf) = vpow2.f32 v10;
	[tilespmem:s19+$0x19D00] =	vst v26  }
0x3e8: {  	v27 =	vperm.xlane v26, v1;
	v16 =	vperm.xlane v26, v2;
	v29 =	vld [tilespmem:s24+$0x30]  }
0x3e9: {  	v14 =	vperm.xlane v26, v3;
	v11 =	vperm.xlane v26, v4;
	v30 =	vld [tilespmem:s24+$0xFFFFFFC0]  }
0x3ea: {  	v10 =	vperm.xlane v26, v5;
	v12 =	vperm.xlane v26, v7;
	v31 =	vadd.f32 v9, v20;
	v20 =	vld [tilespmem:s24+$0xFFFFFFD0]  }
0x3eb: {  	[tilespmem:s23+$0xFFFFFFE0] =	vst v17;
	v19 =	vld [tilespmem:s24+$0xFFFFFFE0];
	v9 =	vperm.xlane v26, v6;
	v26 =	vperm.xlane v26, v8  }
0x3ec: {  	v21 =	vmul.f32 v21, v15;
	[tilespmem:s23+$0x0] =	vst v33;
	v15 =	vld [tilespmem:s24+$0xFFFFFFF0];
	v32 =	vmul.f32 $2.000000030e-01, v31  }
0x3ed: {  	s29 =	simm.s32 $0x40;
	[tilespmem:s23+$0xFFFFFFD0] =	vst v13;
	v13 =	vld [tilespmem:s24+$0x0];
	v17 =	vmul.f32 v18, v24;
	v22 =	vmul.f32 v29, v26  }
0x3ee: {  	s2 =	simm.s32 $0x140;
	s19 =	simm.s32 $0x1A1C0;
	[tilespmem:s23+$0xFFFFFFF0] =	vst v21;
	v21 =	vld [tilespmem:s29+$0x19500];
	v18 =	vmul.f32 v28, v25;
	v23 =	vmul.f32 v30, v27;
	v24 =	vmax.f32 v31, v32  }
.LBB2_12:
0x3ef: {  	p1 =	sne.s32 s2, $0xFC0;
	v25 =	vld [tilespmem:s29+$0x19900];
	v24 =	vmul.f32 $1.442695020e+00, v24;
	v20 =	vmul.f32 v20, v16;
	[tilespmem:s24+$0x30] =	vst v22;
	v26 =	vmov v12  }
0x3f0: {  	v22 =	vpop (erf);
	[tilespmem:s24+$0xFFFFFFC0] =	vst v23;
	v12 =	vmul.f32 v19, v14;
	v23 =	vld [tilespmem:s24+$0x10]  }
0x3f1: {  	s24 =	sadd.s32 $0x80, s24;
	(erf) = vpow2.f32 v24;
	[tilespmem:s4+$0x19D00] =	vst v22;
	v27 =	vperm.xlane v22, v1;
	v28 =	vld [tilespmem:s19+$0x20];
	s4 =	smov.u32 s22;
	s22 =	smov.u32 s29  }
0x3f2: {  	v16 =	vperm.xlane v22, v2;
	v14 =	vperm.xlane v22, v3;
	v24 =	vld [tilespmem:s24+$0x30];
	[tilespmem:s19+$0xFFFFFFD0] =	vst v20  }
0x3f3: {  	v30 =	vperm.xlane v22, v4;
	v31 =	vperm.xlane v22, v5;
	v29 =	vld [tilespmem:s24+$0xFFFFFFC0];
	[tilespmem:s19+$0xFFFFFFE0] =	vst v12  }
.Ltmp22:
0x3f4: {  	v12 =	vperm.xlane v22, v7;
	v25 =	vadd.f32 v25, v21;
	v20 =	vld [tilespmem:s24+$0xFFFFFFD0];
	v21 =	vperm.xlane v22, v6;
	[tilespmem:s23+$0x10] =	vst v17;
	(pc) =	sbr.rel @p1 .LBB2_12-.Ltmp22, $4  }
0x3f5: {  	v32 =	vmul.f32 v15, v11;
	v11 =	vmov v30;
	v17 =	vperm.xlane v22, v8;
	v19 =	vld [tilespmem:s24+$0xFFFFFFE0];
	[tilespmem:s23+$0x20] =	vst v18;
	s23 =	smov.u32 s19;
	s19 =	smov.u32 s24  }
0x3f6: {  	v30 =	vmul.f32 v13, v10;
	v10 =	vmov v31;
	v18 =	vmul.f32 $2.000000030e-01, v25;
	v15 =	vld [tilespmem:s24+$0xFFFFFFF0]  }
0x3f7: {  	s29 =	sshra.s32 s2, $0x2;
	v13 =	vld [tilespmem:s24+$0x0];
	v22 =	vmul.f32 v24, v17;
	[tilespmem:s23+$0xFFFFFFF0] =	vst v32;
	v17 =	vmul.f32 v23, v9;
	v9 =	vmov v21  }
0x3f8: {  	s2 =	sadd.s32 $0x40, s2;
	v21 =	vld [tilespmem:s29+$0x19500];
	v24 =	vmax.f32 v25, v18;
	v23 =	vmul.f32 v29, v27;
	[tilespmem:s23+$0x0] =	vst v30;
	v18 =	vmul.f32 v28, v26  }
0x3f9: {  	v25 =	vld [tilespmem:s29+$0x19900];
	v24 =	vmul.f32 $1.442695020e+00, v24;
	_ =	sdelay $0x1  }
0x3fa: {  	v54 =	vpop (erf);
	(erf) = vpow2.f32 v24  }
0x3fb: {  	[tilespmem:s24+$0x30] =	vst v22  }
0x3fc: {  	[tilespmem:s23+$0x10] =	vst v17  }
0x3fd: {  	v55 =	vld [tilespmem:s24+$0x10];
	[tilespmem:s24+$0xFFFFFFC0] =	vst v23;
	v10 =	vmul.f32 v13, v10;
	v21 =	vadd.f32 v25, v21  }
0x3fe: {  	[tilespmem:s4+$0x19D00] =	vst v54;
	v56 =	vld [tilespmem:s19+$0x20];
	s4 =	sadd.s32 $0x80, s24  }
0x3ff: {  	v16 =	vmul.f32 v20, v16;
	[tilespmem:s19+$0x0] =	vst v10;
	v10 =	vld [tilespmem:s4+$0xFFFFFFF0];
	v59 =	vmul.f32 $2.000000030e-01, v21  }
0x400: {  	[tilespmem:s23+$0x20] =	vst v18;
	v11 =	vmul.f32 v15, v11;
	v57 =	vld [tilespmem:s4+$0x30]  }
0x401: {  	v14 =	vmul.f32 v19, v14;
	[tilespmem:s19+$0xFFFFFFD0] =	vst v16;
	v61 =	vperm.xlane v54, v8;
	v58 =	vld [tilespmem:s4+$0xFFFFFFC0];
	v27 =	vmax.f32 v21, v59  }
0x402: {  	v34 =	vperm.xlane v54, v4;
	v60 =	vld [tilespmem:s4+$0xFFFFFFD0];
	[tilespmem:s19+$0xFFFFFFF0] =	vst v11;
	v11 =	vmul.f32 $1.442695020e+00, v27  }
0x403: {  	v62 =	vperm.xlane v54, v1;
	[tilespmem:s19+$0xFFFFFFE0] =	vst v14;
	v63 =	vld [tilespmem:s4+$0xFFFFFFE0];
	v9 =	vmul.f32 v55, v9;
	v31 =	vpop (erf)  }
0x404: {  	s24 =	sadd.s32 $0x80, s4;
	v10 =	vmul.f32 v10, v34;
	(erf) = vpow2.f32 v11;
	v11 =	vld [tilespmem:s4+$0x0];
	[tilespmem:s22+$0x19D00] =	vst v31  }
0x405: {  	v29 =	vperm.xlane v54, v2;
	v12 =	vmul.f32 v56, v12;
	[tilespmem:s19+$0x10] =	vst v9;
	v33 =	vld [tilespmem:s24+$0x30]  }
0x406: {  	v30 =	vperm.xlane v54, v3;
	v28 =	vmul.f32 v57, v61;
	[tilespmem:s4+$0xFFFFFFF0] =	vst v10;
	v10 =	vld [tilespmem:s4+$0x20]  }
0x407: {  	v35 =	vperm.xlane v54, v5;
	v15 =	vmul.f32 v58, v62;
	[tilespmem:s19+$0x20] =	vst v12  }
0x408: {  	v13 =	vmul.f32 v60, v29;
	[tilespmem:s4+$0x30] =	vst v28;
	v9 =	vperm.xlane v31, v8  }
0x409: {  	v45 =	vperm.xlane v54, v7;
	v39 =	vld [tilespmem:s4+$0x10];
	v32 =	vmul.f32 v63, v30;
	[tilespmem:s4+$0xFFFFFFC0] =	vst v15  }
0x40a: {  	[tilespmem:s4+$0xFFFFFFD0] =	vst v13;
	v44 =	vld [tilespmem:s24+$0x0];
	v11 =	vmul.f32 v11, v35;
	v9 =	vmul.f32 v33, v9  }
0x40b: {  	[tilespmem:s4+$0xFFFFFFE0] =	vst v32;
	v38 =	vld [tilespmem:s24+$0xFFFFFFE0];
	v10 =	vmul.f32 v10, v45  }
0x40c: {  	v43 =	vperm.xlane v54, v6;
	v36 =	vld [tilespmem:s24+$0xFFFFFFC0];
	[tilespmem:s4+$0x0] =	vst v11  }
0x40d: {  	v49 =	vperm.xlane v31, v5;
	v37 =	vld [tilespmem:s24+$0xFFFFFFD0];
	[tilespmem:s4+$0x20] =	vst v10  }
0x40e: {  	v12 =	vmul.f32 v39, v43;
	v42 =	vld [tilespmem:s24+$0xFFFFFFF0];
	v11 =	vperm.xlane v31, v3;
	[tilespmem:s24+$0x30] =	vst v9;
	v9 =	vpop (erf)  }
0x40f: {  	s2 =	sadd.s32 $0x80, s24;
	v40 =	vperm.xlane v31, v1;
	v52 =	vld [tilespmem:s24+$0x10];
	v10 =	vmul.f32 v44, v49;
	[tilespmem:s29+$0x19D00] =	vst v9  }
0x410: {  	[tilespmem:s4+$0x10] =	vst v12;
	v41 =	vperm.xlane v31, v2;
	v11 =	vmul.f32 v38, v11;
	v46 =	vld [tilespmem:s2+$0x30]  }
0x411: {  	v47 =	vperm.xlane v31, v4;
	v13 =	vmul.f32 v36, v40;
	[tilespmem:s24+$0x0] =	vst v10;
	v48 =	vld [tilespmem:s2+$0xFFFFFFC0]  }
0x412: {  	v15 =	vmul.f32 v37, v41;
	v10 =	vperm.xlane v31, v6;
	[tilespmem:s24+$0xFFFFFFE0] =	vst v11;
	v11 =	vld [tilespmem:s2+$0xFFFFFFD0]  }
0x413: {  	v17 =	vmul.f32 v42, v47;
	[tilespmem:s24+$0xFFFFFFC0] =	vst v13;
	v51 =	vperm.xlane v9, v8;
	v50 =	vld [tilespmem:s2+$0xFFFFFFE0]  }
0x414: {  	[tilespmem:s24+$0xFFFFFFD0] =	vst v15;
	v53 =	vperm.xlane v9, v1;
	v10 =	vmul.f32 v52, v10;
	v57 =	vld [tilespmem:s2+$0xFFFFFFF0]  }
0x415: {  	v54 =	vld [tilespmem:s24+$0x20];
	[tilespmem:s24+$0xFFFFFFF0] =	vst v17;
	v55 =	vperm.xlane v9, v2;
	v13 =	vmul.f32 v46, v51  }
0x416: {  	v56 =	vperm.xlane v9, v3;
	v60 =	vld [tilespmem:s2+$0x10];
	[tilespmem:s24+$0x10] =	vst v10;
	v15 =	vmul.f32 v48, v53  }
0x417: {  	v61 =	vperm.xlane v9, v4;
	v58 =	vld [tilespmem:s2+$0x0];
	v11 =	vmul.f32 v11, v55;
	[tilespmem:s2+$0x30] =	vst v13  }
0x418: {  	v59 =	vperm.xlane v31, v7;
	v12 =	vmul.f32 v50, v56;
	[tilespmem:s2+$0xFFFFFFC0] =	vst v15  }
0x419: {  	v63 =	vperm.xlane v9, v6;
	v10 =	vmul.f32 v57, v61;
	[tilespmem:s2+$0xFFFFFFD0] =	vst v11  }
0x41a: {  	v11 =	vperm.xlane v9, v5;
	v13 =	vmul.f32 v54, v59;
	[tilespmem:s2+$0xFFFFFFE0] =	vst v12  }
0x41b: {  	[tilespmem:s2+$0xFFFFFFF0] =	vst v10;
	v10 =	vmul.f32 v60, v63  }
0x41c: {  	[tilespmem:s24+$0x20] =	vst v13;
	v11 =	vmul.f32 v58, v11  }
0x41d: {  	[tilespmem:s2+$0x10] =	vst v10  }
0x41e: {  	[tilespmem:s2+$0x0] =	vst v11  }
0x41f: {  	s4 =	sld [smem:$0x7F9]  }
0x420: {  	v62 =	vld [tilespmem:s2+$0x20];
	_ =	sdelay $0x1  }
0x421: {  	p1 =	slt.u32 s1, s4  }
.Ltmp23:
0x422: {  	v9 =	vperm.xlane v9, v7;
	(pc) =	sbr.rel @p1 .LBB2_17-.Ltmp23, $3  }
0x423: {  	_ = 	snop  }
0x424: {  	v9 =	vmul.f32 v62, v9;
	_ =	sdelay $0x1  }
0x425: {  	[tilespmem:s2+$0x20] =	vst v9  }
0x426: {  	s4 =	simm.s32 $0x0  }
0x427: {  	s2 =	simm.s32 $0x1A140;
	[tilespmem:s4+$0x19D00] =	vst v0;
	s4 =	simm.s32 $0x40  }
.LBB2_15:
0x428: {  	p1 =	sne.s32 s4, $0xFC0;
	[tilespmem:s2+$0xFFFFFFC0] =	vst v0  }
0x429: {  	[tilespmem:s2+$0xFFFFFFD0] =	vst v0  }
0x42a: {  	[tilespmem:s2+$0xFFFFFFE0] =	vst v0  }
0x42b: {  	[tilespmem:s2+$0xFFFFFFF0] =	vst v0  }
.Ltmp24:
0x42c: {  	[tilespmem:s2+$0x0] =	vst v0;
	(pc) =	sbr.rel @p1 .LBB2_15-.Ltmp24, $4  }
0x42d: {  	[tilespmem:s2+$0x10] =	vst v0  }
0x42e: {  	[tilespmem:s2+$0x20] =	vst v0  }
0x42f: {  	s19 =	sshra.s32 s4, $0x2;
	[tilespmem:s2+$0x30] =	vst v0  }
0x430: {  	s4 =	sadd.s32 $0x40, s4;
	s2 =	sadd.s32 $0x80, s2;
	[tilespmem:s19+$0x19D00] =	vst v0  }
0x431: {  	[tilespmem:s2+$0xFFFFFFC0] =	vst v0  }
0x432: {  	[tilespmem:s2+$0xFFFFFFD0] =	vst v0  }
0x433: {  	[tilespmem:s2+$0xFFFFFFE0] =	vst v0  }
0x434: {  	[tilespmem:s2+$0xFFFFFFF0] =	vst v0  }
0x435: {  	[tilespmem:s2+$0x0] =	vst v0  }
0x436: {  	[tilespmem:s2+$0x10] =	vst v0  }
0x437: {  	[tilespmem:s2+$0x20] =	vst v0  }
0x438: {  	[tilespmem:s2+$0x30] =	vst v0  }
.LBB2_17:
0x439: {  	s2 =	simm.s32 $0x19D00  }
0x43a: {  	[spmem:s12] =	stream.indirect.scatter.add.f32 [tilespmem:s2], [sflag:$0x5], $0x10, s20, s28, $0xb8;
	[tilespmem:$0x1ED80] =	vst v63  }
0x43b: {  	s22 =	simm.s32 $0x1A100  }
0x43c: {  	[spmem:s3] =	stream.indirect.scatter.add.f32 [tilespmem:s22], [sflag:$0x5], $0x80, s20, s28, $0xb8;
	[tilespmem:$0x1ED80] =	vst v63  }
0x43d: {  	_ =	swait.ge [sflag:s18], $0x400  }
0x43e: {  	s23 =	sadd.s32 $0x3, s1;
	[sflag:s18] =	ssyncset.done $0x0  }
0x43f: {  	p1 =	slt.u32 s23, s17;
	s2 =	sshll.u32 s23, $0x4;
	[sflag:s18] =	ssyncadd.s32 $0xFFFFFC00  }
0x440: {  	s2 =	simm.s32 @!p1 $0x0;
	_ =	swait.ge [sflag:s18], $0x2000  }
0x441: {  	s2 =	sor.u32 s11, s2;
	[sflag:s18] =	ssyncset.done $0x0  }
0x442: {  	s2 =	sshll.u32 s2, $0x3;
	[sflag:s18] =	ssyncadd.s32 $0xFFFFE000  }
0x443: {  	s2 =	sand.u32 $0x1FFFFFF8, s2;
	s4 =	rddreg [dreg:$0x1]  }
0x444: {  	s24 =	simm.s32 $0x27100;
	s2 =	sadd.s32 s4, s2  }
0x445: {  	[tilespmem:s30], [sflag:$0x7] =	stream.strided.gather [hbm4b:s2+s28], $0x80, s24, s28, $0x38;
	[tilespmem:$0x1ED80] =	vst v63  }
0x446: {  	_ =	swait.ge [sflag:s31], $0x80  }
0x447: {  	[sflag:s31] =	ssyncset.done $0x0  }
0x448: {  	s19 =	simm.s32 $0x16880;
	[sflag:s31] =	ssyncadd.s32 $0xFFFFFF80  }
0x449: {  	[tilespmem:s19], [sflag:$0x1] =	stream.indirect.gather [hbm4b:s5+s28], $0x10, s30, s28, $0xb8;
	[tilespmem:$0x1ED80] =	vst v63  }
0x44a: {  	s22 =	simm.s32 $0x16C80  }
0x44b: {  	[tilespmem:s22], [sflag:$0x1] =	stream.indirect.gather [hbm4b:s6+s28], $0x10, s13, s28, $0xb8;
	[tilespmem:$0x1ED80] =	vst v63  }
0x44c: {  	s23 =	simm.s32 $0x17480  }
0x44d: {  	[tilespmem:s23], [sflag:$0x1] =	stream.indirect.gather [hbm4b:s7+s28], $0x80, s30, s28, $0xb8;
	[tilespmem:$0x1ED80] =	vst v63  }
0x44e: {  	_ =	swait.ge [sflag:s21], $0x400  }
0x44f: {  	[sflag:s21] =	ssyncset.done $0x0  }
0x450: {  	[sflag:s21] =	ssyncadd.s32 $0xFFFFFC00  }
0x451: {  	_ =	swait.ge [sflag:s21], $0x400  }
0x452: {  	[sflag:s21] =	ssyncset.done $0x0  }
0x453: {  	[sflag:s21] =	ssyncadd.s32 $0xFFFFFC00  }
0x454: {  	_ =	swait.ge [sflag:s21], $0x2000  }
0x455: {  	[sflag:s21] =	ssyncset.done $0x0  }
0x456: {  	s24 =	simm.s32 $0x0;
	[sflag:s21] =	ssyncadd.s32 $0xFFFFE000  }
0x457: {  	v9 =	vld [tilespmem:s24+$0x1C180]  }
0x458: {  	v10 =	vld [tilespmem:s24+$0x1C580];
	_ =	sdelay $0x4  }
0x459: {  	v9 =	vadd.f32 v10, v9;
	_ =	sdelay $0x1  }
0x45a: {  	v10 =	vmul.f32 $2.000000030e-01, v9  }
0x45b: {  	s19 =	simm.s32 $0x10  }
0x45c: {  	v11 =	vld [tilespmem:s19+$0x1C580];
	v9 =	vmax.f32 v9, v10  }
0x45d: {  	v10 =	vld [tilespmem:s19+$0x1C180];
	v9 =	vmul.f32 $1.442695020e+00, v9;
	_ =	sdelay $0x1  }
0x45e: {  	(erf) = vpow2.f32 v9;
	_ =	sdelay $0x2  }
0x45f: {  	v9 =	vadd.f32 v11, v10;
	_ =	sdelay $0x1  }
0x460: {  	v10 =	vmul.f32 $2.000000030e-01, v9  }
0x461: {  	s4 =	simm.s32 $0x20  }
0x462: {  	v11 =	vld [tilespmem:s4+$0x1C180];
	v9 =	vmax.f32 v9, v10  }
0x463: {  	v10 =	vld [tilespmem:s4+$0x1C580];
	v9 =	vmul.f32 $1.442695020e+00, v9  }
0x464: {  	v12 =	vpop (erf)  }
0x465: {  	s23 =	simm.s32 $0x1CDC0;
	(erf) = vpow2.f32 v9;
	[tilespmem:s24+$0x1C980] =	vst v12  }
0x466: {  	v9 =	vld [tilespmem:s23+$0x30]  }
0x467: {  	v13 =	vld [tilespmem:s23+$0xFFFFFFC0]  }
0x468: {  	v14 =	vperm.xlane v12, v1;
	v15 =	vperm.xlane v12, v8;
	v10 =	vadd.f32 v10, v11;
	v18 =	vld [tilespmem:s23+$0xFFFFFFE0]  }
0x469: {  	v16 =	vperm.xlane v12, v2;
	v17 =	vperm.xlane v12, v3;
	v22 =	vld [tilespmem:s23+$0x0]  }
0x46a: {  	s22 =	simm.s32 $0x30;
	v23 =	vperm.xlane v12, v5;
	v11 =	vld [tilespmem:s23+$0xFFFFFFD0];
	v19 =	vmul.f32 $2.000000030e-01, v10  }
0x46b: {  	v20 =	vld [tilespmem:s22+$0x1C180];
	v24 =	vperm.xlane v12, v6;
	v9 =	vmul.f32 v9, v15  }
0x46c: {  	v25 =	vperm.xlane v12, v7;
	v21 =	vld [tilespmem:s23+$0xFFFFFFF0];
	v10 =	vmax.f32 v10, v19;
	v13 =	vmul.f32 v13, v14  }
0x46d: {  	v15 =	vperm.xlane v12, v4;
	v10 =	vmul.f32 $1.442695020e+00, v10;
	[tilespmem:s23+$0x30] =	vst v9;
	v9 =	vld [tilespmem:s22+$0x1C580]  }
0x46e: {  	v28 =	vld [tilespmem:s23+$0x20];
	v17 =	vmul.f32 v18, v17;
	v33 =	vmul.f32 v22, v23;
	[tilespmem:s23+$0xFFFFFFC0] =	vst v13;
	v26 =	vpop (erf)  }
0x46f: {  	s24 =	simm.s32 $0x1CE40;
	v18 =	vld [tilespmem:s23+$0x10];
	v13 =	vmul.f32 v11, v16;
	(erf) = vpow2.f32 v10;
	[tilespmem:s19+$0x1C980] =	vst v26  }
0x470: {  	v27 =	vperm.xlane v26, v1;
	v16 =	vperm.xlane v26, v2;
	v29 =	vld [tilespmem:s24+$0x30]  }
0x471: {  	v14 =	vperm.xlane v26, v3;
	v11 =	vperm.xlane v26, v4;
	v30 =	vld [tilespmem:s24+$0xFFFFFFC0]  }
0x472: {  	v10 =	vperm.xlane v26, v5;
	v12 =	vperm.xlane v26, v7;
	v31 =	vadd.f32 v9, v20;
	v20 =	vld [tilespmem:s24+$0xFFFFFFD0]  }
0x473: {  	[tilespmem:s23+$0xFFFFFFE0] =	vst v17;
	v19 =	vld [tilespmem:s24+$0xFFFFFFE0];
	v9 =	vperm.xlane v26, v6;
	v26 =	vperm.xlane v26, v8  }
0x474: {  	v21 =	vmul.f32 v21, v15;
	[tilespmem:s23+$0x0] =	vst v33;
	v15 =	vld [tilespmem:s24+$0xFFFFFFF0];
	v32 =	vmul.f32 $2.000000030e-01, v31  }
0x475: {  	s29 =	simm.s32 $0x40;
	[tilespmem:s23+$0xFFFFFFD0] =	vst v13;
	v13 =	vld [tilespmem:s24+$0x0];
	v17 =	vmul.f32 v18, v24;
	v22 =	vmul.f32 v29, v26  }
0x476: {  	s2 =	simm.s32 $0x140;
	s19 =	simm.s32 $0x1CE40;
	[tilespmem:s23+$0xFFFFFFF0] =	vst v21;
	v21 =	vld [tilespmem:s29+$0x1C180];
	v18 =	vmul.f32 v28, v25;
	v23 =	vmul.f32 v30, v27;
	v24 =	vmax.f32 v31, v32  }
.LBB2_18:
0x477: {  	p1 =	sne.s32 s2, $0xFC0;
	v25 =	vld [tilespmem:s29+$0x1C580];
	v24 =	vmul.f32 $1.442695020e+00, v24;
	v20 =	vmul.f32 v20, v16;
	[tilespmem:s24+$0x30] =	vst v22;
	v26 =	vmov v12  }
0x478: {  	v22 =	vpop (erf);
	[tilespmem:s24+$0xFFFFFFC0] =	vst v23;
	v12 =	vmul.f32 v19, v14;
	v23 =	vld [tilespmem:s24+$0x10]  }
0x479: {  	s24 =	sadd.s32 $0x80, s24;
	(erf) = vpow2.f32 v24;
	[tilespmem:s4+$0x1C980] =	vst v22;
	v27 =	vperm.xlane v22, v1;
	v28 =	vld [tilespmem:s19+$0x20];
	s4 =	smov.u32 s22;
	s22 =	smov.u32 s29  }
0x47a: {  	v16 =	vperm.xlane v22, v2;
	v14 =	vperm.xlane v22, v3;
	v24 =	vld [tilespmem:s24+$0x30];
	[tilespmem:s19+$0xFFFFFFD0] =	vst v20  }
0x47b: {  	v30 =	vperm.xlane v22, v4;
	v31 =	vperm.xlane v22, v5;
	v29 =	vld [tilespmem:s24+$0xFFFFFFC0];
	[tilespmem:s19+$0xFFFFFFE0] =	vst v12  }
.Ltmp25:
0x47c: {  	v12 =	vperm.xlane v22, v7;
	v25 =	vadd.f32 v25, v21;
	v20 =	vld [tilespmem:s24+$0xFFFFFFD0];
	v21 =	vperm.xlane v22, v6;
	[tilespmem:s23+$0x10] =	vst v17;
	(pc) =	sbr.rel @p1 .LBB2_18-.Ltmp25, $4  }
0x47d: {  	v32 =	vmul.f32 v15, v11;
	v11 =	vmov v30;
	v17 =	vperm.xlane v22, v8;
	v19 =	vld [tilespmem:s24+$0xFFFFFFE0];
	[tilespmem:s23+$0x20] =	vst v18;
	s23 =	smov.u32 s19;
	s19 =	smov.u32 s24  }
0x47e: {  	v30 =	vmul.f32 v13, v10;
	v10 =	vmov v31;
	v18 =	vmul.f32 $2.000000030e-01, v25;
	v15 =	vld [tilespmem:s24+$0xFFFFFFF0]  }
0x47f: {  	s29 =	sshra.s32 s2, $0x2;
	v13 =	vld [tilespmem:s24+$0x0];
	v22 =	vmul.f32 v24, v17;
	[tilespmem:s23+$0xFFFFFFF0] =	vst v32;
	v17 =	vmul.f32 v23, v9;
	v9 =	vmov v21  }
0x480: {  	s2 =	sadd.s32 $0x40, s2;
	v21 =	vld [tilespmem:s29+$0x1C180];
	v24 =	vmax.f32 v25, v18;
	v23 =	vmul.f32 v29, v27;
	[tilespmem:s23+$0x0] =	vst v30;
	v18 =	vmul.f32 v28, v26  }
0x481: {  	v25 =	vld [tilespmem:s29+$0x1C580];
	v24 =	vmul.f32 $1.442695020e+00, v24;
	_ =	sdelay $0x1  }
0x482: {  	v54 =	vpop (erf);
	(erf) = vpow2.f32 v24  }
0x483: {  	[tilespmem:s24+$0x30] =	vst v22  }
0x484: {  	[tilespmem:s23+$0x10] =	vst v17  }
0x485: {  	v55 =	vld [tilespmem:s24+$0x10];
	[tilespmem:s24+$0xFFFFFFC0] =	vst v23;
	v10 =	vmul.f32 v13, v10;
	v21 =	vadd.f32 v25, v21  }
0x486: {  	[tilespmem:s4+$0x1C980] =	vst v54;
	v56 =	vld [tilespmem:s19+$0x20];
	s4 =	sadd.s32 $0x80, s24  }
0x487: {  	v16 =	vmul.f32 v20, v16;
	[tilespmem:s19+$0x0] =	vst v10;
	v10 =	vld [tilespmem:s4+$0xFFFFFFF0];
	v59 =	vmul.f32 $2.000000030e-01, v21  }
0x488: {  	[tilespmem:s23+$0x20] =	vst v18;
	v11 =	vmul.f32 v15, v11;
	v57 =	vld [tilespmem:s4+$0x30]  }
0x489: {  	v14 =	vmul.f32 v19, v14;
	[tilespmem:s19+$0xFFFFFFD0] =	vst v16;
	v61 =	vperm.xlane v54, v8;
	v58 =	vld [tilespmem:s4+$0xFFFFFFC0];
	v27 =	vmax.f32 v21, v59  }
0x48a: {  	v34 =	vperm.xlane v54, v4;
	v60 =	vld [tilespmem:s4+$0xFFFFFFD0];
	[tilespmem:s19+$0xFFFFFFF0] =	vst v11;
	v11 =	vmul.f32 $1.442695020e+00, v27  }
0x48b: {  	v62 =	vperm.xlane v54, v1;
	[tilespmem:s19+$0xFFFFFFE0] =	vst v14;
	v63 =	vld [tilespmem:s4+$0xFFFFFFE0];
	v9 =	vmul.f32 v55, v9;
	v31 =	vpop (erf)  }
0x48c: {  	s24 =	sadd.s32 $0x80, s4;
	v10 =	vmul.f32 v10, v34;
	(erf) = vpow2.f32 v11;
	v11 =	vld [tilespmem:s4+$0x0];
	[tilespmem:s22+$0x1C980] =	vst v31  }
0x48d: {  	v29 =	vperm.xlane v54, v2;
	v12 =	vmul.f32 v56, v12;
	[tilespmem:s19+$0x10] =	vst v9;
	v33 =	vld [tilespmem:s24+$0x30]  }
0x48e: {  	v30 =	vperm.xlane v54, v3;
	v28 =	vmul.f32 v57, v61;
	[tilespmem:s4+$0xFFFFFFF0] =	vst v10;
	v10 =	vld [tilespmem:s4+$0x20]  }
0x48f: {  	v35 =	vperm.xlane v54, v5;
	v15 =	vmul.f32 v58, v62;
	[tilespmem:s19+$0x20] =	vst v12  }
0x490: {  	v13 =	vmul.f32 v60, v29;
	[tilespmem:s4+$0x30] =	vst v28;
	v9 =	vperm.xlane v31, v8  }
0x491: {  	v45 =	vperm.xlane v54, v7;
	v39 =	vld [tilespmem:s4+$0x10];
	v32 =	vmul.f32 v63, v30;
	[tilespmem:s4+$0xFFFFFFC0] =	vst v15  }
0x492: {  	[tilespmem:s4+$0xFFFFFFD0] =	vst v13;
	v44 =	vld [tilespmem:s24+$0x0];
	v11 =	vmul.f32 v11, v35;
	v9 =	vmul.f32 v33, v9  }
0x493: {  	[tilespmem:s4+$0xFFFFFFE0] =	vst v32;
	v38 =	vld [tilespmem:s24+$0xFFFFFFE0];
	v10 =	vmul.f32 v10, v45  }
0x494: {  	v43 =	vperm.xlane v54, v6;
	v36 =	vld [tilespmem:s24+$0xFFFFFFC0];
	[tilespmem:s4+$0x0] =	vst v11  }
0x495: {  	v49 =	vperm.xlane v31, v5;
	v37 =	vld [tilespmem:s24+$0xFFFFFFD0];
	[tilespmem:s4+$0x20] =	vst v10  }
0x496: {  	v12 =	vmul.f32 v39, v43;
	v42 =	vld [tilespmem:s24+$0xFFFFFFF0];
	v11 =	vperm.xlane v31, v3;
	[tilespmem:s24+$0x30] =	vst v9;
	v9 =	vpop (erf)  }
0x497: {  	s2 =	sadd.s32 $0x80, s24;
	v40 =	vperm.xlane v31, v1;
	v52 =	vld [tilespmem:s24+$0x10];
	v10 =	vmul.f32 v44, v49;
	[tilespmem:s29+$0x1C980] =	vst v9  }
0x498: {  	[tilespmem:s4+$0x10] =	vst v12;
	v41 =	vperm.xlane v31, v2;
	v11 =	vmul.f32 v38, v11;
	v46 =	vld [tilespmem:s2+$0x30]  }
0x499: {  	v47 =	vperm.xlane v31, v4;
	v13 =	vmul.f32 v36, v40;
	[tilespmem:s24+$0x0] =	vst v10;
	v48 =	vld [tilespmem:s2+$0xFFFFFFC0]  }
0x49a: {  	v15 =	vmul.f32 v37, v41;
	v10 =	vperm.xlane v31, v6;
	[tilespmem:s24+$0xFFFFFFE0] =	vst v11;
	v11 =	vld [tilespmem:s2+$0xFFFFFFD0]  }
0x49b: {  	v17 =	vmul.f32 v42, v47;
	[tilespmem:s24+$0xFFFFFFC0] =	vst v13;
	v51 =	vperm.xlane v9, v8;
	v50 =	vld [tilespmem:s2+$0xFFFFFFE0]  }
0x49c: {  	[tilespmem:s24+$0xFFFFFFD0] =	vst v15;
	v53 =	vperm.xlane v9, v1;
	v10 =	vmul.f32 v52, v10;
	v57 =	vld [tilespmem:s2+$0xFFFFFFF0]  }
0x49d: {  	v54 =	vld [tilespmem:s24+$0x20];
	[tilespmem:s24+$0xFFFFFFF0] =	vst v17;
	v55 =	vperm.xlane v9, v2;
	v13 =	vmul.f32 v46, v51  }
0x49e: {  	v56 =	vperm.xlane v9, v3;
	v60 =	vld [tilespmem:s2+$0x10];
	[tilespmem:s24+$0x10] =	vst v10;
	v15 =	vmul.f32 v48, v53  }
0x49f: {  	v61 =	vperm.xlane v9, v4;
	v58 =	vld [tilespmem:s2+$0x0];
	v11 =	vmul.f32 v11, v55;
	[tilespmem:s2+$0x30] =	vst v13  }
0x4a0: {  	v59 =	vperm.xlane v31, v7;
	v12 =	vmul.f32 v50, v56;
	[tilespmem:s2+$0xFFFFFFC0] =	vst v15  }
0x4a1: {  	v63 =	vperm.xlane v9, v6;
	v10 =	vmul.f32 v57, v61;
	[tilespmem:s2+$0xFFFFFFD0] =	vst v11  }
0x4a2: {  	v11 =	vperm.xlane v9, v5;
	v13 =	vmul.f32 v54, v59;
	[tilespmem:s2+$0xFFFFFFE0] =	vst v12  }
0x4a3: {  	[tilespmem:s2+$0xFFFFFFF0] =	vst v10;
	v10 =	vmul.f32 v60, v63  }
0x4a4: {  	[tilespmem:s24+$0x20] =	vst v13;
	v11 =	vmul.f32 v58, v11  }
0x4a5: {  	[tilespmem:s2+$0x10] =	vst v10  }
0x4a6: {  	[tilespmem:s2+$0x0] =	vst v11  }
0x4a7: {  	s4 =	sld [smem:$0x7FA]  }
0x4a8: {  	v62 =	vld [tilespmem:s2+$0x20];
	_ =	sdelay $0x1  }
0x4a9: {  	p1 =	slt.u32 s1, s4  }
.Ltmp26:
0x4aa: {  	v9 =	vperm.xlane v9, v7;
	(pc) =	sbr.rel @p1 .LBB2_23-.Ltmp26, $3  }
0x4ab: {  	_ = 	snop  }
0x4ac: {  	v9 =	vmul.f32 v62, v9;
	_ =	sdelay $0x1  }
0x4ad: {  	[tilespmem:s2+$0x20] =	vst v9  }
0x4ae: {  	s4 =	simm.s32 $0x0  }
0x4af: {  	s2 =	simm.s32 $0x1CDC0;
	[tilespmem:s4+$0x1C980] =	vst v0;
	s4 =	simm.s32 $0x40  }
.LBB2_21:
0x4b0: {  	p1 =	sne.s32 s4, $0xFC0;
	[tilespmem:s2+$0xFFFFFFC0] =	vst v0  }
0x4b1: {  	[tilespmem:s2+$0xFFFFFFD0] =	vst v0  }
0x4b2: {  	[tilespmem:s2+$0xFFFFFFE0] =	vst v0  }
0x4b3: {  	[tilespmem:s2+$0xFFFFFFF0] =	vst v0  }
.Ltmp27:
0x4b4: {  	[tilespmem:s2+$0x0] =	vst v0;
	(pc) =	sbr.rel @p1 .LBB2_21-.Ltmp27, $4  }
0x4b5: {  	[tilespmem:s2+$0x10] =	vst v0  }
0x4b6: {  	[tilespmem:s2+$0x20] =	vst v0  }
0x4b7: {  	s19 =	sshra.s32 s4, $0x2;
	[tilespmem:s2+$0x30] =	vst v0  }
0x4b8: {  	s4 =	sadd.s32 $0x40, s4;
	s2 =	sadd.s32 $0x80, s2;
	[tilespmem:s19+$0x1C980] =	vst v0  }
.Ltmp28:
0x4b9: {  	_ = 	snop;
	(pc) =	sbr.rel .LBB2_22-.Ltmp28, $1  }
0x4ba: {  	_ =	sdelay $0x3  }
.LBB2_24:
.Ltmp29:
0x4bb: {  	(pc) =	sbr.rel .LBB2_48-.Ltmp29, $4  }
0x4bc: {  	_ = 	snop  }
0x4bd: {  	s2 =	rddreg [dreg:$0x6]  }
0x4be: {  	s1 =	rddreg [dreg:$0x7]  }
0x4bf: {  	s25 =	sld [smem:$0x7F4]  }
.LBB2_49:
0x4c0: {  	_ =	sfence.sel $0x180000  }
0x4c1: {  	[bflag:$0x0] =	sbarrier.arrive $0xFFFF  }
0x4c2: {  	_ =	strace $0x90000047  }
0x4c3: {  	[bflag:$0x2] =	sbarrier.arrive $0xFFFF  }
0x4c4: {  	p0 =	sne.s32 s11, $0x0;
	s0 =	rddreg [dreg:$0x4]  }
0x4c5: {  	s0 =	sadd.s32 @!p0 $0x100000, s0  }
0x4c6: {  	[sflag:s0] =	ssyncadd.tile.s32 @!p0 $0x1;
	_ =	shalt  }
.Lfunc_end2:
_tile_overlayer_lowered:
.L_overlay_start_2:
0x4c7: {  	(tag) =	ssettag $0x2  }
0x4c8: {  	s0 =	rddreg [dreg:$0x0];
	s2 =	stileid.u32  }
0x4c9: {  	s1 =	rddreg [dreg:$0x1];
	p0 =	sne.s32 s2, $0x0  }
0x4ca: {  	s3 =	rddreg [dreg:$0x2];
	[bflag:$0x3] =	sbarrier.arrive $0xFFFF;
	s2 =	simm.s32 @!p0 $0x1C0A  }
0x4cb: {  	[timem:s3], [sflag:s2] =	dma.local @!p0 [hbm:s0], s1  }
0x4cc: {  	s0 =	simm.s32 @!p0 $0xA  }
0x4cd: {  	_ =	swait.ge @!p0 [sflag:s0], s1  }
0x4ce: {  	s1 =	ssub.s32 @!p0 $0x0, s1;
	[sflag:s0] =	ssyncset.done @!p0 $0x0  }
0x4cf: {  	[sflag:s0] =	ssyncadd.s32 @!p0 s1  }
0x4d0: {  	[bflag:$0x3] =	sbarrier.arrive $0xFFFF  }
0x4d1: {  	_ =	shalt  }

</sc_bundles>
